<compile_context>
chip_gen: v7x
topology: tpu7x:2x2x1
jax: 0.10.2.dev20260603
libtpu: 0.0.44.dev20260713+nightly
codegen_flags: <defaults>
</compile_context>

<pallas_src>
import functools

import jax
import jax.numpy as jnp
from jax import lax
from jax.experimental import pallas as pl
from jax.experimental.pallas import tpu as pltpu
from jax.experimental.pallas import tpu_sc as plsc

_B = 16384
_F = 16
_L = 16
_NC = 2
_NS = 16
_NW = _NC * _NS
_BPW = _B // _NW
_G = 8
_NT = _BPW // (2 * _G)

_mesh = plsc.VectorSubcoreMesh(
    core_axis_name="c", subcore_axis_name="s", num_cores=_NC, num_subcores=_NS
)


@functools.partial(
    pl.kernel,
    out_type=jax.ShapeDtypeStruct((_B,), jnp.float32),
    mesh=_mesh,
    compiler_params=pltpu.CompilerParams(
        needs_layout_passes=False, use_tc_tiling_on_sc=True
    ),
    scratch_types=[
        pltpu.VMEM((_BPW,), jnp.int32),
        pltpu.VMEM((_BPW,), jnp.int32),
        pltpu.VMEM((_G, _F, 128), jnp.float32),
        pltpu.VMEM((_G, _F, 128), jnp.float32),
        pltpu.VMEM((_G, _F, 128), jnp.float32),
        pltpu.VMEM((_G, _F, 128), jnp.float32),
        pltpu.VMEM((2 * _G * _L,), jnp.float32),
        pltpu.VMEM((_BPW,), jnp.float32),
        pltpu.SemaphoreType.DMA,
        pltpu.SemaphoreType.DMA,
    ],
)
def _mf_kernel(user_hbm, item_hbm, uft_hbm, ift_hbm, out_hbm,
               uidx_v, iidx_v, ubufs_a, ibufs_a, ubufs_b, ibufs_b,
               prod_v, out_v, sem_a, sem_b):
    wid = lax.axis_index("s") * _NC + lax.axis_index("c")
    base = wid * _BPW

    pltpu.sync_copy(user_hbm.at[pl.ds(base, _BPW)], uidx_v)
    pltpu.sync_copy(item_hbm.at[pl.ds(base, _BPW)], iidx_v)

    iota16 = lax.iota(jnp.int32, _L)

    def load_ids(t):
        gsl = pl.ds(pl.multiple_of(t * 2 * _G, _L), _L)
        return uidx_v[gsl] - 1, iidx_v[gsl] - 1

    def issue(uvec, ivec, half, ubufs, ibufs, sem):
        copies = []
        for k in range(_G):
            u = uvec[half * _G + k]
            i = ivec[half * _G + k]
            ua = pl.multiple_of((u // 128) * 128, 128)
            ia = pl.multiple_of((i // 128) * 128, 128)
            copies.append(pltpu.async_copy(
                uft_hbm.at[:, pl.ds(ua, 128)], ubufs.at[k], sem))
            copies.append(pltpu.async_copy(
                ift_hbm.at[:, pl.ds(ia, 128)], ibufs.at[k], sem))
        return copies

    def extract(uvec, ivec, half, ubufs, ibufs):
        for k in range(_G):
            lu = jnp.full((_L,), uvec[half * _G + k] % 128, jnp.int32)
            li = jnp.full((_L,), ivec[half * _G + k] % 128, jnp.int32)
            ucol = plsc.load_gather(ubufs.at[k], [iota16, lu])
            icol = plsc.load_gather(ibufs.at[k], [iota16, li])
            plsc.store_scatter(
                prod_v, [(half * _G + k) * _L + iota16], ucol * icol)

    def drain(ubufs, ibufs, sem):
        for k in range(_G):
            pltpu.make_async_copy(
                uft_hbm.at[:, pl.ds(0, 128)], ubufs.at[k], sem).wait()
            pltpu.make_async_copy(
                ift_hbm.at[:, pl.ds(0, 128)], ibufs.at[k], sem).wait()

    uv0, iv0 = load_ids(0)
    issue(uv0, iv0, 0, ubufs_a, ibufs_a, sem_a)
    issue(uv0, iv0, 1, ubufs_b, ibufs_b, sem_b)

    def step(t, carry):
        uvec, ivec = load_ids(t)
        nxt = jnp.minimum(t + 1, _NT - 1)
        uvn, ivn = load_ids(nxt)

        drain(ubufs_a, ibufs_a, sem_a)
        extract(uvec, ivec, 0, ubufs_a, ibufs_a)
        issue(uvn, ivn, 0, ubufs_a, ibufs_a, sem_a)

        drain(ubufs_b, ibufs_b, sem_b)
        extract(uvec, ivec, 1, ubufs_b, ibufs_b)
        issue(uvn, ivn, 1, ubufs_b, ibufs_b, sem_b)

        acc = plsc.load_gather(prod_v, [iota16 * _L])
        for f in range(1, _F):
            acc = acc + plsc.load_gather(prod_v, [iota16 * _L + f])
        plsc.store_scatter(out_v, [t * _L + iota16], acc * 5.0)
        return carry

    lax.fori_loop(0, _NT, step, 0)

    drain(ubufs_a, ibufs_a, sem_a)
    drain(ubufs_b, ibufs_b, sem_b)

    pltpu.sync_copy(out_v, out_hbm.at[pl.ds(base, _BPW)])


def kernel(user, item, user_factors, item_factors):
    return _mf_kernel(user, item, user_factors.T, item_factors.T)

# --- scband reference (transcript-rebuilt; emitter-appended) ---
"""Pipeline reference for scband-matrix-factorization-17403207483482 (READ-ONLY COPY).

The authoritative reference and input builder live on the scoring server;
editing this copy changes nothing except your own understanding.
"""

import jax, jax.numpy as jnp
import numpy as np

N_USERS = 1000000
N_ITEMS = 1000000
N_FACTORS = 16
BATCH = 16384


def setup_inputs(seed: int = 0) -> dict:
    key = jax.random.key(seed)
    k1, k2, k3, k4 = jax.random.split(key, 4)
    # Module does `user - 1` / `item - 1` internally (1-based IDs), so generate in [1, N].
    user = jax.random.randint(k1, (BATCH,), 1, N_USERS + 1, dtype=jnp.int32)
    item = jax.random.randint(k2, (BATCH,), 1, N_ITEMS + 1, dtype=jnp.int32)
    # Learned parameters: the two embedding tables (nn.Embedding default init ~ N(0,1); scale down for stability).
    user_factors = jax.random.normal(k3, (N_USERS, N_FACTORS), dtype=jnp.float32) * 0.02
    item_factors = jax.random.normal(k4, (N_ITEMS, N_FACTORS), dtype=jnp.float32) * 0.02
    return {"user": user, "item": item, "user_factors": user_factors, "item_factors": item_factors}


def reference(user, item, user_factors, item_factors):
    # user = torch.LongTensor(user) - 1 ; item = torch.LongTensor(item) - 1
    u_idx = user - 1
    i_idx = item - 1
    # embedding lookups -> SparseCore gathers
    u = jnp.take(user_factors, u_idx, axis=0)
    it = jnp.take(item_factors, i_idx, axis=0)
    # elementwise product, reduce over factor dim, scale by 5 (rating scale)
    x = (u * it).sum(axis=1)
    assert x.shape == user.shape
    return x * 5

if __name__ == "__main__":
    import jax
    _d = setup_inputs()
    print(jax.jit(kernel)(*tuple(_d.values())))

</pallas_src>

<mosaic_0001>
#map = affine_map<(d0, d1) -> (0)>
#map1 = affine_map<(d0, d1) -> (0, 0)>
module attributes {stable_mosaic.version = 14 : i64} {
  func.func @_mf_kernel(%arg0: i32, %arg1: i32, %arg2: memref<16384xi32, #tpu.memory_space<hbm>>, %arg3: memref<16384xi32, #tpu.memory_space<hbm>>, %arg4: memref<16x1000000xf32, #tpu.memory_space<hbm>>, %arg5: memref<16x1000000xf32, #tpu.memory_space<hbm>>, %arg6: memref<16384xf32, #tpu.memory_space<hbm>>, %arg7: memref<512xi32, #tpu.memory_space<vmem>>, %arg8: memref<512xi32, #tpu.memory_space<vmem>>, %arg9: memref<8x16x128xf32, #tpu.memory_space<vmem>>, %arg10: memref<8x16x128xf32, #tpu.memory_space<vmem>>, %arg11: memref<8x16x128xf32, #tpu.memory_space<vmem>>, %arg12: memref<8x16x128xf32, #tpu.memory_space<vmem>>, %arg13: memref<256xf32, #tpu.memory_space<vmem>>, %arg14: memref<512xf32, #tpu.memory_space<vmem>>, %arg15: memref<!tpu.dma_semaphore, #tpu.memory_space<semaphore_mem>>, %arg16: memref<!tpu.dma_semaphore, #tpu.memory_space<semaphore_mem>>) attributes {dimension_semantics = [#tpu.dimension_semantics<core_parallel>, #tpu.dimension_semantics<subcore_parallel>], iteration_bounds = array<i64: 2, 16>, scalar_prefetch = 0 : i64, scratch_operands = 10 : i64, tpu.core_type = #tpu.core_type<sc_vector_subcore>, window_params = [{transform_indices = #map}, {transform_indices = #map}, {transform_indices = #map1}, {transform_indices = #map1}, {transform_indices = #map}]} {
    %mul3A = arith.constant 2 : i32
    %mul3A_0 = arith.muli %arg1, %mul3A : i32
    %add3A = arith.addi %mul3A_0, %arg0 : i32
    %mul3A_1 = arith.constant 512 : i32
    %mul3A_2 = arith.muli %add3A, %mul3A_1 : i32
    "tpu.region"() ({
      %run_scoped3A = tpu.sem_alloc : memref<!tpu.dma_semaphore, #tpu.memory_space<semaphore_mem>>
      %dma_start3A_1830 = tpu.memref_slice %arg2[%mul3A_2] : memref<16384xi32, #tpu.memory_space<hbm>> -> memref<512xi32, #tpu.memory_space<hbm>>
      %dma_start3A_1831 = tpu.memref_slice %arg2[%mul3A_2] : memref<16384xi32, #tpu.memory_space<hbm>> -> memref<512xi32, #tpu.memory_space<hbm>>
      tpu.enqueue_dma source(%dma_start3A_1831 : memref<512xi32, #tpu.memory_space<hbm>>) target(%arg7 : memref<512xi32, #tpu.memory_space<vmem>>) target_semaphore(%run_scoped3A : memref<!tpu.dma_semaphore, #tpu.memory_space<semaphore_mem>>)
      %dma_wait3A_1832 = tpu.memref_slice %arg2[%mul3A_2] : memref<16384xi32, #tpu.memory_space<hbm>> -> memref<512xi32, #tpu.memory_space<hbm>>
      %dma_wait3A_1833 = tpu.memref_slice %arg2[%mul3A_2] : memref<16384xi32, #tpu.memory_space<hbm>> -> memref<512xi32, #tpu.memory_space<hbm>>
      tpu.wait_dma2 semaphore(%run_scoped3A : memref<!tpu.dma_semaphore, #tpu.memory_space<semaphore_mem>>) src(%dma_wait3A_1833 : memref<512xi32, #tpu.memory_space<hbm>>) dst(%arg7 : memref<512xi32, #tpu.memory_space<vmem>>)
      tpu.yield
    }) : () -> ()
    "tpu.region"() ({
      %run_scoped3A = tpu.sem_alloc : memref<!tpu.dma_semaphore, #tpu.memory_space<semaphore_mem>>
      %dma_start3A_1830 = tpu.memref_slice %arg3[%mul3A_2] : memref<16384xi32, #tpu.memory_space<hbm>> -> memref<512xi32, #tpu.memory_space<hbm>>
      %dma_start3A_1831 = tpu.memref_slice %arg3[%mul3A_2] : memref<16384xi32, #tpu.memory_space<hbm>> -> memref<512xi32, #tpu.memory_space<hbm>>
      tpu.enqueue_dma source(%dma_start3A_1831 : memref<512xi32, #tpu.memory_space<hbm>>) target(%arg8 : memref<512xi32, #tpu.memory_space<vmem>>) target_semaphore(%run_scoped3A : memref<!tpu.dma_semaphore, #tpu.memory_space<semaphore_mem>>)
      %dma_wait3A_1832 = tpu.memref_slice %arg3[%mul3A_2] : memref<16384xi32, #tpu.memory_space<hbm>> -> memref<512xi32, #tpu.memory_space<hbm>>
      %dma_wait3A_1833 = tpu.memref_slice %arg3[%mul3A_2] : memref<16384xi32, #tpu.memory_space<hbm>> -> memref<512xi32, #tpu.memory_space<hbm>>
      tpu.wait_dma2 semaphore(%run_scoped3A : memref<!tpu.dma_semaphore, #tpu.memory_space<semaphore_mem>>) src(%dma_wait3A_1833 : memref<512xi32, #tpu.memory_space<hbm>>) dst(%arg8 : memref<512xi32, #tpu.memory_space<vmem>>)
      tpu.yield
    }) : () -> ()
    %iota3A = tpu.iota {dimensions = array<i32: 0>} : vector<16xi32>
    %multiple_of3A = arith.constant 0 : i32
    %multiple_of3A_3 = tpu.assume_multiple %multiple_of3A, 16 : i32
    %get3A = arith.index_cast %multiple_of3A_3 : i32 to index
    %get3A_4 = tpu.vector_load %arg7[%get3A] {strides = array<i32>} : memref<512xi32, #tpu.memory_space<vmem>>, vector<16xi32>,
    %sub3A = arith.constant 1 : i32
    %sub3A_5 = vector.broadcast %sub3A : i32 to vector<16xi32>
    %sub3A_6 = arith.subi %get3A_4, %sub3A_5 : vector<16xi32>
    %get3A_7 = arith.index_cast %multiple_of3A_3 : i32 to index
    %get3A_8 = tpu.vector_load %arg8[%get3A_7] {strides = array<i32>} : memref<512xi32, #tpu.memory_space<vmem>>, vector<16xi32>,
    %sub3A_9 = arith.constant 1 : i32
    %sub3A_10 = vector.broadcast %sub3A_9 : i32 to vector<16xi32>
    %sub3A_11 = arith.subi %get3A_8, %sub3A_10 : vector<16xi32>
    %slice3A = vector.extract_strided_slice %sub3A_6 {offsets = [0], sizes = [1], strides = [1]} : vector<16xi32> to vector<1xi32>
    %squeeze3A = vector.extract %slice3A[0] : i32 from vector<1xi32>
    %slice3A_12 = vector.extract_strided_slice %sub3A_11 {offsets = [0], sizes = [1], strides = [1]} : vector<16xi32> to vector<1xi32>
    %squeeze3A_13 = vector.extract %slice3A_12[0] : i32 from vector<1xi32>
    %jit3A = arith.constant 128 : i32
    %div3A = arith.divsi %squeeze3A, %jit3A : i32
    %sign3A = arith.constant 0 : i32
    %sign3A_14 = arith.cmpi sgt, %squeeze3A, %sign3A : i32
    %sign3A_15 = arith.extui %sign3A_14 : i1 to i32
    %sign3A_16 = arith.constant 0 : i32
    %sign3A_17 = arith.cmpi slt, %squeeze3A, %sign3A_16 : i32
    %sign3A_18 = arith.extui %sign3A_17 : i1 to i32
    %sign3A_19 = arith.subi %sign3A_15, %sign3A_18 : i32
    %sign3A_20 = arith.constant 0 : i32
    %sign3A_21 = arith.cmpi sgt, %jit3A, %sign3A_20 : i32
    %sign3A_22 = arith.extui %sign3A_21 : i1 to i32
    %sign3A_23 = arith.constant 0 : i32
    %sign3A_24 = arith.cmpi slt, %jit3A, %sign3A_23 : i32
    %sign3A_25 = arith.extui %sign3A_24 : i1 to i32
    %sign3A_26 = arith.subi %sign3A_22, %sign3A_25 : i32
    %ne3A = arith.cmpi ne, %sign3A_19, %sign3A_26 : i32
    %rem3A = arith.remsi %squeeze3A, %jit3A : i32
    %ne3A_27 = arith.constant 0 : i32
    %ne3A_28 = arith.cmpi ne, %rem3A, %ne3A_27 : i32
    %and3A = arith.andi %ne3A, %ne3A_28 : i1
    %sub3A_29 = arith.constant 1 : i32
    %sub3A_30 = arith.subi %div3A, %sub3A_29 : i32
    %select_n3A = arith.select %and3A, %sub3A_30, %div3A : i32
    %mul3A_31 = arith.constant 128 : i32
    %mul3A_32 = arith.muli %select_n3A, %mul3A_31 : i32
    %multiple_of3A_33 = tpu.assume_multiple %mul3A_32, 128 : i32
    %jit3A_34 = arith.constant 128 : i32
    %div3A_35 = arith.divsi %squeeze3A_13, %jit3A_34 : i32
    %sign3A_36 = arith.constant 0 : i32
    %sign3A_37 = arith.cmpi sgt, %squeeze3A_13, %sign3A_36 : i32
    %sign3A_38 = arith.extui %sign3A_37 : i1 to i32
    %sign3A_39 = arith.constant 0 : i32
    %sign3A_40 = arith.cmpi slt, %squeeze3A_13, %sign3A_39 : i32
    %sign3A_41 = arith.extui %sign3A_40 : i1 to i32
    %sign3A_42 = arith.subi %sign3A_38, %sign3A_41 : i32
    %sign3A_43 = arith.constant 0 : i32
    %sign3A_44 = arith.cmpi sgt, %jit3A_34, %sign3A_43 : i32
    %sign3A_45 = arith.extui %sign3A_44 : i1 to i32
    %sign3A_46 = arith.constant 0 : i32
    %sign3A_47 = arith.cmpi slt, %jit3A_34, %sign3A_46 : i32
    %sign3A_48 = arith.extui %sign3A_47 : i1 to i32
    %sign3A_49 = arith.subi %sign3A_45, %sign3A_48 : i32
    %ne3A_50 = arith.cmpi ne, %sign3A_42, %sign3A_49 : i32
    %rem3A_51 = arith.remsi %squeeze3A_13, %jit3A_34 : i32
    %ne3A_52 = arith.constant 0 : i32
    %ne3A_53 = arith.cmpi ne, %rem3A_51, %ne3A_52 : i32
    %and3A_54 = arith.andi %ne3A_50, %ne3A_53 : i1
    %sub3A_55 = arith.constant 1 : i32
    %sub3A_56 = arith.subi %div3A_35, %sub3A_55 : i32
    %select_n3A_57 = arith.select %and3A_54, %sub3A_56, %div3A_35 : i32
    %mul3A_58 = arith.constant 128 : i32
    %mul3A_59 = arith.muli %select_n3A_57, %mul3A_58 : i32
    %multiple_of3A_60 = tpu.assume_multiple %mul3A_59, 128 : i32
    %dma_start3A = arith.constant 0 : i32
    %dma_start3A_61 = arith.constant 0 : i32
    %dma_start3A_62 = arith.constant 0 : i32
    %dma_start3A_63 = tpu.memref_slice %arg9[%dma_start3A, %dma_start3A_61, %dma_start3A_62] : memref<8x16x128xf32, #tpu.memory_space<vmem>> -> memref<1x16x128xf32, #tpu.memory_space<vmem>>
    %dma_start3A_64 = tpu.memref_squeeze %dma_start3A_63 : memref<1x16x128xf32, #tpu.memory_space<vmem>> -> memref<16x128xf32, #tpu.memory_space<vmem>>
    %dma_start3A_65 = arith.constant 0 : i32
    %dma_start3A_66 = tpu.memref_slice %arg4[%dma_start3A_65, %multiple_of3A_33] : memref<16x1000000xf32, #tpu.memory_space<hbm>> -> memref<16x128xf32, #tpu.memory_space<hbm>>
    %dma_start3A_67 = arith.constant 0 : i32
    %dma_start3A_68 = arith.constant 0 : i32
    %dma_start3A_69 = tpu.memref_slice %arg9[%dma_start3A, %dma_start3A_67, %dma_start3A_68] : memref<8x16x128xf32, #tpu.memory_space<vmem>> -> memref<1x16x128xf32, #tpu.memory_space<vmem>>
    %dma_start3A_70 = tpu.memref_squeeze %dma_start3A_69 : memref<1x16x128xf32, #tpu.memory_space<vmem>> -> memref<16x128xf32, #tpu.memory_space<vmem>>
    %dma_start3A_71 = arith.constant 0 : i32
    %dma_start3A_72 = tpu.memref_slice %arg4[%dma_start3A_71, %multiple_of3A_33] : memref<16x1000000xf32, #tpu.memory_space<hbm>> -> memref<16x128xf32, #tpu.memory_space<hbm>>
    tpu.enqueue_dma source(%dma_start3A_72 : memref<16x128xf32, #tpu.memory_space<hbm>>) target(%dma_start3A_70 : memref<16x128xf32, #tpu.memory_space<vmem>>) target_semaphore(%arg15 : memref<!tpu.dma_semaphore, #tpu.memory_space<semaphore_mem>>)
    %dma_start3A_73 = arith.constant 0 : i32
    %dma_start3A_74 = arith.constant 0 : i32
    %dma_start3A_75 = arith.constant 0 : i32
    %dma_start3A_76 = tpu.memref_slice %arg10[%dma_start3A_73, %dma_start3A_74, %dma_start3A_75] : memref<8x16x128xf32, #tpu.memory_space<vmem>> -> memref<1x16x128xf32, #tpu.memory_space<vmem>>
    %dma_start3A_77 = tpu.memref_squeeze %dma_start3A_76 : memref<1x16x128xf32, #tpu.memory_space<vmem>> -> memref<16x128xf32, #tpu.memory_space<vmem>>
    %dma_start3A_78 = arith.constant 0 : i32
    %dma_start3A_79 = tpu.memref_slice %arg5[%dma_start3A_78, %multiple_of3A_60] : memref<16x1000000xf32, #tpu.memory_space<hbm>> -> memref<16x128xf32, #tpu.memory_space<hbm>>
    %dma_start3A_80 = arith.constant 0 : i32
    %dma_start3A_81 = arith.constant 0 : i32
    %dma_start3A_82 = tpu.memref_slice %arg10[%dma_start3A_73, %dma_start3A_80, %dma_start3A_81] : memref<8x16x128xf32, #tpu.memory_space<vmem>> -> memref<1x16x128xf32, #tpu.memory_space<vmem>>
    %dma_start3A_83 = tpu.memref_squeeze %dma_start3A_82 : memref<1x16x128xf32, #tpu.memory_space<vmem>> -> memref<16x128xf32, #tpu.memory_space<vmem>>
    %dma_start3A_84 = arith.constant 0 : i32
    %dma_start3A_85 = tpu.memref_slice %arg5[%dma_start3A_84, %multiple_of3A_60] : memref<16x1000000xf32, #tpu.memory_space<hbm>> -> memref<16x128xf32, #tpu.memory_space<hbm>>
    tpu.enqueue_dma source(%dma_start3A_85 : memref<16x128xf32, #tpu.memory_space<hbm>>) target(%dma_start3A_83 : memref<16x128xf32, #tpu.memory_space<vmem>>) target_semaphore(%arg15 : memref<!tpu.dma_semaphore, #tpu.memory_space<semaphore_mem>>)
    %slice3A_86 = vector.extract_strided_slice %sub3A_6 {offsets = [1], sizes = [1], strides = [1]} : vector<16xi32> to vector<1xi32>
    %squeeze3A_87 = vector.extract %slice3A_86[0] : i32 from vector<1xi32>
    %slice3A_88 = vector.extract_strided_slice %sub3A_11 {offsets = [1], sizes = [1], strides = [1]} : vector<16xi32> to vector<1xi32>
    %squeeze3A_89 = vector.extract %slice3A_88[0] : i32 from vector<1xi32>
    %jit3A_90 = arith.constant 128 : i32
    %div3A_91 = arith.divsi %squeeze3A_87, %jit3A_90 : i32
    %sign3A_92 = arith.constant 0 : i32
    %sign3A_93 = arith.cmpi sgt, %squeeze3A_87, %sign3A_92 : i32
    %sign3A_94 = arith.extui %sign3A_93 : i1 to i32
    %sign3A_95 = arith.constant 0 : i32
    %sign3A_96 = arith.cmpi slt, %squeeze3A_87, %sign3A_95 : i32
    %sign3A_97 = arith.extui %sign3A_96 : i1 to i32
    %sign3A_98 = arith.subi %sign3A_94, %sign3A_97 : i32
    %sign3A_99 = arith.constant 0 : i32
    %sign3A_100 = arith.cmpi sgt, %jit3A_90, %sign3A_99 : i32
    %sign3A_101 = arith.extui %sign3A_100 : i1 to i32
    %sign3A_102 = arith.constant 0 : i32
    %sign3A_103 = arith.cmpi slt, %jit3A_90, %sign3A_102 : i32
    %sign3A_104 = arith.extui %sign3A_103 : i1 to i32
    %sign3A_105 = arith.subi %sign3A_101, %sign3A_104 : i32
    %ne3A_106 = arith.cmpi ne, %sign3A_98, %sign3A_105 : i32
    %rem3A_107 = arith.remsi %squeeze3A_87, %jit3A_90 : i32
    %ne3A_108 = arith.constant 0 : i32
    %ne3A_109 = arith.cmpi ne, %rem3A_107, %ne3A_108 : i32
    %and3A_110 = arith.andi %ne3A_106, %ne3A_109 : i1
    %sub3A_111 = arith.constant 1 : i32
    %sub3A_112 = arith.subi %div3A_91, %sub3A_111 : i32
    %select_n3A_113 = arith.select %and3A_110, %sub3A_112, %div3A_91 : i32
    %mul3A_114 = arith.constant 128 : i32
    %mul3A_115 = arith.muli %select_n3A_113, %mul3A_114 : i32
    %multiple_of3A_116 = tpu.assume_multiple %mul3A_115, 128 : i32
    %jit3A_117 = arith.constant 128 : i32
    %div3A_118 = arith.divsi %squeeze3A_89, %jit3A_117 : i32
    %sign3A_119 = arith.constant 0 : i32
    %sign3A_120 = arith.cmpi sgt, %squeeze3A_89, %sign3A_119 : i32
    %sign3A_121 = arith.extui %sign3A_120 : i1 to i32
    %sign3A_122 = arith.constant 0 : i32
    %sign3A_123 = arith.cmpi slt, %squeeze3A_89, %sign3A_122 : i32
    %sign3A_124 = arith.extui %sign3A_123 : i1 to i32
    %sign3A_125 = arith.subi %sign3A_121, %sign3A_124 : i32
    %sign3A_126 = arith.constant 0 : i32
    %sign3A_127 = arith.cmpi sgt, %jit3A_117, %sign3A_126 : i32
    %sign3A_128 = arith.extui %sign3A_127 : i1 to i32
    %sign3A_129 = arith.constant 0 : i32
    %sign3A_130 = arith.cmpi slt, %jit3A_117, %sign3A_129 : i32
    %sign3A_131 = arith.extui %sign3A_130 : i1 to i32
    %sign3A_132 = arith.subi %sign3A_128, %sign3A_131 : i32
    %ne3A_133 = arith.cmpi ne, %sign3A_125, %sign3A_132 : i32
    %rem3A_134 = arith.remsi %squeeze3A_89, %jit3A_117 : i32
    %ne3A_135 = arith.constant 0 : i32
    %ne3A_136 = arith.cmpi ne, %rem3A_134, %ne3A_135 : i32
    %and3A_137 = arith.andi %ne3A_133, %ne3A_136 : i1
    %sub3A_138 = arith.constant 1 : i32
    %sub3A_139 = arith.subi %div3A_118, %sub3A_138 : i32
    %select_n3A_140 = arith.select %and3A_137, %sub3A_139, %div3A_118 : i32
    %mul3A_141 = arith.constant 128 : i32
    %mul3A_142 = arith.muli %select_n3A_140, %mul3A_141 : i32
    %multiple_of3A_143 = tpu.assume_multiple %mul3A_142, 128 : i32
    %dma_start3A_144 = arith.constant 1 : i32
    %dma_start3A_145 = arith.constant 0 : i32
    %dma_start3A_146 = arith.constant 0 : i32
    %dma_start3A_147 = tpu.memref_slice %arg9[%dma_start3A_144, %dma_start3A_145, %dma_start3A_146] : memref<8x16x128xf32, #tpu.memory_space<vmem>> -> memref<1x16x128xf32, #tpu.memory_space<vmem>>
    %dma_start3A_148 = tpu.memref_squeeze %dma_start3A_147 : memref<1x16x128xf32, #tpu.memory_space<vmem>> -> memref<16x128xf32, #tpu.memory_space<vmem>>
    %dma_start3A_149 = arith.constant 0 : i32
    %dma_start3A_150 = tpu.memref_slice %arg4[%dma_start3A_149, %multiple_of3A_116] : memref<16x1000000xf32, #tpu.memory_space<hbm>> -> memref<16x128xf32, #tpu.memory_space<hbm>>
    %dma_start3A_151 = arith.constant 0 : i32
    %dma_start3A_152 = arith.constant 0 : i32
    %dma_start3A_153 = tpu.memref_slice %arg9[%dma_start3A_144, %dma_start3A_151, %dma_start3A_152] : memref<8x16x128xf32, #tpu.memory_space<vmem>> -> memref<1x16x128xf32, #tpu.memory_space<vmem>>
    %dma_start3A_154 = tpu.memref_squeeze %dma_start3A_153 : memref<1x16x128xf32, #tpu.memory_space<vmem>> -> memref<16x128xf32, #tpu.memory_space<vmem>>
    %dma_start3A_155 = arith.constant 0 : i32
    %dma_start3A_156 = tpu.memref_slice %arg4[%dma_start3A_155, %multiple_of3A_116] : memref<16x1000000xf32, #tpu.memory_space<hbm>> -> memref<16x128xf32, #tpu.memory_space<hbm>>
    tpu.enqueue_dma source(%dma_start3A_156 : memref<16x128xf32, #tpu.memory_space<hbm>>) target(%dma_start3A_154 : memref<16x128xf32, #tpu.memory_space<vmem>>) target_semaphore(%arg15 : memref<!tpu.dma_semaphore, #tpu.memory_space<semaphore_mem>>)
    %dma_start3A_157 = arith.constant 1 : i32
    %dma_start3A_158 = arith.constant 0 : i32
    %dma_start3A_159 = arith.constant 0 : i32
    %dma_start3A_160 = tpu.memref_slice %arg10[%dma_start3A_157, %dma_start3A_158, %dma_start3A_159] : memref<8x16x128xf32, #tpu.memory_space<vmem>> -> memref<1x16x128xf32, #tpu.memory_space<vmem>>
    %dma_start3A_161 = tpu.memref_squeeze %dma_start3A_160 : memref<1x16x128xf32, #tpu.memory_space<vmem>> -> memref<16x128xf32, #tpu.memory_space<vmem>>
    %dma_start3A_162 = arith.constant 0 : i32
    %dma_start3A_163 = tpu.memref_slice %arg5[%dma_start3A_162, %multiple_of3A_143] : memref<16x1000000xf32, #tpu.memory_space<hbm>> -> memref<16x128xf32, #tpu.memory_space<hbm>>
    %dma_start3A_164 = arith.constant 0 : i32
    %dma_start3A_165 = arith.constant 0 : i32
    %dma_start3A_166 = tpu.memref_slice %arg10[%dma_start3A_157, %dma_start3A_164, %dma_start3A_165] : memref<8x16x128xf32, #tpu.memory_space<vmem>> -> memref<1x16x128xf32, #tpu.memory_space<vmem>>
    %dma_start3A_167 = tpu.memref_squeeze %dma_start3A_166 : memref<1x16x128xf32, #tpu.memory_space<vmem>> -> memref<16x128xf32, #tpu.memory_space<vmem>>
    %dma_start3A_168 = arith.constant 0 : i32
    %dma_start3A_169 = tpu.memref_slice %arg5[%dma_start3A_168, %multiple_of3A_143] : memref<16x1000000xf32, #tpu.memory_space<hbm>> -> memref<16x128xf32, #tpu.memory_space<hbm>>
    tpu.enqueue_dma source(%dma_start3A_169 : memref<16x128xf32, #tpu.memory_space<hbm>>) target(%dma_start3A_167 : memref<16x128xf32, #tpu.memory_space<vmem>>) target_semaphore(%arg15 : memref<!tpu.dma_semaphore, #tpu.memory_space<semaphore_mem>>)
    %slice3A_170 = vector.extract_strided_slice %sub3A_6 {offsets = [2], sizes = [1], strides = [1]} : vector<16xi32> to vector<1xi32>
    %squeeze3A_171 = vector.extract %slice3A_170[0] : i32 from vector<1xi32>
    %slice3A_172 = vector.extract_strided_slice %sub3A_11 {offsets = [2], sizes = [1], strides = [1]} : vector<16xi32> to vector<1xi32>
    %squeeze3A_173 = vector.extract %slice3A_172[0] : i32 from vector<1xi32>
    %jit3A_174 = arith.constant 128 : i32
    %div3A_175 = arith.divsi %squeeze3A_171, %jit3A_174 : i32
    %sign3A_176 = arith.constant 0 : i32
    %sign3A_177 = arith.cmpi sgt, %squeeze3A_171, %sign3A_176 : i32
    %sign3A_178 = arith.extui %sign3A_177 : i1 to i32
    %sign3A_179 = arith.constant 0 : i32
    %sign3A_180 = arith.cmpi slt, %squeeze3A_171, %sign3A_179 : i32
    %sign3A_181 = arith.extui %sign3A_180 : i1 to i32
    %sign3A_182 = arith.subi %sign3A_178, %sign3A_181 : i32
    %sign3A_183 = arith.constant 0 : i32
    %sign3A_184 = arith.cmpi sgt, %jit3A_174, %sign3A_183 : i32
    %sign3A_185 = arith.extui %sign3A_184 : i1 to i32
    %sign3A_186 = arith.constant 0 : i32
    %sign3A_187 = arith.cmpi slt, %jit3A_174, %sign3A_186 : i32
    %sign3A_188 = arith.extui %sign3A_187 : i1 to i32
    %sign3A_189 = arith.subi %sign3A_185, %sign3A_188 : i32
    %ne3A_190 = arith.cmpi ne, %sign3A_182, %sign3A_189 : i32
    %rem3A_191 = arith.remsi %squeeze3A_171, %jit3A_174 : i32
    %ne3A_192 = arith.constant 0 : i32
    %ne3A_193 = arith.cmpi ne, %rem3A_191, %ne3A_192 : i32
    %and3A_194 = arith.andi %ne3A_190, %ne3A_193 : i1
    %sub3A_195 = arith.constant 1 : i32
    %sub3A_196 = arith.subi %div3A_175, %sub3A_195 : i32
    %select_n3A_197 = arith.select %and3A_194, %sub3A_196, %div3A_175 : i32
    %mul3A_198 = arith.constant 128 : i32
    %mul3A_199 = arith.muli %select_n3A_197, %mul3A_198 : i32
    %multiple_of3A_200 = tpu.assume_multiple %mul3A_199, 128 : i32
    %jit3A_201 = arith.constant 128 : i32
    %div3A_202 = arith.divsi %squeeze3A_173, %jit3A_201 : i32
    %sign3A_203 = arith.constant 0 : i32
    %sign3A_204 = arith.cmpi sgt, %squeeze3A_173, %sign3A_203 : i32
    %sign3A_205 = arith.extui %sign3A_204 : i1 to i32
    %sign3A_206 = arith.constant 0 : i32
    %sign3A_207 = arith.cmpi slt, %squeeze3A_173, %sign3A_206 : i32
    %sign3A_208 = arith.extui %sign3A_207 : i1 to i32
    %sign3A_209 = arith.subi %sign3A_205, %sign3A_208 : i32
    %sign3A_210 = arith.constant 0 : i32
    %sign3A_211 = arith.cmpi sgt, %jit3A_201, %sign3A_210 : i32
    %sign3A_212 = arith.extui %sign3A_211 : i1 to i32
    %sign3A_213 = arith.constant 0 : i32
    %sign3A_214 = arith.cmpi slt, %jit3A_201, %sign3A_213 : i32
    %sign3A_215 = arith.extui %sign3A_214 : i1 to i32
    %sign3A_216 = arith.subi %sign3A_212, %sign3A_215 : i32
    %ne3A_217 = arith.cmpi ne, %sign3A_209, %sign3A_216 : i32
    %rem3A_218 = arith.remsi %squeeze3A_173, %jit3A_201 : i32
    %ne3A_219 = arith.constant 0 : i32
    %ne3A_220 = arith.cmpi ne, %rem3A_218, %ne3A_219 : i32
    %and3A_221 = arith.andi %ne3A_217, %ne3A_220 : i1
    %sub3A_222 = arith.constant 1 : i32
    %sub3A_223 = arith.subi %div3A_202, %sub3A_222 : i32
    %select_n3A_224 = arith.select %and3A_221, %sub3A_223, %div3A_202 : i32
    %mul3A_225 = arith.constant 128 : i32
    %mul3A_226 = arith.muli %select_n3A_224, %mul3A_225 : i32
    %multiple_of3A_227 = tpu.assume_multiple %mul3A_226, 128 : i32
    %dma_start3A_228 = arith.constant 2 : i32
    %dma_start3A_229 = arith.constant 0 : i32
    %dma_start3A_230 = arith.constant 0 : i32
    %dma_start3A_231 = tpu.memref_slice %arg9[%dma_start3A_228, %dma_start3A_229, %dma_start3A_230] : memref<8x16x128xf32, #tpu.memory_space<vmem>> -> memref<1x16x128xf32, #tpu.memory_space<vmem>>
    %dma_start3A_232 = tpu.memref_squeeze %dma_start3A_231 : memref<1x16x128xf32, #tpu.memory_space<vmem>> -> memref<16x128xf32, #tpu.memory_space<vmem>>
    %dma_start3A_233 = arith.constant 0 : i32
    %dma_start3A_234 = tpu.memref_slice %arg4[%dma_start3A_233, %multiple_of3A_200] : memref<16x1000000xf32, #tpu.memory_space<hbm>> -> memref<16x128xf32, #tpu.memory_space<hbm>>
    %dma_start3A_235 = arith.constant 0 : i32
    %dma_start3A_236 = arith.constant 0 : i32
    %dma_start3A_237 = tpu.memref_slice %arg9[%dma_start3A_228, %dma_start3A_235, %dma_start3A_236] : memref<8x16x128xf32, #tpu.memory_space<vmem>> -> memref<1x16x128xf32, #tpu.memory_space<vmem>>
    %dma_start3A_238 = tpu.memref_squeeze %dma_start3A_237 : memref<1x16x128xf32, #tpu.memory_space<vmem>> -> memref<16x128xf32, #tpu.memory_space<vmem>>
    %dma_start3A_239 = arith.constant 0 : i32
    %dma_start3A_240 = tpu.memref_slice %arg4[%dma_start3A_239, %multiple_of3A_200] : memref<16x1000000xf32, #tpu.memory_space<hbm>> -> memref<16x128xf32, #tpu.memory_space<hbm>>
    tpu.enqueue_dma source(%dma_start3A_240 : memref<16x128xf32, #tpu.memory_space<hbm>>) target(%dma_start3A_238 : memref<16x128xf32, #tpu.memory_space<vmem>>) target_semaphore(%arg15 : memref<!tpu.dma_semaphore, #tpu.memory_space<semaphore_mem>>)
    %dma_start3A_241 = arith.constant 2 : i32
    %dma_start3A_242 = arith.constant 0 : i32
    %dma_start3A_243 = arith.constant 0 : i32
    %dma_start3A_244 = tpu.memref_slice %arg10[%dma_start3A_241, %dma_start3A_242, %dma_start3A_243] : memref<8x16x128xf32, #tpu.memory_space<vmem>> -> memref<1x16x128xf32, #tpu.memory_space<vmem>>
    %dma_start3A_245 = tpu.memref_squeeze %dma_start3A_244 : memref<1x16x128xf32, #tpu.memory_space<vmem>> -> memref<16x128xf32, #tpu.memory_space<vmem>>
    %dma_start3A_246 = arith.constant 0 : i32
    %dma_start3A_247 = tpu.memref_slice %arg5[%dma_start3A_246, %multiple_of3A_227] : memref<16x1000000xf32, #tpu.memory_space<hbm>> -> memref<16x128xf32, #tpu.memory_space<hbm>>
    %dma_start3A_248 = arith.constant 0 : i32
    %dma_start3A_249 = arith.constant 0 : i32
    %dma_start3A_250 = tpu.memref_slice %arg10[%dma_start3A_241, %dma_start3A_248, %dma_start3A_249] : memref<8x16x128xf32, #tpu.memory_space<vmem>> -> memref<1x16x128xf32, #tpu.memory_space<vmem>>
    %dma_start3A_251 = tpu.memref_squeeze %dma_start3A_250 : memref<1x16x128xf32, #tpu.memory_space<vmem>> -> memref<16x128xf32, #tpu.memory_space<vmem>>
    %dma_start3A_252 = arith.constant 0 : i32
    %dma_start3A_253 = tpu.memref_slice %arg5[%dma_start3A_252, %multiple_of3A_227] : memref<16x1000000xf32, #tpu.memory_space<hbm>> -> memref<16x128xf32, #tpu.memory_space<hbm>>
    tpu.enqueue_dma source(%dma_start3A_253 : memref<16x128xf32, #tpu.memory_space<hbm>>) target(%dma_start3A_251 : memref<16x128xf32, #tpu.memory_space<vmem>>) target_semaphore(%arg15 : memref<!tpu.dma_semaphore, #tpu.memory_space<semaphore_mem>>)
    %slice3A_254 = vector.extract_strided_slice %sub3A_6 {offsets = [3], sizes = [1], strides = [1]} : vector<16xi32> to vector<1xi32>
    %squeeze3A_255 = vector.extract %slice3A_254[0] : i32 from vector<1xi32>
    %slice3A_256 = vector.extract_strided_slice %sub3A_11 {offsets = [3], sizes = [1], strides = [1]} : vector<16xi32> to vector<1xi32>
    %squeeze3A_257 = vector.extract %slice3A_256[0] : i32 from vector<1xi32>
    %jit3A_258 = arith.constant 128 : i32
    %div3A_259 = arith.divsi %squeeze3A_255, %jit3A_258 : i32
    %sign3A_260 = arith.constant 0 : i32
    %sign3A_261 = arith.cmpi sgt, %squeeze3A_255, %sign3A_260 : i32
    %sign3A_262 = arith.extui %sign3A_261 : i1 to i32
    %sign3A_263 = arith.constant 0 : i32
    %sign3A_264 = arith.cmpi slt, %squeeze3A_255, %sign3A_263 : i32
    %sign3A_265 = arith.extui %sign3A_264 : i1 to i32
    %sign3A_266 = arith.subi %sign3A_262, %sign3A_265 : i32
    %sign3A_267 = arith.constant 0 : i32
    %sign3A_268 = arith.cmpi sgt, %jit3A_258, %sign3A_267 : i32
    %sign3A_269 = arith.extui %sign3A_268 : i1 to i32
    %sign3A_270 = arith.constant 0 : i32
    %sign3A_271 = arith.cmpi slt, %jit3A_258, %sign3A_270 : i32
    %sign3A_272 = arith.extui %sign3A_271 : i1 to i32
    %sign3A_273 = arith.subi %sign3A_269, %sign3A_272 : i32
    %ne3A_274 = arith.cmpi ne, %sign3A_266, %sign3A_273 : i32
    %rem3A_275 = arith.remsi %squeeze3A_255, %jit3A_258 : i32
    %ne3A_276 = arith.constant 0 : i32
    %ne3A_277 = arith.cmpi ne, %rem3A_275, %ne3A_276 : i32
    %and3A_278 = arith.andi %ne3A_274, %ne3A_277 : i1
    %sub3A_279 = arith.constant 1 : i32
    %sub3A_280 = arith.subi %div3A_259, %sub3A_279 : i32
    %select_n3A_281 = arith.select %and3A_278, %sub3A_280, %div3A_259 : i32
    %mul3A_282 = arith.constant 128 : i32
    %mul3A_283 = arith.muli %select_n3A_281, %mul3A_282 : i32
    %multiple_of3A_284 = tpu.assume_multiple %mul3A_283, 128 : i32
    %jit3A_285 = arith.constant 128 : i32
    %div3A_286 = arith.divsi %squeeze3A_257, %jit3A_285 : i32
    %sign3A_287 = arith.constant 0 : i32
    %sign3A_288 = arith.cmpi sgt, %squeeze3A_257, %sign3A_287 : i32
    %sign3A_289 = arith.extui %sign3A_288 : i1 to i32
    %sign3A_290 = arith.constant 0 : i32
    %sign3A_291 = arith.cmpi slt, %squeeze3A_257, %sign3A_290 : i32
    %sign3A_292 = arith.extui %sign3A_291 : i1 to i32
    %sign3A_293 = arith.subi %sign3A_289, %sign3A_292 : i32
    %sign3A_294 = arith.constant 0 : i32
    %sign3A_295 = arith.cmpi sgt, %jit3A_285, %sign3A_294 : i32
    %sign3A_296 = arith.extui %sign3A_295 : i1 to i32
    %sign3A_297 = arith.constant 0 : i32
    %sign3A_298 = arith.cmpi slt, %jit3A_285, %sign3A_297 : i32
    %sign3A_299 = arith.extui %sign3A_298 : i1 to i32
    %sign3A_300 = arith.subi %sign3A_296, %sign3A_299 : i32
    %ne3A_301 = arith.cmpi ne, %sign3A_293, %sign3A_300 : i32
    %rem3A_302 = arith.remsi %squeeze3A_257, %jit3A_285 : i32
    %ne3A_303 = arith.constant 0 : i32
    %ne3A_304 = arith.cmpi ne, %rem3A_302, %ne3A_303 : i32
    %and3A_305 = arith.andi %ne3A_301, %ne3A_304 : i1
    %sub3A_306 = arith.constant 1 : i32
    %sub3A_307 = arith.subi %div3A_286, %sub3A_306 : i32
    %select_n3A_308 = arith.select %and3A_305, %sub3A_307, %div3A_286 : i32
    %mul3A_309 = arith.constant 128 : i32
    %mul3A_310 = arith.muli %select_n3A_308, %mul3A_309 : i32
    %multiple_of3A_311 = tpu.assume_multiple %mul3A_310, 128 : i32
    %dma_start3A_312 = arith.constant 3 : i32
    %dma_start3A_313 = arith.constant 0 : i32
    %dma_start3A_314 = arith.constant 0 : i32
    %dma_start3A_315 = tpu.memref_slice %arg9[%dma_start3A_312, %dma_start3A_313, %dma_start3A_314] : memref<8x16x128xf32, #tpu.memory_space<vmem>> -> memref<1x16x128xf32, #tpu.memory_space<vmem>>
    %dma_start3A_316 = tpu.memref_squeeze %dma_start3A_315 : memref<1x16x128xf32, #tpu.memory_space<vmem>> -> memref<16x128xf32, #tpu.memory_space<vmem>>
    %dma_start3A_317 = arith.constant 0 : i32
    %dma_start3A_318 = tpu.memref_slice %arg4[%dma_start3A_317, %multiple_of3A_284] : memref<16x1000000xf32, #tpu.memory_space<hbm>> -> memref<16x128xf32, #tpu.memory_space<hbm>>
    %dma_start3A_319 = arith.constant 0 : i32
    %dma_start3A_320 = arith.constant 0 : i32
    %dma_start3A_321 = tpu.memref_slice %arg9[%dma_start3A_312, %dma_start3A_319, %dma_start3A_320] : memref<8x16x128xf32, #tpu.memory_space<vmem>> -> memref<1x16x128xf32, #tpu.memory_space<vmem>>
    %dma_start3A_322 = tpu.memref_squeeze %dma_start3A_321 : memref<1x16x128xf32, #tpu.memory_space<vmem>> -> memref<16x128xf32, #tpu.memory_space<vmem>>
    %dma_start3A_323 = arith.constant 0 : i32
    %dma_start3A_324 = tpu.memref_slice %arg4[%dma_start3A_323, %multiple_of3A_284] : memref<16x1000000xf32, #tpu.memory_space<hbm>> -> memref<16x128xf32, #tpu.memory_space<hbm>>
    tpu.enqueue_dma source(%dma_start3A_324 : memref<16x128xf32, #tpu.memory_space<hbm>>) target(%dma_start3A_322 : memref<16x128xf32, #tpu.memory_space<vmem>>) target_semaphore(%arg15 : memref<!tpu.dma_semaphore, #tpu.memory_space<semaphore_mem>>)
    %dma_start3A_325 = arith.constant 3 : i32
    %dma_start3A_326 = arith.constant 0 : i32
    %dma_start3A_327 = arith.constant 0 : i32
    %dma_start3A_328 = tpu.memref_slice %arg10[%dma_start3A_325, %dma_start3A_326, %dma_start3A_327] : memref<8x16x128xf32, #tpu.memory_space<vmem>> -> memref<1x16x128xf32, #tpu.memory_space<vmem>>
    %dma_start3A_329 = tpu.memref_squeeze %dma_start3A_328 : memref<1x16x128xf32, #tpu.memory_space<vmem>> -> memref<16x128xf32, #tpu.memory_space<vmem>>
    %dma_start3A_330 = arith.constant 0 : i32
    %dma_start3A_331 = tpu.memref_slice %arg5[%dma_start3A_330, %multiple_of3A_311] : memref<16x1000000xf32, #tpu.memory_space<hbm>> -> memref<16x128xf32, #tpu.memory_space<hbm>>
    %dma_start3A_332 = arith.constant 0 : i32
    %dma_start3A_333 = arith.constant 0 : i32
    %dma_start3A_334 = tpu.memref_slice %arg10[%dma_start3A_325, %dma_start3A_332, %dma_start3A_333] : memref<8x16x128xf32, #tpu.memory_space<vmem>> -> memref<1x16x128xf32, #tpu.memory_space<vmem>>
    %dma_start3A_335 = tpu.memref_squeeze %dma_start3A_334 : memref<1x16x128xf32, #tpu.memory_space<vmem>> -> memref<16x128xf32, #tpu.memory_space<vmem>>
    %dma_start3A_336 = arith.constant 0 : i32
    %dma_start3A_337 = tpu.memref_slice %arg5[%dma_start3A_336, %multiple_of3A_311] : memref<16x1000000xf32, #tpu.memory_space<hbm>> -> memref<16x128xf32, #tpu.memory_space<hbm>>
    tpu.enqueue_dma source(%dma_start3A_337 : memref<16x128xf32, #tpu.memory_space<hbm>>) target(%dma_start3A_335 : memref<16x128xf32, #tpu.memory_space<vmem>>) target_semaphore(%arg15 : memref<!tpu.dma_semaphore, #tpu.memory_space<semaphore_mem>>)
    %slice3A_338 = vector.extract_strided_slice %sub3A_6 {offsets = [4], sizes = [1], strides = [1]} : vector<16xi32> to vector<1xi32>
    %squeeze3A_339 = vector.extract %slice3A_338[0] : i32 from vector<1xi32>
    %slice3A_340 = vector.extract_strided_slice %sub3A_11 {offsets = [4], sizes = [1], strides = [1]} : vector<16xi32> to vector<1xi32>
    %squeeze3A_341 = vector.extract %slice3A_340[0] : i32 from vector<1xi32>
    %jit3A_342 = arith.constant 128 : i32
    %div3A_343 = arith.divsi %squeeze3A_339, %jit3A_342 : i32
    %sign3A_344 = arith.constant 0 : i32
    %sign3A_345 = arith.cmpi sgt, %squeeze3A_339, %sign3A_344 : i32
    %sign3A_346 = arith.extui %sign3A_345 : i1 to i32
    %sign3A_347 = arith.constant 0 : i32
    %sign3A_348 = arith.cmpi slt, %squeeze3A_339, %sign3A_347 : i32
    %sign3A_349 = arith.extui %sign3A_348 : i1 to i32
    %sign3A_350 = arith.subi %sign3A_346, %sign3A_349 : i32
    %sign3A_351 = arith.constant 0 : i32
    %sign3A_352 = arith.cmpi sgt, %jit3A_342, %sign3A_351 : i32
    %sign3A_353 = arith.extui %sign3A_352 : i1 to i32
    %sign3A_354 = arith.constant 0 : i32
    %sign3A_355 = arith.cmpi slt, %jit3A_342, %sign3A_354 : i32
    %sign3A_356 = arith.extui %sign3A_355 : i1 to i32
    %sign3A_357 = arith.subi %sign3A_353, %sign3A_356 : i32
    %ne3A_358 = arith.cmpi ne, %sign3A_350, %sign3A_357 : i32
    %rem3A_359 = arith.remsi %squeeze3A_339, %jit3A_342 : i32
    %ne3A_360 = arith.constant 0 : i32
    %ne3A_361 = arith.cmpi ne, %rem3A_359, %ne3A_360 : i32
    %and3A_362 = arith.andi %ne3A_358, %ne3A_361 : i1
    %sub3A_363 = arith.constant 1 : i32
    %sub3A_364 = arith.subi %div3A_343, %sub3A_363 : i32
    %select_n3A_365 = arith.select %and3A_362, %sub3A_364, %div3A_343 : i32
    %mul3A_366 = arith.constant 128 : i32
    %mul3A_367 = arith.muli %select_n3A_365, %mul3A_366 : i32
    %multiple_of3A_368 = tpu.assume_multiple %mul3A_367, 128 : i32
    %jit3A_369 = arith.constant 128 : i32
    %div3A_370 = arith.divsi %squeeze3A_341, %jit3A_369 : i32
    %sign3A_371 = arith.constant 0 : i32
    %sign3A_372 = arith.cmpi sgt, %squeeze3A_341, %sign3A_371 : i32
    %sign3A_373 = arith.extui %sign3A_372 : i1 to i32
    %sign3A_374 = arith.constant 0 : i32
    %sign3A_375 = arith.cmpi slt, %squeeze3A_341, %sign3A_374 : i32
    %sign3A_376 = arith.extui %sign3A_375 : i1 to i32
    %sign3A_377 = arith.subi %sign3A_373, %sign3A_376 : i32
    %sign3A_378 = arith.constant 0 : i32
    %sign3A_379 = arith.cmpi sgt, %jit3A_369, %sign3A_378 : i32
    %sign3A_380 = arith.extui %sign3A_379 : i1 to i32
    %sign3A_381 = arith.constant 0 : i32
    %sign3A_382 = arith.cmpi slt, %jit3A_369, %sign3A_381 : i32
    %sign3A_383 = arith.extui %sign3A_382 : i1 to i32
    %sign3A_384 = arith.subi %sign3A_380, %sign3A_383 : i32
    %ne3A_385 = arith.cmpi ne, %sign3A_377, %sign3A_384 : i32
    %rem3A_386 = arith.remsi %squeeze3A_341, %jit3A_369 : i32
    %ne3A_387 = arith.constant 0 : i32
    %ne3A_388 = arith.cmpi ne, %rem3A_386, %ne3A_387 : i32
    %and3A_389 = arith.andi %ne3A_385, %ne3A_388 : i1
    %sub3A_390 = arith.constant 1 : i32
    %sub3A_391 = arith.subi %div3A_370, %sub3A_390 : i32
    %select_n3A_392 = arith.select %and3A_389, %sub3A_391, %div3A_370 : i32
    %mul3A_393 = arith.constant 128 : i32
    %mul3A_394 = arith.muli %select_n3A_392, %mul3A_393 : i32
    %multiple_of3A_395 = tpu.assume_multiple %mul3A_394, 128 : i32
    %dma_start3A_396 = arith.constant 4 : i32
    %dma_start3A_397 = arith.constant 0 : i32
    %dma_start3A_398 = arith.constant 0 : i32
    %dma_start3A_399 = tpu.memref_slice %arg9[%dma_start3A_396, %dma_start3A_397, %dma_start3A_398] : memref<8x16x128xf32, #tpu.memory_space<vmem>> -> memref<1x16x128xf32, #tpu.memory_space<vmem>>
    %dma_start3A_400 = tpu.memref_squeeze %dma_start3A_399 : memref<1x16x128xf32, #tpu.memory_space<vmem>> -> memref<16x128xf32, #tpu.memory_space<vmem>>
    %dma_start3A_401 = arith.constant 0 : i32
    %dma_start3A_402 = tpu.memref_slice %arg4[%dma_start3A_401, %multiple_of3A_368] : memref<16x1000000xf32, #tpu.memory_space<hbm>> -> memref<16x128xf32, #tpu.memory_space<hbm>>
    %dma_start3A_403 = arith.constant 0 : i32
    %dma_start3A_404 = arith.constant 0 : i32
    %dma_start3A_405 = tpu.memref_slice %arg9[%dma_start3A_396, %dma_start3A_403, %dma_start3A_404] : memref<8x16x128xf32, #tpu.memory_space<vmem>> -> memref<1x16x128xf32, #tpu.memory_space<vmem>>
    %dma_start3A_406 = tpu.memref_squeeze %dma_start3A_405 : memref<1x16x128xf32, #tpu.memory_space<vmem>> -> memref<16x128xf32, #tpu.memory_space<vmem>>
    %dma_start3A_407 = arith.constant 0 : i32
    %dma_start3A_408 = tpu.memref_slice %arg4[%dma_start3A_407, %multiple_of3A_368] : memref<16x1000000xf32, #tpu.memory_space<hbm>> -> memref<16x128xf32, #tpu.memory_space<hbm>>
    tpu.enqueue_dma source(%dma_start3A_408 : memref<16x128xf32, #tpu.memory_space<hbm>>) target(%dma_start3A_406 : memref<16x128xf32, #tpu.memory_space<vmem>>) target_semaphore(%arg15 : memref<!tpu.dma_semaphore, #tpu.memory_space<semaphore_mem>>)
    %dma_start3A_409 = arith.constant 4 : i32
    %dma_start3A_410 = arith.constant 0 : i32
    %dma_start3A_411 = arith.constant 0 : i32
    %dma_start3A_412 = tpu.memref_slice %arg10[%dma_start3A_409, %dma_start3A_410, %dma_start3A_411] : memref<8x16x128xf32, #tpu.memory_space<vmem>> -> memref<1x16x128xf32, #tpu.memory_space<vmem>>
    %dma_start3A_413 = tpu.memref_squeeze %dma_start3A_412 : memref<1x16x128xf32, #tpu.memory_space<vmem>> -> memref<16x128xf32, #tpu.memory_space<vmem>>
    %dma_start3A_414 = arith.constant 0 : i32
    %dma_start3A_415 = tpu.memref_slice %arg5[%dma_start3A_414, %multiple_of3A_395] : memref<16x1000000xf32, #tpu.memory_space<hbm>> -> memref<16x128xf32, #tpu.memory_space<hbm>>
    %dma_start3A_416 = arith.constant 0 : i32
    %dma_start3A_417 = arith.constant 0 : i32
    %dma_start3A_418 = tpu.memref_slice %arg10[%dma_start3A_409, %dma_start3A_416, %dma_start3A_417] : memref<8x16x128xf32, #tpu.memory_space<vmem>> -> memref<1x16x128xf32, #tpu.memory_space<vmem>>
    %dma_start3A_419 = tpu.memref_squeeze %dma_start3A_418 : memref<1x16x128xf32, #tpu.memory_space<vmem>> -> memref<16x128xf32, #tpu.memory_space<vmem>>
    %dma_start3A_420 = arith.constant 0 : i32
    %dma_start3A_421 = tpu.memref_slice %arg5[%dma_start3A_420, %multiple_of3A_395] : memref<16x1000000xf32, #tpu.memory_space<hbm>> -> memref<16x128xf32, #tpu.memory_space<hbm>>
    tpu.enqueue_dma source(%dma_start3A_421 : memref<16x128xf32, #tpu.memory_space<hbm>>) target(%dma_start3A_419 : memref<16x128xf32, #tpu.memory_space<vmem>>) target_semaphore(%arg15 : memref<!tpu.dma_semaphore, #tpu.memory_space<semaphore_mem>>)
    %slice3A_422 = vector.extract_strided_slice %sub3A_6 {offsets = [5], sizes = [1], strides = [1]} : vector<16xi32> to vector<1xi32>
    %squeeze3A_423 = vector.extract %slice3A_422[0] : i32 from vector<1xi32>
    %slice3A_424 = vector.extract_strided_slice %sub3A_11 {offsets = [5], sizes = [1], strides = [1]} : vector<16xi32> to vector<1xi32>
    %squeeze3A_425 = vector.extract %slice3A_424[0] : i32 from vector<1xi32>
    %jit3A_426 = arith.constant 128 : i32
    %div3A_427 = arith.divsi %squeeze3A_423, %jit3A_426 : i32
    %sign3A_428 = arith.constant 0 : i32
    %sign3A_429 = arith.cmpi sgt, %squeeze3A_423, %sign3A_428 : i32
    %sign3A_430 = arith.extui %sign3A_429 : i1 to i32
    %sign3A_431 = arith.constant 0 : i32
    %sign3A_432 = arith.cmpi slt, %squeeze3A_423, %sign3A_431 : i32
    %sign3A_433 = arith.extui %sign3A_432 : i1 to i32
    %sign3A_434 = arith.subi %sign3A_430, %sign3A_433 : i32
    %sign3A_435 = arith.constant 0 : i32
    %sign3A_436 = arith.cmpi sgt, %jit3A_426, %sign3A_435 : i32
    %sign3A_437 = arith.extui %sign3A_436 : i1 to i32
    %sign3A_438 = arith.constant 0 : i32
    %sign3A_439 = arith.cmpi slt, %jit3A_426, %sign3A_438 : i32
    %sign3A_440 = arith.extui %sign3A_439 : i1 to i32
    %sign3A_441 = arith.subi %sign3A_437, %sign3A_440 : i32
    %ne3A_442 = arith.cmpi ne, %sign3A_434, %sign3A_441 : i32
    %rem3A_443 = arith.remsi %squeeze3A_423, %jit3A_426 : i32
    %ne3A_444 = arith.constant 0 : i32
    %ne3A_445 = arith.cmpi ne, %rem3A_443, %ne3A_444 : i32
    %and3A_446 = arith.andi %ne3A_442, %ne3A_445 : i1
    %sub3A_447 = arith.constant 1 : i32
    %sub3A_448 = arith.subi %div3A_427, %sub3A_447 : i32
    %select_n3A_449 = arith.select %and3A_446, %sub3A_448, %div3A_427 : i32
    %mul3A_450 = arith.constant 128 : i32
    %mul3A_451 = arith.muli %select_n3A_449, %mul3A_450 : i32
    %multiple_of3A_452 = tpu.assume_multiple %mul3A_451, 128 : i32
    %jit3A_453 = arith.constant 128 : i32
    %div3A_454 = arith.divsi %squeeze3A_425, %jit3A_453 : i32
    %sign3A_455 = arith.constant 0 : i32
    %sign3A_456 = arith.cmpi sgt, %squeeze3A_425, %sign3A_455 : i32
    %sign3A_457 = arith.extui %sign3A_456 : i1 to i32
    %sign3A_458 = arith.constant 0 : i32
    %sign3A_459 = arith.cmpi slt, %squeeze3A_425, %sign3A_458 : i32
    %sign3A_460 = arith.extui %sign3A_459 : i1 to i32
    %sign3A_461 = arith.subi %sign3A_457, %sign3A_460 : i32
    %sign3A_462 = arith.constant 0 : i32
    %sign3A_463 = arith.cmpi sgt, %jit3A_453, %sign3A_462 : i32
    %sign3A_464 = arith.extui %sign3A_463 : i1 to i32
    %sign3A_465 = arith.constant 0 : i32
    %sign3A_466 = arith.cmpi slt, %jit3A_453, %sign3A_465 : i32
    %sign3A_467 = arith.extui %sign3A_466 : i1 to i32
    %sign3A_468 = arith.subi %sign3A_464, %sign3A_467 : i32
    %ne3A_469 = arith.cmpi ne, %sign3A_461, %sign3A_468 : i32
    %rem3A_470 = arith.remsi %squeeze3A_425, %jit3A_453 : i32
    %ne3A_471 = arith.constant 0 : i32
    %ne3A_472 = arith.cmpi ne, %rem3A_470, %ne3A_471 : i32
    %and3A_473 = arith.andi %ne3A_469, %ne3A_472 : i1
    %sub3A_474 = arith.constant 1 : i32
    %sub3A_475 = arith.subi %div3A_454, %sub3A_474 : i32
    %select_n3A_476 = arith.select %and3A_473, %sub3A_475, %div3A_454 : i32
    %mul3A_477 = arith.constant 128 : i32
    %mul3A_478 = arith.muli %select_n3A_476, %mul3A_477 : i32
    %multiple_of3A_479 = tpu.assume_multiple %mul3A_478, 128 : i32
    %dma_start3A_480 = arith.constant 5 : i32
    %dma_start3A_481 = arith.constant 0 : i32
    %dma_start3A_482 = arith.constant 0 : i32
    %dma_start3A_483 = tpu.memref_slice %arg9[%dma_start3A_480, %dma_start3A_481, %dma_start3A_482] : memref<8x16x128xf32, #tpu.memory_space<vmem>> -> memref<1x16x128xf32, #tpu.memory_space<vmem>>
    %dma_start3A_484 = tpu.memref_squeeze %dma_start3A_483 : memref<1x16x128xf32, #tpu.memory_space<vmem>> -> memref<16x128xf32, #tpu.memory_space<vmem>>
    %dma_start3A_485 = arith.constant 0 : i32
    %dma_start3A_486 = tpu.memref_slice %arg4[%dma_start3A_485, %multiple_of3A_452] : memref<16x1000000xf32, #tpu.memory_space<hbm>> -> memref<16x128xf32, #tpu.memory_space<hbm>>
    %dma_start3A_487 = arith.constant 0 : i32
    %dma_start3A_488 = arith.constant 0 : i32
    %dma_start3A_489 = tpu.memref_slice %arg9[%dma_start3A_480, %dma_start3A_487, %dma_start3A_488] : memref<8x16x128xf32, #tpu.memory_space<vmem>> -> memref<1x16x128xf32, #tpu.memory_space<vmem>>
    %dma_start3A_490 = tpu.memref_squeeze %dma_start3A_489 : memref<1x16x128xf32, #tpu.memory_space<vmem>> -> memref<16x128xf32, #tpu.memory_space<vmem>>
    %dma_start3A_491 = arith.constant 0 : i32
    %dma_start3A_492 = tpu.memref_slice %arg4[%dma_start3A_491, %multiple_of3A_452] : memref<16x1000000xf32, #tpu.memory_space<hbm>> -> memref<16x128xf32, #tpu.memory_space<hbm>>
    tpu.enqueue_dma source(%dma_start3A_492 : memref<16x128xf32, #tpu.memory_space<hbm>>) target(%dma_start3A_490 : memref<16x128xf32, #tpu.memory_space<vmem>>) target_semaphore(%arg15 : memref<!tpu.dma_semaphore, #tpu.memory_space<semaphore_mem>>)
    %dma_start3A_493 = arith.constant 5 : i32
    %dma_start3A_494 = arith.constant 0 : i32
    %dma_start3A_495 = arith.constant 0 : i32
    %dma_start3A_496 = tpu.memref_slice %arg10[%dma_start3A_493, %dma_start3A_494, %dma_start3A_495] : memref<8x16x128xf32, #tpu.memory_space<vmem>> -> memref<1x16x128xf32, #tpu.memory_space<vmem>>
    %dma_start3A_497 = tpu.memref_squeeze %dma_start3A_496 : memref<1x16x128xf32, #tpu.memory_space<vmem>> -> memref<16x128xf32, #tpu.memory_space<vmem>>
    %dma_start3A_498 = arith.constant 0 : i32
    %dma_start3A_499 = tpu.memref_slice %arg5[%dma_start3A_498, %multiple_of3A_479] : memref<16x1000000xf32, #tpu.memory_space<hbm>> -> memref<16x128xf32, #tpu.memory_space<hbm>>
    %dma_start3A_500 = arith.constant 0 : i32
    %dma_start3A_501 = arith.constant 0 : i32
    %dma_start3A_502 = tpu.memref_slice %arg10[%dma_start3A_493, %dma_start3A_500, %dma_start3A_501] : memref<8x16x128xf32, #tpu.memory_space<vmem>> -> memref<1x16x128xf32, #tpu.memory_space<vmem>>
    %dma_start3A_503 = tpu.memref_squeeze %dma_start3A_502 : memref<1x16x128xf32, #tpu.memory_space<vmem>> -> memref<16x128xf32, #tpu.memory_space<vmem>>
    %dma_start3A_504 = arith.constant 0 : i32
    %dma_start3A_505 = tpu.memref_slice %arg5[%dma_start3A_504, %multiple_of3A_479] : memref<16x1000000xf32, #tpu.memory_space<hbm>> -> memref<16x128xf32, #tpu.memory_space<hbm>>
    tpu.enqueue_dma source(%dma_start3A_505 : memref<16x128xf32, #tpu.memory_space<hbm>>) target(%dma_start3A_503 : memref<16x128xf32, #tpu.memory_space<vmem>>) target_semaphore(%arg15 : memref<!tpu.dma_semaphore, #tpu.memory_space<semaphore_mem>>)
    %slice3A_506 = vector.extract_strided_slice %sub3A_6 {offsets = [6], sizes = [1], strides = [1]} : vector<16xi32> to vector<1xi32>
    %squeeze3A_507 = vector.extract %slice3A_506[0] : i32 from vector<1xi32>
    %slice3A_508 = vector.extract_strided_slice %sub3A_11 {offsets = [6], sizes = [1], strides = [1]} : vector<16xi32> to vector<1xi32>
    %squeeze3A_509 = vector.extract %slice3A_508[0] : i32 from vector<1xi32>
    %jit3A_510 = arith.constant 128 : i32
    %div3A_511 = arith.divsi %squeeze3A_507, %jit3A_510 : i32
    %sign3A_512 = arith.constant 0 : i32
    %sign3A_513 = arith.cmpi sgt, %squeeze3A_507, %sign3A_512 : i32
    %sign3A_514 = arith.extui %sign3A_513 : i1 to i32
    %sign3A_515 = arith.constant 0 : i32
    %sign3A_516 = arith.cmpi slt, %squeeze3A_507, %sign3A_515 : i32
    %sign3A_517 = arith.extui %sign3A_516 : i1 to i32
    %sign3A_518 = arith.subi %sign3A_514, %sign3A_517 : i32
    %sign3A_519 = arith.constant 0 : i32
    %sign3A_520 = arith.cmpi sgt, %jit3A_510, %sign3A_519 : i32
    %sign3A_521 = arith.extui %sign3A_520 : i1 to i32
    %sign3A_522 = arith.constant 0 : i32
    %sign3A_523 = arith.cmpi slt, %jit3A_510, %sign3A_522 : i32
    %sign3A_524 = arith.extui %sign3A_523 : i1 to i32
    %sign3A_525 = arith.subi %sign3A_521, %sign3A_524 : i32
    %ne3A_526 = arith.cmpi ne, %sign3A_518, %sign3A_525 : i32
    %rem3A_527 = arith.remsi %squeeze3A_507, %jit3A_510 : i32
    %ne3A_528 = arith.constant 0 : i32
    %ne3A_529 = arith.cmpi ne, %rem3A_527, %ne3A_528 : i32
    %and3A_530 = arith.andi %ne3A_526, %ne3A_529 : i1
    %sub3A_531 = arith.constant 1 : i32
    %sub3A_532 = arith.subi %div3A_511, %sub3A_531 : i32
    %select_n3A_533 = arith.select %and3A_530, %sub3A_532, %div3A_511 : i32
    %mul3A_534 = arith.constant 128 : i32
    %mul3A_535 = arith.muli %select_n3A_533, %mul3A_534 : i32
    %multiple_of3A_536 = tpu.assume_multiple %mul3A_535, 128 : i32
    %jit3A_537 = arith.constant 128 : i32
    %div3A_538 = arith.divsi %squeeze3A_509, %jit3A_537 : i32
    %sign3A_539 = arith.constant 0 : i32
    %sign3A_540 = arith.cmpi sgt, %squeeze3A_509, %sign3A_539 : i32
    %sign3A_541 = arith.extui %sign3A_540 : i1 to i32
    %sign3A_542 = arith.constant 0 : i32
    %sign3A_543 = arith.cmpi slt, %squeeze3A_509, %sign3A_542 : i32
    %sign3A_544 = arith.extui %sign3A_543 : i1 to i32
    %sign3A_545 = arith.subi %sign3A_541, %sign3A_544 : i32
    %sign3A_546 = arith.constant 0 : i32
    %sign3A_547 = arith.cmpi sgt, %jit3A_537, %sign3A_546 : i32
    %sign3A_548 = arith.extui %sign3A_547 : i1 to i32
    %sign3A_549 = arith.constant 0 : i32
    %sign3A_550 = arith.cmpi slt, %jit3A_537, %sign3A_549 : i32
    %sign3A_551 = arith.extui %sign3A_550 : i1 to i32
    %sign3A_552 = arith.subi %sign3A_548, %sign3A_551 : i32
    %ne3A_553 = arith.cmpi ne, %sign3A_545, %sign3A_552 : i32
    %rem3A_554 = arith.remsi %squeeze3A_509, %jit3A_537 : i32
    %ne3A_555 = arith.constant 0 : i32
    %ne3A_556 = arith.cmpi ne, %rem3A_554, %ne3A_555 : i32
    %and3A_557 = arith.andi %ne3A_553, %ne3A_556 : i1
    %sub3A_558 = arith.constant 1 : i32
    %sub3A_559 = arith.subi %div3A_538, %sub3A_558 : i32
    %select_n3A_560 = arith.select %and3A_557, %sub3A_559, %div3A_538 : i32
    %mul3A_561 = arith.constant 128 : i32
    %mul3A_562 = arith.muli %select_n3A_560, %mul3A_561 : i32
    %multiple_of3A_563 = tpu.assume_multiple %mul3A_562, 128 : i32
    %dma_start3A_564 = arith.constant 6 : i32
    %dma_start3A_565 = arith.constant 0 : i32
    %dma_start3A_566 = arith.constant 0 : i32
    %dma_start3A_567 = tpu.memref_slice %arg9[%dma_start3A_564, %dma_start3A_565, %dma_start3A_566] : memref<8x16x128xf32, #tpu.memory_space<vmem>> -> memref<1x16x128xf32, #tpu.memory_space<vmem>>
    %dma_start3A_568 = tpu.memref_squeeze %dma_start3A_567 : memref<1x16x128xf32, #tpu.memory_space<vmem>> -> memref<16x128xf32, #tpu.memory_space<vmem>>
    %dma_start3A_569 = arith.constant 0 : i32
    %dma_start3A_570 = tpu.memref_slice %arg4[%dma_start3A_569, %multiple_of3A_536] : memref<16x1000000xf32, #tpu.memory_space<hbm>> -> memref<16x128xf32, #tpu.memory_space<hbm>>
    %dma_start3A_571 = arith.constant 0 : i32
    %dma_start3A_572 = arith.constant 0 : i32
    %dma_start3A_573 = tpu.memref_slice %arg9[%dma_start3A_564, %dma_start3A_571, %dma_start3A_572] : memref<8x16x128xf32, #tpu.memory_space<vmem>> -> memref<1x16x128xf32, #tpu.memory_space<vmem>>
    %dma_start3A_574 = tpu.memref_squeeze %dma_start3A_573 : memref<1x16x128xf32, #tpu.memory_space<vmem>> -> memref<16x128xf32, #tpu.memory_space<vmem>>
    %dma_start3A_575 = arith.constant 0 : i32
    %dma_start3A_576 = tpu.memref_slice %arg4[%dma_start3A_575, %multiple_of3A_536] : memref<16x1000000xf32, #tpu.memory_space<hbm>> -> memref<16x128xf32, #tpu.memory_space<hbm>>
    tpu.enqueue_dma source(%dma_start3A_576 : memref<16x128xf32, #tpu.memory_space<hbm>>) target(%dma_start3A_574 : memref<16x128xf32, #tpu.memory_space<vmem>>) target_semaphore(%arg15 : memref<!tpu.dma_semaphore, #tpu.memory_space<semaphore_mem>>)
    %dma_start3A_577 = arith.constant 6 : i32
    %dma_start3A_578 = arith.constant 0 : i32
    %dma_start3A_579 = arith.constant 0 : i32
    %dma_start3A_580 = tpu.memref_slice %arg10[%dma_start3A_577, %dma_start3A_578, %dma_start3A_579] : memref<8x16x128xf32, #tpu.memory_space<vmem>> -> memref<1x16x128xf32, #tpu.memory_space<vmem>>
    %dma_start3A_581 = tpu.memref_squeeze %dma_start3A_580 : memref<1x16x128xf32, #tpu.memory_space<vmem>> -> memref<16x128xf32, #tpu.memory_space<vmem>>
    %dma_start3A_582 = arith.constant 0 : i32
    %dma_start3A_583 = tpu.memref_slice %arg5[%dma_start3A_582, %multiple_of3A_563] : memref<16x1000000xf32, #tpu.memory_space<hbm>> -> memref<16x128xf32, #tpu.memory_space<hbm>>
    %dma_start3A_584 = arith.constant 0 : i32
    %dma_start3A_585 = arith.constant 0 : i32
    %dma_start3A_586 = tpu.memref_slice %arg10[%dma_start3A_577, %dma_start3A_584, %dma_start3A_585] : memref<8x16x128xf32, #tpu.memory_space<vmem>> -> memref<1x16x128xf32, #tpu.memory_space<vmem>>
    %dma_start3A_587 = tpu.memref_squeeze %dma_start3A_586 : memref<1x16x128xf32, #tpu.memory_space<vmem>> -> memref<16x128xf32, #tpu.memory_space<vmem>>
    %dma_start3A_588 = arith.constant 0 : i32
    %dma_start3A_589 = tpu.memref_slice %arg5[%dma_start3A_588, %multiple_of3A_563] : memref<16x1000000xf32, #tpu.memory_space<hbm>> -> memref<16x128xf32, #tpu.memory_space<hbm>>
    tpu.enqueue_dma source(%dma_start3A_589 : memref<16x128xf32, #tpu.memory_space<hbm>>) target(%dma_start3A_587 : memref<16x128xf32, #tpu.memory_space<vmem>>) target_semaphore(%arg15 : memref<!tpu.dma_semaphore, #tpu.memory_space<semaphore_mem>>)
    %slice3A_590 = vector.extract_strided_slice %sub3A_6 {offsets = [7], sizes = [1], strides = [1]} : vector<16xi32> to vector<1xi32>
    %squeeze3A_591 = vector.extract %slice3A_590[0] : i32 from vector<1xi32>
    %slice3A_592 = vector.extract_strided_slice %sub3A_11 {offsets = [7], sizes = [1], strides = [1]} : vector<16xi32> to vector<1xi32>
    %squeeze3A_593 = vector.extract %slice3A_592[0] : i32 from vector<1xi32>
    %jit3A_594 = arith.constant 128 : i32
    %div3A_595 = arith.divsi %squeeze3A_591, %jit3A_594 : i32
    %sign3A_596 = arith.constant 0 : i32
    %sign3A_597 = arith.cmpi sgt, %squeeze3A_591, %sign3A_596 : i32
    %sign3A_598 = arith.extui %sign3A_597 : i1 to i32
    %sign3A_599 = arith.constant 0 : i32
    %sign3A_600 = arith.cmpi slt, %squeeze3A_591, %sign3A_599 : i32
    %sign3A_601 = arith.extui %sign3A_600 : i1 to i32
    %sign3A_602 = arith.subi %sign3A_598, %sign3A_601 : i32
    %sign3A_603 = arith.constant 0 : i32
    %sign3A_604 = arith.cmpi sgt, %jit3A_594, %sign3A_603 : i32
    %sign3A_605 = arith.extui %sign3A_604 : i1 to i32
    %sign3A_606 = arith.constant 0 : i32
    %sign3A_607 = arith.cmpi slt, %jit3A_594, %sign3A_606 : i32
    %sign3A_608 = arith.extui %sign3A_607 : i1 to i32
    %sign3A_609 = arith.subi %sign3A_605, %sign3A_608 : i32
    %ne3A_610 = arith.cmpi ne, %sign3A_602, %sign3A_609 : i32
    %rem3A_611 = arith.remsi %squeeze3A_591, %jit3A_594 : i32
    %ne3A_612 = arith.constant 0 : i32
    %ne3A_613 = arith.cmpi ne, %rem3A_611, %ne3A_612 : i32
    %and3A_614 = arith.andi %ne3A_610, %ne3A_613 : i1
    %sub3A_615 = arith.constant 1 : i32
    %sub3A_616 = arith.subi %div3A_595, %sub3A_615 : i32
    %select_n3A_617 = arith.select %and3A_614, %sub3A_616, %div3A_595 : i32
    %mul3A_618 = arith.constant 128 : i32
    %mul3A_619 = arith.muli %select_n3A_617, %mul3A_618 : i32
    %multiple_of3A_620 = tpu.assume_multiple %mul3A_619, 128 : i32
    %jit3A_621 = arith.constant 128 : i32
    %div3A_622 = arith.divsi %squeeze3A_593, %jit3A_621 : i32
    %sign3A_623 = arith.constant 0 : i32
    %sign3A_624 = arith.cmpi sgt, %squeeze3A_593, %sign3A_623 : i32
    %sign3A_625 = arith.extui %sign3A_624 : i1 to i32
    %sign3A_626 = arith.constant 0 : i32
    %sign3A_627 = arith.cmpi slt, %squeeze3A_593, %sign3A_626 : i32
    %sign3A_628 = arith.extui %sign3A_627 : i1 to i32
    %sign3A_629 = arith.subi %sign3A_625, %sign3A_628 : i32
    %sign3A_630 = arith.constant 0 : i32
    %sign3A_631 = arith.cmpi sgt, %jit3A_621, %sign3A_630 : i32
    %sign3A_632 = arith.extui %sign3A_631 : i1 to i32
    %sign3A_633 = arith.constant 0 : i32
    %sign3A_634 = arith.cmpi slt, %jit3A_621, %sign3A_633 : i32
    %sign3A_635 = arith.extui %sign3A_634 : i1 to i32
    %sign3A_636 = arith.subi %sign3A_632, %sign3A_635 : i32
    %ne3A_637 = arith.cmpi ne, %sign3A_629, %sign3A_636 : i32
    %rem3A_638 = arith.remsi %squeeze3A_593, %jit3A_621 : i32
    %ne3A_639 = arith.constant 0 : i32
    %ne3A_640 = arith.cmpi ne, %rem3A_638, %ne3A_639 : i32
    %and3A_641 = arith.andi %ne3A_637, %ne3A_640 : i1
    %sub3A_642 = arith.constant 1 : i32
    %sub3A_643 = arith.subi %div3A_622, %sub3A_642 : i32
    %select_n3A_644 = arith.select %and3A_641, %sub3A_643, %div3A_622 : i32
    %mul3A_645 = arith.constant 128 : i32
    %mul3A_646 = arith.muli %select_n3A_644, %mul3A_645 : i32
    %multiple_of3A_647 = tpu.assume_multiple %mul3A_646, 128 : i32
    %dma_start3A_648 = arith.constant 7 : i32
    %dma_start3A_649 = arith.constant 0 : i32
    %dma_start3A_650 = arith.constant 0 : i32
    %dma_start3A_651 = tpu.memref_slice %arg9[%dma_start3A_648, %dma_start3A_649, %dma_start3A_650] : memref<8x16x128xf32, #tpu.memory_space<vmem>> -> memref<1x16x128xf32, #tpu.memory_space<vmem>>
    %dma_start3A_652 = tpu.memref_squeeze %dma_start3A_651 : memref<1x16x128xf32, #tpu.memory_space<vmem>> -> memref<16x128xf32, #tpu.memory_space<vmem>>
    %dma_start3A_653 = arith.constant 0 : i32
    %dma_start3A_654 = tpu.memref_slice %arg4[%dma_start3A_653, %multiple_of3A_620] : memref<16x1000000xf32, #tpu.memory_space<hbm>> -> memref<16x128xf32, #tpu.memory_space<hbm>>
    %dma_start3A_655 = arith.constant 0 : i32
    %dma_start3A_656 = arith.constant 0 : i32
    %dma_start3A_657 = tpu.memref_slice %arg9[%dma_start3A_648, %dma_start3A_655, %dma_start3A_656] : memref<8x16x128xf32, #tpu.memory_space<vmem>> -> memref<1x16x128xf32, #tpu.memory_space<vmem>>
    %dma_start3A_658 = tpu.memref_squeeze %dma_start3A_657 : memref<1x16x128xf32, #tpu.memory_space<vmem>> -> memref<16x128xf32, #tpu.memory_space<vmem>>
    %dma_start3A_659 = arith.constant 0 : i32
    %dma_start3A_660 = tpu.memref_slice %arg4[%dma_start3A_659, %multiple_of3A_620] : memref<16x1000000xf32, #tpu.memory_space<hbm>> -> memref<16x128xf32, #tpu.memory_space<hbm>>
    tpu.enqueue_dma source(%dma_start3A_660 : memref<16x128xf32, #tpu.memory_space<hbm>>) target(%dma_start3A_658 : memref<16x128xf32, #tpu.memory_space<vmem>>) target_semaphore(%arg15 : memref<!tpu.dma_semaphore, #tpu.memory_space<semaphore_mem>>)
    %dma_start3A_661 = arith.constant 7 : i32
    %dma_start3A_662 = arith.constant 0 : i32
    %dma_start3A_663 = arith.constant 0 : i32
    %dma_start3A_664 = tpu.memref_slice %arg10[%dma_start3A_661, %dma_start3A_662, %dma_start3A_663] : memref<8x16x128xf32, #tpu.memory_space<vmem>> -> memref<1x16x128xf32, #tpu.memory_space<vmem>>
    %dma_start3A_665 = tpu.memref_squeeze %dma_start3A_664 : memref<1x16x128xf32, #tpu.memory_space<vmem>> -> memref<16x128xf32, #tpu.memory_space<vmem>>
    %dma_start3A_666 = arith.constant 0 : i32
    %dma_start3A_667 = tpu.memref_slice %arg5[%dma_start3A_666, %multiple_of3A_647] : memref<16x1000000xf32, #tpu.memory_space<hbm>> -> memref<16x128xf32, #tpu.memory_space<hbm>>
    %dma_start3A_668 = arith.constant 0 : i32
    %dma_start3A_669 = arith.constant 0 : i32
    %dma_start3A_670 = tpu.memref_slice %arg10[%dma_start3A_661, %dma_start3A_668, %dma_start3A_669] : memref<8x16x128xf32, #tpu.memory_space<vmem>> -> memref<1x16x128xf32, #tpu.memory_space<vmem>>
    %dma_start3A_671 = tpu.memref_squeeze %dma_start3A_670 : memref<1x16x128xf32, #tpu.memory_space<vmem>> -> memref<16x128xf32, #tpu.memory_space<vmem>>
    %dma_start3A_672 = arith.constant 0 : i32
    %dma_start3A_673 = tpu.memref_slice %arg5[%dma_start3A_672, %multiple_of3A_647] : memref<16x1000000xf32, #tpu.memory_space<hbm>> -> memref<16x128xf32, #tpu.memory_space<hbm>>
    tpu.enqueue_dma source(%dma_start3A_673 : memref<16x128xf32, #tpu.memory_space<hbm>>) target(%dma_start3A_671 : memref<16x128xf32, #tpu.memory_space<vmem>>) target_semaphore(%arg15 : memref<!tpu.dma_semaphore, #tpu.memory_space<semaphore_mem>>)
    %slice3A_674 = vector.extract_strided_slice %sub3A_6 {offsets = [8], sizes = [1], strides = [1]} : vector<16xi32> to vector<1xi32>
    %squeeze3A_675 = vector.extract %slice3A_674[0] : i32 from vector<1xi32>
    %slice3A_676 = vector.extract_strided_slice %sub3A_11 {offsets = [8], sizes = [1], strides = [1]} : vector<16xi32> to vector<1xi32>
    %squeeze3A_677 = vector.extract %slice3A_676[0] : i32 from vector<1xi32>
    %jit3A_678 = arith.constant 128 : i32
    %div3A_679 = arith.divsi %squeeze3A_675, %jit3A_678 : i32
    %sign3A_680 = arith.constant 0 : i32
    %sign3A_681 = arith.cmpi sgt, %squeeze3A_675, %sign3A_680 : i32
    %sign3A_682 = arith.extui %sign3A_681 : i1 to i32
    %sign3A_683 = arith.constant 0 : i32
    %sign3A_684 = arith.cmpi slt, %squeeze3A_675, %sign3A_683 : i32
    %sign3A_685 = arith.extui %sign3A_684 : i1 to i32
    %sign3A_686 = arith.subi %sign3A_682, %sign3A_685 : i32
    %sign3A_687 = arith.constant 0 : i32
    %sign3A_688 = arith.cmpi sgt, %jit3A_678, %sign3A_687 : i32
    %sign3A_689 = arith.extui %sign3A_688 : i1 to i32
    %sign3A_690 = arith.constant 0 : i32
    %sign3A_691 = arith.cmpi slt, %jit3A_678, %sign3A_690 : i32
    %sign3A_692 = arith.extui %sign3A_691 : i1 to i32
    %sign3A_693 = arith.subi %sign3A_689, %sign3A_692 : i32
    %ne3A_694 = arith.cmpi ne, %sign3A_686, %sign3A_693 : i32
    %rem3A_695 = arith.remsi %squeeze3A_675, %jit3A_678 : i32
    %ne3A_696 = arith.constant 0 : i32
    %ne3A_697 = arith.cmpi ne, %rem3A_695, %ne3A_696 : i32
    %and3A_698 = arith.andi %ne3A_694, %ne3A_697 : i1
    %sub3A_699 = arith.constant 1 : i32
    %sub3A_700 = arith.subi %div3A_679, %sub3A_699 : i32
    %select_n3A_701 = arith.select %and3A_698, %sub3A_700, %div3A_679 : i32
    %mul3A_702 = arith.constant 128 : i32
    %mul3A_703 = arith.muli %select_n3A_701, %mul3A_702 : i32
    %multiple_of3A_704 = tpu.assume_multiple %mul3A_703, 128 : i32
    %jit3A_705 = arith.constant 128 : i32
    %div3A_706 = arith.divsi %squeeze3A_677, %jit3A_705 : i32
    %sign3A_707 = arith.constant 0 : i32
    %sign3A_708 = arith.cmpi sgt, %squeeze3A_677, %sign3A_707 : i32
    %sign3A_709 = arith.extui %sign3A_708 : i1 to i32
    %sign3A_710 = arith.constant 0 : i32
    %sign3A_711 = arith.cmpi slt, %squeeze3A_677, %sign3A_710 : i32
    %sign3A_712 = arith.extui %sign3A_711 : i1 to i32
    %sign3A_713 = arith.subi %sign3A_709, %sign3A_712 : i32
    %sign3A_714 = arith.constant 0 : i32
    %sign3A_715 = arith.cmpi sgt, %jit3A_705, %sign3A_714 : i32
    %sign3A_716 = arith.extui %sign3A_715 : i1 to i32
    %sign3A_717 = arith.constant 0 : i32
    %sign3A_718 = arith.cmpi slt, %jit3A_705, %sign3A_717 : i32
    %sign3A_719 = arith.extui %sign3A_718 : i1 to i32
    %sign3A_720 = arith.subi %sign3A_716, %sign3A_719 : i32
    %ne3A_721 = arith.cmpi ne, %sign3A_713, %sign3A_720 : i32
    %rem3A_722 = arith.remsi %squeeze3A_677, %jit3A_705 : i32
    %ne3A_723 = arith.constant 0 : i32
    %ne3A_724 = arith.cmpi ne, %rem3A_722, %ne3A_723 : i32
    %and3A_725 = arith.andi %ne3A_721, %ne3A_724 : i1
    %sub3A_726 = arith.constant 1 : i32
    %sub3A_727 = arith.subi %div3A_706, %sub3A_726 : i32
    %select_n3A_728 = arith.select %and3A_725, %sub3A_727, %div3A_706 : i32
    %mul3A_729 = arith.constant 128 : i32
    %mul3A_730 = arith.muli %select_n3A_728, %mul3A_729 : i32
    %multiple_of3A_731 = tpu.assume_multiple %mul3A_730, 128 : i32
    %dma_start3A_732 = arith.constant 0 : i32
    %dma_start3A_733 = arith.constant 0 : i32
    %dma_start3A_734 = arith.constant 0 : i32
    %dma_start3A_735 = tpu.memref_slice %arg11[%dma_start3A_732, %dma_start3A_733, %dma_start3A_734] : memref<8x16x128xf32, #tpu.memory_space<vmem>> -> memref<1x16x128xf32, #tpu.memory_space<vmem>>
    %dma_start3A_736 = tpu.memref_squeeze %dma_start3A_735 : memref<1x16x128xf32, #tpu.memory_space<vmem>> -> memref<16x128xf32, #tpu.memory_space<vmem>>
    %dma_start3A_737 = arith.constant 0 : i32
    %dma_start3A_738 = tpu.memref_slice %arg4[%dma_start3A_737, %multiple_of3A_704] : memref<16x1000000xf32, #tpu.memory_space<hbm>> -> memref<16x128xf32, #tpu.memory_space<hbm>>
    %dma_start3A_739 = arith.constant 0 : i32
    %dma_start3A_740 = arith.constant 0 : i32
    %dma_start3A_741 = tpu.memref_slice %arg11[%dma_start3A_732, %dma_start3A_739, %dma_start3A_740] : memref<8x16x128xf32, #tpu.memory_space<vmem>> -> memref<1x16x128xf32, #tpu.memory_space<vmem>>
    %dma_start3A_742 = tpu.memref_squeeze %dma_start3A_741 : memref<1x16x128xf32, #tpu.memory_space<vmem>> -> memref<16x128xf32, #tpu.memory_space<vmem>>
    %dma_start3A_743 = arith.constant 0 : i32
    %dma_start3A_744 = tpu.memref_slice %arg4[%dma_start3A_743, %multiple_of3A_704] : memref<16x1000000xf32, #tpu.memory_space<hbm>> -> memref<16x128xf32, #tpu.memory_space<hbm>>
    tpu.enqueue_dma source(%dma_start3A_744 : memref<16x128xf32, #tpu.memory_space<hbm>>) target(%dma_start3A_742 : memref<16x128xf32, #tpu.memory_space<vmem>>) target_semaphore(%arg16 : memref<!tpu.dma_semaphore, #tpu.memory_space<semaphore_mem>>)
    %dma_start3A_745 = arith.constant 0 : i32
    %dma_start3A_746 = arith.constant 0 : i32
    %dma_start3A_747 = arith.constant 0 : i32
    %dma_start3A_748 = tpu.memref_slice %arg12[%dma_start3A_745, %dma_start3A_746, %dma_start3A_747] : memref<8x16x128xf32, #tpu.memory_space<vmem>> -> memref<1x16x128xf32, #tpu.memory_space<vmem>>
    %dma_start3A_749 = tpu.memref_squeeze %dma_start3A_748 : memref<1x16x128xf32, #tpu.memory_space<vmem>> -> memref<16x128xf32, #tpu.memory_space<vmem>>
    %dma_start3A_750 = arith.constant 0 : i32
    %dma_start3A_751 = tpu.memref_slice %arg5[%dma_start3A_750, %multiple_of3A_731] : memref<16x1000000xf32, #tpu.memory_space<hbm>> -> memref<16x128xf32, #tpu.memory_space<hbm>>
    %dma_start3A_752 = arith.constant 0 : i32
    %dma_start3A_753 = arith.constant 0 : i32
    %dma_start3A_754 = tpu.memref_slice %arg12[%dma_start3A_745, %dma_start3A_752, %dma_start3A_753] : memref<8x16x128xf32, #tpu.memory_space<vmem>> -> memref<1x16x128xf32, #tpu.memory_space<vmem>>
    %dma_start3A_755 = tpu.memref_squeeze %dma_start3A_754 : memref<1x16x128xf32, #tpu.memory_space<vmem>> -> memref<16x128xf32, #tpu.memory_space<vmem>>
    %dma_start3A_756 = arith.constant 0 : i32
    %dma_start3A_757 = tpu.memref_slice %arg5[%dma_start3A_756, %multiple_of3A_731] : memref<16x1000000xf32, #tpu.memory_space<hbm>> -> memref<16x128xf32, #tpu.memory_space<hbm>>
    tpu.enqueue_dma source(%dma_start3A_757 : memref<16x128xf32, #tpu.memory_space<hbm>>) target(%dma_start3A_755 : memref<16x128xf32, #tpu.memory_space<vmem>>) target_semaphore(%arg16 : memref<!tpu.dma_semaphore, #tpu.memory_space<semaphore_mem>>)
    %slice3A_758 = vector.extract_strided_slice %sub3A_6 {offsets = [9], sizes = [1], strides = [1]} : vector<16xi32> to vector<1xi32>
    %squeeze3A_759 = vector.extract %slice3A_758[0] : i32 from vector<1xi32>
    %slice3A_760 = vector.extract_strided_slice %sub3A_11 {offsets = [9], sizes = [1], strides = [1]} : vector<16xi32> to vector<1xi32>
    %squeeze3A_761 = vector.extract %slice3A_760[0] : i32 from vector<1xi32>
    %jit3A_762 = arith.constant 128 : i32
    %div3A_763 = arith.divsi %squeeze3A_759, %jit3A_762 : i32
    %sign3A_764 = arith.constant 0 : i32
    %sign3A_765 = arith.cmpi sgt, %squeeze3A_759, %sign3A_764 : i32
    %sign3A_766 = arith.extui %sign3A_765 : i1 to i32
    %sign3A_767 = arith.constant 0 : i32
    %sign3A_768 = arith.cmpi slt, %squeeze3A_759, %sign3A_767 : i32
    %sign3A_769 = arith.extui %sign3A_768 : i1 to i32
    %sign3A_770 = arith.subi %sign3A_766, %sign3A_769 : i32
    %sign3A_771 = arith.constant 0 : i32
    %sign3A_772 = arith.cmpi sgt, %jit3A_762, %sign3A_771 : i32
    %sign3A_773 = arith.extui %sign3A_772 : i1 to i32
    %sign3A_774 = arith.constant 0 : i32
    %sign3A_775 = arith.cmpi slt, %jit3A_762, %sign3A_774 : i32
    %sign3A_776 = arith.extui %sign3A_775 : i1 to i32
    %sign3A_777 = arith.subi %sign3A_773, %sign3A_776 : i32
    %ne3A_778 = arith.cmpi ne, %sign3A_770, %sign3A_777 : i32
    %rem3A_779 = arith.remsi %squeeze3A_759, %jit3A_762 : i32
    %ne3A_780 = arith.constant 0 : i32
    %ne3A_781 = arith.cmpi ne, %rem3A_779, %ne3A_780 : i32
    %and3A_782 = arith.andi %ne3A_778, %ne3A_781 : i1
    %sub3A_783 = arith.constant 1 : i32
    %sub3A_784 = arith.subi %div3A_763, %sub3A_783 : i32
    %select_n3A_785 = arith.select %and3A_782, %sub3A_784, %div3A_763 : i32
    %mul3A_786 = arith.constant 128 : i32
    %mul3A_787 = arith.muli %select_n3A_785, %mul3A_786 : i32
    %multiple_of3A_788 = tpu.assume_multiple %mul3A_787, 128 : i32
    %jit3A_789 = arith.constant 128 : i32
    %div3A_790 = arith.divsi %squeeze3A_761, %jit3A_789 : i32
    %sign3A_791 = arith.constant 0 : i32
    %sign3A_792 = arith.cmpi sgt, %squeeze3A_761, %sign3A_791 : i32
    %sign3A_793 = arith.extui %sign3A_792 : i1 to i32
    %sign3A_794 = arith.constant 0 : i32
    %sign3A_795 = arith.cmpi slt, %squeeze3A_761, %sign3A_794 : i32
    %sign3A_796 = arith.extui %sign3A_795 : i1 to i32
    %sign3A_797 = arith.subi %sign3A_793, %sign3A_796 : i32
    %sign3A_798 = arith.constant 0 : i32
    %sign3A_799 = arith.cmpi sgt, %jit3A_789, %sign3A_798 : i32
    %sign3A_800 = arith.extui %sign3A_799 : i1 to i32
    %sign3A_801 = arith.constant 0 : i32
    %sign3A_802 = arith.cmpi slt, %jit3A_789, %sign3A_801 : i32
    %sign3A_803 = arith.extui %sign3A_802 : i1 to i32
    %sign3A_804 = arith.subi %sign3A_800, %sign3A_803 : i32
    %ne3A_805 = arith.cmpi ne, %sign3A_797, %sign3A_804 : i32
    %rem3A_806 = arith.remsi %squeeze3A_761, %jit3A_789 : i32
    %ne3A_807 = arith.constant 0 : i32
    %ne3A_808 = arith.cmpi ne, %rem3A_806, %ne3A_807 : i32
    %and3A_809 = arith.andi %ne3A_805, %ne3A_808 : i1
    %sub3A_810 = arith.constant 1 : i32
    %sub3A_811 = arith.subi %div3A_790, %sub3A_810 : i32
    %select_n3A_812 = arith.select %and3A_809, %sub3A_811, %div3A_790 : i32
    %mul3A_813 = arith.constant 128 : i32
    %mul3A_814 = arith.muli %select_n3A_812, %mul3A_813 : i32
    %multiple_of3A_815 = tpu.assume_multiple %mul3A_814, 128 : i32
    %dma_start3A_816 = arith.constant 1 : i32
    %dma_start3A_817 = arith.constant 0 : i32
    %dma_start3A_818 = arith.constant 0 : i32
    %dma_start3A_819 = tpu.memref_slice %arg11[%dma_start3A_816, %dma_start3A_817, %dma_start3A_818] : memref<8x16x128xf32, #tpu.memory_space<vmem>> -> memref<1x16x128xf32, #tpu.memory_space<vmem>>
    %dma_start3A_820 = tpu.memref_squeeze %dma_start3A_819 : memref<1x16x128xf32, #tpu.memory_space<vmem>> -> memref<16x128xf32, #tpu.memory_space<vmem>>
    %dma_start3A_821 = arith.constant 0 : i32
    %dma_start3A_822 = tpu.memref_slice %arg4[%dma_start3A_821, %multiple_of3A_788] : memref<16x1000000xf32, #tpu.memory_space<hbm>> -> memref<16x128xf32, #tpu.memory_space<hbm>>
    %dma_start3A_823 = arith.constant 0 : i32
    %dma_start3A_824 = arith.constant 0 : i32
    %dma_start3A_825 = tpu.memref_slice %arg11[%dma_start3A_816, %dma_start3A_823, %dma_start3A_824] : memref<8x16x128xf32, #tpu.memory_space<vmem>> -> memref<1x16x128xf32, #tpu.memory_space<vmem>>
    %dma_start3A_826 = tpu.memref_squeeze %dma_start3A_825 : memref<1x16x128xf32, #tpu.memory_space<vmem>> -> memref<16x128xf32, #tpu.memory_space<vmem>>
    %dma_start3A_827 = arith.constant 0 : i32
    %dma_start3A_828 = tpu.memref_slice %arg4[%dma_start3A_827, %multiple_of3A_788] : memref<16x1000000xf32, #tpu.memory_space<hbm>> -> memref<16x128xf32, #tpu.memory_space<hbm>>
    tpu.enqueue_dma source(%dma_start3A_828 : memref<16x128xf32, #tpu.memory_space<hbm>>) target(%dma_start3A_826 : memref<16x128xf32, #tpu.memory_space<vmem>>) target_semaphore(%arg16 : memref<!tpu.dma_semaphore, #tpu.memory_space<semaphore_mem>>)
    %dma_start3A_829 = arith.constant 1 : i32
    %dma_start3A_830 = arith.constant 0 : i32
    %dma_start3A_831 = arith.constant 0 : i32
    %dma_start3A_832 = tpu.memref_slice %arg12[%dma_start3A_829, %dma_start3A_830, %dma_start3A_831] : memref<8x16x128xf32, #tpu.memory_space<vmem>> -> memref<1x16x128xf32, #tpu.memory_space<vmem>>
    %dma_start3A_833 = tpu.memref_squeeze %dma_start3A_832 : memref<1x16x128xf32, #tpu.memory_space<vmem>> -> memref<16x128xf32, #tpu.memory_space<vmem>>
    %dma_start3A_834 = arith.constant 0 : i32
    %dma_start3A_835 = tpu.memref_slice %arg5[%dma_start3A_834, %multiple_of3A_815] : memref<16x1000000xf32, #tpu.memory_space<hbm>> -> memref<16x128xf32, #tpu.memory_space<hbm>>
    %dma_start3A_836 = arith.constant 0 : i32
    %dma_start3A_837 = arith.constant 0 : i32
    %dma_start3A_838 = tpu.memref_slice %arg12[%dma_start3A_829, %dma_start3A_836, %dma_start3A_837] : memref<8x16x128xf32, #tpu.memory_space<vmem>> -> memref<1x16x128xf32, #tpu.memory_space<vmem>>
    %dma_start3A_839 = tpu.memref_squeeze %dma_start3A_838 : memref<1x16x128xf32, #tpu.memory_space<vmem>> -> memref<16x128xf32, #tpu.memory_space<vmem>>
    %dma_start3A_840 = arith.constant 0 : i32
    %dma_start3A_841 = tpu.memref_slice %arg5[%dma_start3A_840, %multiple_of3A_815] : memref<16x1000000xf32, #tpu.memory_space<hbm>> -> memref<16x128xf32, #tpu.memory_space<hbm>>
    tpu.enqueue_dma source(%dma_start3A_841 : memref<16x128xf32, #tpu.memory_space<hbm>>) target(%dma_start3A_839 : memref<16x128xf32, #tpu.memory_space<vmem>>) target_semaphore(%arg16 : memref<!tpu.dma_semaphore, #tpu.memory_space<semaphore_mem>>)
    %slice3A_842 = vector.extract_strided_slice %sub3A_6 {offsets = [10], sizes = [1], strides = [1]} : vector<16xi32> to vector<1xi32>
    %squeeze3A_843 = vector.extract %slice3A_842[0] : i32 from vector<1xi32>
    %slice3A_844 = vector.extract_strided_slice %sub3A_11 {offsets = [10], sizes = [1], strides = [1]} : vector<16xi32> to vector<1xi32>
    %squeeze3A_845 = vector.extract %slice3A_844[0] : i32 from vector<1xi32>
    %jit3A_846 = arith.constant 128 : i32
    %div3A_847 = arith.divsi %squeeze3A_843, %jit3A_846 : i32
    %sign3A_848 = arith.constant 0 : i32
    %sign3A_849 = arith.cmpi sgt, %squeeze3A_843, %sign3A_848 : i32
    %sign3A_850 = arith.extui %sign3A_849 : i1 to i32
    %sign3A_851 = arith.constant 0 : i32
    %sign3A_852 = arith.cmpi slt, %squeeze3A_843, %sign3A_851 : i32
    %sign3A_853 = arith.extui %sign3A_852 : i1 to i32
    %sign3A_854 = arith.subi %sign3A_850, %sign3A_853 : i32
    %sign3A_855 = arith.constant 0 : i32
    %sign3A_856 = arith.cmpi sgt, %jit3A_846, %sign3A_855 : i32
    %sign3A_857 = arith.extui %sign3A_856 : i1 to i32
    %sign3A_858 = arith.constant 0 : i32
    %sign3A_859 = arith.cmpi slt, %jit3A_846, %sign3A_858 : i32
    %sign3A_860 = arith.extui %sign3A_859 : i1 to i32
    %sign3A_861 = arith.subi %sign3A_857, %sign3A_860 : i32
    %ne3A_862 = arith.cmpi ne, %sign3A_854, %sign3A_861 : i32
    %rem3A_863 = arith.remsi %squeeze3A_843, %jit3A_846 : i32
    %ne3A_864 = arith.constant 0 : i32
    %ne3A_865 = arith.cmpi ne, %rem3A_863, %ne3A_864 : i32
    %and3A_866 = arith.andi %ne3A_862, %ne3A_865 : i1
    %sub3A_867 = arith.constant 1 : i32
    %sub3A_868 = arith.subi %div3A_847, %sub3A_867 : i32
    %select_n3A_869 = arith.select %and3A_866, %sub3A_868, %div3A_847 : i32
    %mul3A_870 = arith.constant 128 : i32
    %mul3A_871 = arith.muli %select_n3A_869, %mul3A_870 : i32
    %multiple_of3A_872 = tpu.assume_multiple %mul3A_871, 128 : i32
    %jit3A_873 = arith.constant 128 : i32
    %div3A_874 = arith.divsi %squeeze3A_845, %jit3A_873 : i32
    %sign3A_875 = arith.constant 0 : i32
    %sign3A_876 = arith.cmpi sgt, %squeeze3A_845, %sign3A_875 : i32
    %sign3A_877 = arith.extui %sign3A_876 : i1 to i32
    %sign3A_878 = arith.constant 0 : i32
    %sign3A_879 = arith.cmpi slt, %squeeze3A_845, %sign3A_878 : i32
    %sign3A_880 = arith.extui %sign3A_879 : i1 to i32
    %sign3A_881 = arith.subi %sign3A_877, %sign3A_880 : i32
    %sign3A_882 = arith.constant 0 : i32
    %sign3A_883 = arith.cmpi sgt, %jit3A_873, %sign3A_882 : i32
    %sign3A_884 = arith.extui %sign3A_883 : i1 to i32
    %sign3A_885 = arith.constant 0 : i32
    %sign3A_886 = arith.cmpi slt, %jit3A_873, %sign3A_885 : i32
    %sign3A_887 = arith.extui %sign3A_886 : i1 to i32
    %sign3A_888 = arith.subi %sign3A_884, %sign3A_887 : i32
    %ne3A_889 = arith.cmpi ne, %sign3A_881, %sign3A_888 : i32
    %rem3A_890 = arith.remsi %squeeze3A_845, %jit3A_873 : i32
    %ne3A_891 = arith.constant 0 : i32
    %ne3A_892 = arith.cmpi ne, %rem3A_890, %ne3A_891 : i32
    %and3A_893 = arith.andi %ne3A_889, %ne3A_892 : i1
    %sub3A_894 = arith.constant 1 : i32
    %sub3A_895 = arith.subi %div3A_874, %sub3A_894 : i32
    %select_n3A_896 = arith.select %and3A_893, %sub3A_895, %div3A_874 : i32
    %mul3A_897 = arith.constant 128 : i32
    %mul3A_898 = arith.muli %select_n3A_896, %mul3A_897 : i32
    %multiple_of3A_899 = tpu.assume_multiple %mul3A_898, 128 : i32
    %dma_start3A_900 = arith.constant 2 : i32
    %dma_start3A_901 = arith.constant 0 : i32
    %dma_start3A_902 = arith.constant 0 : i32
    %dma_start3A_903 = tpu.memref_slice %arg11[%dma_start3A_900, %dma_start3A_901, %dma_start3A_902] : memref<8x16x128xf32, #tpu.memory_space<vmem>> -> memref<1x16x128xf32, #tpu.memory_space<vmem>>
    %dma_start3A_904 = tpu.memref_squeeze %dma_start3A_903 : memref<1x16x128xf32, #tpu.memory_space<vmem>> -> memref<16x128xf32, #tpu.memory_space<vmem>>
    %dma_start3A_905 = arith.constant 0 : i32
    %dma_start3A_906 = tpu.memref_slice %arg4[%dma_start3A_905, %multiple_of3A_872] : memref<16x1000000xf32, #tpu.memory_space<hbm>> -> memref<16x128xf32, #tpu.memory_space<hbm>>
    %dma_start3A_907 = arith.constant 0 : i32
    %dma_start3A_908 = arith.constant 0 : i32
    %dma_start3A_909 = tpu.memref_slice %arg11[%dma_start3A_900, %dma_start3A_907, %dma_start3A_908] : memref<8x16x128xf32, #tpu.memory_space<vmem>> -> memref<1x16x128xf32, #tpu.memory_space<vmem>>
    %dma_start3A_910 = tpu.memref_squeeze %dma_start3A_909 : memref<1x16x128xf32, #tpu.memory_space<vmem>> -> memref<16x128xf32, #tpu.memory_space<vmem>>
    %dma_start3A_911 = arith.constant 0 : i32
    %dma_start3A_912 = tpu.memref_slice %arg4[%dma_start3A_911, %multiple_of3A_872] : memref<16x1000000xf32, #tpu.memory_space<hbm>> -> memref<16x128xf32, #tpu.memory_space<hbm>>
    tpu.enqueue_dma source(%dma_start3A_912 : memref<16x128xf32, #tpu.memory_space<hbm>>) target(%dma_start3A_910 : memref<16x128xf32, #tpu.memory_space<vmem>>) target_semaphore(%arg16 : memref<!tpu.dma_semaphore, #tpu.memory_space<semaphore_mem>>)
    %dma_start3A_913 = arith.constant 2 : i32
    %dma_start3A_914 = arith.constant 0 : i32
    %dma_start3A_915 = arith.constant 0 : i32
    %dma_start3A_916 = tpu.memref_slice %arg12[%dma_start3A_913, %dma_start3A_914, %dma_start3A_915] : memref<8x16x128xf32, #tpu.memory_space<vmem>> -> memref<1x16x128xf32, #tpu.memory_space<vmem>>
    %dma_start3A_917 = tpu.memref_squeeze %dma_start3A_916 : memref<1x16x128xf32, #tpu.memory_space<vmem>> -> memref<16x128xf32, #tpu.memory_space<vmem>>
    %dma_start3A_918 = arith.constant 0 : i32
    %dma_start3A_919 = tpu.memref_slice %arg5[%dma_start3A_918, %multiple_of3A_899] : memref<16x1000000xf32, #tpu.memory_space<hbm>> -> memref<16x128xf32, #tpu.memory_space<hbm>>
    %dma_start3A_920 = arith.constant 0 : i32
    %dma_start3A_921 = arith.constant 0 : i32
    %dma_start3A_922 = tpu.memref_slice %arg12[%dma_start3A_913, %dma_start3A_920, %dma_start3A_921] : memref<8x16x128xf32, #tpu.memory_space<vmem>> -> memref<1x16x128xf32, #tpu.memory_space<vmem>>
    %dma_start3A_923 = tpu.memref_squeeze %dma_start3A_922 : memref<1x16x128xf32, #tpu.memory_space<vmem>> -> memref<16x128xf32, #tpu.memory_space<vmem>>
    %dma_start3A_924 = arith.constant 0 : i32
    %dma_start3A_925 = tpu.memref_slice %arg5[%dma_start3A_924, %multiple_of3A_899] : memref<16x1000000xf32, #tpu.memory_space<hbm>> -> memref<16x128xf32, #tpu.memory_space<hbm>>
    tpu.enqueue_dma source(%dma_start3A_925 : memref<16x128xf32, #tpu.memory_space<hbm>>) target(%dma_start3A_923 : memref<16x128xf32, #tpu.memory_space<vmem>>) target_semaphore(%arg16 : memref<!tpu.dma_semaphore, #tpu.memory_space<semaphore_mem>>)
    %slice3A_926 = vector.extract_strided_slice %sub3A_6 {offsets = [11], sizes = [1], strides = [1]} : vector<16xi32> to vector<1xi32>
    %squeeze3A_927 = vector.extract %slice3A_926[0] : i32 from vector<1xi32>
    %slice3A_928 = vector.extract_strided_slice %sub3A_11 {offsets = [11], sizes = [1], strides = [1]} : vector<16xi32> to vector<1xi32>
    %squeeze3A_929 = vector.extract %slice3A_928[0] : i32 from vector<1xi32>
    %jit3A_930 = arith.constant 128 : i32
    %div3A_931 = arith.divsi %squeeze3A_927, %jit3A_930 : i32
    %sign3A_932 = arith.constant 0 : i32
    %sign3A_933 = arith.cmpi sgt, %squeeze3A_927, %sign3A_932 : i32
    %sign3A_934 = arith.extui %sign3A_933 : i1 to i32
    %sign3A_935 = arith.constant 0 : i32
    %sign3A_936 = arith.cmpi slt, %squeeze3A_927, %sign3A_935 : i32
    %sign3A_937 = arith.extui %sign3A_936 : i1 to i32
    %sign3A_938 = arith.subi %sign3A_934, %sign3A_937 : i32
    %sign3A_939 = arith.constant 0 : i32
    %sign3A_940 = arith.cmpi sgt, %jit3A_930, %sign3A_939 : i32
    %sign3A_941 = arith.extui %sign3A_940 : i1 to i32
    %sign3A_942 = arith.constant 0 : i32
    %sign3A_943 = arith.cmpi slt, %jit3A_930, %sign3A_942 : i32
    %sign3A_944 = arith.extui %sign3A_943 : i1 to i32
    %sign3A_945 = arith.subi %sign3A_941, %sign3A_944 : i32
    %ne3A_946 = arith.cmpi ne, %sign3A_938, %sign3A_945 : i32
    %rem3A_947 = arith.remsi %squeeze3A_927, %jit3A_930 : i32
    %ne3A_948 = arith.constant 0 : i32
    %ne3A_949 = arith.cmpi ne, %rem3A_947, %ne3A_948 : i32
    %and3A_950 = arith.andi %ne3A_946, %ne3A_949 : i1
    %sub3A_951 = arith.constant 1 : i32
    %sub3A_952 = arith.subi %div3A_931, %sub3A_951 : i32
    %select_n3A_953 = arith.select %and3A_950, %sub3A_952, %div3A_931 : i32
    %mul3A_954 = arith.constant 128 : i32
    %mul3A_955 = arith.muli %select_n3A_953, %mul3A_954 : i32
    %multiple_of3A_956 = tpu.assume_multiple %mul3A_955, 128 : i32
    %jit3A_957 = arith.constant 128 : i32
    %div3A_958 = arith.divsi %squeeze3A_929, %jit3A_957 : i32
    %sign3A_959 = arith.constant 0 : i32
    %sign3A_960 = arith.cmpi sgt, %squeeze3A_929, %sign3A_959 : i32
    %sign3A_961 = arith.extui %sign3A_960 : i1 to i32
    %sign3A_962 = arith.constant 0 : i32
    %sign3A_963 = arith.cmpi slt, %squeeze3A_929, %sign3A_962 : i32
    %sign3A_964 = arith.extui %sign3A_963 : i1 to i32
    %sign3A_965 = arith.subi %sign3A_961, %sign3A_964 : i32
    %sign3A_966 = arith.constant 0 : i32
    %sign3A_967 = arith.cmpi sgt, %jit3A_957, %sign3A_966 : i32
    %sign3A_968 = arith.extui %sign3A_967 : i1 to i32
    %sign3A_969 = arith.constant 0 : i32
    %sign3A_970 = arith.cmpi slt, %jit3A_957, %sign3A_969 : i32
    %sign3A_971 = arith.extui %sign3A_970 : i1 to i32
    %sign3A_972 = arith.subi %sign3A_968, %sign3A_971 : i32
    %ne3A_973 = arith.cmpi ne, %sign3A_965, %sign3A_972 : i32
    %rem3A_974 = arith.remsi %squeeze3A_929, %jit3A_957 : i32
    %ne3A_975 = arith.constant 0 : i32
    %ne3A_976 = arith.cmpi ne, %rem3A_974, %ne3A_975 : i32
    %and3A_977 = arith.andi %ne3A_973, %ne3A_976 : i1
    %sub3A_978 = arith.constant 1 : i32
    %sub3A_979 = arith.subi %div3A_958, %sub3A_978 : i32
    %select_n3A_980 = arith.select %and3A_977, %sub3A_979, %div3A_958 : i32
    %mul3A_981 = arith.constant 128 : i32
    %mul3A_982 = arith.muli %select_n3A_980, %mul3A_981 : i32
    %multiple_of3A_983 = tpu.assume_multiple %mul3A_982, 128 : i32
    %dma_start3A_984 = arith.constant 3 : i32
    %dma_start3A_985 = arith.constant 0 : i32
    %dma_start3A_986 = arith.constant 0 : i32
    %dma_start3A_987 = tpu.memref_slice %arg11[%dma_start3A_984, %dma_start3A_985, %dma_start3A_986] : memref<8x16x128xf32, #tpu.memory_space<vmem>> -> memref<1x16x128xf32, #tpu.memory_space<vmem>>
    %dma_start3A_988 = tpu.memref_squeeze %dma_start3A_987 : memref<1x16x128xf32, #tpu.memory_space<vmem>> -> memref<16x128xf32, #tpu.memory_space<vmem>>
    %dma_start3A_989 = arith.constant 0 : i32
    %dma_start3A_990 = tpu.memref_slice %arg4[%dma_start3A_989, %multiple_of3A_956] : memref<16x1000000xf32, #tpu.memory_space<hbm>> -> memref<16x128xf32, #tpu.memory_space<hbm>>
    %dma_start3A_991 = arith.constant 0 : i32
    %dma_start3A_992 = arith.constant 0 : i32
    %dma_start3A_993 = tpu.memref_slice %arg11[%dma_start3A_984, %dma_start3A_991, %dma_start3A_992] : memref<8x16x128xf32, #tpu.memory_space<vmem>> -> memref<1x16x128xf32, #tpu.memory_space<vmem>>
    %dma_start3A_994 = tpu.memref_squeeze %dma_start3A_993 : memref<1x16x128xf32, #tpu.memory_space<vmem>> -> memref<16x128xf32, #tpu.memory_space<vmem>>
    %dma_start3A_995 = arith.constant 0 : i32
    %dma_start3A_996 = tpu.memref_slice %arg4[%dma_start3A_995, %multiple_of3A_956] : memref<16x1000000xf32, #tpu.memory_space<hbm>> -> memref<16x128xf32, #tpu.memory_space<hbm>>
    tpu.enqueue_dma source(%dma_start3A_996 : memref<16x128xf32, #tpu.memory_space<hbm>>) target(%dma_start3A_994 : memref<16x128xf32, #tpu.memory_space<vmem>>) target_semaphore(%arg16 : memref<!tpu.dma_semaphore, #tpu.memory_space<semaphore_mem>>)
    %dma_start3A_997 = arith.constant 3 : i32
    %dma_start3A_998 = arith.constant 0 : i32
    %dma_start3A_999 = arith.constant 0 : i32
    %dma_start3A_1000 = tpu.memref_slice %arg12[%dma_start3A_997, %dma_start3A_998, %dma_start3A_999] : memref<8x16x128xf32, #tpu.memory_space<vmem>> -> memref<1x16x128xf32, #tpu.memory_space<vmem>>
    %dma_start3A_1001 = tpu.memref_squeeze %dma_start3A_1000 : memref<1x16x128xf32, #tpu.memory_space<vmem>> -> memref<16x128xf32, #tpu.memory_space<vmem>>
    %dma_start3A_1002 = arith.constant 0 : i32
    %dma_start3A_1003 = tpu.memref_slice %arg5[%dma_start3A_1002, %multiple_of3A_983] : memref<16x1000000xf32, #tpu.memory_space<hbm>> -> memref<16x128xf32, #tpu.memory_space<hbm>>
    %dma_start3A_1004 = arith.constant 0 : i32
    %dma_start3A_1005 = arith.constant 0 : i32
    %dma_start3A_1006 = tpu.memref_slice %arg12[%dma_start3A_997, %dma_start3A_1004, %dma_start3A_1005] : memref<8x16x128xf32, #tpu.memory_space<vmem>> -> memref<1x16x128xf32, #tpu.memory_space<vmem>>
    %dma_start3A_1007 = tpu.memref_squeeze %dma_start3A_1006 : memref<1x16x128xf32, #tpu.memory_space<vmem>> -> memref<16x128xf32, #tpu.memory_space<vmem>>
    %dma_start3A_1008 = arith.constant 0 : i32
    %dma_start3A_1009 = tpu.memref_slice %arg5[%dma_start3A_1008, %multiple_of3A_983] : memref<16x1000000xf32, #tpu.memory_space<hbm>> -> memref<16x128xf32, #tpu.memory_space<hbm>>
    tpu.enqueue_dma source(%dma_start3A_1009 : memref<16x128xf32, #tpu.memory_space<hbm>>) target(%dma_start3A_1007 : memref<16x128xf32, #tpu.memory_space<vmem>>) target_semaphore(%arg16 : memref<!tpu.dma_semaphore, #tpu.memory_space<semaphore_mem>>)
    %slice3A_1010 = vector.extract_strided_slice %sub3A_6 {offsets = [12], sizes = [1], strides = [1]} : vector<16xi32> to vector<1xi32>
    %squeeze3A_1011 = vector.extract %slice3A_1010[0] : i32 from vector<1xi32>
    %slice3A_1012 = vector.extract_strided_slice %sub3A_11 {offsets = [12], sizes = [1], strides = [1]} : vector<16xi32> to vector<1xi32>
    %squeeze3A_1013 = vector.extract %slice3A_1012[0] : i32 from vector<1xi32>
    %jit3A_1014 = arith.constant 128 : i32
    %div3A_1015 = arith.divsi %squeeze3A_1011, %jit3A_1014 : i32
    %sign3A_1016 = arith.constant 0 : i32
    %sign3A_1017 = arith.cmpi sgt, %squeeze3A_1011, %sign3A_1016 : i32
    %sign3A_1018 = arith.extui %sign3A_1017 : i1 to i32
    %sign3A_1019 = arith.constant 0 : i32
    %sign3A_1020 = arith.cmpi slt, %squeeze3A_1011, %sign3A_1019 : i32
    %sign3A_1021 = arith.extui %sign3A_1020 : i1 to i32
    %sign3A_1022 = arith.subi %sign3A_1018, %sign3A_1021 : i32
    %sign3A_1023 = arith.constant 0 : i32
    %sign3A_1024 = arith.cmpi sgt, %jit3A_1014, %sign3A_1023 : i32
    %sign3A_1025 = arith.extui %sign3A_1024 : i1 to i32
    %sign3A_1026 = arith.constant 0 : i32
    %sign3A_1027 = arith.cmpi slt, %jit3A_1014, %sign3A_1026 : i32
    %sign3A_1028 = arith.extui %sign3A_1027 : i1 to i32
    %sign3A_1029 = arith.subi %sign3A_1025, %sign3A_1028 : i32
    %ne3A_1030 = arith.cmpi ne, %sign3A_1022, %sign3A_1029 : i32
    %rem3A_1031 = arith.remsi %squeeze3A_1011, %jit3A_1014 : i32
    %ne3A_1032 = arith.constant 0 : i32
    %ne3A_1033 = arith.cmpi ne, %rem3A_1031, %ne3A_1032 : i32
    %and3A_1034 = arith.andi %ne3A_1030, %ne3A_1033 : i1
    %sub3A_1035 = arith.constant 1 : i32
    %sub3A_1036 = arith.subi %div3A_1015, %sub3A_1035 : i32
    %select_n3A_1037 = arith.select %and3A_1034, %sub3A_1036, %div3A_1015 : i32
    %mul3A_1038 = arith.constant 128 : i32
    %mul3A_1039 = arith.muli %select_n3A_1037, %mul3A_1038 : i32
    %multiple_of3A_1040 = tpu.assume_multiple %mul3A_1039, 128 : i32
    %jit3A_1041 = arith.constant 128 : i32
    %div3A_1042 = arith.divsi %squeeze3A_1013, %jit3A_1041 : i32
    %sign3A_1043 = arith.constant 0 : i32
    %sign3A_1044 = arith.cmpi sgt, %squeeze3A_1013, %sign3A_1043 : i32
    %sign3A_1045 = arith.extui %sign3A_1044 : i1 to i32
    %sign3A_1046 = arith.constant 0 : i32
    %sign3A_1047 = arith.cmpi slt, %squeeze3A_1013, %sign3A_1046 : i32
    %sign3A_1048 = arith.extui %sign3A_1047 : i1 to i32
    %sign3A_1049 = arith.subi %sign3A_1045, %sign3A_1048 : i32
    %sign3A_1050 = arith.constant 0 : i32
    %sign3A_1051 = arith.cmpi sgt, %jit3A_1041, %sign3A_1050 : i32
    %sign3A_1052 = arith.extui %sign3A_1051 : i1 to i32
    %sign3A_1053 = arith.constant 0 : i32
    %sign3A_1054 = arith.cmpi slt, %jit3A_1041, %sign3A_1053 : i32
    %sign3A_1055 = arith.extui %sign3A_1054 : i1 to i32
    %sign3A_1056 = arith.subi %sign3A_1052, %sign3A_1055 : i32
    %ne3A_1057 = arith.cmpi ne, %sign3A_1049, %sign3A_1056 : i32
    %rem3A_1058 = arith.remsi %squeeze3A_1013, %jit3A_1041 : i32
    %ne3A_1059 = arith.constant 0 : i32
    %ne3A_1060 = arith.cmpi ne, %rem3A_1058, %ne3A_1059 : i32
    %and3A_1061 = arith.andi %ne3A_1057, %ne3A_1060 : i1
    %sub3A_1062 = arith.constant 1 : i32
    %sub3A_1063 = arith.subi %div3A_1042, %sub3A_1062 : i32
    %select_n3A_1064 = arith.select %and3A_1061, %sub3A_1063, %div3A_1042 : i32
    %mul3A_1065 = arith.constant 128 : i32
    %mul3A_1066 = arith.muli %select_n3A_1064, %mul3A_1065 : i32
    %multiple_of3A_1067 = tpu.assume_multiple %mul3A_1066, 128 : i32
    %dma_start3A_1068 = arith.constant 4 : i32
    %dma_start3A_1069 = arith.constant 0 : i32
    %dma_start3A_1070 = arith.constant 0 : i32
    %dma_start3A_1071 = tpu.memref_slice %arg11[%dma_start3A_1068, %dma_start3A_1069, %dma_start3A_1070] : memref<8x16x128xf32, #tpu.memory_space<vmem>> -> memref<1x16x128xf32, #tpu.memory_space<vmem>>
    %dma_start3A_1072 = tpu.memref_squeeze %dma_start3A_1071 : memref<1x16x128xf32, #tpu.memory_space<vmem>> -> memref<16x128xf32, #tpu.memory_space<vmem>>
    %dma_start3A_1073 = arith.constant 0 : i32
    %dma_start3A_1074 = tpu.memref_slice %arg4[%dma_start3A_1073, %multiple_of3A_1040] : memref<16x1000000xf32, #tpu.memory_space<hbm>> -> memref<16x128xf32, #tpu.memory_space<hbm>>
    %dma_start3A_1075 = arith.constant 0 : i32
    %dma_start3A_1076 = arith.constant 0 : i32
    %dma_start3A_1077 = tpu.memref_slice %arg11[%dma_start3A_1068, %dma_start3A_1075, %dma_start3A_1076] : memref<8x16x128xf32, #tpu.memory_space<vmem>> -> memref<1x16x128xf32, #tpu.memory_space<vmem>>
    %dma_start3A_1078 = tpu.memref_squeeze %dma_start3A_1077 : memref<1x16x128xf32, #tpu.memory_space<vmem>> -> memref<16x128xf32, #tpu.memory_space<vmem>>
    %dma_start3A_1079 = arith.constant 0 : i32
    %dma_start3A_1080 = tpu.memref_slice %arg4[%dma_start3A_1079, %multiple_of3A_1040] : memref<16x1000000xf32, #tpu.memory_space<hbm>> -> memref<16x128xf32, #tpu.memory_space<hbm>>
    tpu.enqueue_dma source(%dma_start3A_1080 : memref<16x128xf32, #tpu.memory_space<hbm>>) target(%dma_start3A_1078 : memref<16x128xf32, #tpu.memory_space<vmem>>) target_semaphore(%arg16 : memref<!tpu.dma_semaphore, #tpu.memory_space<semaphore_mem>>)
    %dma_start3A_1081 = arith.constant 4 : i32
    %dma_start3A_1082 = arith.constant 0 : i32
    %dma_start3A_1083 = arith.constant 0 : i32
    %dma_start3A_1084 = tpu.memref_slice %arg12[%dma_start3A_1081, %dma_start3A_1082, %dma_start3A_1083] : memref<8x16x128xf32, #tpu.memory_space<vmem>> -> memref<1x16x128xf32, #tpu.memory_space<vmem>>
    %dma_start3A_1085 = tpu.memref_squeeze %dma_start3A_1084 : memref<1x16x128xf32, #tpu.memory_space<vmem>> -> memref<16x128xf32, #tpu.memory_space<vmem>>
    %dma_start3A_1086 = arith.constant 0 : i32
    %dma_start3A_1087 = tpu.memref_slice %arg5[%dma_start3A_1086, %multiple_of3A_1067] : memref<16x1000000xf32, #tpu.memory_space<hbm>> -> memref<16x128xf32, #tpu.memory_space<hbm>>
    %dma_start3A_1088 = arith.constant 0 : i32
    %dma_start3A_1089 = arith.constant 0 : i32
    %dma_start3A_1090 = tpu.memref_slice %arg12[%dma_start3A_1081, %dma_start3A_1088, %dma_start3A_1089] : memref<8x16x128xf32, #tpu.memory_space<vmem>> -> memref<1x16x128xf32, #tpu.memory_space<vmem>>
    %dma_start3A_1091 = tpu.memref_squeeze %dma_start3A_1090 : memref<1x16x128xf32, #tpu.memory_space<vmem>> -> memref<16x128xf32, #tpu.memory_space<vmem>>
    %dma_start3A_1092 = arith.constant 0 : i32
    %dma_start3A_1093 = tpu.memref_slice %arg5[%dma_start3A_1092, %multiple_of3A_1067] : memref<16x1000000xf32, #tpu.memory_space<hbm>> -> memref<16x128xf32, #tpu.memory_space<hbm>>
    tpu.enqueue_dma source(%dma_start3A_1093 : memref<16x128xf32, #tpu.memory_space<hbm>>) target(%dma_start3A_1091 : memref<16x128xf32, #tpu.memory_space<vmem>>) target_semaphore(%arg16 : memref<!tpu.dma_semaphore, #tpu.memory_space<semaphore_mem>>)
    %slice3A_1094 = vector.extract_strided_slice %sub3A_6 {offsets = [13], sizes = [1], strides = [1]} : vector<16xi32> to vector<1xi32>
    %squeeze3A_1095 = vector.extract %slice3A_1094[0] : i32 from vector<1xi32>
    %slice3A_1096 = vector.extract_strided_slice %sub3A_11 {offsets = [13], sizes = [1], strides = [1]} : vector<16xi32> to vector<1xi32>
    %squeeze3A_1097 = vector.extract %slice3A_1096[0] : i32 from vector<1xi32>
    %jit3A_1098 = arith.constant 128 : i32
    %div3A_1099 = arith.divsi %squeeze3A_1095, %jit3A_1098 : i32
    %sign3A_1100 = arith.constant 0 : i32
    %sign3A_1101 = arith.cmpi sgt, %squeeze3A_1095, %sign3A_1100 : i32
    %sign3A_1102 = arith.extui %sign3A_1101 : i1 to i32
    %sign3A_1103 = arith.constant 0 : i32
    %sign3A_1104 = arith.cmpi slt, %squeeze3A_1095, %sign3A_1103 : i32
    %sign3A_1105 = arith.extui %sign3A_1104 : i1 to i32
    %sign3A_1106 = arith.subi %sign3A_1102, %sign3A_1105 : i32
    %sign3A_1107 = arith.constant 0 : i32
    %sign3A_1108 = arith.cmpi sgt, %jit3A_1098, %sign3A_1107 : i32
    %sign3A_1109 = arith.extui %sign3A_1108 : i1 to i32
    %sign3A_1110 = arith.constant 0 : i32
    %sign3A_1111 = arith.cmpi slt, %jit3A_1098, %sign3A_1110 : i32
    %sign3A_1112 = arith.extui %sign3A_1111 : i1 to i32
    %sign3A_1113 = arith.subi %sign3A_1109, %sign3A_1112 : i32
    %ne3A_1114 = arith.cmpi ne, %sign3A_1106, %sign3A_1113 : i32
    %rem3A_1115 = arith.remsi %squeeze3A_1095, %jit3A_1098 : i32
    %ne3A_1116 = arith.constant 0 : i32
    %ne3A_1117 = arith.cmpi ne, %rem3A_1115, %ne3A_1116 : i32
    %and3A_1118 = arith.andi %ne3A_1114, %ne3A_1117 : i1
    %sub3A_1119 = arith.constant 1 : i32
    %sub3A_1120 = arith.subi %div3A_1099, %sub3A_1119 : i32
    %select_n3A_1121 = arith.select %and3A_1118, %sub3A_1120, %div3A_1099 : i32
    %mul3A_1122 = arith.constant 128 : i32
    %mul3A_1123 = arith.muli %select_n3A_1121, %mul3A_1122 : i32
    %multiple_of3A_1124 = tpu.assume_multiple %mul3A_1123, 128 : i32
    %jit3A_1125 = arith.constant 128 : i32
    %div3A_1126 = arith.divsi %squeeze3A_1097, %jit3A_1125 : i32
    %sign3A_1127 = arith.constant 0 : i32
    %sign3A_1128 = arith.cmpi sgt, %squeeze3A_1097, %sign3A_1127 : i32
    %sign3A_1129 = arith.extui %sign3A_1128 : i1 to i32
    %sign3A_1130 = arith.constant 0 : i32
    %sign3A_1131 = arith.cmpi slt, %squeeze3A_1097, %sign3A_1130 : i32
    %sign3A_1132 = arith.extui %sign3A_1131 : i1 to i32
    %sign3A_1133 = arith.subi %sign3A_1129, %sign3A_1132 : i32
    %sign3A_1134 = arith.constant 0 : i32
    %sign3A_1135 = arith.cmpi sgt, %jit3A_1125, %sign3A_1134 : i32
    %sign3A_1136 = arith.extui %sign3A_1135 : i1 to i32
    %sign3A_1137 = arith.constant 0 : i32
    %sign3A_1138 = arith.cmpi slt, %jit3A_1125, %sign3A_1137 : i32
    %sign3A_1139 = arith.extui %sign3A_1138 : i1 to i32
    %sign3A_1140 = arith.subi %sign3A_1136, %sign3A_1139 : i32
    %ne3A_1141 = arith.cmpi ne, %sign3A_1133, %sign3A_1140 : i32
    %rem3A_1142 = arith.remsi %squeeze3A_1097, %jit3A_1125 : i32
    %ne3A_1143 = arith.constant 0 : i32
    %ne3A_1144 = arith.cmpi ne, %rem3A_1142, %ne3A_1143 : i32
    %and3A_1145 = arith.andi %ne3A_1141, %ne3A_1144 : i1
    %sub3A_1146 = arith.constant 1 : i32
    %sub3A_1147 = arith.subi %div3A_1126, %sub3A_1146 : i32
    %select_n3A_1148 = arith.select %and3A_1145, %sub3A_1147, %div3A_1126 : i32
    %mul3A_1149 = arith.constant 128 : i32
    %mul3A_1150 = arith.muli %select_n3A_1148, %mul3A_1149 : i32
    %multiple_of3A_1151 = tpu.assume_multiple %mul3A_1150, 128 : i32
    %dma_start3A_1152 = arith.constant 5 : i32
    %dma_start3A_1153 = arith.constant 0 : i32
    %dma_start3A_1154 = arith.constant 0 : i32
    %dma_start3A_1155 = tpu.memref_slice %arg11[%dma_start3A_1152, %dma_start3A_1153, %dma_start3A_1154] : memref<8x16x128xf32, #tpu.memory_space<vmem>> -> memref<1x16x128xf32, #tpu.memory_space<vmem>>
    %dma_start3A_1156 = tpu.memref_squeeze %dma_start3A_1155 : memref<1x16x128xf32, #tpu.memory_space<vmem>> -> memref<16x128xf32, #tpu.memory_space<vmem>>
    %dma_start3A_1157 = arith.constant 0 : i32
    %dma_start3A_1158 = tpu.memref_slice %arg4[%dma_start3A_1157, %multiple_of3A_1124] : memref<16x1000000xf32, #tpu.memory_space<hbm>> -> memref<16x128xf32, #tpu.memory_space<hbm>>
    %dma_start3A_1159 = arith.constant 0 : i32
    %dma_start3A_1160 = arith.constant 0 : i32
    %dma_start3A_1161 = tpu.memref_slice %arg11[%dma_start3A_1152, %dma_start3A_1159, %dma_start3A_1160] : memref<8x16x128xf32, #tpu.memory_space<vmem>> -> memref<1x16x128xf32, #tpu.memory_space<vmem>>
    %dma_start3A_1162 = tpu.memref_squeeze %dma_start3A_1161 : memref<1x16x128xf32, #tpu.memory_space<vmem>> -> memref<16x128xf32, #tpu.memory_space<vmem>>
    %dma_start3A_1163 = arith.constant 0 : i32
    %dma_start3A_1164 = tpu.memref_slice %arg4[%dma_start3A_1163, %multiple_of3A_1124] : memref<16x1000000xf32, #tpu.memory_space<hbm>> -> memref<16x128xf32, #tpu.memory_space<hbm>>
    tpu.enqueue_dma source(%dma_start3A_1164 : memref<16x128xf32, #tpu.memory_space<hbm>>) target(%dma_start3A_1162 : memref<16x128xf32, #tpu.memory_space<vmem>>) target_semaphore(%arg16 : memref<!tpu.dma_semaphore, #tpu.memory_space<semaphore_mem>>)
    %dma_start3A_1165 = arith.constant 5 : i32
    %dma_start3A_1166 = arith.constant 0 : i32
    %dma_start3A_1167 = arith.constant 0 : i32
    %dma_start3A_1168 = tpu.memref_slice %arg12[%dma_start3A_1165, %dma_start3A_1166, %dma_start3A_1167] : memref<8x16x128xf32, #tpu.memory_space<vmem>> -> memref<1x16x128xf32, #tpu.memory_space<vmem>>
    %dma_start3A_1169 = tpu.memref_squeeze %dma_start3A_1168 : memref<1x16x128xf32, #tpu.memory_space<vmem>> -> memref<16x128xf32, #tpu.memory_space<vmem>>
    %dma_start3A_1170 = arith.constant 0 : i32
    %dma_start3A_1171 = tpu.memref_slice %arg5[%dma_start3A_1170, %multiple_of3A_1151] : memref<16x1000000xf32, #tpu.memory_space<hbm>> -> memref<16x128xf32, #tpu.memory_space<hbm>>
    %dma_start3A_1172 = arith.constant 0 : i32
    %dma_start3A_1173 = arith.constant 0 : i32
    %dma_start3A_1174 = tpu.memref_slice %arg12[%dma_start3A_1165, %dma_start3A_1172, %dma_start3A_1173] : memref<8x16x128xf32, #tpu.memory_space<vmem>> -> memref<1x16x128xf32, #tpu.memory_space<vmem>>
    %dma_start3A_1175 = tpu.memref_squeeze %dma_start3A_1174 : memref<1x16x128xf32, #tpu.memory_space<vmem>> -> memref<16x128xf32, #tpu.memory_space<vmem>>
    %dma_start3A_1176 = arith.constant 0 : i32
    %dma_start3A_1177 = tpu.memref_slice %arg5[%dma_start3A_1176, %multiple_of3A_1151] : memref<16x1000000xf32, #tpu.memory_space<hbm>> -> memref<16x128xf32, #tpu.memory_space<hbm>>
    tpu.enqueue_dma source(%dma_start3A_1177 : memref<16x128xf32, #tpu.memory_space<hbm>>) target(%dma_start3A_1175 : memref<16x128xf32, #tpu.memory_space<vmem>>) target_semaphore(%arg16 : memref<!tpu.dma_semaphore, #tpu.memory_space<semaphore_mem>>)
    %slice3A_1178 = vector.extract_strided_slice %sub3A_6 {offsets = [14], sizes = [1], strides = [1]} : vector<16xi32> to vector<1xi32>
    %squeeze3A_1179 = vector.extract %slice3A_1178[0] : i32 from vector<1xi32>
    %slice3A_1180 = vector.extract_strided_slice %sub3A_11 {offsets = [14], sizes = [1], strides = [1]} : vector<16xi32> to vector<1xi32>
    %squeeze3A_1181 = vector.extract %slice3A_1180[0] : i32 from vector<1xi32>
    %jit3A_1182 = arith.constant 128 : i32
    %div3A_1183 = arith.divsi %squeeze3A_1179, %jit3A_1182 : i32
    %sign3A_1184 = arith.constant 0 : i32
    %sign3A_1185 = arith.cmpi sgt, %squeeze3A_1179, %sign3A_1184 : i32
    %sign3A_1186 = arith.extui %sign3A_1185 : i1 to i32
    %sign3A_1187 = arith.constant 0 : i32
    %sign3A_1188 = arith.cmpi slt, %squeeze3A_1179, %sign3A_1187 : i32
    %sign3A_1189 = arith.extui %sign3A_1188 : i1 to i32
    %sign3A_1190 = arith.subi %sign3A_1186, %sign3A_1189 : i32
    %sign3A_1191 = arith.constant 0 : i32
    %sign3A_1192 = arith.cmpi sgt, %jit3A_1182, %sign3A_1191 : i32
    %sign3A_1193 = arith.extui %sign3A_1192 : i1 to i32
    %sign3A_1194 = arith.constant 0 : i32
    %sign3A_1195 = arith.cmpi slt, %jit3A_1182, %sign3A_1194 : i32
    %sign3A_1196 = arith.extui %sign3A_1195 : i1 to i32
    %sign3A_1197 = arith.subi %sign3A_1193, %sign3A_1196 : i32
    %ne3A_1198 = arith.cmpi ne, %sign3A_1190, %sign3A_1197 : i32
    %rem3A_1199 = arith.remsi %squeeze3A_1179, %jit3A_1182 : i32
    %ne3A_1200 = arith.constant 0 : i32
    %ne3A_1201 = arith.cmpi ne, %rem3A_1199, %ne3A_1200 : i32
    %and3A_1202 = arith.andi %ne3A_1198, %ne3A_1201 : i1
    %sub3A_1203 = arith.constant 1 : i32
    %sub3A_1204 = arith.subi %div3A_1183, %sub3A_1203 : i32
    %select_n3A_1205 = arith.select %and3A_1202, %sub3A_1204, %div3A_1183 : i32
    %mul3A_1206 = arith.constant 128 : i32
    %mul3A_1207 = arith.muli %select_n3A_1205, %mul3A_1206 : i32
    %multiple_of3A_1208 = tpu.assume_multiple %mul3A_1207, 128 : i32
    %jit3A_1209 = arith.constant 128 : i32
    %div3A_1210 = arith.divsi %squeeze3A_1181, %jit3A_1209 : i32
    %sign3A_1211 = arith.constant 0 : i32
    %sign3A_1212 = arith.cmpi sgt, %squeeze3A_1181, %sign3A_1211 : i32
    %sign3A_1213 = arith.extui %sign3A_1212 : i1 to i32
    %sign3A_1214 = arith.constant 0 : i32
    %sign3A_1215 = arith.cmpi slt, %squeeze3A_1181, %sign3A_1214 : i32
    %sign3A_1216 = arith.extui %sign3A_1215 : i1 to i32
    %sign3A_1217 = arith.subi %sign3A_1213, %sign3A_1216 : i32
    %sign3A_1218 = arith.constant 0 : i32
    %sign3A_1219 = arith.cmpi sgt, %jit3A_1209, %sign3A_1218 : i32
    %sign3A_1220 = arith.extui %sign3A_1219 : i1 to i32
    %sign3A_1221 = arith.constant 0 : i32
    %sign3A_1222 = arith.cmpi slt, %jit3A_1209, %sign3A_1221 : i32
    %sign3A_1223 = arith.extui %sign3A_1222 : i1 to i32
    %sign3A_1224 = arith.subi %sign3A_1220, %sign3A_1223 : i32
    %ne3A_1225 = arith.cmpi ne, %sign3A_1217, %sign3A_1224 : i32
    %rem3A_1226 = arith.remsi %squeeze3A_1181, %jit3A_1209 : i32
    %ne3A_1227 = arith.constant 0 : i32
    %ne3A_1228 = arith.cmpi ne, %rem3A_1226, %ne3A_1227 : i32
    %and3A_1229 = arith.andi %ne3A_1225, %ne3A_1228 : i1
    %sub3A_1230 = arith.constant 1 : i32
    %sub3A_1231 = arith.subi %div3A_1210, %sub3A_1230 : i32
    %select_n3A_1232 = arith.select %and3A_1229, %sub3A_1231, %div3A_1210 : i32
    %mul3A_1233 = arith.constant 128 : i32
    %mul3A_1234 = arith.muli %select_n3A_1232, %mul3A_1233 : i32
    %multiple_of3A_1235 = tpu.assume_multiple %mul3A_1234, 128 : i32
    %dma_start3A_1236 = arith.constant 6 : i32
    %dma_start3A_1237 = arith.constant 0 : i32
    %dma_start3A_1238 = arith.constant 0 : i32
    %dma_start3A_1239 = tpu.memref_slice %arg11[%dma_start3A_1236, %dma_start3A_1237, %dma_start3A_1238] : memref<8x16x128xf32, #tpu.memory_space<vmem>> -> memref<1x16x128xf32, #tpu.memory_space<vmem>>
    %dma_start3A_1240 = tpu.memref_squeeze %dma_start3A_1239 : memref<1x16x128xf32, #tpu.memory_space<vmem>> -> memref<16x128xf32, #tpu.memory_space<vmem>>
    %dma_start3A_1241 = arith.constant 0 : i32
    %dma_start3A_1242 = tpu.memref_slice %arg4[%dma_start3A_1241, %multiple_of3A_1208] : memref<16x1000000xf32, #tpu.memory_space<hbm>> -> memref<16x128xf32, #tpu.memory_space<hbm>>
    %dma_start3A_1243 = arith.constant 0 : i32
    %dma_start3A_1244 = arith.constant 0 : i32
    %dma_start3A_1245 = tpu.memref_slice %arg11[%dma_start3A_1236, %dma_start3A_1243, %dma_start3A_1244] : memref<8x16x128xf32, #tpu.memory_space<vmem>> -> memref<1x16x128xf32, #tpu.memory_space<vmem>>
    %dma_start3A_1246 = tpu.memref_squeeze %dma_start3A_1245 : memref<1x16x128xf32, #tpu.memory_space<vmem>> -> memref<16x128xf32, #tpu.memory_space<vmem>>
    %dma_start3A_1247 = arith.constant 0 : i32
    %dma_start3A_1248 = tpu.memref_slice %arg4[%dma_start3A_1247, %multiple_of3A_1208] : memref<16x1000000xf32, #tpu.memory_space<hbm>> -> memref<16x128xf32, #tpu.memory_space<hbm>>
    tpu.enqueue_dma source(%dma_start3A_1248 : memref<16x128xf32, #tpu.memory_space<hbm>>) target(%dma_start3A_1246 : memref<16x128xf32, #tpu.memory_space<vmem>>) target_semaphore(%arg16 : memref<!tpu.dma_semaphore, #tpu.memory_space<semaphore_mem>>)
    %dma_start3A_1249 = arith.constant 6 : i32
    %dma_start3A_1250 = arith.constant 0 : i32
    %dma_start3A_1251 = arith.constant 0 : i32
    %dma_start3A_1252 = tpu.memref_slice %arg12[%dma_start3A_1249, %dma_start3A_1250, %dma_start3A_1251] : memref<8x16x128xf32, #tpu.memory_space<vmem>> -> memref<1x16x128xf32, #tpu.memory_space<vmem>>
    %dma_start3A_1253 = tpu.memref_squeeze %dma_start3A_1252 : memref<1x16x128xf32, #tpu.memory_space<vmem>> -> memref<16x128xf32, #tpu.memory_space<vmem>>
    %dma_start3A_1254 = arith.constant 0 : i32
    %dma_start3A_1255 = tpu.memref_slice %arg5[%dma_start3A_1254, %multiple_of3A_1235] : memref<16x1000000xf32, #tpu.memory_space<hbm>> -> memref<16x128xf32, #tpu.memory_space<hbm>>
    %dma_start3A_1256 = arith.constant 0 : i32
    %dma_start3A_1257 = arith.constant 0 : i32
    %dma_start3A_1258 = tpu.memref_slice %arg12[%dma_start3A_1249, %dma_start3A_1256, %dma_start3A_1257] : memref<8x16x128xf32, #tpu.memory_space<vmem>> -> memref<1x16x128xf32, #tpu.memory_space<vmem>>
    %dma_start3A_1259 = tpu.memref_squeeze %dma_start3A_1258 : memref<1x16x128xf32, #tpu.memory_space<vmem>> -> memref<16x128xf32, #tpu.memory_space<vmem>>
    %dma_start3A_1260 = arith.constant 0 : i32
    %dma_start3A_1261 = tpu.memref_slice %arg5[%dma_start3A_1260, %multiple_of3A_1235] : memref<16x1000000xf32, #tpu.memory_space<hbm>> -> memref<16x128xf32, #tpu.memory_space<hbm>>
    tpu.enqueue_dma source(%dma_start3A_1261 : memref<16x128xf32, #tpu.memory_space<hbm>>) target(%dma_start3A_1259 : memref<16x128xf32, #tpu.memory_space<vmem>>) target_semaphore(%arg16 : memref<!tpu.dma_semaphore, #tpu.memory_space<semaphore_mem>>)
    %slice3A_1262 = vector.extract_strided_slice %sub3A_6 {offsets = [15], sizes = [1], strides = [1]} : vector<16xi32> to vector<1xi32>
    %squeeze3A_1263 = vector.extract %slice3A_1262[0] : i32 from vector<1xi32>
    %slice3A_1264 = vector.extract_strided_slice %sub3A_11 {offsets = [15], sizes = [1], strides = [1]} : vector<16xi32> to vector<1xi32>
    %squeeze3A_1265 = vector.extract %slice3A_1264[0] : i32 from vector<1xi32>
    %jit3A_1266 = arith.constant 128 : i32
    %div3A_1267 = arith.divsi %squeeze3A_1263, %jit3A_1266 : i32
    %sign3A_1268 = arith.constant 0 : i32
    %sign3A_1269 = arith.cmpi sgt, %squeeze3A_1263, %sign3A_1268 : i32
    %sign3A_1270 = arith.extui %sign3A_1269 : i1 to i32
    %sign3A_1271 = arith.constant 0 : i32
    %sign3A_1272 = arith.cmpi slt, %squeeze3A_1263, %sign3A_1271 : i32
    %sign3A_1273 = arith.extui %sign3A_1272 : i1 to i32
    %sign3A_1274 = arith.subi %sign3A_1270, %sign3A_1273 : i32
    %sign3A_1275 = arith.constant 0 : i32
    %sign3A_1276 = arith.cmpi sgt, %jit3A_1266, %sign3A_1275 : i32
    %sign3A_1277 = arith.extui %sign3A_1276 : i1 to i32
    %sign3A_1278 = arith.constant 0 : i32
    %sign3A_1279 = arith.cmpi slt, %jit3A_1266, %sign3A_1278 : i32
    %sign3A_1280 = arith.extui %sign3A_1279 : i1 to i32
    %sign3A_1281 = arith.subi %sign3A_1277, %sign3A_1280 : i32
    %ne3A_1282 = arith.cmpi ne, %sign3A_1274, %sign3A_1281 : i32
    %rem3A_1283 = arith.remsi %squeeze3A_1263, %jit3A_1266 : i32
    %ne3A_1284 = arith.constant 0 : i32
    %ne3A_1285 = arith.cmpi ne, %rem3A_1283, %ne3A_1284 : i32
    %and3A_1286 = arith.andi %ne3A_1282, %ne3A_1285 : i1
    %sub3A_1287 = arith.constant 1 : i32
    %sub3A_1288 = arith.subi %div3A_1267, %sub3A_1287 : i32
    %select_n3A_1289 = arith.select %and3A_1286, %sub3A_1288, %div3A_1267 : i32
    %mul3A_1290 = arith.constant 128 : i32
    %mul3A_1291 = arith.muli %select_n3A_1289, %mul3A_1290 : i32
    %multiple_of3A_1292 = tpu.assume_multiple %mul3A_1291, 128 : i32
    %jit3A_1293 = arith.constant 128 : i32
    %div3A_1294 = arith.divsi %squeeze3A_1265, %jit3A_1293 : i32
    %sign3A_1295 = arith.constant 0 : i32
    %sign3A_1296 = arith.cmpi sgt, %squeeze3A_1265, %sign3A_1295 : i32
    %sign3A_1297 = arith.extui %sign3A_1296 : i1 to i32
    %sign3A_1298 = arith.constant 0 : i32
    %sign3A_1299 = arith.cmpi slt, %squeeze3A_1265, %sign3A_1298 : i32
    %sign3A_1300 = arith.extui %sign3A_1299 : i1 to i32
    %sign3A_1301 = arith.subi %sign3A_1297, %sign3A_1300 : i32
    %sign3A_1302 = arith.constant 0 : i32
    %sign3A_1303 = arith.cmpi sgt, %jit3A_1293, %sign3A_1302 : i32
    %sign3A_1304 = arith.extui %sign3A_1303 : i1 to i32
    %sign3A_1305 = arith.constant 0 : i32
    %sign3A_1306 = arith.cmpi slt, %jit3A_1293, %sign3A_1305 : i32
    %sign3A_1307 = arith.extui %sign3A_1306 : i1 to i32
    %sign3A_1308 = arith.subi %sign3A_1304, %sign3A_1307 : i32
    %ne3A_1309 = arith.cmpi ne, %sign3A_1301, %sign3A_1308 : i32
    %rem3A_1310 = arith.remsi %squeeze3A_1265, %jit3A_1293 : i32
    %ne3A_1311 = arith.constant 0 : i32
    %ne3A_1312 = arith.cmpi ne, %rem3A_1310, %ne3A_1311 : i32
    %and3A_1313 = arith.andi %ne3A_1309, %ne3A_1312 : i1
    %sub3A_1314 = arith.constant 1 : i32
    %sub3A_1315 = arith.subi %div3A_1294, %sub3A_1314 : i32
    %select_n3A_1316 = arith.select %and3A_1313, %sub3A_1315, %div3A_1294 : i32
    %mul3A_1317 = arith.constant 128 : i32
    %mul3A_1318 = arith.muli %select_n3A_1316, %mul3A_1317 : i32
    %multiple_of3A_1319 = tpu.assume_multiple %mul3A_1318, 128 : i32
    %dma_start3A_1320 = arith.constant 7 : i32
    %dma_start3A_1321 = arith.constant 0 : i32
    %dma_start3A_1322 = arith.constant 0 : i32
    %dma_start3A_1323 = tpu.memref_slice %arg11[%dma_start3A_1320, %dma_start3A_1321, %dma_start3A_1322] : memref<8x16x128xf32, #tpu.memory_space<vmem>> -> memref<1x16x128xf32, #tpu.memory_space<vmem>>
    %dma_start3A_1324 = tpu.memref_squeeze %dma_start3A_1323 : memref<1x16x128xf32, #tpu.memory_space<vmem>> -> memref<16x128xf32, #tpu.memory_space<vmem>>
    %dma_start3A_1325 = arith.constant 0 : i32
    %dma_start3A_1326 = tpu.memref_slice %arg4[%dma_start3A_1325, %multiple_of3A_1292] : memref<16x1000000xf32, #tpu.memory_space<hbm>> -> memref<16x128xf32, #tpu.memory_space<hbm>>
    %dma_start3A_1327 = arith.constant 0 : i32
    %dma_start3A_1328 = arith.constant 0 : i32
    %dma_start3A_1329 = tpu.memref_slice %arg11[%dma_start3A_1320, %dma_start3A_1327, %dma_start3A_1328] : memref<8x16x128xf32, #tpu.memory_space<vmem>> -> memref<1x16x128xf32, #tpu.memory_space<vmem>>
    %dma_start3A_1330 = tpu.memref_squeeze %dma_start3A_1329 : memref<1x16x128xf32, #tpu.memory_space<vmem>> -> memref<16x128xf32, #tpu.memory_space<vmem>>
    %dma_start3A_1331 = arith.constant 0 : i32
    %dma_start3A_1332 = tpu.memref_slice %arg4[%dma_start3A_1331, %multiple_of3A_1292] : memref<16x1000000xf32, #tpu.memory_space<hbm>> -> memref<16x128xf32, #tpu.memory_space<hbm>>
    tpu.enqueue_dma source(%dma_start3A_1332 : memref<16x128xf32, #tpu.memory_space<hbm>>) target(%dma_start3A_1330 : memref<16x128xf32, #tpu.memory_space<vmem>>) target_semaphore(%arg16 : memref<!tpu.dma_semaphore, #tpu.memory_space<semaphore_mem>>)
    %dma_start3A_1333 = arith.constant 7 : i32
    %dma_start3A_1334 = arith.constant 0 : i32
    %dma_start3A_1335 = arith.constant 0 : i32
    %dma_start3A_1336 = tpu.memref_slice %arg12[%dma_start3A_1333, %dma_start3A_1334, %dma_start3A_1335] : memref<8x16x128xf32, #tpu.memory_space<vmem>> -> memref<1x16x128xf32, #tpu.memory_space<vmem>>
    %dma_start3A_1337 = tpu.memref_squeeze %dma_start3A_1336 : memref<1x16x128xf32, #tpu.memory_space<vmem>> -> memref<16x128xf32, #tpu.memory_space<vmem>>
    %dma_start3A_1338 = arith.constant 0 : i32
    %dma_start3A_1339 = tpu.memref_slice %arg5[%dma_start3A_1338, %multiple_of3A_1319] : memref<16x1000000xf32, #tpu.memory_space<hbm>> -> memref<16x128xf32, #tpu.memory_space<hbm>>
    %dma_start3A_1340 = arith.constant 0 : i32
    %dma_start3A_1341 = arith.constant 0 : i32
    %dma_start3A_1342 = tpu.memref_slice %arg12[%dma_start3A_1333, %dma_start3A_1340, %dma_start3A_1341] : memref<8x16x128xf32, #tpu.memory_space<vmem>> -> memref<1x16x128xf32, #tpu.memory_space<vmem>>
    %dma_start3A_1343 = tpu.memref_squeeze %dma_start3A_1342 : memref<1x16x128xf32, #tpu.memory_space<vmem>> -> memref<16x128xf32, #tpu.memory_space<vmem>>
    %dma_start3A_1344 = arith.constant 0 : i32
    %dma_start3A_1345 = tpu.memref_slice %arg5[%dma_start3A_1344, %multiple_of3A_1319] : memref<16x1000000xf32, #tpu.memory_space<hbm>> -> memref<16x128xf32, #tpu.memory_space<hbm>>
    tpu.enqueue_dma source(%dma_start3A_1345 : memref<16x128xf32, #tpu.memory_space<hbm>>) target(%dma_start3A_1343 : memref<16x128xf32, #tpu.memory_space<vmem>>) target_semaphore(%arg16 : memref<!tpu.dma_semaphore, #tpu.memory_space<semaphore_mem>>)
    %scan3A = arith.constant 0 : i32
    %scan3A_1346 = arith.constant 0 : i32
    %scan3A_1347 = arith.constant 32 : i32
    %scan3A_1348 = arith.addi %scan3A_1346, %scan3A_1347 : i32
    %scan3A_1349 = arith.constant 1 : i32
    scf.for %scan3A_1830 = %scan3A_1346 to %scan3A_1348 step %scan3A_1349  : i32 {
      %mul3A_1831 = arith.constant 2 : i32
      %mul3A_1832 = arith.muli %scan3A_1830, %mul3A_1831 : i32
      %mul3A_1833 = arith.constant 8 : i32
      %mul3A_1834 = arith.muli %mul3A_1832, %mul3A_1833 : i32
      %multiple_of3A_1835 = tpu.assume_multiple %mul3A_1834, 16 : i32
      %get3A_1836 = arith.index_cast %multiple_of3A_1835 : i32 to index
      %get3A_1837 = tpu.vector_load %arg7[%get3A_1836] {strides = array<i32>} : memref<512xi32, #tpu.memory_space<vmem>>, vector<16xi32>,
      %sub3A_1838 = arith.constant 1 : i32
      %sub3A_1839 = vector.broadcast %sub3A_1838 : i32 to vector<16xi32>
      %sub3A_1840 = arith.subi %get3A_1837, %sub3A_1839 : vector<16xi32>
      %get3A_1841 = arith.index_cast %multiple_of3A_1835 : i32 to index
      %get3A_1842 = tpu.vector_load %arg8[%get3A_1841] {strides = array<i32>} : memref<512xi32, #tpu.memory_space<vmem>>, vector<16xi32>,
      %sub3A_1843 = arith.constant 1 : i32
      %sub3A_1844 = vector.broadcast %sub3A_1843 : i32 to vector<16xi32>
      %sub3A_1845 = arith.subi %get3A_1842, %sub3A_1844 : vector<16xi32>
      %add3A_1846 = arith.constant 1 : i32
      %add3A_1847 = arith.addi %scan3A_1830, %add3A_1846 : i32
      %min3A = arith.constant 31 : i32
      %min3A_1848 = arith.minsi %add3A_1847, %min3A : i32
      %mul3A_1849 = arith.constant 2 : i32
      %mul3A_1850 = arith.muli %min3A_1848, %mul3A_1849 : i32
      %mul3A_1851 = arith.constant 8 : i32
      %mul3A_1852 = arith.muli %mul3A_1850, %mul3A_1851 : i32
      %multiple_of3A_1853 = tpu.assume_multiple %mul3A_1852, 16 : i32
      %get3A_1854 = arith.index_cast %multiple_of3A_1853 : i32 to index
      %get3A_1855 = tpu.vector_load %arg7[%get3A_1854] {strides = array<i32>} : memref<512xi32, #tpu.memory_space<vmem>>, vector<16xi32>,
      %sub3A_1856 = arith.constant 1 : i32
      %sub3A_1857 = vector.broadcast %sub3A_1856 : i32 to vector<16xi32>
      %sub3A_1858 = arith.subi %get3A_1855, %sub3A_1857 : vector<16xi32>
      %get3A_1859 = arith.index_cast %multiple_of3A_1853 : i32 to index
      %get3A_1860 = tpu.vector_load %arg8[%get3A_1859] {strides = array<i32>} : memref<512xi32, #tpu.memory_space<vmem>>, vector<16xi32>,
      %sub3A_1861 = arith.constant 1 : i32
      %sub3A_1862 = vector.broadcast %sub3A_1861 : i32 to vector<16xi32>
      %sub3A_1863 = arith.subi %get3A_1860, %sub3A_1862 : vector<16xi32>
      %dma_wait3A_1864 = arith.constant 0 : i32
      %dma_wait3A_1865 = arith.constant 0 : i32
      %dma_wait3A_1866 = arith.constant 0 : i32
      %dma_wait3A_1867 = tpu.memref_slice %arg9[%dma_wait3A_1864, %dma_wait3A_1865, %dma_wait3A_1866] : memref<8x16x128xf32, #tpu.memory_space<vmem>> -> memref<1x16x128xf32, #tpu.memory_space<vmem>>
      %dma_wait3A_1868 = tpu.memref_squeeze %dma_wait3A_1867 : memref<1x16x128xf32, #tpu.memory_space<vmem>> -> memref<16x128xf32, #tpu.memory_space<vmem>>
      %dma_wait3A_1869 = arith.constant 0 : i32
      %dma_wait3A_1870 = arith.constant 0 : i32
      %dma_wait3A_1871 = tpu.memref_slice %arg4[%dma_wait3A_1869, %dma_wait3A_1870] : memref<16x1000000xf32, #tpu.memory_space<hbm>> -> memref<16x128xf32, #tpu.memory_space<hbm>>
      %dma_wait3A_1872 = arith.constant 0 : i32
      %dma_wait3A_1873 = arith.constant 0 : i32
      %dma_wait3A_1874 = tpu.memref_slice %arg9[%dma_wait3A_1864, %dma_wait3A_1872, %dma_wait3A_1873] : memref<8x16x128xf32, #tpu.memory_space<vmem>> -> memref<1x16x128xf32, #tpu.memory_space<vmem>>
      %dma_wait3A_1875 = tpu.memref_squeeze %dma_wait3A_1874 : memref<1x16x128xf32, #tpu.memory_space<vmem>> -> memref<16x128xf32, #tpu.memory_space<vmem>>
      %dma_wait3A_1876 = arith.constant 0 : i32
      %dma_wait3A_1877 = arith.constant 0 : i32
      %dma_wait3A_1878 = tpu.memref_slice %arg4[%dma_wait3A_1876, %dma_wait3A_1877] : memref<16x1000000xf32, #tpu.memory_space<hbm>> -> memref<16x128xf32, #tpu.memory_space<hbm>>
      tpu.wait_dma2 semaphore(%arg15 : memref<!tpu.dma_semaphore, #tpu.memory_space<semaphore_mem>>) src(%dma_wait3A_1878 : memref<16x128xf32, #tpu.memory_space<hbm>>) dst(%dma_wait3A_1875 : memref<16x128xf32, #tpu.memory_space<vmem>>)
      %dma_wait3A_1879 = arith.constant 0 : i32
      %dma_wait3A_1880 = arith.constant 0 : i32
      %dma_wait3A_1881 = arith.constant 0 : i32
      %dma_wait3A_1882 = tpu.memref_slice %arg10[%dma_wait3A_1879, %dma_wait3A_1880, %dma_wait3A_1881] : memref<8x16x128xf32, #tpu.memory_space<vmem>> -> memref<1x16x128xf32, #tpu.memory_space<vmem>>
      %dma_wait3A_1883 = tpu.memref_squeeze %dma_wait3A_1882 : memref<1x16x128xf32, #tpu.memory_space<vmem>> -> memref<16x128xf32, #tpu.memory_space<vmem>>
      %dma_wait3A_1884 = arith.constant 0 : i32
      %dma_wait3A_1885 = arith.constant 0 : i32
      %dma_wait3A_1886 = tpu.memref_slice %arg5[%dma_wait3A_1884, %dma_wait3A_1885] : memref<16x1000000xf32, #tpu.memory_space<hbm>> -> memref<16x128xf32, #tpu.memory_space<hbm>>
      %dma_wait3A_1887 = arith.constant 0 : i32
      %dma_wait3A_1888 = arith.constant 0 : i32
      %dma_wait3A_1889 = tpu.memref_slice %arg10[%dma_wait3A_1879, %dma_wait3A_1887, %dma_wait3A_1888] : memref<8x16x128xf32, #tpu.memory_space<vmem>> -> memref<1x16x128xf32, #tpu.memory_space<vmem>>
      %dma_wait3A_1890 = tpu.memref_squeeze %dma_wait3A_1889 : memref<1x16x128xf32, #tpu.memory_space<vmem>> -> memref<16x128xf32, #tpu.memory_space<vmem>>
      %dma_wait3A_1891 = arith.constant 0 : i32
      %dma_wait3A_1892 = arith.constant 0 : i32
      %dma_wait3A_1893 = tpu.memref_slice %arg5[%dma_wait3A_1891, %dma_wait3A_1892] : memref<16x1000000xf32, #tpu.memory_space<hbm>> -> memref<16x128xf32, #tpu.memory_space<hbm>>
      tpu.wait_dma2 semaphore(%arg15 : memref<!tpu.dma_semaphore, #tpu.memory_space<semaphore_mem>>) src(%dma_wait3A_1893 : memref<16x128xf32, #tpu.memory_space<hbm>>) dst(%dma_wait3A_1890 : memref<16x128xf32, #tpu.memory_space<vmem>>)
      %dma_wait3A_1894 = arith.constant 1 : i32
      %dma_wait3A_1895 = arith.constant 0 : i32
      %dma_wait3A_1896 = arith.constant 0 : i32
      %dma_wait3A_1897 = tpu.memref_slice %arg9[%dma_wait3A_1894, %dma_wait3A_1895, %dma_wait3A_1896] : memref<8x16x128xf32, #tpu.memory_space<vmem>> -> memref<1x16x128xf32, #tpu.memory_space<vmem>>
      %dma_wait3A_1898 = tpu.memref_squeeze %dma_wait3A_1897 : memref<1x16x128xf32, #tpu.memory_space<vmem>> -> memref<16x128xf32, #tpu.memory_space<vmem>>
      %dma_wait3A_1899 = arith.constant 0 : i32
      %dma_wait3A_1900 = arith.constant 0 : i32
      %dma_wait3A_1901 = tpu.memref_slice %arg4[%dma_wait3A_1899, %dma_wait3A_1900] : memref<16x1000000xf32, #tpu.memory_space<hbm>> -> memref<16x128xf32, #tpu.memory_space<hbm>>
      %dma_wait3A_1902 = arith.constant 0 : i32
      %dma_wait3A_1903 = arith.constant 0 : i32
      %dma_wait3A_1904 = tpu.memref_slice %arg9[%dma_wait3A_1894, %dma_wait3A_1902, %dma_wait3A_1903] : memref<8x16x128xf32, #tpu.memory_space<vmem>> -> memref<1x16x128xf32, #tpu.memory_space<vmem>>
      %dma_wait3A_1905 = tpu.memref_squeeze %dma_wait3A_1904 : memref<1x16x128xf32, #tpu.memory_space<vmem>> -> memref<16x128xf32, #tpu.memory_space<vmem>>
      %dma_wait3A_1906 = arith.constant 0 : i32
      %dma_wait3A_1907 = arith.constant 0 : i32
      %dma_wait3A_1908 = tpu.memref_slice %arg4[%dma_wait3A_1906, %dma_wait3A_1907] : memref<16x1000000xf32, #tpu.memory_space<hbm>> -> memref<16x128xf32, #tpu.memory_space<hbm>>
      tpu.wait_dma2 semaphore(%arg15 : memref<!tpu.dma_semaphore, #tpu.memory_space<semaphore_mem>>) src(%dma_wait3A_1908 : memref<16x128xf32, #tpu.memory_space<hbm>>) dst(%dma_wait3A_1905 : memref<16x128xf32, #tpu.memory_space<vmem>>)
      %dma_wait3A_1909 = arith.constant 1 : i32
      %dma_wait3A_1910 = arith.constant 0 : i32
      %dma_wait3A_1911 = arith.constant 0 : i32
      %dma_wait3A_1912 = tpu.memref_slice %arg10[%dma_wait3A_1909, %dma_wait3A_1910, %dma_wait3A_1911] : memref<8x16x128xf32, #tpu.memory_space<vmem>> -> memref<1x16x128xf32, #tpu.memory_space<vmem>>
      %dma_wait3A_1913 = tpu.memref_squeeze %dma_wait3A_1912 : memref<1x16x128xf32, #tpu.memory_space<vmem>> -> memref<16x128xf32, #tpu.memory_space<vmem>>
      %dma_wait3A_1914 = arith.constant 0 : i32
      %dma_wait3A_1915 = arith.constant 0 : i32
      %dma_wait3A_1916 = tpu.memref_slice %arg5[%dma_wait3A_1914, %dma_wait3A_1915] : memref<16x1000000xf32, #tpu.memory_space<hbm>> -> memref<16x128xf32, #tpu.memory_space<hbm>>
      %dma_wait3A_1917 = arith.constant 0 : i32
      %dma_wait3A_1918 = arith.constant 0 : i32
      %dma_wait3A_1919 = tpu.memref_slice %arg10[%dma_wait3A_1909, %dma_wait3A_1917, %dma_wait3A_1918] : memref<8x16x128xf32, #tpu.memory_space<vmem>> -> memref<1x16x128xf32, #tpu.memory_space<vmem>>
      %dma_wait3A_1920 = tpu.memref_squeeze %dma_wait3A_1919 : memref<1x16x128xf32, #tpu.memory_space<vmem>> -> memref<16x128xf32, #tpu.memory_space<vmem>>
      %dma_wait3A_1921 = arith.constant 0 : i32
      %dma_wait3A_1922 = arith.constant 0 : i32
      %dma_wait3A_1923 = tpu.memref_slice %arg5[%dma_wait3A_1921, %dma_wait3A_1922] : memref<16x1000000xf32, #tpu.memory_space<hbm>> -> memref<16x128xf32, #tpu.memory_space<hbm>>
      tpu.wait_dma2 semaphore(%arg15 : memref<!tpu.dma_semaphore, #tpu.memory_space<semaphore_mem>>) src(%dma_wait3A_1923 : memref<16x128xf32, #tpu.memory_space<hbm>>) dst(%dma_wait3A_1920 : memref<16x128xf32, #tpu.memory_space<vmem>>)
      %dma_wait3A_1924 = arith.constant 2 : i32
      %dma_wait3A_1925 = arith.constant 0 : i32
      %dma_wait3A_1926 = arith.constant 0 : i32
      %dma_wait3A_1927 = tpu.memref_slice %arg9[%dma_wait3A_1924, %dma_wait3A_1925, %dma_wait3A_1926] : memref<8x16x128xf32, #tpu.memory_space<vmem>> -> memref<1x16x128xf32, #tpu.memory_space<vmem>>
      %dma_wait3A_1928 = tpu.memref_squeeze %dma_wait3A_1927 : memref<1x16x128xf32, #tpu.memory_space<vmem>> -> memref<16x128xf32, #tpu.memory_space<vmem>>
      %dma_wait3A_1929 = arith.constant 0 : i32
      %dma_wait3A_1930 = arith.constant 0 : i32
      %dma_wait3A_1931 = tpu.memref_slice %arg4[%dma_wait3A_1929, %dma_wait3A_1930] : memref<16x1000000xf32, #tpu.memory_space<hbm>> -> memref<16x128xf32, #tpu.memory_space<hbm>>
      %dma_wait3A_1932 = arith.constant 0 : i32
      %dma_wait3A_1933 = arith.constant 0 : i32
      %dma_wait3A_1934 = tpu.memref_slice %arg9[%dma_wait3A_1924, %dma_wait3A_1932, %dma_wait3A_1933] : memref<8x16x128xf32, #tpu.memory_space<vmem>> -> memref<1x16x128xf32, #tpu.memory_space<vmem>>
      %dma_wait3A_1935 = tpu.memref_squeeze %dma_wait3A_1934 : memref<1x16x128xf32, #tpu.memory_space<vmem>> -> memref<16x128xf32, #tpu.memory_space<vmem>>
      %dma_wait3A_1936 = arith.constant 0 : i32
      %dma_wait3A_1937 = arith.constant 0 : i32
      %dma_wait3A_1938 = tpu.memref_slice %arg4[%dma_wait3A_1936, %dma_wait3A_1937] : memref<16x1000000xf32, #tpu.memory_space<hbm>> -> memref<16x128xf32, #tpu.memory_space<hbm>>
      tpu.wait_dma2 semaphore(%arg15 : memref<!tpu.dma_semaphore, #tpu.memory_space<semaphore_mem>>) src(%dma_wait3A_1938 : memref<16x128xf32, #tpu.memory_space<hbm>>) dst(%dma_wait3A_1935 : memref<16x128xf32, #tpu.memory_space<vmem>>)
      %dma_wait3A_1939 = arith.constant 2 : i32
      %dma_wait3A_1940 = arith.constant 0 : i32
      %dma_wait3A_1941 = arith.constant 0 : i32
      %dma_wait3A_1942 = tpu.memref_slice %arg10[%dma_wait3A_1939, %dma_wait3A_1940, %dma_wait3A_1941] : memref<8x16x128xf32, #tpu.memory_space<vmem>> -> memref<1x16x128xf32, #tpu.memory_space<vmem>>
      %dma_wait3A_1943 = tpu.memref_squeeze %dma_wait3A_1942 : memref<1x16x128xf32, #tpu.memory_space<vmem>> -> memref<16x128xf32, #tpu.memory_space<vmem>>
      %dma_wait3A_1944 = arith.constant 0 : i32
      %dma_wait3A_1945 = arith.constant 0 : i32
      %dma_wait3A_1946 = tpu.memref_slice %arg5[%dma_wait3A_1944, %dma_wait3A_1945] : memref<16x1000000xf32, #tpu.memory_space<hbm>> -> memref<16x128xf32, #tpu.memory_space<hbm>>
      %dma_wait3A_1947 = arith.constant 0 : i32
      %dma_wait3A_1948 = arith.constant 0 : i32
      %dma_wait3A_1949 = tpu.memref_slice %arg10[%dma_wait3A_1939, %dma_wait3A_1947, %dma_wait3A_1948] : memref<8x16x128xf32, #tpu.memory_space<vmem>> -> memref<1x16x128xf32, #tpu.memory_space<vmem>>
      %dma_wait3A_1950 = tpu.memref_squeeze %dma_wait3A_1949 : memref<1x16x128xf32, #tpu.memory_space<vmem>> -> memref<16x128xf32, #tpu.memory_space<vmem>>
      %dma_wait3A_1951 = arith.constant 0 : i32
      %dma_wait3A_1952 = arith.constant 0 : i32
      %dma_wait3A_1953 = tpu.memref_slice %arg5[%dma_wait3A_1951, %dma_wait3A_1952] : memref<16x1000000xf32, #tpu.memory_space<hbm>> -> memref<16x128xf32, #tpu.memory_space<hbm>>
      tpu.wait_dma2 semaphore(%arg15 : memref<!tpu.dma_semaphore, #tpu.memory_space<semaphore_mem>>) src(%dma_wait3A_1953 : memref<16x128xf32, #tpu.memory_space<hbm>>) dst(%dma_wait3A_1950 : memref<16x128xf32, #tpu.memory_space<vmem>>)
      %dma_wait3A_1954 = arith.constant 3 : i32
      %dma_wait3A_1955 = arith.constant 0 : i32
      %dma_wait3A_1956 = arith.constant 0 : i32
      %dma_wait3A_1957 = tpu.memref_slice %arg9[%dma_wait3A_1954, %dma_wait3A_1955, %dma_wait3A_1956] : memref<8x16x128xf32, #tpu.memory_space<vmem>> -> memref<1x16x128xf32, #tpu.memory_space<vmem>>
      %dma_wait3A_1958 = tpu.memref_squeeze %dma_wait3A_1957 : memref<1x16x128xf32, #tpu.memory_space<vmem>> -> memref<16x128xf32, #tpu.memory_space<vmem>>
      %dma_wait3A_1959 = arith.constant 0 : i32
      %dma_wait3A_1960 = arith.constant 0 : i32
      %dma_wait3A_1961 = tpu.memref_slice %arg4[%dma_wait3A_1959, %dma_wait3A_1960] : memref<16x1000000xf32, #tpu.memory_space<hbm>> -> memref<16x128xf32, #tpu.memory_space<hbm>>
      %dma_wait3A_1962 = arith.constant 0 : i32
      %dma_wait3A_1963 = arith.constant 0 : i32
      %dma_wait3A_1964 = tpu.memref_slice %arg9[%dma_wait3A_1954, %dma_wait3A_1962, %dma_wait3A_1963] : memref<8x16x128xf32, #tpu.memory_space<vmem>> -> memref<1x16x128xf32, #tpu.memory_space<vmem>>
      %dma_wait3A_1965 = tpu.memref_squeeze %dma_wait3A_1964 : memref<1x16x128xf32, #tpu.memory_space<vmem>> -> memref<16x128xf32, #tpu.memory_space<vmem>>
      %dma_wait3A_1966 = arith.constant 0 : i32
      %dma_wait3A_1967 = arith.constant 0 : i32
      %dma_wait3A_1968 = tpu.memref_slice %arg4[%dma_wait3A_1966, %dma_wait3A_1967] : memref<16x1000000xf32, #tpu.memory_space<hbm>> -> memref<16x128xf32, #tpu.memory_space<hbm>>
      tpu.wait_dma2 semaphore(%arg15 : memref<!tpu.dma_semaphore, #tpu.memory_space<semaphore_mem>>) src(%dma_wait3A_1968 : memref<16x128xf32, #tpu.memory_space<hbm>>) dst(%dma_wait3A_1965 : memref<16x128xf32, #tpu.memory_space<vmem>>)
      %dma_wait3A_1969 = arith.constant 3 : i32
      %dma_wait3A_1970 = arith.constant 0 : i32
      %dma_wait3A_1971 = arith.constant 0 : i32
      %dma_wait3A_1972 = tpu.memref_slice %arg10[%dma_wait3A_1969, %dma_wait3A_1970, %dma_wait3A_1971] : memref<8x16x128xf32, #tpu.memory_space<vmem>> -> memref<1x16x128xf32, #tpu.memory_space<vmem>>
      %dma_wait3A_1973 = tpu.memref_squeeze %dma_wait3A_1972 : memref<1x16x128xf32, #tpu.memory_space<vmem>> -> memref<16x128xf32, #tpu.memory_space<vmem>>
      %dma_wait3A_1974 = arith.constant 0 : i32
      %dma_wait3A_1975 = arith.constant 0 : i32
      %dma_wait3A_1976 = tpu.memref_slice %arg5[%dma_wait3A_1974, %dma_wait3A_1975] : memref<16x1000000xf32, #tpu.memory_space<hbm>> -> memref<16x128xf32, #tpu.memory_space<hbm>>
      %dma_wait3A_1977 = arith.constant 0 : i32
      %dma_wait3A_1978 = arith.constant 0 : i32
      %dma_wait3A_1979 = tpu.memref_slice %arg10[%dma_wait3A_1969, %dma_wait3A_1977, %dma_wait3A_1978] : memref<8x16x128xf32, #tpu.memory_space<vmem>> -> memref<1x16x128xf32, #tpu.memory_space<vmem>>
      %dma_wait3A_1980 = tpu.memref_squeeze %dma_wait3A_1979 : memref<1x16x128xf32, #tpu.memory_space<vmem>> -> memref<16x128xf32, #tpu.memory_space<vmem>>
      %dma_wait3A_1981 = arith.constant 0 : i32
      %dma_wait3A_1982 = arith.constant 0 : i32
      %dma_wait3A_1983 = tpu.memref_slice %arg5[%dma_wait3A_1981, %dma_wait3A_1982] : memref<16x1000000xf32, #tpu.memory_space<hbm>> -> memref<16x128xf32, #tpu.memory_space<hbm>>
      tpu.wait_dma2 semaphore(%arg15 : memref<!tpu.dma_semaphore, #tpu.memory_space<semaphore_mem>>) src(%dma_wait3A_1983 : memref<16x128xf32, #tpu.memory_space<hbm>>) dst(%dma_wait3A_1980 : memref<16x128xf32, #tpu.memory_space<vmem>>)
      %dma_wait3A_1984 = arith.constant 4 : i32
      %dma_wait3A_1985 = arith.constant 0 : i32
      %dma_wait3A_1986 = arith.constant 0 : i32
      %dma_wait3A_1987 = tpu.memref_slice %arg9[%dma_wait3A_1984, %dma_wait3A_1985, %dma_wait3A_1986] : memref<8x16x128xf32, #tpu.memory_space<vmem>> -> memref<1x16x128xf32, #tpu.memory_space<vmem>>
      %dma_wait3A_1988 = tpu.memref_squeeze %dma_wait3A_1987 : memref<1x16x128xf32, #tpu.memory_space<vmem>> -> memref<16x128xf32, #tpu.memory_space<vmem>>
      %dma_wait3A_1989 = arith.constant 0 : i32
      %dma_wait3A_1990 = arith.constant 0 : i32
      %dma_wait3A_1991 = tpu.memref_slice %arg4[%dma_wait3A_1989, %dma_wait3A_1990] : memref<16x1000000xf32, #tpu.memory_space<hbm>> -> memref<16x128xf32, #tpu.memory_space<hbm>>
      %dma_wait3A_1992 = arith.constant 0 : i32
      %dma_wait3A_1993 = arith.constant 0 : i32
      %dma_wait3A_1994 = tpu.memref_slice %arg9[%dma_wait3A_1984, %dma_wait3A_1992, %dma_wait3A_1993] : memref<8x16x128xf32, #tpu.memory_space<vmem>> -> memref<1x16x128xf32, #tpu.memory_space<vmem>>
      %dma_wait3A_1995 = tpu.memref_squeeze %dma_wait3A_1994 : memref<1x16x128xf32, #tpu.memory_space<vmem>> -> memref<16x128xf32, #tpu.memory_space<vmem>>
      %dma_wait3A_1996 = arith.constant 0 : i32
      %dma_wait3A_1997 = arith.constant 0 : i32
      %dma_wait3A_1998 = tpu.memref_slice %arg4[%dma_wait3A_1996, %dma_wait3A_1997] : memref<16x1000000xf32, #tpu.memory_space<hbm>> -> memref<16x128xf32, #tpu.memory_space<hbm>>
      tpu.wait_dma2 semaphore(%arg15 : memref<!tpu.dma_semaphore, #tpu.memory_space<semaphore_mem>>) src(%dma_wait3A_1998 : memref<16x128xf32, #tpu.memory_space<hbm>>) dst(%dma_wait3A_1995 : memref<16x128xf32, #tpu.memory_space<vmem>>)
      %dma_wait3A_1999 = arith.constant 4 : i32
      %dma_wait3A_2000 = arith.constant 0 : i32
      %dma_wait3A_2001 = arith.constant 0 : i32
      %dma_wait3A_2002 = tpu.memref_slice %arg10[%dma_wait3A_1999, %dma_wait3A_2000, %dma_wait3A_2001] : memref<8x16x128xf32, #tpu.memory_space<vmem>> -> memref<1x16x128xf32, #tpu.memory_space<vmem>>
      %dma_wait3A_2003 = tpu.memref_squeeze %dma_wait3A_2002 : memref<1x16x128xf32, #tpu.memory_space<vmem>> -> memref<16x128xf32, #tpu.memory_space<vmem>>
      %dma_wait3A_2004 = arith.constant 0 : i32
      %dma_wait3A_2005 = arith.constant 0 : i32
      %dma_wait3A_2006 = tpu.memref_slice %arg5[%dma_wait3A_2004, %dma_wait3A_2005] : memref<16x1000000xf32, #tpu.memory_space<hbm>> -> memref<16x128xf32, #tpu.memory_space<hbm>>
      %dma_wait3A_2007 = arith.constant 0 : i32
      %dma_wait3A_2008 = arith.constant 0 : i32
      %dma_wait3A_2009 = tpu.memref_slice %arg10[%dma_wait3A_1999, %dma_wait3A_2007, %dma_wait3A_2008] : memref<8x16x128xf32, #tpu.memory_space<vmem>> -> memref<1x16x128xf32, #tpu.memory_space<vmem>>
      %dma_wait3A_2010 = tpu.memref_squeeze %dma_wait3A_2009 : memref<1x16x128xf32, #tpu.memory_space<vmem>> -> memref<16x128xf32, #tpu.memory_space<vmem>>
      %dma_wait3A_2011 = arith.constant 0 : i32
      %dma_wait3A_2012 = arith.constant 0 : i32
      %dma_wait3A_2013 = tpu.memref_slice %arg5[%dma_wait3A_2011, %dma_wait3A_2012] : memref<16x1000000xf32, #tpu.memory_space<hbm>> -> memref<16x128xf32, #tpu.memory_space<hbm>>
      tpu.wait_dma2 semaphore(%arg15 : memref<!tpu.dma_semaphore, #tpu.memory_space<semaphore_mem>>) src(%dma_wait3A_2013 : memref<16x128xf32, #tpu.memory_space<hbm>>) dst(%dma_wait3A_2010 : memref<16x128xf32, #tpu.memory_space<vmem>>)
      %dma_wait3A_2014 = arith.constant 5 : i32
      %dma_wait3A_2015 = arith.constant 0 : i32
      %dma_wait3A_2016 = arith.constant 0 : i32
      %dma_wait3A_2017 = tpu.memref_slice %arg9[%dma_wait3A_2014, %dma_wait3A_2015, %dma_wait3A_2016] : memref<8x16x128xf32, #tpu.memory_space<vmem>> -> memref<1x16x128xf32, #tpu.memory_space<vmem>>
      %dma_wait3A_2018 = tpu.memref_squeeze %dma_wait3A_2017 : memref<1x16x128xf32, #tpu.memory_space<vmem>> -> memref<16x128xf32, #tpu.memory_space<vmem>>
      %dma_wait3A_2019 = arith.constant 0 : i32
      %dma_wait3A_2020 = arith.constant 0 : i32
      %dma_wait3A_2021 = tpu.memref_slice %arg4[%dma_wait3A_2019, %dma_wait3A_2020] : memref<16x1000000xf32, #tpu.memory_space<hbm>> -> memref<16x128xf32, #tpu.memory_space<hbm>>
      %dma_wait3A_2022 = arith.constant 0 : i32
      %dma_wait3A_2023 = arith.constant 0 : i32
      %dma_wait3A_2024 = tpu.memref_slice %arg9[%dma_wait3A_2014, %dma_wait3A_2022, %dma_wait3A_2023] : memref<8x16x128xf32, #tpu.memory_space<vmem>> -> memref<1x16x128xf32, #tpu.memory_space<vmem>>
      %dma_wait3A_2025 = tpu.memref_squeeze %dma_wait3A_2024 : memref<1x16x128xf32, #tpu.memory_space<vmem>> -> memref<16x128xf32, #tpu.memory_space<vmem>>
      %dma_wait3A_2026 = arith.constant 0 : i32
      %dma_wait3A_2027 = arith.constant 0 : i32
      %dma_wait3A_2028 = tpu.memref_slice %arg4[%dma_wait3A_2026, %dma_wait3A_2027] : memref<16x1000000xf32, #tpu.memory_space<hbm>> -> memref<16x128xf32, #tpu.memory_space<hbm>>
      tpu.wait_dma2 semaphore(%arg15 : memref<!tpu.dma_semaphore, #tpu.memory_space<semaphore_mem>>) src(%dma_wait3A_2028 : memref<16x128xf32, #tpu.memory_space<hbm>>) dst(%dma_wait3A_2025 : memref<16x128xf32, #tpu.memory_space<vmem>>)
      %dma_wait3A_2029 = arith.constant 5 : i32
      %dma_wait3A_2030 = arith.constant 0 : i32
      %dma_wait3A_2031 = arith.constant 0 : i32
      %dma_wait3A_2032 = tpu.memref_slice %arg10[%dma_wait3A_2029, %dma_wait3A_2030, %dma_wait3A_2031] : memref<8x16x128xf32, #tpu.memory_space<vmem>> -> memref<1x16x128xf32, #tpu.memory_space<vmem>>
      %dma_wait3A_2033 = tpu.memref_squeeze %dma_wait3A_2032 : memref<1x16x128xf32, #tpu.memory_space<vmem>> -> memref<16x128xf32, #tpu.memory_space<vmem>>
      %dma_wait3A_2034 = arith.constant 0 : i32
      %dma_wait3A_2035 = arith.constant 0 : i32
      %dma_wait3A_2036 = tpu.memref_slice %arg5[%dma_wait3A_2034, %dma_wait3A_2035] : memref<16x1000000xf32, #tpu.memory_space<hbm>> -> memref<16x128xf32, #tpu.memory_space<hbm>>
      %dma_wait3A_2037 = arith.constant 0 : i32
      %dma_wait3A_2038 = arith.constant 0 : i32
      %dma_wait3A_2039 = tpu.memref_slice %arg10[%dma_wait3A_2029, %dma_wait3A_2037, %dma_wait3A_2038] : memref<8x16x128xf32, #tpu.memory_space<vmem>> -> memref<1x16x128xf32, #tpu.memory_space<vmem>>
      %dma_wait3A_2040 = tpu.memref_squeeze %dma_wait3A_2039 : memref<1x16x128xf32, #tpu.memory_space<vmem>> -> memref<16x128xf32, #tpu.memory_space<vmem>>
      %dma_wait3A_2041 = arith.constant 0 : i32
      %dma_wait3A_2042 = arith.constant 0 : i32
      %dma_wait3A_2043 = tpu.memref_slice %arg5[%dma_wait3A_2041, %dma_wait3A_2042] : memref<16x1000000xf32, #tpu.memory_space<hbm>> -> memref<16x128xf32, #tpu.memory_space<hbm>>
      tpu.wait_dma2 semaphore(%arg15 : memref<!tpu.dma_semaphore, #tpu.memory_space<semaphore_mem>>) src(%dma_wait3A_2043 : memref<16x128xf32, #tpu.memory_space<hbm>>) dst(%dma_wait3A_2040 : memref<16x128xf32, #tpu.memory_space<vmem>>)
      %dma_wait3A_2044 = arith.constant 6 : i32
      %dma_wait3A_2045 = arith.constant 0 : i32
      %dma_wait3A_2046 = arith.constant 0 : i32
      %dma_wait3A_2047 = tpu.memref_slice %arg9[%dma_wait3A_2044, %dma_wait3A_2045, %dma_wait3A_2046] : memref<8x16x128xf32, #tpu.memory_space<vmem>> -> memref<1x16x128xf32, #tpu.memory_space<vmem>>
      %dma_wait3A_2048 = tpu.memref_squeeze %dma_wait3A_2047 : memref<1x16x128xf32, #tpu.memory_space<vmem>> -> memref<16x128xf32, #tpu.memory_space<vmem>>
      %dma_wait3A_2049 = arith.constant 0 : i32
      %dma_wait3A_2050 = arith.constant 0 : i32
      %dma_wait3A_2051 = tpu.memref_slice %arg4[%dma_wait3A_2049, %dma_wait3A_2050] : memref<16x1000000xf32, #tpu.memory_space<hbm>> -> memref<16x128xf32, #tpu.memory_space<hbm>>
      %dma_wait3A_2052 = arith.constant 0 : i32
      %dma_wait3A_2053 = arith.constant 0 : i32
      %dma_wait3A_2054 = tpu.memref_slice %arg9[%dma_wait3A_2044, %dma_wait3A_2052, %dma_wait3A_2053] : memref<8x16x128xf32, #tpu.memory_space<vmem>> -> memref<1x16x128xf32, #tpu.memory_space<vmem>>
      %dma_wait3A_2055 = tpu.memref_squeeze %dma_wait3A_2054 : memref<1x16x128xf32, #tpu.memory_space<vmem>> -> memref<16x128xf32, #tpu.memory_space<vmem>>
      %dma_wait3A_2056 = arith.constant 0 : i32
      %dma_wait3A_2057 = arith.constant 0 : i32
      %dma_wait3A_2058 = tpu.memref_slice %arg4[%dma_wait3A_2056, %dma_wait3A_2057] : memref<16x1000000xf32, #tpu.memory_space<hbm>> -> memref<16x128xf32, #tpu.memory_space<hbm>>
      tpu.wait_dma2 semaphore(%arg15 : memref<!tpu.dma_semaphore, #tpu.memory_space<semaphore_mem>>) src(%dma_wait3A_2058 : memref<16x128xf32, #tpu.memory_space<hbm>>) dst(%dma_wait3A_2055 : memref<16x128xf32, #tpu.memory_space<vmem>>)
      %dma_wait3A_2059 = arith.constant 6 : i32
      %dma_wait3A_2060 = arith.constant 0 : i32
      %dma_wait3A_2061 = arith.constant 0 : i32
      %dma_wait3A_2062 = tpu.memref_slice %arg10[%dma_wait3A_2059, %dma_wait3A_2060, %dma_wait3A_2061] : memref<8x16x128xf32, #tpu.memory_space<vmem>> -> memref<1x16x128xf32, #tpu.memory_space<vmem>>
      %dma_wait3A_2063 = tpu.memref_squeeze %dma_wait3A_2062 : memref<1x16x128xf32, #tpu.memory_space<vmem>> -> memref<16x128xf32, #tpu.memory_space<vmem>>
      %dma_wait3A_2064 = arith.constant 0 : i32
      %dma_wait3A_2065 = arith.constant 0 : i32
      %dma_wait3A_2066 = tpu.memref_slice %arg5[%dma_wait3A_2064, %dma_wait3A_2065] : memref<16x1000000xf32, #tpu.memory_space<hbm>> -> memref<16x128xf32, #tpu.memory_space<hbm>>
      %dma_wait3A_2067 = arith.constant 0 : i32
      %dma_wait3A_2068 = arith.constant 0 : i32
      %dma_wait3A_2069 = tpu.memref_slice %arg10[%dma_wait3A_2059, %dma_wait3A_2067, %dma_wait3A_2068] : memref<8x16x128xf32, #tpu.memory_space<vmem>> -> memref<1x16x128xf32, #tpu.memory_space<vmem>>
      %dma_wait3A_2070 = tpu.memref_squeeze %dma_wait3A_2069 : memref<1x16x128xf32, #tpu.memory_space<vmem>> -> memref<16x128xf32, #tpu.memory_space<vmem>>
      %dma_wait3A_2071 = arith.constant 0 : i32
      %dma_wait3A_2072 = arith.constant 0 : i32
      %dma_wait3A_2073 = tpu.memref_slice %arg5[%dma_wait3A_2071, %dma_wait3A_2072] : memref<16x1000000xf32, #tpu.memory_space<hbm>> -> memref<16x128xf32, #tpu.memory_space<hbm>>
      tpu.wait_dma2 semaphore(%arg15 : memref<!tpu.dma_semaphore, #tpu.memory_space<semaphore_mem>>) src(%dma_wait3A_2073 : memref<16x128xf32, #tpu.memory_space<hbm>>) dst(%dma_wait3A_2070 : memref<16x128xf32, #tpu.memory_space<vmem>>)
      %dma_wait3A_2074 = arith.constant 7 : i32
      %dma_wait3A_2075 = arith.constant 0 : i32
      %dma_wait3A_2076 = arith.constant 0 : i32
      %dma_wait3A_2077 = tpu.memref_slice %arg9[%dma_wait3A_2074, %dma_wait3A_2075, %dma_wait3A_2076] : memref<8x16x128xf32, #tpu.memory_space<vmem>> -> memref<1x16x128xf32, #tpu.memory_space<vmem>>
      %dma_wait3A_2078 = tpu.memref_squeeze %dma_wait3A_2077 : memref<1x16x128xf32, #tpu.memory_space<vmem>> -> memref<16x128xf32, #tpu.memory_space<vmem>>
      %dma_wait3A_2079 = arith.constant 0 : i32
      %dma_wait3A_2080 = arith.constant 0 : i32
      %dma_wait3A_2081 = tpu.memref_slice %arg4[%dma_wait3A_2079, %dma_wait3A_2080] : memref<16x1000000xf32, #tpu.memory_space<hbm>> -> memref<16x128xf32, #tpu.memory_space<hbm>>
      %dma_wait3A_2082 = arith.constant 0 : i32
      %dma_wait3A_2083 = arith.constant 0 : i32
      %dma_wait3A_2084 = tpu.memref_slice %arg9[%dma_wait3A_2074, %dma_wait3A_2082, %dma_wait3A_2083] : memref<8x16x128xf32, #tpu.memory_space<vmem>> -> memref<1x16x128xf32, #tpu.memory_space<vmem>>
      %dma_wait3A_2085 = tpu.memref_squeeze %dma_wait3A_2084 : memref<1x16x128xf32, #tpu.memory_space<vmem>> -> memref<16x128xf32, #tpu.memory_space<vmem>>
      %dma_wait3A_2086 = arith.constant 0 : i32
      %dma_wait3A_2087 = arith.constant 0 : i32
      %dma_wait3A_2088 = tpu.memref_slice %arg4[%dma_wait3A_2086, %dma_wait3A_2087] : memref<16x1000000xf32, #tpu.memory_space<hbm>> -> memref<16x128xf32, #tpu.memory_space<hbm>>
      tpu.wait_dma2 semaphore(%arg15 : memref<!tpu.dma_semaphore, #tpu.memory_space<semaphore_mem>>) src(%dma_wait3A_2088 : memref<16x128xf32, #tpu.memory_space<hbm>>) dst(%dma_wait3A_2085 : memref<16x128xf32, #tpu.memory_space<vmem>>)
      %dma_wait3A_2089 = arith.constant 7 : i32
      %dma_wait3A_2090 = arith.constant 0 : i32
      %dma_wait3A_2091 = arith.constant 0 : i32
      %dma_wait3A_2092 = tpu.memref_slice %arg10[%dma_wait3A_2089, %dma_wait3A_2090, %dma_wait3A_2091] : memref<8x16x128xf32, #tpu.memory_space<vmem>> -> memref<1x16x128xf32, #tpu.memory_space<vmem>>
      %dma_wait3A_2093 = tpu.memref_squeeze %dma_wait3A_2092 : memref<1x16x128xf32, #tpu.memory_space<vmem>> -> memref<16x128xf32, #tpu.memory_space<vmem>>
      %dma_wait3A_2094 = arith.constant 0 : i32
      %dma_wait3A_2095 = arith.constant 0 : i32
      %dma_wait3A_2096 = tpu.memref_slice %arg5[%dma_wait3A_2094, %dma_wait3A_2095] : memref<16x1000000xf32, #tpu.memory_space<hbm>> -> memref<16x128xf32, #tpu.memory_space<hbm>>
      %dma_wait3A_2097 = arith.constant 0 : i32
      %dma_wait3A_2098 = arith.constant 0 : i32
      %dma_wait3A_2099 = tpu.memref_slice %arg10[%dma_wait3A_2089, %dma_wait3A_2097, %dma_wait3A_2098] : memref<8x16x128xf32, #tpu.memory_space<vmem>> -> memref<1x16x128xf32, #tpu.memory_space<vmem>>
      %dma_wait3A_2100 = tpu.memref_squeeze %dma_wait3A_2099 : memref<1x16x128xf32, #tpu.memory_space<vmem>> -> memref<16x128xf32, #tpu.memory_space<vmem>>
      %dma_wait3A_2101 = arith.constant 0 : i32
      %dma_wait3A_2102 = arith.constant 0 : i32
      %dma_wait3A_2103 = tpu.memref_slice %arg5[%dma_wait3A_2101, %dma_wait3A_2102] : memref<16x1000000xf32, #tpu.memory_space<hbm>> -> memref<16x128xf32, #tpu.memory_space<hbm>>
      tpu.wait_dma2 semaphore(%arg15 : memref<!tpu.dma_semaphore, #tpu.memory_space<semaphore_mem>>) src(%dma_wait3A_2103 : memref<16x128xf32, #tpu.memory_space<hbm>>) dst(%dma_wait3A_2100 : memref<16x128xf32, #tpu.memory_space<vmem>>)
      %slice3A_2104 = vector.extract_strided_slice %sub3A_1840 {offsets = [0], sizes = [1], strides = [1]} : vector<16xi32> to vector<1xi32>
      %squeeze3A_2105 = vector.extract %slice3A_2104[0] : i32 from vector<1xi32>
      %jit3A_2106 = arith.constant 128 : i32
      %eq3A = arith.constant 0 : i32
      %eq3A_2107 = arith.cmpi eq, %jit3A_2106, %eq3A : i32
      %jit3A_2108 = arith.constant 1 : i32
      %select_n3A_2109 = arith.select %eq3A_2107, %jit3A_2108, %jit3A_2106 : i32
      %rem3A_2110 = arith.remsi %squeeze3A_2105, %select_n3A_2109 : i32
      %ne3A_2111 = arith.constant 0 : i32
      %ne3A_2112 = arith.cmpi ne, %rem3A_2110, %ne3A_2111 : i32
      %lt3A = arith.constant 0 : i32
      %lt3A_2113 = arith.cmpi slt, %rem3A_2110, %lt3A : i32
      %lt3A_2114 = arith.constant 0 : i32
      %lt3A_2115 = arith.cmpi slt, %select_n3A_2109, %lt3A_2114 : i32
      %ne3A_2116 = arith.xori %lt3A_2113, %lt3A_2115 : i1
      %and3A_2117 = arith.andi %ne3A_2116, %ne3A_2112 : i1
      %add3A_2118 = arith.addi %rem3A_2110, %select_n3A_2109 : i32
      %select_n3A_2119 = arith.select %and3A_2117, %add3A_2118, %rem3A_2110 : i32
      %broadcast_in_dim3A = vector.broadcast %select_n3A_2119 : i32 to vector<16xi32>
      %slice3A_2120 = vector.extract_strided_slice %sub3A_1845 {offsets = [0], sizes = [1], strides = [1]} : vector<16xi32> to vector<1xi32>
      %squeeze3A_2121 = vector.extract %slice3A_2120[0] : i32 from vector<1xi32>
      %jit3A_2122 = arith.constant 128 : i32
      %eq3A_2123 = arith.constant 0 : i32
      %eq3A_2124 = arith.cmpi eq, %jit3A_2122, %eq3A_2123 : i32
      %jit3A_2125 = arith.constant 1 : i32
      %select_n3A_2126 = arith.select %eq3A_2124, %jit3A_2125, %jit3A_2122 : i32
      %rem3A_2127 = arith.remsi %squeeze3A_2121, %select_n3A_2126 : i32
      %ne3A_2128 = arith.constant 0 : i32
      %ne3A_2129 = arith.cmpi ne, %rem3A_2127, %ne3A_2128 : i32
      %lt3A_2130 = arith.constant 0 : i32
      %lt3A_2131 = arith.cmpi slt, %rem3A_2127, %lt3A_2130 : i32
      %lt3A_2132 = arith.constant 0 : i32
      %lt3A_2133 = arith.cmpi slt, %select_n3A_2126, %lt3A_2132 : i32
      %ne3A_2134 = arith.xori %lt3A_2131, %lt3A_2133 : i1
      %and3A_2135 = arith.andi %ne3A_2134, %ne3A_2129 : i1
      %add3A_2136 = arith.addi %rem3A_2127, %select_n3A_2126 : i32
      %select_n3A_2137 = arith.select %and3A_2135, %add3A_2136, %rem3A_2127 : i32
      %broadcast_in_dim3A_2138 = vector.broadcast %select_n3A_2137 : i32 to vector<16xi32>
      %gather3A = arith.constant 0 : i32
      %gather3A_2139 = arith.constant 0 : i32
      %gather3A_2140 = arith.constant 0 : i32
      %gather3A_2141 = tpu.memref_slice %arg9[%gather3A, %gather3A_2139, %gather3A_2140] : memref<8x16x128xf32, #tpu.memory_space<vmem>> -> memref<1x16x128xf32, #tpu.memory_space<vmem>>
      %gather3A_2142 = tpu.memref_squeeze %gather3A_2141 : memref<1x16x128xf32, #tpu.memory_space<vmem>> -> memref<16x128xf32, #tpu.memory_space<vmem>>
      %gather3A_2143 = tpu.vector_load_idx %gather3A_2142[%iota3A, %broadcast_in_dim3A] : memref<16x128xf32, #tpu.memory_space<vmem>>[vector<16xi32>, vector<16xi32>], vector<16xf32>,
      %gather3A_2144 = arith.constant 0 : i32
      %gather3A_2145 = arith.constant 0 : i32
      %gather3A_2146 = arith.constant 0 : i32
      %gather3A_2147 = tpu.memref_slice %arg10[%gather3A_2144, %gather3A_2145, %gather3A_2146] : memref<8x16x128xf32, #tpu.memory_space<vmem>> -> memref<1x16x128xf32, #tpu.memory_space<vmem>>
      %gather3A_2148 = tpu.memref_squeeze %gather3A_2147 : memref<1x16x128xf32, #tpu.memory_space<vmem>> -> memref<16x128xf32, #tpu.memory_space<vmem>>
      %gather3A_2149 = tpu.vector_load_idx %gather3A_2148[%iota3A, %broadcast_in_dim3A_2138] : memref<16x128xf32, #tpu.memory_space<vmem>>[vector<16xi32>, vector<16xi32>], vector<16xf32>,
      %add3A_2150 = arith.constant 0 : i32
      %add3A_2151 = vector.broadcast %add3A_2150 : i32 to vector<16xi32>
      %add3A_2152 = arith.addi %add3A_2151, %iota3A : vector<16xi32>
      %mul3A_2153 = arith.mulf %gather3A_2143, %gather3A_2149 : vector<16xf32>
      tpu.vector_store_idx %arg13[%add3A_2152], %mul3A_2153 : memref<256xf32, #tpu.memory_space<vmem>>[vector<16xi32>], vector<16xf32>,
      %slice3A_2154 = vector.extract_strided_slice %sub3A_1840 {offsets = [1], sizes = [1], strides = [1]} : vector<16xi32> to vector<1xi32>
      %squeeze3A_2155 = vector.extract %slice3A_2154[0] : i32 from vector<1xi32>
      %jit3A_2156 = arith.constant 128 : i32
      %eq3A_2157 = arith.constant 0 : i32
      %eq3A_2158 = arith.cmpi eq, %jit3A_2156, %eq3A_2157 : i32
      %jit3A_2159 = arith.constant 1 : i32
      %select_n3A_2160 = arith.select %eq3A_2158, %jit3A_2159, %jit3A_2156 : i32
      %rem3A_2161 = arith.remsi %squeeze3A_2155, %select_n3A_2160 : i32
      %ne3A_2162 = arith.constant 0 : i32
      %ne3A_2163 = arith.cmpi ne, %rem3A_2161, %ne3A_2162 : i32
      %lt3A_2164 = arith.constant 0 : i32
      %lt3A_2165 = arith.cmpi slt, %rem3A_2161, %lt3A_2164 : i32
      %lt3A_2166 = arith.constant 0 : i32
      %lt3A_2167 = arith.cmpi slt, %select_n3A_2160, %lt3A_2166 : i32
      %ne3A_2168 = arith.xori %lt3A_2165, %lt3A_2167 : i1
      %and3A_2169 = arith.andi %ne3A_2168, %ne3A_2163 : i1
      %add3A_2170 = arith.addi %rem3A_2161, %select_n3A_2160 : i32
      %select_n3A_2171 = arith.select %and3A_2169, %add3A_2170, %rem3A_2161 : i32
      %broadcast_in_dim3A_2172 = vector.broadcast %select_n3A_2171 : i32 to vector<16xi32>
      %slice3A_2173 = vector.extract_strided_slice %sub3A_1845 {offsets = [1], sizes = [1], strides = [1]} : vector<16xi32> to vector<1xi32>
      %squeeze3A_2174 = vector.extract %slice3A_2173[0] : i32 from vector<1xi32>
      %jit3A_2175 = arith.constant 128 : i32
      %eq3A_2176 = arith.constant 0 : i32
      %eq3A_2177 = arith.cmpi eq, %jit3A_2175, %eq3A_2176 : i32
      %jit3A_2178 = arith.constant 1 : i32
      %select_n3A_2179 = arith.select %eq3A_2177, %jit3A_2178, %jit3A_2175 : i32
      %rem3A_2180 = arith.remsi %squeeze3A_2174, %select_n3A_2179 : i32
      %ne3A_2181 = arith.constant 0 : i32
      %ne3A_2182 = arith.cmpi ne, %rem3A_2180, %ne3A_2181 : i32
      %lt3A_2183 = arith.constant 0 : i32
      %lt3A_2184 = arith.cmpi slt, %rem3A_2180, %lt3A_2183 : i32
      %lt3A_2185 = arith.constant 0 : i32
      %lt3A_2186 = arith.cmpi slt, %select_n3A_2179, %lt3A_2185 : i32
      %ne3A_2187 = arith.xori %lt3A_2184, %lt3A_2186 : i1
      %and3A_2188 = arith.andi %ne3A_2187, %ne3A_2182 : i1
      %add3A_2189 = arith.addi %rem3A_2180, %select_n3A_2179 : i32
      %select_n3A_2190 = arith.select %and3A_2188, %add3A_2189, %rem3A_2180 : i32
      %broadcast_in_dim3A_2191 = vector.broadcast %select_n3A_2190 : i32 to vector<16xi32>
      %gather3A_2192 = arith.constant 1 : i32
      %gather3A_2193 = arith.constant 0 : i32
      %gather3A_2194 = arith.constant 0 : i32
      %gather3A_2195 = tpu.memref_slice %arg9[%gather3A_2192, %gather3A_2193, %gather3A_2194] : memref<8x16x128xf32, #tpu.memory_space<vmem>> -> memref<1x16x128xf32, #tpu.memory_space<vmem>>
      %gather3A_2196 = tpu.memref_squeeze %gather3A_2195 : memref<1x16x128xf32, #tpu.memory_space<vmem>> -> memref<16x128xf32, #tpu.memory_space<vmem>>
      %gather3A_2197 = tpu.vector_load_idx %gather3A_2196[%iota3A, %broadcast_in_dim3A_2172] : memref<16x128xf32, #tpu.memory_space<vmem>>[vector<16xi32>, vector<16xi32>], vector<16xf32>,
      %gather3A_2198 = arith.constant 1 : i32
      %gather3A_2199 = arith.constant 0 : i32
      %gather3A_2200 = arith.constant 0 : i32
      %gather3A_2201 = tpu.memref_slice %arg10[%gather3A_2198, %gather3A_2199, %gather3A_2200] : memref<8x16x128xf32, #tpu.memory_space<vmem>> -> memref<1x16x128xf32, #tpu.memory_space<vmem>>
      %gather3A_2202 = tpu.memref_squeeze %gather3A_2201 : memref<1x16x128xf32, #tpu.memory_space<vmem>> -> memref<16x128xf32, #tpu.memory_space<vmem>>
      %gather3A_2203 = tpu.vector_load_idx %gather3A_2202[%iota3A, %broadcast_in_dim3A_2191] : memref<16x128xf32, #tpu.memory_space<vmem>>[vector<16xi32>, vector<16xi32>], vector<16xf32>,
      %add3A_2204 = arith.constant 16 : i32
      %add3A_2205 = vector.broadcast %add3A_2204 : i32 to vector<16xi32>
      %add3A_2206 = arith.addi %add3A_2205, %iota3A : vector<16xi32>
      %mul3A_2207 = arith.mulf %gather3A_2197, %gather3A_2203 : vector<16xf32>
      tpu.vector_store_idx %arg13[%add3A_2206], %mul3A_2207 : memref<256xf32, #tpu.memory_space<vmem>>[vector<16xi32>], vector<16xf32>,
      %slice3A_2208 = vector.extract_strided_slice %sub3A_1840 {offsets = [2], sizes = [1], strides = [1]} : vector<16xi32> to vector<1xi32>
      %squeeze3A_2209 = vector.extract %slice3A_2208[0] : i32 from vector<1xi32>
      %jit3A_2210 = arith.constant 128 : i32
      %eq3A_2211 = arith.constant 0 : i32
      %eq3A_2212 = arith.cmpi eq, %jit3A_2210, %eq3A_2211 : i32
      %jit3A_2213 = arith.constant 1 : i32
      %select_n3A_2214 = arith.select %eq3A_2212, %jit3A_2213, %jit3A_2210 : i32
      %rem3A_2215 = arith.remsi %squeeze3A_2209, %select_n3A_2214 : i32
      %ne3A_2216 = arith.constant 0 : i32
      %ne3A_2217 = arith.cmpi ne, %rem3A_2215, %ne3A_2216 : i32
      %lt3A_2218 = arith.constant 0 : i32
      %lt3A_2219 = arith.cmpi slt, %rem3A_2215, %lt3A_2218 : i32
      %lt3A_2220 = arith.constant 0 : i32
      %lt3A_2221 = arith.cmpi slt, %select_n3A_2214, %lt3A_2220 : i32
      %ne3A_2222 = arith.xori %lt3A_2219, %lt3A_2221 : i1
      %and3A_2223 = arith.andi %ne3A_2222, %ne3A_2217 : i1
      %add3A_2224 = arith.addi %rem3A_2215, %select_n3A_2214 : i32
      %select_n3A_2225 = arith.select %and3A_2223, %add3A_2224, %rem3A_2215 : i32
      %broadcast_in_dim3A_2226 = vector.broadcast %select_n3A_2225 : i32 to vector<16xi32>
      %slice3A_2227 = vector.extract_strided_slice %sub3A_1845 {offsets = [2], sizes = [1], strides = [1]} : vector<16xi32> to vector<1xi32>
      %squeeze3A_2228 = vector.extract %slice3A_2227[0] : i32 from vector<1xi32>
      %jit3A_2229 = arith.constant 128 : i32
      %eq3A_2230 = arith.constant 0 : i32
      %eq3A_2231 = arith.cmpi eq, %jit3A_2229, %eq3A_2230 : i32
      %jit3A_2232 = arith.constant 1 : i32
      %select_n3A_2233 = arith.select %eq3A_2231, %jit3A_2232, %jit3A_2229 : i32
      %rem3A_2234 = arith.remsi %squeeze3A_2228, %select_n3A_2233 : i32
      %ne3A_2235 = arith.constant 0 : i32
      %ne3A_2236 = arith.cmpi ne, %rem3A_2234, %ne3A_2235 : i32
      %lt3A_2237 = arith.constant 0 : i32
      %lt3A_2238 = arith.cmpi slt, %rem3A_2234, %lt3A_2237 : i32
      %lt3A_2239 = arith.constant 0 : i32
      %lt3A_2240 = arith.cmpi slt, %select_n3A_2233, %lt3A_2239 : i32
      %ne3A_2241 = arith.xori %lt3A_2238, %lt3A_2240 : i1
      %and3A_2242 = arith.andi %ne3A_2241, %ne3A_2236 : i1
      %add3A_2243 = arith.addi %rem3A_2234, %select_n3A_2233 : i32
      %select_n3A_2244 = arith.select %and3A_2242, %add3A_2243, %rem3A_2234 : i32
      %broadcast_in_dim3A_2245 = vector.broadcast %select_n3A_2244 : i32 to vector<16xi32>
      %gather3A_2246 = arith.constant 2 : i32
      %gather3A_2247 = arith.constant 0 : i32
      %gather3A_2248 = arith.constant 0 : i32
      %gather3A_2249 = tpu.memref_slice %arg9[%gather3A_2246, %gather3A_2247, %gather3A_2248] : memref<8x16x128xf32, #tpu.memory_space<vmem>> -> memref<1x16x128xf32, #tpu.memory_space<vmem>>
      %gather3A_2250 = tpu.memref_squeeze %gather3A_2249 : memref<1x16x128xf32, #tpu.memory_space<vmem>> -> memref<16x128xf32, #tpu.memory_space<vmem>>
      %gather3A_2251 = tpu.vector_load_idx %gather3A_2250[%iota3A, %broadcast_in_dim3A_2226] : memref<16x128xf32, #tpu.memory_space<vmem>>[vector<16xi32>, vector<16xi32>], vector<16xf32>,
      %gather3A_2252 = arith.constant 2 : i32
      %gather3A_2253 = arith.constant 0 : i32
      %gather3A_2254 = arith.constant 0 : i32
      %gather3A_2255 = tpu.memref_slice %arg10[%gather3A_2252, %gather3A_2253, %gather3A_2254] : memref<8x16x128xf32, #tpu.memory_space<vmem>> -> memref<1x16x128xf32, #tpu.memory_space<vmem>>
      %gather3A_2256 = tpu.memref_squeeze %gather3A_2255 : memref<1x16x128xf32, #tpu.memory_space<vmem>> -> memref<16x128xf32, #tpu.memory_space<vmem>>
      %gather3A_2257 = tpu.vector_load_idx %gather3A_2256[%iota3A, %broadcast_in_dim3A_2245] : memref<16x128xf32, #tpu.memory_space<vmem>>[vector<16xi32>, vector<16xi32>], vector<16xf32>,
      %add3A_2258 = arith.constant 32 : i32
      %add3A_2259 = vector.broadcast %add3A_2258 : i32 to vector<16xi32>
      %add3A_2260 = arith.addi %add3A_2259, %iota3A : vector<16xi32>
      %mul3A_2261 = arith.mulf %gather3A_2251, %gather3A_2257 : vector<16xf32>
      tpu.vector_store_idx %arg13[%add3A_2260], %mul3A_2261 : memref<256xf32, #tpu.memory_space<vmem>>[vector<16xi32>], vector<16xf32>,
      %slice3A_2262 = vector.extract_strided_slice %sub3A_1840 {offsets = [3], sizes = [1], strides = [1]} : vector<16xi32> to vector<1xi32>
      %squeeze3A_2263 = vector.extract %slice3A_2262[0] : i32 from vector<1xi32>
      %jit3A_2264 = arith.constant 128 : i32
      %eq3A_2265 = arith.constant 0 : i32
      %eq3A_2266 = arith.cmpi eq, %jit3A_2264, %eq3A_2265 : i32
      %jit3A_2267 = arith.constant 1 : i32
      %select_n3A_2268 = arith.select %eq3A_2266, %jit3A_2267, %jit3A_2264 : i32
      %rem3A_2269 = arith.remsi %squeeze3A_2263, %select_n3A_2268 : i32
      %ne3A_2270 = arith.constant 0 : i32
      %ne3A_2271 = arith.cmpi ne, %rem3A_2269, %ne3A_2270 : i32
      %lt3A_2272 = arith.constant 0 : i32
      %lt3A_2273 = arith.cmpi slt, %rem3A_2269, %lt3A_2272 : i32
      %lt3A_2274 = arith.constant 0 : i32
      %lt3A_2275 = arith.cmpi slt, %select_n3A_2268, %lt3A_2274 : i32
      %ne3A_2276 = arith.xori %lt3A_2273, %lt3A_2275 : i1
      %and3A_2277 = arith.andi %ne3A_2276, %ne3A_2271 : i1
      %add3A_2278 = arith.addi %rem3A_2269, %select_n3A_2268 : i32
      %select_n3A_2279 = arith.select %and3A_2277, %add3A_2278, %rem3A_2269 : i32
      %broadcast_in_dim3A_2280 = vector.broadcast %select_n3A_2279 : i32 to vector<16xi32>
      %slice3A_2281 = vector.extract_strided_slice %sub3A_1845 {offsets = [3], sizes = [1], strides = [1]} : vector<16xi32> to vector<1xi32>
      %squeeze3A_2282 = vector.extract %slice3A_2281[0] : i32 from vector<1xi32>
      %jit3A_2283 = arith.constant 128 : i32
      %eq3A_2284 = arith.constant 0 : i32
      %eq3A_2285 = arith.cmpi eq, %jit3A_2283, %eq3A_2284 : i32
      %jit3A_2286 = arith.constant 1 : i32
      %select_n3A_2287 = arith.select %eq3A_2285, %jit3A_2286, %jit3A_2283 : i32
      %rem3A_2288 = arith.remsi %squeeze3A_2282, %select_n3A_2287 : i32
      %ne3A_2289 = arith.constant 0 : i32
      %ne3A_2290 = arith.cmpi ne, %rem3A_2288, %ne3A_2289 : i32
      %lt3A_2291 = arith.constant 0 : i32
      %lt3A_2292 = arith.cmpi slt, %rem3A_2288, %lt3A_2291 : i32
      %lt3A_2293 = arith.constant 0 : i32
      %lt3A_2294 = arith.cmpi slt, %select_n3A_2287, %lt3A_2293 : i32
      %ne3A_2295 = arith.xori %lt3A_2292, %lt3A_2294 : i1
      %and3A_2296 = arith.andi %ne3A_2295, %ne3A_2290 : i1
      %add3A_2297 = arith.addi %rem3A_2288, %select_n3A_2287 : i32
      %select_n3A_2298 = arith.select %and3A_2296, %add3A_2297, %rem3A_2288 : i32
      %broadcast_in_dim3A_2299 = vector.broadcast %select_n3A_2298 : i32 to vector<16xi32>
      %gather3A_2300 = arith.constant 3 : i32
      %gather3A_2301 = arith.constant 0 : i32
      %gather3A_2302 = arith.constant 0 : i32
      %gather3A_2303 = tpu.memref_slice %arg9[%gather3A_2300, %gather3A_2301, %gather3A_2302] : memref<8x16x128xf32, #tpu.memory_space<vmem>> -> memref<1x16x128xf32, #tpu.memory_space<vmem>>
      %gather3A_2304 = tpu.memref_squeeze %gather3A_2303 : memref<1x16x128xf32, #tpu.memory_space<vmem>> -> memref<16x128xf32, #tpu.memory_space<vmem>>
      %gather3A_2305 = tpu.vector_load_idx %gather3A_2304[%iota3A, %broadcast_in_dim3A_2280] : memref<16x128xf32, #tpu.memory_space<vmem>>[vector<16xi32>, vector<16xi32>], vector<16xf32>,
      %gather3A_2306 = arith.constant 3 : i32
      %gather3A_2307 = arith.constant 0 : i32
      %gather3A_2308 = arith.constant 0 : i32
      %gather3A_2309 = tpu.memref_slice %arg10[%gather3A_2306, %gather3A_2307, %gather3A_2308] : memref<8x16x128xf32, #tpu.memory_space<vmem>> -> memref<1x16x128xf32, #tpu.memory_space<vmem>>
      %gather3A_2310 = tpu.memref_squeeze %gather3A_2309 : memref<1x16x128xf32, #tpu.memory_space<vmem>> -> memref<16x128xf32, #tpu.memory_space<vmem>>
      %gather3A_2311 = tpu.vector_load_idx %gather3A_2310[%iota3A, %broadcast_in_dim3A_2299] : memref<16x128xf32, #tpu.memory_space<vmem>>[vector<16xi32>, vector<16xi32>], vector<16xf32>,
      %add3A_2312 = arith.constant 48 : i32
      %add3A_2313 = vector.broadcast %add3A_2312 : i32 to vector<16xi32>
      %add3A_2314 = arith.addi %add3A_2313, %iota3A : vector<16xi32>
      %mul3A_2315 = arith.mulf %gather3A_2305, %gather3A_2311 : vector<16xf32>
      tpu.vector_store_idx %arg13[%add3A_2314], %mul3A_2315 : memref<256xf32, #tpu.memory_space<vmem>>[vector<16xi32>], vector<16xf32>,
      %slice3A_2316 = vector.extract_strided_slice %sub3A_1840 {offsets = [4], sizes = [1], strides = [1]} : vector<16xi32> to vector<1xi32>
      %squeeze3A_2317 = vector.extract %slice3A_2316[0] : i32 from vector<1xi32>
      %jit3A_2318 = arith.constant 128 : i32
      %eq3A_2319 = arith.constant 0 : i32
      %eq3A_2320 = arith.cmpi eq, %jit3A_2318, %eq3A_2319 : i32
      %jit3A_2321 = arith.constant 1 : i32
      %select_n3A_2322 = arith.select %eq3A_2320, %jit3A_2321, %jit3A_2318 : i32
      %rem3A_2323 = arith.remsi %squeeze3A_2317, %select_n3A_2322 : i32
      %ne3A_2324 = arith.constant 0 : i32
      %ne3A_2325 = arith.cmpi ne, %rem3A_2323, %ne3A_2324 : i32
      %lt3A_2326 = arith.constant 0 : i32
      %lt3A_2327 = arith.cmpi slt, %rem3A_2323, %lt3A_2326 : i32
      %lt3A_2328 = arith.constant 0 : i32
      %lt3A_2329 = arith.cmpi slt, %select_n3A_2322, %lt3A_2328 : i32
      %ne3A_2330 = arith.xori %lt3A_2327, %lt3A_2329 : i1
      %and3A_2331 = arith.andi %ne3A_2330, %ne3A_2325 : i1
      %add3A_2332 = arith.addi %rem3A_2323, %select_n3A_2322 : i32
      %select_n3A_2333 = arith.select %and3A_2331, %add3A_2332, %rem3A_2323 : i32
      %broadcast_in_dim3A_2334 = vector.broadcast %select_n3A_2333 : i32 to vector<16xi32>
      %slice3A_2335 = vector.extract_strided_slice %sub3A_1845 {offsets = [4], sizes = [1], strides = [1]} : vector<16xi32> to vector<1xi32>
      %squeeze3A_2336 = vector.extract %slice3A_2335[0] : i32 from vector<1xi32>
      %jit3A_2337 = arith.constant 128 : i32
      %eq3A_2338 = arith.constant 0 : i32
      %eq3A_2339 = arith.cmpi eq, %jit3A_2337, %eq3A_2338 : i32
      %jit3A_2340 = arith.constant 1 : i32
      %select_n3A_2341 = arith.select %eq3A_2339, %jit3A_2340, %jit3A_2337 : i32
      %rem3A_2342 = arith.remsi %squeeze3A_2336, %select_n3A_2341 : i32
      %ne3A_2343 = arith.constant 0 : i32
      %ne3A_2344 = arith.cmpi ne, %rem3A_2342, %ne3A_2343 : i32
      %lt3A_2345 = arith.constant 0 : i32
      %lt3A_2346 = arith.cmpi slt, %rem3A_2342, %lt3A_2345 : i32
      %lt3A_2347 = arith.constant 0 : i32
      %lt3A_2348 = arith.cmpi slt, %select_n3A_2341, %lt3A_2347 : i32
      %ne3A_2349 = arith.xori %lt3A_2346, %lt3A_2348 : i1
      %and3A_2350 = arith.andi %ne3A_2349, %ne3A_2344 : i1
      %add3A_2351 = arith.addi %rem3A_2342, %select_n3A_2341 : i32
      %select_n3A_2352 = arith.select %and3A_2350, %add3A_2351, %rem3A_2342 : i32
      %broadcast_in_dim3A_2353 = vector.broadcast %select_n3A_2352 : i32 to vector<16xi32>
      %gather3A_2354 = arith.constant 4 : i32
      %gather3A_2355 = arith.constant 0 : i32
      %gather3A_2356 = arith.constant 0 : i32
      %gather3A_2357 = tpu.memref_slice %arg9[%gather3A_2354, %gather3A_2355, %gather3A_2356] : memref<8x16x128xf32, #tpu.memory_space<vmem>> -> memref<1x16x128xf32, #tpu.memory_space<vmem>>
      %gather3A_2358 = tpu.memref_squeeze %gather3A_2357 : memref<1x16x128xf32, #tpu.memory_space<vmem>> -> memref<16x128xf32, #tpu.memory_space<vmem>>
      %gather3A_2359 = tpu.vector_load_idx %gather3A_2358[%iota3A, %broadcast_in_dim3A_2334] : memref<16x128xf32, #tpu.memory_space<vmem>>[vector<16xi32>, vector<16xi32>], vector<16xf32>,
      %gather3A_2360 = arith.constant 4 : i32
      %gather3A_2361 = arith.constant 0 : i32
      %gather3A_2362 = arith.constant 0 : i32
      %gather3A_2363 = tpu.memref_slice %arg10[%gather3A_2360, %gather3A_2361, %gather3A_2362] : memref<8x16x128xf32, #tpu.memory_space<vmem>> -> memref<1x16x128xf32, #tpu.memory_space<vmem>>
      %gather3A_2364 = tpu.memref_squeeze %gather3A_2363 : memref<1x16x128xf32, #tpu.memory_space<vmem>> -> memref<16x128xf32, #tpu.memory_space<vmem>>
      %gather3A_2365 = tpu.vector_load_idx %gather3A_2364[%iota3A, %broadcast_in_dim3A_2353] : memref<16x128xf32, #tpu.memory_space<vmem>>[vector<16xi32>, vector<16xi32>], vector<16xf32>,
      %add3A_2366 = arith.constant 64 : i32
      %add3A_2367 = vector.broadcast %add3A_2366 : i32 to vector<16xi32>
      %add3A_2368 = arith.addi %add3A_2367, %iota3A : vector<16xi32>
      %mul3A_2369 = arith.mulf %gather3A_2359, %gather3A_2365 : vector<16xf32>
      tpu.vector_store_idx %arg13[%add3A_2368], %mul3A_2369 : memref<256xf32, #tpu.memory_space<vmem>>[vector<16xi32>], vector<16xf32>,
      %slice3A_2370 = vector.extract_strided_slice %sub3A_1840 {offsets = [5], sizes = [1], strides = [1]} : vector<16xi32> to vector<1xi32>
      %squeeze3A_2371 = vector.extract %slice3A_2370[0] : i32 from vector<1xi32>
      %jit3A_2372 = arith.constant 128 : i32
      %eq3A_2373 = arith.constant 0 : i32
      %eq3A_2374 = arith.cmpi eq, %jit3A_2372, %eq3A_2373 : i32
      %jit3A_2375 = arith.constant 1 : i32
      %select_n3A_2376 = arith.select %eq3A_2374, %jit3A_2375, %jit3A_2372 : i32
      %rem3A_2377 = arith.remsi %squeeze3A_2371, %select_n3A_2376 : i32
      %ne3A_2378 = arith.constant 0 : i32
      %ne3A_2379 = arith.cmpi ne, %rem3A_2377, %ne3A_2378 : i32
      %lt3A_2380 = arith.constant 0 : i32
      %lt3A_2381 = arith.cmpi slt, %rem3A_2377, %lt3A_2380 : i32
      %lt3A_2382 = arith.constant 0 : i32
      %lt3A_2383 = arith.cmpi slt, %select_n3A_2376, %lt3A_2382 : i32
      %ne3A_2384 = arith.xori %lt3A_2381, %lt3A_2383 : i1
      %and3A_2385 = arith.andi %ne3A_2384, %ne3A_2379 : i1
      %add3A_2386 = arith.addi %rem3A_2377, %select_n3A_2376 : i32
      %select_n3A_2387 = arith.select %and3A_2385, %add3A_2386, %rem3A_2377 : i32
      %broadcast_in_dim3A_2388 = vector.broadcast %select_n3A_2387 : i32 to vector<16xi32>
      %slice3A_2389 = vector.extract_strided_slice %sub3A_1845 {offsets = [5], sizes = [1], strides = [1]} : vector<16xi32> to vector<1xi32>
      %squeeze3A_2390 = vector.extract %slice3A_2389[0] : i32 from vector<1xi32>
      %jit3A_2391 = arith.constant 128 : i32
      %eq3A_2392 = arith.constant 0 : i32
      %eq3A_2393 = arith.cmpi eq, %jit3A_2391, %eq3A_2392 : i32
      %jit3A_2394 = arith.constant 1 : i32
      %select_n3A_2395 = arith.select %eq3A_2393, %jit3A_2394, %jit3A_2391 : i32
      %rem3A_2396 = arith.remsi %squeeze3A_2390, %select_n3A_2395 : i32
      %ne3A_2397 = arith.constant 0 : i32
      %ne3A_2398 = arith.cmpi ne, %rem3A_2396, %ne3A_2397 : i32
      %lt3A_2399 = arith.constant 0 : i32
      %lt3A_2400 = arith.cmpi slt, %rem3A_2396, %lt3A_2399 : i32
      %lt3A_2401 = arith.constant 0 : i32
      %lt3A_2402 = arith.cmpi slt, %select_n3A_2395, %lt3A_2401 : i32
      %ne3A_2403 = arith.xori %lt3A_2400, %lt3A_2402 : i1
      %and3A_2404 = arith.andi %ne3A_2403, %ne3A_2398 : i1
      %add3A_2405 = arith.addi %rem3A_2396, %select_n3A_2395 : i32
      %select_n3A_2406 = arith.select %and3A_2404, %add3A_2405, %rem3A_2396 : i32
      %broadcast_in_dim3A_2407 = vector.broadcast %select_n3A_2406 : i32 to vector<16xi32>
      %gather3A_2408 = arith.constant 5 : i32
      %gather3A_2409 = arith.constant 0 : i32
      %gather3A_2410 = arith.constant 0 : i32
      %gather3A_2411 = tpu.memref_slice %arg9[%gather3A_2408, %gather3A_2409, %gather3A_2410] : memref<8x16x128xf32, #tpu.memory_space<vmem>> -> memref<1x16x128xf32, #tpu.memory_space<vmem>>
      %gather3A_2412 = tpu.memref_squeeze %gather3A_2411 : memref<1x16x128xf32, #tpu.memory_space<vmem>> -> memref<16x128xf32, #tpu.memory_space<vmem>>
      %gather3A_2413 = tpu.vector_load_idx %gather3A_2412[%iota3A, %broadcast_in_dim3A_2388] : memref<16x128xf32, #tpu.memory_space<vmem>>[vector<16xi32>, vector<16xi32>], vector<16xf32>,
      %gather3A_2414 = arith.constant 5 : i32
      %gather3A_2415 = arith.constant 0 : i32
      %gather3A_2416 = arith.constant 0 : i32
      %gather3A_2417 = tpu.memref_slice %arg10[%gather3A_2414, %gather3A_2415, %gather3A_2416] : memref<8x16x128xf32, #tpu.memory_space<vmem>> -> memref<1x16x128xf32, #tpu.memory_space<vmem>>
      %gather3A_2418 = tpu.memref_squeeze %gather3A_2417 : memref<1x16x128xf32, #tpu.memory_space<vmem>> -> memref<16x128xf32, #tpu.memory_space<vmem>>
      %gather3A_2419 = tpu.vector_load_idx %gather3A_2418[%iota3A, %broadcast_in_dim3A_2407] : memref<16x128xf32, #tpu.memory_space<vmem>>[vector<16xi32>, vector<16xi32>], vector<16xf32>,
      %add3A_2420 = arith.constant 80 : i32
      %add3A_2421 = vector.broadcast %add3A_2420 : i32 to vector<16xi32>
      %add3A_2422 = arith.addi %add3A_2421, %iota3A : vector<16xi32>
      %mul3A_2423 = arith.mulf %gather3A_2413, %gather3A_2419 : vector<16xf32>
      tpu.vector_store_idx %arg13[%add3A_2422], %mul3A_2423 : memref<256xf32, #tpu.memory_space<vmem>>[vector<16xi32>], vector<16xf32>,
      %slice3A_2424 = vector.extract_strided_slice %sub3A_1840 {offsets = [6], sizes = [1], strides = [1]} : vector<16xi32> to vector<1xi32>
      %squeeze3A_2425 = vector.extract %slice3A_2424[0] : i32 from vector<1xi32>
      %jit3A_2426 = arith.constant 128 : i32
      %eq3A_2427 = arith.constant 0 : i32
      %eq3A_2428 = arith.cmpi eq, %jit3A_2426, %eq3A_2427 : i32
      %jit3A_2429 = arith.constant 1 : i32
      %select_n3A_2430 = arith.select %eq3A_2428, %jit3A_2429, %jit3A_2426 : i32
      %rem3A_2431 = arith.remsi %squeeze3A_2425, %select_n3A_2430 : i32
      %ne3A_2432 = arith.constant 0 : i32
      %ne3A_2433 = arith.cmpi ne, %rem3A_2431, %ne3A_2432 : i32
      %lt3A_2434 = arith.constant 0 : i32
      %lt3A_2435 = arith.cmpi slt, %rem3A_2431, %lt3A_2434 : i32
      %lt3A_2436 = arith.constant 0 : i32
      %lt3A_2437 = arith.cmpi slt, %select_n3A_2430, %lt3A_2436 : i32
      %ne3A_2438 = arith.xori %lt3A_2435, %lt3A_2437 : i1
      %and3A_2439 = arith.andi %ne3A_2438, %ne3A_2433 : i1
      %add3A_2440 = arith.addi %rem3A_2431, %select_n3A_2430 : i32
      %select_n3A_2441 = arith.select %and3A_2439, %add3A_2440, %rem3A_2431 : i32
      %broadcast_in_dim3A_2442 = vector.broadcast %select_n3A_2441 : i32 to vector<16xi32>
      %slice3A_2443 = vector.extract_strided_slice %sub3A_1845 {offsets = [6], sizes = [1], strides = [1]} : vector<16xi32> to vector<1xi32>
      %squeeze3A_2444 = vector.extract %slice3A_2443[0] : i32 from vector<1xi32>
      %jit3A_2445 = arith.constant 128 : i32
      %eq3A_2446 = arith.constant 0 : i32
      %eq3A_2447 = arith.cmpi eq, %jit3A_2445, %eq3A_2446 : i32
      %jit3A_2448 = arith.constant 1 : i32
      %select_n3A_2449 = arith.select %eq3A_2447, %jit3A_2448, %jit3A_2445 : i32
      %rem3A_2450 = arith.remsi %squeeze3A_2444, %select_n3A_2449 : i32
      %ne3A_2451 = arith.constant 0 : i32
      %ne3A_2452 = arith.cmpi ne, %rem3A_2450, %ne3A_2451 : i32
      %lt3A_2453 = arith.constant 0 : i32
      %lt3A_2454 = arith.cmpi slt, %rem3A_2450, %lt3A_2453 : i32
      %lt3A_2455 = arith.constant 0 : i32
      %lt3A_2456 = arith.cmpi slt, %select_n3A_2449, %lt3A_2455 : i32
      %ne3A_2457 = arith.xori %lt3A_2454, %lt3A_2456 : i1
      %and3A_2458 = arith.andi %ne3A_2457, %ne3A_2452 : i1
      %add3A_2459 = arith.addi %rem3A_2450, %select_n3A_2449 : i32
      %select_n3A_2460 = arith.select %and3A_2458, %add3A_2459, %rem3A_2450 : i32
      %broadcast_in_dim3A_2461 = vector.broadcast %select_n3A_2460 : i32 to vector<16xi32>
      %gather3A_2462 = arith.constant 6 : i32
      %gather3A_2463 = arith.constant 0 : i32
      %gather3A_2464 = arith.constant 0 : i32
      %gather3A_2465 = tpu.memref_slice %arg9[%gather3A_2462, %gather3A_2463, %gather3A_2464] : memref<8x16x128xf32, #tpu.memory_space<vmem>> -> memref<1x16x128xf32, #tpu.memory_space<vmem>>
      %gather3A_2466 = tpu.memref_squeeze %gather3A_2465 : memref<1x16x128xf32, #tpu.memory_space<vmem>> -> memref<16x128xf32, #tpu.memory_space<vmem>>
      %gather3A_2467 = tpu.vector_load_idx %gather3A_2466[%iota3A, %broadcast_in_dim3A_2442] : memref<16x128xf32, #tpu.memory_space<vmem>>[vector<16xi32>, vector<16xi32>], vector<16xf32>,
      %gather3A_2468 = arith.constant 6 : i32
      %gather3A_2469 = arith.constant 0 : i32
      %gather3A_2470 = arith.constant 0 : i32
      %gather3A_2471 = tpu.memref_slice %arg10[%gather3A_2468, %gather3A_2469, %gather3A_2470] : memref<8x16x128xf32, #tpu.memory_space<vmem>> -> memref<1x16x128xf32, #tpu.memory_space<vmem>>
      %gather3A_2472 = tpu.memref_squeeze %gather3A_2471 : memref<1x16x128xf32, #tpu.memory_space<vmem>> -> memref<16x128xf32, #tpu.memory_space<vmem>>
      %gather3A_2473 = tpu.vector_load_idx %gather3A_2472[%iota3A, %broadcast_in_dim3A_2461] : memref<16x128xf32, #tpu.memory_space<vmem>>[vector<16xi32>, vector<16xi32>], vector<16xf32>,
      %add3A_2474 = arith.constant 96 : i32
      %add3A_2475 = vector.broadcast %add3A_2474 : i32 to vector<16xi32>
      %add3A_2476 = arith.addi %add3A_2475, %iota3A : vector<16xi32>
      %mul3A_2477 = arith.mulf %gather3A_2467, %gather3A_2473 : vector<16xf32>
      tpu.vector_store_idx %arg13[%add3A_2476], %mul3A_2477 : memref<256xf32, #tpu.memory_space<vmem>>[vector<16xi32>], vector<16xf32>,
      %slice3A_2478 = vector.extract_strided_slice %sub3A_1840 {offsets = [7], sizes = [1], strides = [1]} : vector<16xi32> to vector<1xi32>
      %squeeze3A_2479 = vector.extract %slice3A_2478[0] : i32 from vector<1xi32>
      %jit3A_2480 = arith.constant 128 : i32
      %eq3A_2481 = arith.constant 0 : i32
      %eq3A_2482 = arith.cmpi eq, %jit3A_2480, %eq3A_2481 : i32
      %jit3A_2483 = arith.constant 1 : i32
      %select_n3A_2484 = arith.select %eq3A_2482, %jit3A_2483, %jit3A_2480 : i32
      %rem3A_2485 = arith.remsi %squeeze3A_2479, %select_n3A_2484 : i32
      %ne3A_2486 = arith.constant 0 : i32
      %ne3A_2487 = arith.cmpi ne, %rem3A_2485, %ne3A_2486 : i32
      %lt3A_2488 = arith.constant 0 : i32
      %lt3A_2489 = arith.cmpi slt, %rem3A_2485, %lt3A_2488 : i32
      %lt3A_2490 = arith.constant 0 : i32
      %lt3A_2491 = arith.cmpi slt, %select_n3A_2484, %lt3A_2490 : i32
      %ne3A_2492 = arith.xori %lt3A_2489, %lt3A_2491 : i1
      %and3A_2493 = arith.andi %ne3A_2492, %ne3A_2487 : i1
      %add3A_2494 = arith.addi %rem3A_2485, %select_n3A_2484 : i32
      %select_n3A_2495 = arith.select %and3A_2493, %add3A_2494, %rem3A_2485 : i32
      %broadcast_in_dim3A_2496 = vector.broadcast %select_n3A_2495 : i32 to vector<16xi32>
      %slice3A_2497 = vector.extract_strided_slice %sub3A_1845 {offsets = [7], sizes = [1], strides = [1]} : vector<16xi32> to vector<1xi32>
      %squeeze3A_2498 = vector.extract %slice3A_2497[0] : i32 from vector<1xi32>
      %jit3A_2499 = arith.constant 128 : i32
      %eq3A_2500 = arith.constant 0 : i32
      %eq3A_2501 = arith.cmpi eq, %jit3A_2499, %eq3A_2500 : i32
      %jit3A_2502 = arith.constant 1 : i32
      %select_n3A_2503 = arith.select %eq3A_2501, %jit3A_2502, %jit3A_2499 : i32
      %rem3A_2504 = arith.remsi %squeeze3A_2498, %select_n3A_2503 : i32
      %ne3A_2505 = arith.constant 0 : i32
      %ne3A_2506 = arith.cmpi ne, %rem3A_2504, %ne3A_2505 : i32
      %lt3A_2507 = arith.constant 0 : i32
      %lt3A_2508 = arith.cmpi slt, %rem3A_2504, %lt3A_2507 : i32
      %lt3A_2509 = arith.constant 0 : i32
      %lt3A_2510 = arith.cmpi slt, %select_n3A_2503, %lt3A_2509 : i32
      %ne3A_2511 = arith.xori %lt3A_2508, %lt3A_2510 : i1
      %and3A_2512 = arith.andi %ne3A_2511, %ne3A_2506 : i1
      %add3A_2513 = arith.addi %rem3A_2504, %select_n3A_2503 : i32
      %select_n3A_2514 = arith.select %and3A_2512, %add3A_2513, %rem3A_2504 : i32
      %broadcast_in_dim3A_2515 = vector.broadcast %select_n3A_2514 : i32 to vector<16xi32>
      %gather3A_2516 = arith.constant 7 : i32
      %gather3A_2517 = arith.constant 0 : i32
      %gather3A_2518 = arith.constant 0 : i32
      %gather3A_2519 = tpu.memref_slice %arg9[%gather3A_2516, %gather3A_2517, %gather3A_2518] : memref<8x16x128xf32, #tpu.memory_space<vmem>> -> memref<1x16x128xf32, #tpu.memory_space<vmem>>
      %gather3A_2520 = tpu.memref_squeeze %gather3A_2519 : memref<1x16x128xf32, #tpu.memory_space<vmem>> -> memref<16x128xf32, #tpu.memory_space<vmem>>
      %gather3A_2521 = tpu.vector_load_idx %gather3A_2520[%iota3A, %broadcast_in_dim3A_2496] : memref<16x128xf32, #tpu.memory_space<vmem>>[vector<16xi32>, vector<16xi32>], vector<16xf32>,
      %gather3A_2522 = arith.constant 7 : i32
      %gather3A_2523 = arith.constant 0 : i32
      %gather3A_2524 = arith.constant 0 : i32
      %gather3A_2525 = tpu.memref_slice %arg10[%gather3A_2522, %gather3A_2523, %gather3A_2524] : memref<8x16x128xf32, #tpu.memory_space<vmem>> -> memref<1x16x128xf32, #tpu.memory_space<vmem>>
      %gather3A_2526 = tpu.memref_squeeze %gather3A_2525 : memref<1x16x128xf32, #tpu.memory_space<vmem>> -> memref<16x128xf32, #tpu.memory_space<vmem>>
      %gather3A_2527 = tpu.vector_load_idx %gather3A_2526[%iota3A, %broadcast_in_dim3A_2515] : memref<16x128xf32, #tpu.memory_space<vmem>>[vector<16xi32>, vector<16xi32>], vector<16xf32>,
      %add3A_2528 = arith.constant 112 : i32
      %add3A_2529 = vector.broadcast %add3A_2528 : i32 to vector<16xi32>
      %add3A_2530 = arith.addi %add3A_2529, %iota3A : vector<16xi32>
      %mul3A_2531 = arith.mulf %gather3A_2521, %gather3A_2527 : vector<16xf32>
      tpu.vector_store_idx %arg13[%add3A_2530], %mul3A_2531 : memref<256xf32, #tpu.memory_space<vmem>>[vector<16xi32>], vector<16xf32>,
      %slice3A_2532 = vector.extract_strided_slice %sub3A_1858 {offsets = [0], sizes = [1], strides = [1]} : vector<16xi32> to vector<1xi32>
      %squeeze3A_2533 = vector.extract %slice3A_2532[0] : i32 from vector<1xi32>
      %slice3A_2534 = vector.extract_strided_slice %sub3A_1863 {offsets = [0], sizes = [1], strides = [1]} : vector<16xi32> to vector<1xi32>
      %squeeze3A_2535 = vector.extract %slice3A_2534[0] : i32 from vector<1xi32>
      %jit3A_2536 = arith.constant 128 : i32
      %div3A_2537 = arith.divsi %squeeze3A_2533, %jit3A_2536 : i32
      %sign3A_2538 = arith.constant 0 : i32
      %sign3A_2539 = arith.cmpi sgt, %squeeze3A_2533, %sign3A_2538 : i32
      %sign3A_2540 = arith.extui %sign3A_2539 : i1 to i32
      %sign3A_2541 = arith.constant 0 : i32
      %sign3A_2542 = arith.cmpi slt, %squeeze3A_2533, %sign3A_2541 : i32
      %sign3A_2543 = arith.extui %sign3A_2542 : i1 to i32
      %sign3A_2544 = arith.subi %sign3A_2540, %sign3A_2543 : i32
      %sign3A_2545 = arith.constant 0 : i32
      %sign3A_2546 = arith.cmpi sgt, %jit3A_2536, %sign3A_2545 : i32
      %sign3A_2547 = arith.extui %sign3A_2546 : i1 to i32
      %sign3A_2548 = arith.constant 0 : i32
      %sign3A_2549 = arith.cmpi slt, %jit3A_2536, %sign3A_2548 : i32
      %sign3A_2550 = arith.extui %sign3A_2549 : i1 to i32
      %sign3A_2551 = arith.subi %sign3A_2547, %sign3A_2550 : i32
      %ne3A_2552 = arith.cmpi ne, %sign3A_2544, %sign3A_2551 : i32
      %rem3A_2553 = arith.remsi %squeeze3A_2533, %jit3A_2536 : i32
      %ne3A_2554 = arith.constant 0 : i32
      %ne3A_2555 = arith.cmpi ne, %rem3A_2553, %ne3A_2554 : i32
      %and3A_2556 = arith.andi %ne3A_2552, %ne3A_2555 : i1
      %sub3A_2557 = arith.constant 1 : i32
      %sub3A_2558 = arith.subi %div3A_2537, %sub3A_2557 : i32
      %select_n3A_2559 = arith.select %and3A_2556, %sub3A_2558, %div3A_2537 : i32
      %mul3A_2560 = arith.constant 128 : i32
      %mul3A_2561 = arith.muli %select_n3A_2559, %mul3A_2560 : i32
      %multiple_of3A_2562 = tpu.assume_multiple %mul3A_2561, 128 : i32
      %jit3A_2563 = arith.constant 128 : i32
      %div3A_2564 = arith.divsi %squeeze3A_2535, %jit3A_2563 : i32
      %sign3A_2565 = arith.constant 0 : i32
      %sign3A_2566 = arith.cmpi sgt, %squeeze3A_2535, %sign3A_2565 : i32
      %sign3A_2567 = arith.extui %sign3A_2566 : i1 to i32
      %sign3A_2568 = arith.constant 0 : i32
      %sign3A_2569 = arith.cmpi slt, %squeeze3A_2535, %sign3A_2568 : i32
      %sign3A_2570 = arith.extui %sign3A_2569 : i1 to i32
      %sign3A_2571 = arith.subi %sign3A_2567, %sign3A_2570 : i32
      %sign3A_2572 = arith.constant 0 : i32
      %sign3A_2573 = arith.cmpi sgt, %jit3A_2563, %sign3A_2572 : i32
      %sign3A_2574 = arith.extui %sign3A_2573 : i1 to i32
      %sign3A_2575 = arith.constant 0 : i32
      %sign3A_2576 = arith.cmpi slt, %jit3A_2563, %sign3A_2575 : i32
      %sign3A_2577 = arith.extui %sign3A_2576 : i1 to i32
      %sign3A_2578 = arith.subi %sign3A_2574, %sign3A_2577 : i32
      %ne3A_2579 = arith.cmpi ne, %sign3A_2571, %sign3A_2578 : i32
      %rem3A_2580 = arith.remsi %squeeze3A_2535, %jit3A_2563 : i32
      %ne3A_2581 = arith.constant 0 : i32
      %ne3A_2582 = arith.cmpi ne, %rem3A_2580, %ne3A_2581 : i32
      %and3A_2583 = arith.andi %ne3A_2579, %ne3A_2582 : i1
      %sub3A_2584 = arith.constant 1 : i32
      %sub3A_2585 = arith.subi %div3A_2564, %sub3A_2584 : i32
      %select_n3A_2586 = arith.select %and3A_2583, %sub3A_2585, %div3A_2564 : i32
      %mul3A_2587 = arith.constant 128 : i32
      %mul3A_2588 = arith.muli %select_n3A_2586, %mul3A_2587 : i32
      %multiple_of3A_2589 = tpu.assume_multiple %mul3A_2588, 128 : i32
      %dma_start3A_2590 = arith.constant 0 : i32
      %dma_start3A_2591 = arith.constant 0 : i32
      %dma_start3A_2592 = arith.constant 0 : i32
      %dma_start3A_2593 = tpu.memref_slice %arg9[%dma_start3A_2590, %dma_start3A_2591, %dma_start3A_2592] : memref<8x16x128xf32, #tpu.memory_space<vmem>> -> memref<1x16x128xf32, #tpu.memory_space<vmem>>
      %dma_start3A_2594 = tpu.memref_squeeze %dma_start3A_2593 : memref<1x16x128xf32, #tpu.memory_space<vmem>> -> memref<16x128xf32, #tpu.memory_space<vmem>>
      %dma_start3A_2595 = arith.constant 0 : i32
      %dma_start3A_2596 = tpu.memref_slice %arg4[%dma_start3A_2595, %multiple_of3A_2562] : memref<16x1000000xf32, #tpu.memory_space<hbm>> -> memref<16x128xf32, #tpu.memory_space<hbm>>
      %dma_start3A_2597 = arith.constant 0 : i32
      %dma_start3A_2598 = arith.constant 0 : i32
      %dma_start3A_2599 = tpu.memref_slice %arg9[%dma_start3A_2590, %dma_start3A_2597, %dma_start3A_2598] : memref<8x16x128xf32, #tpu.memory_space<vmem>> -> memref<1x16x128xf32, #tpu.memory_space<vmem>>
      %dma_start3A_2600 = tpu.memref_squeeze %dma_start3A_2599 : memref<1x16x128xf32, #tpu.memory_space<vmem>> -> memref<16x128xf32, #tpu.memory_space<vmem>>
      %dma_start3A_2601 = arith.constant 0 : i32
      %dma_start3A_2602 = tpu.memref_slice %arg4[%dma_start3A_2601, %multiple_of3A_2562] : memref<16x1000000xf32, #tpu.memory_space<hbm>> -> memref<16x128xf32, #tpu.memory_space<hbm>>
      tpu.enqueue_dma source(%dma_start3A_2602 : memref<16x128xf32, #tpu.memory_space<hbm>>) target(%dma_start3A_2600 : memref<16x128xf32, #tpu.memory_space<vmem>>) target_semaphore(%arg15 : memref<!tpu.dma_semaphore, #tpu.memory_space<semaphore_mem>>)
      %dma_start3A_2603 = arith.constant 0 : i32
      %dma_start3A_2604 = arith.constant 0 : i32
      %dma_start3A_2605 = arith.constant 0 : i32
      %dma_start3A_2606 = tpu.memref_slice %arg10[%dma_start3A_2603, %dma_start3A_2604, %dma_start3A_2605] : memref<8x16x128xf32, #tpu.memory_space<vmem>> -> memref<1x16x128xf32, #tpu.memory_space<vmem>>
      %dma_start3A_2607 = tpu.memref_squeeze %dma_start3A_2606 : memref<1x16x128xf32, #tpu.memory_space<vmem>> -> memref<16x128xf32, #tpu.memory_space<vmem>>
      %dma_start3A_2608 = arith.constant 0 : i32
      %dma_start3A_2609 = tpu.memref_slice %arg5[%dma_start3A_2608, %multiple_of3A_2589] : memref<16x1000000xf32, #tpu.memory_space<hbm>> -> memref<16x128xf32, #tpu.memory_space<hbm>>
      %dma_start3A_2610 = arith.constant 0 : i32
      %dma_start3A_2611 = arith.constant 0 : i32
      %dma_start3A_2612 = tpu.memref_slice %arg10[%dma_start3A_2603, %dma_start3A_2610, %dma_start3A_2611] : memref<8x16x128xf32, #tpu.memory_space<vmem>> -> memref<1x16x128xf32, #tpu.memory_space<vmem>>
      %dma_start3A_2613 = tpu.memref_squeeze %dma_start3A_2612 : memref<1x16x128xf32, #tpu.memory_space<vmem>> -> memref<16x128xf32, #tpu.memory_space<vmem>>
      %dma_start3A_2614 = arith.constant 0 : i32
      %dma_start3A_2615 = tpu.memref_slice %arg5[%dma_start3A_2614, %multiple_of3A_2589] : memref<16x1000000xf32, #tpu.memory_space<hbm>> -> memref<16x128xf32, #tpu.memory_space<hbm>>
      tpu.enqueue_dma source(%dma_start3A_2615 : memref<16x128xf32, #tpu.memory_space<hbm>>) target(%dma_start3A_2613 : memref<16x128xf32, #tpu.memory_space<vmem>>) target_semaphore(%arg15 : memref<!tpu.dma_semaphore, #tpu.memory_space<semaphore_mem>>)
      %slice3A_2616 = vector.extract_strided_slice %sub3A_1858 {offsets = [1], sizes = [1], strides = [1]} : vector<16xi32> to vector<1xi32>
      %squeeze3A_2617 = vector.extract %slice3A_2616[0] : i32 from vector<1xi32>
      %slice3A_2618 = vector.extract_strided_slice %sub3A_1863 {offsets = [1], sizes = [1], strides = [1]} : vector<16xi32> to vector<1xi32>
      %squeeze3A_2619 = vector.extract %slice3A_2618[0] : i32 from vector<1xi32>
      %jit3A_2620 = arith.constant 128 : i32
      %div3A_2621 = arith.divsi %squeeze3A_2617, %jit3A_2620 : i32
      %sign3A_2622 = arith.constant 0 : i32
      %sign3A_2623 = arith.cmpi sgt, %squeeze3A_2617, %sign3A_2622 : i32
      %sign3A_2624 = arith.extui %sign3A_2623 : i1 to i32
      %sign3A_2625 = arith.constant 0 : i32
      %sign3A_2626 = arith.cmpi slt, %squeeze3A_2617, %sign3A_2625 : i32
      %sign3A_2627 = arith.extui %sign3A_2626 : i1 to i32
      %sign3A_2628 = arith.subi %sign3A_2624, %sign3A_2627 : i32
      %sign3A_2629 = arith.constant 0 : i32
      %sign3A_2630 = arith.cmpi sgt, %jit3A_2620, %sign3A_2629 : i32
      %sign3A_2631 = arith.extui %sign3A_2630 : i1 to i32
      %sign3A_2632 = arith.constant 0 : i32
      %sign3A_2633 = arith.cmpi slt, %jit3A_2620, %sign3A_2632 : i32
      %sign3A_2634 = arith.extui %sign3A_2633 : i1 to i32
      %sign3A_2635 = arith.subi %sign3A_2631, %sign3A_2634 : i32
      %ne3A_2636 = arith.cmpi ne, %sign3A_2628, %sign3A_2635 : i32
      %rem3A_2637 = arith.remsi %squeeze3A_2617, %jit3A_2620 : i32
      %ne3A_2638 = arith.constant 0 : i32
      %ne3A_2639 = arith.cmpi ne, %rem3A_2637, %ne3A_2638 : i32
      %and3A_2640 = arith.andi %ne3A_2636, %ne3A_2639 : i1
      %sub3A_2641 = arith.constant 1 : i32
      %sub3A_2642 = arith.subi %div3A_2621, %sub3A_2641 : i32
      %select_n3A_2643 = arith.select %and3A_2640, %sub3A_2642, %div3A_2621 : i32
      %mul3A_2644 = arith.constant 128 : i32
      %mul3A_2645 = arith.muli %select_n3A_2643, %mul3A_2644 : i32
      %multiple_of3A_2646 = tpu.assume_multiple %mul3A_2645, 128 : i32
      %jit3A_2647 = arith.constant 128 : i32
      %div3A_2648 = arith.divsi %squeeze3A_2619, %jit3A_2647 : i32
      %sign3A_2649 = arith.constant 0 : i32
      %sign3A_2650 = arith.cmpi sgt, %squeeze3A_2619, %sign3A_2649 : i32
      %sign3A_2651 = arith.extui %sign3A_2650 : i1 to i32
      %sign3A_2652 = arith.constant 0 : i32
      %sign3A_2653 = arith.cmpi slt, %squeeze3A_2619, %sign3A_2652 : i32
      %sign3A_2654 = arith.extui %sign3A_2653 : i1 to i32
      %sign3A_2655 = arith.subi %sign3A_2651, %sign3A_2654 : i32
      %sign3A_2656 = arith.constant 0 : i32
      %sign3A_2657 = arith.cmpi sgt, %jit3A_2647, %sign3A_2656 : i32
      %sign3A_2658 = arith.extui %sign3A_2657 : i1 to i32
      %sign3A_2659 = arith.constant 0 : i32
      %sign3A_2660 = arith.cmpi slt, %jit3A_2647, %sign3A_2659 : i32
      %sign3A_2661 = arith.extui %sign3A_2660 : i1 to i32
      %sign3A_2662 = arith.subi %sign3A_2658, %sign3A_2661 : i32
      %ne3A_2663 = arith.cmpi ne, %sign3A_2655, %sign3A_2662 : i32
      %rem3A_2664 = arith.remsi %squeeze3A_2619, %jit3A_2647 : i32
      %ne3A_2665 = arith.constant 0 : i32
      %ne3A_2666 = arith.cmpi ne, %rem3A_2664, %ne3A_2665 : i32
      %and3A_2667 = arith.andi %ne3A_2663, %ne3A_2666 : i1
      %sub3A_2668 = arith.constant 1 : i32
      %sub3A_2669 = arith.subi %div3A_2648, %sub3A_2668 : i32
      %select_n3A_2670 = arith.select %and3A_2667, %sub3A_2669, %div3A_2648 : i32
      %mul3A_2671 = arith.constant 128 : i32
      %mul3A_2672 = arith.muli %select_n3A_2670, %mul3A_2671 : i32
      %multiple_of3A_2673 = tpu.assume_multiple %mul3A_2672, 128 : i32
      %dma_start3A_2674 = arith.constant 1 : i32
      %dma_start3A_2675 = arith.constant 0 : i32
      %dma_start3A_2676 = arith.constant 0 : i32
      %dma_start3A_2677 = tpu.memref_slice %arg9[%dma_start3A_2674, %dma_start3A_2675, %dma_start3A_2676] : memref<8x16x128xf32, #tpu.memory_space<vmem>> -> memref<1x16x128xf32, #tpu.memory_space<vmem>>
      %dma_start3A_2678 = tpu.memref_squeeze %dma_start3A_2677 : memref<1x16x128xf32, #tpu.memory_space<vmem>> -> memref<16x128xf32, #tpu.memory_space<vmem>>
      %dma_start3A_2679 = arith.constant 0 : i32
      %dma_start3A_2680 = tpu.memref_slice %arg4[%dma_start3A_2679, %multiple_of3A_2646] : memref<16x1000000xf32, #tpu.memory_space<hbm>> -> memref<16x128xf32, #tpu.memory_space<hbm>>
      %dma_start3A_2681 = arith.constant 0 : i32
      %dma_start3A_2682 = arith.constant 0 : i32
      %dma_start3A_2683 = tpu.memref_slice %arg9[%dma_start3A_2674, %dma_start3A_2681, %dma_start3A_2682] : memref<8x16x128xf32, #tpu.memory_space<vmem>> -> memref<1x16x128xf32, #tpu.memory_space<vmem>>
      %dma_start3A_2684 = tpu.memref_squeeze %dma_start3A_2683 : memref<1x16x128xf32, #tpu.memory_space<vmem>> -> memref<16x128xf32, #tpu.memory_space<vmem>>
      %dma_start3A_2685 = arith.constant 0 : i32
      %dma_start3A_2686 = tpu.memref_slice %arg4[%dma_start3A_2685, %multiple_of3A_2646] : memref<16x1000000xf32, #tpu.memory_space<hbm>> -> memref<16x128xf32, #tpu.memory_space<hbm>>
      tpu.enqueue_dma source(%dma_start3A_2686 : memref<16x128xf32, #tpu.memory_space<hbm>>) target(%dma_start3A_2684 : memref<16x128xf32, #tpu.memory_space<vmem>>) target_semaphore(%arg15 : memref<!tpu.dma_semaphore, #tpu.memory_space<semaphore_mem>>)
      %dma_start3A_2687 = arith.constant 1 : i32
      %dma_start3A_2688 = arith.constant 0 : i32
      %dma_start3A_2689 = arith.constant 0 : i32
      %dma_start3A_2690 = tpu.memref_slice %arg10[%dma_start3A_2687, %dma_start3A_2688, %dma_start3A_2689] : memref<8x16x128xf32, #tpu.memory_space<vmem>> -> memref<1x16x128xf32, #tpu.memory_space<vmem>>
      %dma_start3A_2691 = tpu.memref_squeeze %dma_start3A_2690 : memref<1x16x128xf32, #tpu.memory_space<vmem>> -> memref<16x128xf32, #tpu.memory_space<vmem>>
      %dma_start3A_2692 = arith.constant 0 : i32
      %dma_start3A_2693 = tpu.memref_slice %arg5[%dma_start3A_2692, %multiple_of3A_2673] : memref<16x1000000xf32, #tpu.memory_space<hbm>> -> memref<16x128xf32, #tpu.memory_space<hbm>>
      %dma_start3A_2694 = arith.constant 0 : i32
      %dma_start3A_2695 = arith.constant 0 : i32
      %dma_start3A_2696 = tpu.memref_slice %arg10[%dma_start3A_2687, %dma_start3A_2694, %dma_start3A_2695] : memref<8x16x128xf32, #tpu.memory_space<vmem>> -> memref<1x16x128xf32, #tpu.memory_space<vmem>>
      %dma_start3A_2697 = tpu.memref_squeeze %dma_start3A_2696 : memref<1x16x128xf32, #tpu.memory_space<vmem>> -> memref<16x128xf32, #tpu.memory_space<vmem>>
      %dma_start3A_2698 = arith.constant 0 : i32
      %dma_start3A_2699 = tpu.memref_slice %arg5[%dma_start3A_2698, %multiple_of3A_2673] : memref<16x1000000xf32, #tpu.memory_space<hbm>> -> memref<16x128xf32, #tpu.memory_space<hbm>>
      tpu.enqueue_dma source(%dma_start3A_2699 : memref<16x128xf32, #tpu.memory_space<hbm>>) target(%dma_start3A_2697 : memref<16x128xf32, #tpu.memory_space<vmem>>) target_semaphore(%arg15 : memref<!tpu.dma_semaphore, #tpu.memory_space<semaphore_mem>>)
      %slice3A_2700 = vector.extract_strided_slice %sub3A_1858 {offsets = [2], sizes = [1], strides = [1]} : vector<16xi32> to vector<1xi32>
      %squeeze3A_2701 = vector.extract %slice3A_2700[0] : i32 from vector<1xi32>
      %slice3A_2702 = vector.extract_strided_slice %sub3A_1863 {offsets = [2], sizes = [1], strides = [1]} : vector<16xi32> to vector<1xi32>
      %squeeze3A_2703 = vector.extract %slice3A_2702[0] : i32 from vector<1xi32>
      %jit3A_2704 = arith.constant 128 : i32
      %div3A_2705 = arith.divsi %squeeze3A_2701, %jit3A_2704 : i32
      %sign3A_2706 = arith.constant 0 : i32
      %sign3A_2707 = arith.cmpi sgt, %squeeze3A_2701, %sign3A_2706 : i32
      %sign3A_2708 = arith.extui %sign3A_2707 : i1 to i32
      %sign3A_2709 = arith.constant 0 : i32
      %sign3A_2710 = arith.cmpi slt, %squeeze3A_2701, %sign3A_2709 : i32
      %sign3A_2711 = arith.extui %sign3A_2710 : i1 to i32
      %sign3A_2712 = arith.subi %sign3A_2708, %sign3A_2711 : i32
      %sign3A_2713 = arith.constant 0 : i32
      %sign3A_2714 = arith.cmpi sgt, %jit3A_2704, %sign3A_2713 : i32
      %sign3A_2715 = arith.extui %sign3A_2714 : i1 to i32
      %sign3A_2716 = arith.constant 0 : i32
      %sign3A_2717 = arith.cmpi slt, %jit3A_2704, %sign3A_2716 : i32
      %sign3A_2718 = arith.extui %sign3A_2717 : i1 to i32
      %sign3A_2719 = arith.subi %sign3A_2715, %sign3A_2718 : i32
      %ne3A_2720 = arith.cmpi ne, %sign3A_2712, %sign3A_2719 : i32
      %rem3A_2721 = arith.remsi %squeeze3A_2701, %jit3A_2704 : i32
      %ne3A_2722 = arith.constant 0 : i32
      %ne3A_2723 = arith.cmpi ne, %rem3A_2721, %ne3A_2722 : i32
      %and3A_2724 = arith.andi %ne3A_2720, %ne3A_2723 : i1
      %sub3A_2725 = arith.constant 1 : i32
      %sub3A_2726 = arith.subi %div3A_2705, %sub3A_2725 : i32
      %select_n3A_2727 = arith.select %and3A_2724, %sub3A_2726, %div3A_2705 : i32
      %mul3A_2728 = arith.constant 128 : i32
      %mul3A_2729 = arith.muli %select_n3A_2727, %mul3A_2728 : i32
      %multiple_of3A_2730 = tpu.assume_multiple %mul3A_2729, 128 : i32
      %jit3A_2731 = arith.constant 128 : i32
      %div3A_2732 = arith.divsi %squeeze3A_2703, %jit3A_2731 : i32
      %sign3A_2733 = arith.constant 0 : i32
      %sign3A_2734 = arith.cmpi sgt, %squeeze3A_2703, %sign3A_2733 : i32
      %sign3A_2735 = arith.extui %sign3A_2734 : i1 to i32
      %sign3A_2736 = arith.constant 0 : i32
      %sign3A_2737 = arith.cmpi slt, %squeeze3A_2703, %sign3A_2736 : i32
      %sign3A_2738 = arith.extui %sign3A_2737 : i1 to i32
      %sign3A_2739 = arith.subi %sign3A_2735, %sign3A_2738 : i32
      %sign3A_2740 = arith.constant 0 : i32
      %sign3A_2741 = arith.cmpi sgt, %jit3A_2731, %sign3A_2740 : i32
      %sign3A_2742 = arith.extui %sign3A_2741 : i1 to i32
      %sign3A_2743 = arith.constant 0 : i32
      %sign3A_2744 = arith.cmpi slt, %jit3A_2731, %sign3A_2743 : i32
      %sign3A_2745 = arith.extui %sign3A_2744 : i1 to i32
      %sign3A_2746 = arith.subi %sign3A_2742, %sign3A_2745 : i32
      %ne3A_2747 = arith.cmpi ne, %sign3A_2739, %sign3A_2746 : i32
      %rem3A_2748 = arith.remsi %squeeze3A_2703, %jit3A_2731 : i32
      %ne3A_2749 = arith.constant 0 : i32
      %ne3A_2750 = arith.cmpi ne, %rem3A_2748, %ne3A_2749 : i32
      %and3A_2751 = arith.andi %ne3A_2747, %ne3A_2750 : i1
      %sub3A_2752 = arith.constant 1 : i32
      %sub3A_2753 = arith.subi %div3A_2732, %sub3A_2752 : i32
      %select_n3A_2754 = arith.select %and3A_2751, %sub3A_2753, %div3A_2732 : i32
      %mul3A_2755 = arith.constant 128 : i32
      %mul3A_2756 = arith.muli %select_n3A_2754, %mul3A_2755 : i32
      %multiple_of3A_2757 = tpu.assume_multiple %mul3A_2756, 128 : i32
      %dma_start3A_2758 = arith.constant 2 : i32
      %dma_start3A_2759 = arith.constant 0 : i32
      %dma_start3A_2760 = arith.constant 0 : i32
      %dma_start3A_2761 = tpu.memref_slice %arg9[%dma_start3A_2758, %dma_start3A_2759, %dma_start3A_2760] : memref<8x16x128xf32, #tpu.memory_space<vmem>> -> memref<1x16x128xf32, #tpu.memory_space<vmem>>
      %dma_start3A_2762 = tpu.memref_squeeze %dma_start3A_2761 : memref<1x16x128xf32, #tpu.memory_space<vmem>> -> memref<16x128xf32, #tpu.memory_space<vmem>>
      %dma_start3A_2763 = arith.constant 0 : i32
      %dma_start3A_2764 = tpu.memref_slice %arg4[%dma_start3A_2763, %multiple_of3A_2730] : memref<16x1000000xf32, #tpu.memory_space<hbm>> -> memref<16x128xf32, #tpu.memory_space<hbm>>
      %dma_start3A_2765 = arith.constant 0 : i32
      %dma_start3A_2766 = arith.constant 0 : i32
      %dma_start3A_2767 = tpu.memref_slice %arg9[%dma_start3A_2758, %dma_start3A_2765, %dma_start3A_2766] : memref<8x16x128xf32, #tpu.memory_space<vmem>> -> memref<1x16x128xf32, #tpu.memory_space<vmem>>
      %dma_start3A_2768 = tpu.memref_squeeze %dma_start3A_2767 : memref<1x16x128xf32, #tpu.memory_space<vmem>> -> memref<16x128xf32, #tpu.memory_space<vmem>>
      %dma_start3A_2769 = arith.constant 0 : i32
      %dma_start3A_2770 = tpu.memref_slice %arg4[%dma_start3A_2769, %multiple_of3A_2730] : memref<16x1000000xf32, #tpu.memory_space<hbm>> -> memref<16x128xf32, #tpu.memory_space<hbm>>
      tpu.enqueue_dma source(%dma_start3A_2770 : memref<16x128xf32, #tpu.memory_space<hbm>>) target(%dma_start3A_2768 : memref<16x128xf32, #tpu.memory_space<vmem>>) target_semaphore(%arg15 : memref<!tpu.dma_semaphore, #tpu.memory_space<semaphore_mem>>)
      %dma_start3A_2771 = arith.constant 2 : i32
      %dma_start3A_2772 = arith.constant 0 : i32
      %dma_start3A_2773 = arith.constant 0 : i32
      %dma_start3A_2774 = tpu.memref_slice %arg10[%dma_start3A_2771, %dma_start3A_2772, %dma_start3A_2773] : memref<8x16x128xf32, #tpu.memory_space<vmem>> -> memref<1x16x128xf32, #tpu.memory_space<vmem>>
      %dma_start3A_2775 = tpu.memref_squeeze %dma_start3A_2774 : memref<1x16x128xf32, #tpu.memory_space<vmem>> -> memref<16x128xf32, #tpu.memory_space<vmem>>
      %dma_start3A_2776 = arith.constant 0 : i32
      %dma_start3A_2777 = tpu.memref_slice %arg5[%dma_start3A_2776, %multiple_of3A_2757] : memref<16x1000000xf32, #tpu.memory_space<hbm>> -> memref<16x128xf32, #tpu.memory_space<hbm>>
      %dma_start3A_2778 = arith.constant 0 : i32
      %dma_start3A_2779 = arith.constant 0 : i32
      %dma_start3A_2780 = tpu.memref_slice %arg10[%dma_start3A_2771, %dma_start3A_2778, %dma_start3A_2779] : memref<8x16x128xf32, #tpu.memory_space<vmem>> -> memref<1x16x128xf32, #tpu.memory_space<vmem>>
      %dma_start3A_2781 = tpu.memref_squeeze %dma_start3A_2780 : memref<1x16x128xf32, #tpu.memory_space<vmem>> -> memref<16x128xf32, #tpu.memory_space<vmem>>
      %dma_start3A_2782 = arith.constant 0 : i32
      %dma_start3A_2783 = tpu.memref_slice %arg5[%dma_start3A_2782, %multiple_of3A_2757] : memref<16x1000000xf32, #tpu.memory_space<hbm>> -> memref<16x128xf32, #tpu.memory_space<hbm>>
      tpu.enqueue_dma source(%dma_start3A_2783 : memref<16x128xf32, #tpu.memory_space<hbm>>) target(%dma_start3A_2781 : memref<16x128xf32, #tpu.memory_space<vmem>>) target_semaphore(%arg15 : memref<!tpu.dma_semaphore, #tpu.memory_space<semaphore_mem>>)
      %slice3A_2784 = vector.extract_strided_slice %sub3A_1858 {offsets = [3], sizes = [1], strides = [1]} : vector<16xi32> to vector<1xi32>
      %squeeze3A_2785 = vector.extract %slice3A_2784[0] : i32 from vector<1xi32>
      %slice3A_2786 = vector.extract_strided_slice %sub3A_1863 {offsets = [3], sizes = [1], strides = [1]} : vector<16xi32> to vector<1xi32>
      %squeeze3A_2787 = vector.extract %slice3A_2786[0] : i32 from vector<1xi32>
      %jit3A_2788 = arith.constant 128 : i32
      %div3A_2789 = arith.divsi %squeeze3A_2785, %jit3A_2788 : i32
      %sign3A_2790 = arith.constant 0 : i32
      %sign3A_2791 = arith.cmpi sgt, %squeeze3A_2785, %sign3A_2790 : i32
      %sign3A_2792 = arith.extui %sign3A_2791 : i1 to i32
      %sign3A_2793 = arith.constant 0 : i32
      %sign3A_2794 = arith.cmpi slt, %squeeze3A_2785, %sign3A_2793 : i32
      %sign3A_2795 = arith.extui %sign3A_2794 : i1 to i32
      %sign3A_2796 = arith.subi %sign3A_2792, %sign3A_2795 : i32
      %sign3A_2797 = arith.constant 0 : i32
      %sign3A_2798 = arith.cmpi sgt, %jit3A_2788, %sign3A_2797 : i32
      %sign3A_2799 = arith.extui %sign3A_2798 : i1 to i32
      %sign3A_2800 = arith.constant 0 : i32
      %sign3A_2801 = arith.cmpi slt, %jit3A_2788, %sign3A_2800 : i32
      %sign3A_2802 = arith.extui %sign3A_2801 : i1 to i32
      %sign3A_2803 = arith.subi %sign3A_2799, %sign3A_2802 : i32
      %ne3A_2804 = arith.cmpi ne, %sign3A_2796, %sign3A_2803 : i32
      %rem3A_2805 = arith.remsi %squeeze3A_2785, %jit3A_2788 : i32
      %ne3A_2806 = arith.constant 0 : i32
      %ne3A_2807 = arith.cmpi ne, %rem3A_2805, %ne3A_2806 : i32
      %and3A_2808 = arith.andi %ne3A_2804, %ne3A_2807 : i1
      %sub3A_2809 = arith.constant 1 : i32
      %sub3A_2810 = arith.subi %div3A_2789, %sub3A_2809 : i32
      %select_n3A_2811 = arith.select %and3A_2808, %sub3A_2810, %div3A_2789 : i32
      %mul3A_2812 = arith.constant 128 : i32
      %mul3A_2813 = arith.muli %select_n3A_2811, %mul3A_2812 : i32
      %multiple_of3A_2814 = tpu.assume_multiple %mul3A_2813, 128 : i32
      %jit3A_2815 = arith.constant 128 : i32
      %div3A_2816 = arith.divsi %squeeze3A_2787, %jit3A_2815 : i32
      %sign3A_2817 = arith.constant 0 : i32
      %sign3A_2818 = arith.cmpi sgt, %squeeze3A_2787, %sign3A_2817 : i32
      %sign3A_2819 = arith.extui %sign3A_2818 : i1 to i32
      %sign3A_2820 = arith.constant 0 : i32
      %sign3A_2821 = arith.cmpi slt, %squeeze3A_2787, %sign3A_2820 : i32
      %sign3A_2822 = arith.extui %sign3A_2821 : i1 to i32
      %sign3A_2823 = arith.subi %sign3A_2819, %sign3A_2822 : i32
      %sign3A_2824 = arith.constant 0 : i32
      %sign3A_2825 = arith.cmpi sgt, %jit3A_2815, %sign3A_2824 : i32
      %sign3A_2826 = arith.extui %sign3A_2825 : i1 to i32
      %sign3A_2827 = arith.constant 0 : i32
      %sign3A_2828 = arith.cmpi slt, %jit3A_2815, %sign3A_2827 : i32
      %sign3A_2829 = arith.extui %sign3A_2828 : i1 to i32
      %sign3A_2830 = arith.subi %sign3A_2826, %sign3A_2829 : i32
      %ne3A_2831 = arith.cmpi ne, %sign3A_2823, %sign3A_2830 : i32
      %rem3A_2832 = arith.remsi %squeeze3A_2787, %jit3A_2815 : i32
      %ne3A_2833 = arith.constant 0 : i32
      %ne3A_2834 = arith.cmpi ne, %rem3A_2832, %ne3A_2833 : i32
      %and3A_2835 = arith.andi %ne3A_2831, %ne3A_2834 : i1
      %sub3A_2836 = arith.constant 1 : i32
      %sub3A_2837 = arith.subi %div3A_2816, %sub3A_2836 : i32
      %select_n3A_2838 = arith.select %and3A_2835, %sub3A_2837, %div3A_2816 : i32
      %mul3A_2839 = arith.constant 128 : i32
      %mul3A_2840 = arith.muli %select_n3A_2838, %mul3A_2839 : i32
      %multiple_of3A_2841 = tpu.assume_multiple %mul3A_2840, 128 : i32
      %dma_start3A_2842 = arith.constant 3 : i32
      %dma_start3A_2843 = arith.constant 0 : i32
      %dma_start3A_2844 = arith.constant 0 : i32
      %dma_start3A_2845 = tpu.memref_slice %arg9[%dma_start3A_2842, %dma_start3A_2843, %dma_start3A_2844] : memref<8x16x128xf32, #tpu.memory_space<vmem>> -> memref<1x16x128xf32, #tpu.memory_space<vmem>>
      %dma_start3A_2846 = tpu.memref_squeeze %dma_start3A_2845 : memref<1x16x128xf32, #tpu.memory_space<vmem>> -> memref<16x128xf32, #tpu.memory_space<vmem>>
      %dma_start3A_2847 = arith.constant 0 : i32
      %dma_start3A_2848 = tpu.memref_slice %arg4[%dma_start3A_2847, %multiple_of3A_2814] : memref<16x1000000xf32, #tpu.memory_space<hbm>> -> memref<16x128xf32, #tpu.memory_space<hbm>>
      %dma_start3A_2849 = arith.constant 0 : i32
      %dma_start3A_2850 = arith.constant 0 : i32
      %dma_start3A_2851 = tpu.memref_slice %arg9[%dma_start3A_2842, %dma_start3A_2849, %dma_start3A_2850] : memref<8x16x128xf32, #tpu.memory_space<vmem>> -> memref<1x16x128xf32, #tpu.memory_space<vmem>>
      %dma_start3A_2852 = tpu.memref_squeeze %dma_start3A_2851 : memref<1x16x128xf32, #tpu.memory_space<vmem>> -> memref<16x128xf32, #tpu.memory_space<vmem>>
      %dma_start3A_2853 = arith.constant 0 : i32
      %dma_start3A_2854 = tpu.memref_slice %arg4[%dma_start3A_2853, %multiple_of3A_2814] : memref<16x1000000xf32, #tpu.memory_space<hbm>> -> memref<16x128xf32, #tpu.memory_space<hbm>>
      tpu.enqueue_dma source(%dma_start3A_2854 : memref<16x128xf32, #tpu.memory_space<hbm>>) target(%dma_start3A_2852 : memref<16x128xf32, #tpu.memory_space<vmem>>) target_semaphore(%arg15 : memref<!tpu.dma_semaphore, #tpu.memory_space<semaphore_mem>>)
      %dma_start3A_2855 = arith.constant 3 : i32
      %dma_start3A_2856 = arith.constant 0 : i32
      %dma_start3A_2857 = arith.constant 0 : i32
      %dma_start3A_2858 = tpu.memref_slice %arg10[%dma_start3A_2855, %dma_start3A_2856, %dma_start3A_2857] : memref<8x16x128xf32, #tpu.memory_space<vmem>> -> memref<1x16x128xf32, #tpu.memory_space<vmem>>
      %dma_start3A_2859 = tpu.memref_squeeze %dma_start3A_2858 : memref<1x16x128xf32, #tpu.memory_space<vmem>> -> memref<16x128xf32, #tpu.memory_space<vmem>>
      %dma_start3A_2860 = arith.constant 0 : i32
      %dma_start3A_2861 = tpu.memref_slice %arg5[%dma_start3A_2860, %multiple_of3A_2841] : memref<16x1000000xf32, #tpu.memory_space<hbm>> -> memref<16x128xf32, #tpu.memory_space<hbm>>
      %dma_start3A_2862 = arith.constant 0 : i32
      %dma_start3A_2863 = arith.constant 0 : i32
      %dma_start3A_2864 = tpu.memref_slice %arg10[%dma_start3A_2855, %dma_start3A_2862, %dma_start3A_2863] : memref<8x16x128xf32, #tpu.memory_space<vmem>> -> memref<1x16x128xf32, #tpu.memory_space<vmem>>
      %dma_start3A_2865 = tpu.memref_squeeze %dma_start3A_2864 : memref<1x16x128xf32, #tpu.memory_space<vmem>> -> memref<16x128xf32, #tpu.memory_space<vmem>>
      %dma_start3A_2866 = arith.constant 0 : i32
      %dma_start3A_2867 = tpu.memref_slice %arg5[%dma_start3A_2866, %multiple_of3A_2841] : memref<16x1000000xf32, #tpu.memory_space<hbm>> -> memref<16x128xf32, #tpu.memory_space<hbm>>
      tpu.enqueue_dma source(%dma_start3A_2867 : memref<16x128xf32, #tpu.memory_space<hbm>>) target(%dma_start3A_2865 : memref<16x128xf32, #tpu.memory_space<vmem>>) target_semaphore(%arg15 : memref<!tpu.dma_semaphore, #tpu.memory_space<semaphore_mem>>)
      %slice3A_2868 = vector.extract_strided_slice %sub3A_1858 {offsets = [4], sizes = [1], strides = [1]} : vector<16xi32> to vector<1xi32>
      %squeeze3A_2869 = vector.extract %slice3A_2868[0] : i32 from vector<1xi32>
      %slice3A_2870 = vector.extract_strided_slice %sub3A_1863 {offsets = [4], sizes = [1], strides = [1]} : vector<16xi32> to vector<1xi32>
      %squeeze3A_2871 = vector.extract %slice3A_2870[0] : i32 from vector<1xi32>
      %jit3A_2872 = arith.constant 128 : i32
      %div3A_2873 = arith.divsi %squeeze3A_2869, %jit3A_2872 : i32
      %sign3A_2874 = arith.constant 0 : i32
      %sign3A_2875 = arith.cmpi sgt, %squeeze3A_2869, %sign3A_2874 : i32
      %sign3A_2876 = arith.extui %sign3A_2875 : i1 to i32
      %sign3A_2877 = arith.constant 0 : i32
      %sign3A_2878 = arith.cmpi slt, %squeeze3A_2869, %sign3A_2877 : i32
      %sign3A_2879 = arith.extui %sign3A_2878 : i1 to i32
      %sign3A_2880 = arith.subi %sign3A_2876, %sign3A_2879 : i32
      %sign3A_2881 = arith.constant 0 : i32
      %sign3A_2882 = arith.cmpi sgt, %jit3A_2872, %sign3A_2881 : i32
      %sign3A_2883 = arith.extui %sign3A_2882 : i1 to i32
      %sign3A_2884 = arith.constant 0 : i32
      %sign3A_2885 = arith.cmpi slt, %jit3A_2872, %sign3A_2884 : i32
      %sign3A_2886 = arith.extui %sign3A_2885 : i1 to i32
      %sign3A_2887 = arith.subi %sign3A_2883, %sign3A_2886 : i32
      %ne3A_2888 = arith.cmpi ne, %sign3A_2880, %sign3A_2887 : i32
      %rem3A_2889 = arith.remsi %squeeze3A_2869, %jit3A_2872 : i32
      %ne3A_2890 = arith.constant 0 : i32
      %ne3A_2891 = arith.cmpi ne, %rem3A_2889, %ne3A_2890 : i32
      %and3A_2892 = arith.andi %ne3A_2888, %ne3A_2891 : i1
      %sub3A_2893 = arith.constant 1 : i32
      %sub3A_2894 = arith.subi %div3A_2873, %sub3A_2893 : i32
      %select_n3A_2895 = arith.select %and3A_2892, %sub3A_2894, %div3A_2873 : i32
      %mul3A_2896 = arith.constant 128 : i32
      %mul3A_2897 = arith.muli %select_n3A_2895, %mul3A_2896 : i32
      %multiple_of3A_2898 = tpu.assume_multiple %mul3A_2897, 128 : i32
      %jit3A_2899 = arith.constant 128 : i32
      %div3A_2900 = arith.divsi %squeeze3A_2871, %jit3A_2899 : i32
      %sign3A_2901 = arith.constant 0 : i32
      %sign3A_2902 = arith.cmpi sgt, %squeeze3A_2871, %sign3A_2901 : i32
      %sign3A_2903 = arith.extui %sign3A_2902 : i1 to i32
      %sign3A_2904 = arith.constant 0 : i32
      %sign3A_2905 = arith.cmpi slt, %squeeze3A_2871, %sign3A_2904 : i32
      %sign3A_2906 = arith.extui %sign3A_2905 : i1 to i32
      %sign3A_2907 = arith.subi %sign3A_2903, %sign3A_2906 : i32
      %sign3A_2908 = arith.constant 0 : i32
      %sign3A_2909 = arith.cmpi sgt, %jit3A_2899, %sign3A_2908 : i32
      %sign3A_2910 = arith.extui %sign3A_2909 : i1 to i32
      %sign3A_2911 = arith.constant 0 : i32
      %sign3A_2912 = arith.cmpi slt, %jit3A_2899, %sign3A_2911 : i32
      %sign3A_2913 = arith.extui %sign3A_2912 : i1 to i32
      %sign3A_2914 = arith.subi %sign3A_2910, %sign3A_2913 : i32
      %ne3A_2915 = arith.cmpi ne, %sign3A_2907, %sign3A_2914 : i32
      %rem3A_2916 = arith.remsi %squeeze3A_2871, %jit3A_2899 : i32
      %ne3A_2917 = arith.constant 0 : i32
      %ne3A_2918 = arith.cmpi ne, %rem3A_2916, %ne3A_2917 : i32
      %and3A_2919 = arith.andi %ne3A_2915, %ne3A_2918 : i1
      %sub3A_2920 = arith.constant 1 : i32
      %sub3A_2921 = arith.subi %div3A_2900, %sub3A_2920 : i32
      %select_n3A_2922 = arith.select %and3A_2919, %sub3A_2921, %div3A_2900 : i32
      %mul3A_2923 = arith.constant 128 : i32
      %mul3A_2924 = arith.muli %select_n3A_2922, %mul3A_2923 : i32
      %multiple_of3A_2925 = tpu.assume_multiple %mul3A_2924, 128 : i32
      %dma_start3A_2926 = arith.constant 4 : i32
      %dma_start3A_2927 = arith.constant 0 : i32
      %dma_start3A_2928 = arith.constant 0 : i32
      %dma_start3A_2929 = tpu.memref_slice %arg9[%dma_start3A_2926, %dma_start3A_2927, %dma_start3A_2928] : memref<8x16x128xf32, #tpu.memory_space<vmem>> -> memref<1x16x128xf32, #tpu.memory_space<vmem>>
      %dma_start3A_2930 = tpu.memref_squeeze %dma_start3A_2929 : memref<1x16x128xf32, #tpu.memory_space<vmem>> -> memref<16x128xf32, #tpu.memory_space<vmem>>
      %dma_start3A_2931 = arith.constant 0 : i32
      %dma_start3A_2932 = tpu.memref_slice %arg4[%dma_start3A_2931, %multiple_of3A_2898] : memref<16x1000000xf32, #tpu.memory_space<hbm>> -> memref<16x128xf32, #tpu.memory_space<hbm>>
      %dma_start3A_2933 = arith.constant 0 : i32
      %dma_start3A_2934 = arith.constant 0 : i32
      %dma_start3A_2935 = tpu.memref_slice %arg9[%dma_start3A_2926, %dma_start3A_2933, %dma_start3A_2934] : memref<8x16x128xf32, #tpu.memory_space<vmem>> -> memref<1x16x128xf32, #tpu.memory_space<vmem>>
      %dma_start3A_2936 = tpu.memref_squeeze %dma_start3A_2935 : memref<1x16x128xf32, #tpu.memory_space<vmem>> -> memref<16x128xf32, #tpu.memory_space<vmem>>
      %dma_start3A_2937 = arith.constant 0 : i32
      %dma_start3A_2938 = tpu.memref_slice %arg4[%dma_start3A_2937, %multiple_of3A_2898] : memref<16x1000000xf32, #tpu.memory_space<hbm>> -> memref<16x128xf32, #tpu.memory_space<hbm>>
      tpu.enqueue_dma source(%dma_start3A_2938 : memref<16x128xf32, #tpu.memory_space<hbm>>) target(%dma_start3A_2936 : memref<16x128xf32, #tpu.memory_space<vmem>>) target_semaphore(%arg15 : memref<!tpu.dma_semaphore, #tpu.memory_space<semaphore_mem>>)
      %dma_start3A_2939 = arith.constant 4 : i32
      %dma_start3A_2940 = arith.constant 0 : i32
      %dma_start3A_2941 = arith.constant 0 : i32
      %dma_start3A_2942 = tpu.memref_slice %arg10[%dma_start3A_2939, %dma_start3A_2940, %dma_start3A_2941] : memref<8x16x128xf32, #tpu.memory_space<vmem>> -> memref<1x16x128xf32, #tpu.memory_space<vmem>>
      %dma_start3A_2943 = tpu.memref_squeeze %dma_start3A_2942 : memref<1x16x128xf32, #tpu.memory_space<vmem>> -> memref<16x128xf32, #tpu.memory_space<vmem>>
      %dma_start3A_2944 = arith.constant 0 : i32
      %dma_start3A_2945 = tpu.memref_slice %arg5[%dma_start3A_2944, %multiple_of3A_2925] : memref<16x1000000xf32, #tpu.memory_space<hbm>> -> memref<16x128xf32, #tpu.memory_space<hbm>>
      %dma_start3A_2946 = arith.constant 0 : i32
      %dma_start3A_2947 = arith.constant 0 : i32
      %dma_start3A_2948 = tpu.memref_slice %arg10[%dma_start3A_2939, %dma_start3A_2946, %dma_start3A_2947] : memref<8x16x128xf32, #tpu.memory_space<vmem>> -> memref<1x16x128xf32, #tpu.memory_space<vmem>>
      %dma_start3A_2949 = tpu.memref_squeeze %dma_start3A_2948 : memref<1x16x128xf32, #tpu.memory_space<vmem>> -> memref<16x128xf32, #tpu.memory_space<vmem>>
      %dma_start3A_2950 = arith.constant 0 : i32
      %dma_start3A_2951 = tpu.memref_slice %arg5[%dma_start3A_2950, %multiple_of3A_2925] : memref<16x1000000xf32, #tpu.memory_space<hbm>> -> memref<16x128xf32, #tpu.memory_space<hbm>>
      tpu.enqueue_dma source(%dma_start3A_2951 : memref<16x128xf32, #tpu.memory_space<hbm>>) target(%dma_start3A_2949 : memref<16x128xf32, #tpu.memory_space<vmem>>) target_semaphore(%arg15 : memref<!tpu.dma_semaphore, #tpu.memory_space<semaphore_mem>>)
      %slice3A_2952 = vector.extract_strided_slice %sub3A_1858 {offsets = [5], sizes = [1], strides = [1]} : vector<16xi32> to vector<1xi32>
      %squeeze3A_2953 = vector.extract %slice3A_2952[0] : i32 from vector<1xi32>
      %slice3A_2954 = vector.extract_strided_slice %sub3A_1863 {offsets = [5], sizes = [1], strides = [1]} : vector<16xi32> to vector<1xi32>
      %squeeze3A_2955 = vector.extract %slice3A_2954[0] : i32 from vector<1xi32>
      %jit3A_2956 = arith.constant 128 : i32
      %div3A_2957 = arith.divsi %squeeze3A_2953, %jit3A_2956 : i32
      %sign3A_2958 = arith.constant 0 : i32
      %sign3A_2959 = arith.cmpi sgt, %squeeze3A_2953, %sign3A_2958 : i32
      %sign3A_2960 = arith.extui %sign3A_2959 : i1 to i32
      %sign3A_2961 = arith.constant 0 : i32
      %sign3A_2962 = arith.cmpi slt, %squeeze3A_2953, %sign3A_2961 : i32
      %sign3A_2963 = arith.extui %sign3A_2962 : i1 to i32
      %sign3A_2964 = arith.subi %sign3A_2960, %sign3A_2963 : i32
      %sign3A_2965 = arith.constant 0 : i32
      %sign3A_2966 = arith.cmpi sgt, %jit3A_2956, %sign3A_2965 : i32
      %sign3A_2967 = arith.extui %sign3A_2966 : i1 to i32
      %sign3A_2968 = arith.constant 0 : i32
      %sign3A_2969 = arith.cmpi slt, %jit3A_2956, %sign3A_2968 : i32
      %sign3A_2970 = arith.extui %sign3A_2969 : i1 to i32
      %sign3A_2971 = arith.subi %sign3A_2967, %sign3A_2970 : i32
      %ne3A_2972 = arith.cmpi ne, %sign3A_2964, %sign3A_2971 : i32
      %rem3A_2973 = arith.remsi %squeeze3A_2953, %jit3A_2956 : i32
      %ne3A_2974 = arith.constant 0 : i32
      %ne3A_2975 = arith.cmpi ne, %rem3A_2973, %ne3A_2974 : i32
      %and3A_2976 = arith.andi %ne3A_2972, %ne3A_2975 : i1
      %sub3A_2977 = arith.constant 1 : i32
      %sub3A_2978 = arith.subi %div3A_2957, %sub3A_2977 : i32
      %select_n3A_2979 = arith.select %and3A_2976, %sub3A_2978, %div3A_2957 : i32
      %mul3A_2980 = arith.constant 128 : i32
      %mul3A_2981 = arith.muli %select_n3A_2979, %mul3A_2980 : i32
      %multiple_of3A_2982 = tpu.assume_multiple %mul3A_2981, 128 : i32
      %jit3A_2983 = arith.constant 128 : i32
      %div3A_2984 = arith.divsi %squeeze3A_2955, %jit3A_2983 : i32
      %sign3A_2985 = arith.constant 0 : i32
      %sign3A_2986 = arith.cmpi sgt, %squeeze3A_2955, %sign3A_2985 : i32
      %sign3A_2987 = arith.extui %sign3A_2986 : i1 to i32
      %sign3A_2988 = arith.constant 0 : i32
      %sign3A_2989 = arith.cmpi slt, %squeeze3A_2955, %sign3A_2988 : i32
      %sign3A_2990 = arith.extui %sign3A_2989 : i1 to i32
      %sign3A_2991 = arith.subi %sign3A_2987, %sign3A_2990 : i32
      %sign3A_2992 = arith.constant 0 : i32
      %sign3A_2993 = arith.cmpi sgt, %jit3A_2983, %sign3A_2992 : i32
      %sign3A_2994 = arith.extui %sign3A_2993 : i1 to i32
      %sign3A_2995 = arith.constant 0 : i32
      %sign3A_2996 = arith.cmpi slt, %jit3A_2983, %sign3A_2995 : i32
      %sign3A_2997 = arith.extui %sign3A_2996 : i1 to i32
      %sign3A_2998 = arith.subi %sign3A_2994, %sign3A_2997 : i32
      %ne3A_2999 = arith.cmpi ne, %sign3A_2991, %sign3A_2998 : i32
      %rem3A_3000 = arith.remsi %squeeze3A_2955, %jit3A_2983 : i32
      %ne3A_3001 = arith.constant 0 : i32
      %ne3A_3002 = arith.cmpi ne, %rem3A_3000, %ne3A_3001 : i32
      %and3A_3003 = arith.andi %ne3A_2999, %ne3A_3002 : i1
      %sub3A_3004 = arith.constant 1 : i32
      %sub3A_3005 = arith.subi %div3A_2984, %sub3A_3004 : i32
      %select_n3A_3006 = arith.select %and3A_3003, %sub3A_3005, %div3A_2984 : i32
      %mul3A_3007 = arith.constant 128 : i32
      %mul3A_3008 = arith.muli %select_n3A_3006, %mul3A_3007 : i32
      %multiple_of3A_3009 = tpu.assume_multiple %mul3A_3008, 128 : i32
      %dma_start3A_3010 = arith.constant 5 : i32
      %dma_start3A_3011 = arith.constant 0 : i32
      %dma_start3A_3012 = arith.constant 0 : i32
      %dma_start3A_3013 = tpu.memref_slice %arg9[%dma_start3A_3010, %dma_start3A_3011, %dma_start3A_3012] : memref<8x16x128xf32, #tpu.memory_space<vmem>> -> memref<1x16x128xf32, #tpu.memory_space<vmem>>
      %dma_start3A_3014 = tpu.memref_squeeze %dma_start3A_3013 : memref<1x16x128xf32, #tpu.memory_space<vmem>> -> memref<16x128xf32, #tpu.memory_space<vmem>>
      %dma_start3A_3015 = arith.constant 0 : i32
      %dma_start3A_3016 = tpu.memref_slice %arg4[%dma_start3A_3015, %multiple_of3A_2982] : memref<16x1000000xf32, #tpu.memory_space<hbm>> -> memref<16x128xf32, #tpu.memory_space<hbm>>
      %dma_start3A_3017 = arith.constant 0 : i32
      %dma_start3A_3018 = arith.constant 0 : i32
      %dma_start3A_3019 = tpu.memref_slice %arg9[%dma_start3A_3010, %dma_start3A_3017, %dma_start3A_3018] : memref<8x16x128xf32, #tpu.memory_space<vmem>> -> memref<1x16x128xf32, #tpu.memory_space<vmem>>
      %dma_start3A_3020 = tpu.memref_squeeze %dma_start3A_3019 : memref<1x16x128xf32, #tpu.memory_space<vmem>> -> memref<16x128xf32, #tpu.memory_space<vmem>>
      %dma_start3A_3021 = arith.constant 0 : i32
      %dma_start3A_3022 = tpu.memref_slice %arg4[%dma_start3A_3021, %multiple_of3A_2982] : memref<16x1000000xf32, #tpu.memory_space<hbm>> -> memref<16x128xf32, #tpu.memory_space<hbm>>
      tpu.enqueue_dma source(%dma_start3A_3022 : memref<16x128xf32, #tpu.memory_space<hbm>>) target(%dma_start3A_3020 : memref<16x128xf32, #tpu.memory_space<vmem>>) target_semaphore(%arg15 : memref<!tpu.dma_semaphore, #tpu.memory_space<semaphore_mem>>)
      %dma_start3A_3023 = arith.constant 5 : i32
      %dma_start3A_3024 = arith.constant 0 : i32
      %dma_start3A_3025 = arith.constant 0 : i32
      %dma_start3A_3026 = tpu.memref_slice %arg10[%dma_start3A_3023, %dma_start3A_3024, %dma_start3A_3025] : memref<8x16x128xf32, #tpu.memory_space<vmem>> -> memref<1x16x128xf32, #tpu.memory_space<vmem>>
      %dma_start3A_3027 = tpu.memref_squeeze %dma_start3A_3026 : memref<1x16x128xf32, #tpu.memory_space<vmem>> -> memref<16x128xf32, #tpu.memory_space<vmem>>
      %dma_start3A_3028 = arith.constant 0 : i32
      %dma_start3A_3029 = tpu.memref_slice %arg5[%dma_start3A_3028, %multiple_of3A_3009] : memref<16x1000000xf32, #tpu.memory_space<hbm>> -> memref<16x128xf32, #tpu.memory_space<hbm>>
      %dma_start3A_3030 = arith.constant 0 : i32
      %dma_start3A_3031 = arith.constant 0 : i32
      %dma_start3A_3032 = tpu.memref_slice %arg10[%dma_start3A_3023, %dma_start3A_3030, %dma_start3A_3031] : memref<8x16x128xf32, #tpu.memory_space<vmem>> -> memref<1x16x128xf32, #tpu.memory_space<vmem>>
      %dma_start3A_3033 = tpu.memref_squeeze %dma_start3A_3032 : memref<1x16x128xf32, #tpu.memory_space<vmem>> -> memref<16x128xf32, #tpu.memory_space<vmem>>
      %dma_start3A_3034 = arith.constant 0 : i32
      %dma_start3A_3035 = tpu.memref_slice %arg5[%dma_start3A_3034, %multiple_of3A_3009] : memref<16x1000000xf32, #tpu.memory_space<hbm>> -> memref<16x128xf32, #tpu.memory_space<hbm>>
      tpu.enqueue_dma source(%dma_start3A_3035 : memref<16x128xf32, #tpu.memory_space<hbm>>) target(%dma_start3A_3033 : memref<16x128xf32, #tpu.memory_space<vmem>>) target_semaphore(%arg15 : memref<!tpu.dma_semaphore, #tpu.memory_space<semaphore_mem>>)
      %slice3A_3036 = vector.extract_strided_slice %sub3A_1858 {offsets = [6], sizes = [1], strides = [1]} : vector<16xi32> to vector<1xi32>
      %squeeze3A_3037 = vector.extract %slice3A_3036[0] : i32 from vector<1xi32>
      %slice3A_3038 = vector.extract_strided_slice %sub3A_1863 {offsets = [6], sizes = [1], strides = [1]} : vector<16xi32> to vector<1xi32>
      %squeeze3A_3039 = vector.extract %slice3A_3038[0] : i32 from vector<1xi32>
      %jit3A_3040 = arith.constant 128 : i32
      %div3A_3041 = arith.divsi %squeeze3A_3037, %jit3A_3040 : i32
      %sign3A_3042 = arith.constant 0 : i32
      %sign3A_3043 = arith.cmpi sgt, %squeeze3A_3037, %sign3A_3042 : i32
      %sign3A_3044 = arith.extui %sign3A_3043 : i1 to i32
      %sign3A_3045 = arith.constant 0 : i32
      %sign3A_3046 = arith.cmpi slt, %squeeze3A_3037, %sign3A_3045 : i32
      %sign3A_3047 = arith.extui %sign3A_3046 : i1 to i32
      %sign3A_3048 = arith.subi %sign3A_3044, %sign3A_3047 : i32
      %sign3A_3049 = arith.constant 0 : i32
      %sign3A_3050 = arith.cmpi sgt, %jit3A_3040, %sign3A_3049 : i32
      %sign3A_3051 = arith.extui %sign3A_3050 : i1 to i32
      %sign3A_3052 = arith.constant 0 : i32
      %sign3A_3053 = arith.cmpi slt, %jit3A_3040, %sign3A_3052 : i32
      %sign3A_3054 = arith.extui %sign3A_3053 : i1 to i32
      %sign3A_3055 = arith.subi %sign3A_3051, %sign3A_3054 : i32
      %ne3A_3056 = arith.cmpi ne, %sign3A_3048, %sign3A_3055 : i32
      %rem3A_3057 = arith.remsi %squeeze3A_3037, %jit3A_3040 : i32
      %ne3A_3058 = arith.constant 0 : i32
      %ne3A_3059 = arith.cmpi ne, %rem3A_3057, %ne3A_3058 : i32
      %and3A_3060 = arith.andi %ne3A_3056, %ne3A_3059 : i1
      %sub3A_3061 = arith.constant 1 : i32
      %sub3A_3062 = arith.subi %div3A_3041, %sub3A_3061 : i32
      %select_n3A_3063 = arith.select %and3A_3060, %sub3A_3062, %div3A_3041 : i32
      %mul3A_3064 = arith.constant 128 : i32
      %mul3A_3065 = arith.muli %select_n3A_3063, %mul3A_3064 : i32
      %multiple_of3A_3066 = tpu.assume_multiple %mul3A_3065, 128 : i32
      %jit3A_3067 = arith.constant 128 : i32
      %div3A_3068 = arith.divsi %squeeze3A_3039, %jit3A_3067 : i32
      %sign3A_3069 = arith.constant 0 : i32
      %sign3A_3070 = arith.cmpi sgt, %squeeze3A_3039, %sign3A_3069 : i32
      %sign3A_3071 = arith.extui %sign3A_3070 : i1 to i32
      %sign3A_3072 = arith.constant 0 : i32
      %sign3A_3073 = arith.cmpi slt, %squeeze3A_3039, %sign3A_3072 : i32
      %sign3A_3074 = arith.extui %sign3A_3073 : i1 to i32
      %sign3A_3075 = arith.subi %sign3A_3071, %sign3A_3074 : i32
      %sign3A_3076 = arith.constant 0 : i32
      %sign3A_3077 = arith.cmpi sgt, %jit3A_3067, %sign3A_3076 : i32
      %sign3A_3078 = arith.extui %sign3A_3077 : i1 to i32
      %sign3A_3079 = arith.constant 0 : i32
      %sign3A_3080 = arith.cmpi slt, %jit3A_3067, %sign3A_3079 : i32
      %sign3A_3081 = arith.extui %sign3A_3080 : i1 to i32
      %sign3A_3082 = arith.subi %sign3A_3078, %sign3A_3081 : i32
      %ne3A_3083 = arith.cmpi ne, %sign3A_3075, %sign3A_3082 : i32
      %rem3A_3084 = arith.remsi %squeeze3A_3039, %jit3A_3067 : i32
      %ne3A_3085 = arith.constant 0 : i32
      %ne3A_3086 = arith.cmpi ne, %rem3A_3084, %ne3A_3085 : i32
      %and3A_3087 = arith.andi %ne3A_3083, %ne3A_3086 : i1
      %sub3A_3088 = arith.constant 1 : i32
      %sub3A_3089 = arith.subi %div3A_3068, %sub3A_3088 : i32
      %select_n3A_3090 = arith.select %and3A_3087, %sub3A_3089, %div3A_3068 : i32
      %mul3A_3091 = arith.constant 128 : i32
      %mul3A_3092 = arith.muli %select_n3A_3090, %mul3A_3091 : i32
      %multiple_of3A_3093 = tpu.assume_multiple %mul3A_3092, 128 : i32
      %dma_start3A_3094 = arith.constant 6 : i32
      %dma_start3A_3095 = arith.constant 0 : i32
      %dma_start3A_3096 = arith.constant 0 : i32
      %dma_start3A_3097 = tpu.memref_slice %arg9[%dma_start3A_3094, %dma_start3A_3095, %dma_start3A_3096] : memref<8x16x128xf32, #tpu.memory_space<vmem>> -> memref<1x16x128xf32, #tpu.memory_space<vmem>>
      %dma_start3A_3098 = tpu.memref_squeeze %dma_start3A_3097 : memref<1x16x128xf32, #tpu.memory_space<vmem>> -> memref<16x128xf32, #tpu.memory_space<vmem>>
      %dma_start3A_3099 = arith.constant 0 : i32
      %dma_start3A_3100 = tpu.memref_slice %arg4[%dma_start3A_3099, %multiple_of3A_3066] : memref<16x1000000xf32, #tpu.memory_space<hbm>> -> memref<16x128xf32, #tpu.memory_space<hbm>>
      %dma_start3A_3101 = arith.constant 0 : i32
      %dma_start3A_3102 = arith.constant 0 : i32
      %dma_start3A_3103 = tpu.memref_slice %arg9[%dma_start3A_3094, %dma_start3A_3101, %dma_start3A_3102] : memref<8x16x128xf32, #tpu.memory_space<vmem>> -> memref<1x16x128xf32, #tpu.memory_space<vmem>>
      %dma_start3A_3104 = tpu.memref_squeeze %dma_start3A_3103 : memref<1x16x128xf32, #tpu.memory_space<vmem>> -> memref<16x128xf32, #tpu.memory_space<vmem>>
      %dma_start3A_3105 = arith.constant 0 : i32
      %dma_start3A_3106 = tpu.memref_slice %arg4[%dma_start3A_3105, %multiple_of3A_3066] : memref<16x1000000xf32, #tpu.memory_space<hbm>> -> memref<16x128xf32, #tpu.memory_space<hbm>>
      tpu.enqueue_dma source(%dma_start3A_3106 : memref<16x128xf32, #tpu.memory_space<hbm>>) target(%dma_start3A_3104 : memref<16x128xf32, #tpu.memory_space<vmem>>) target_semaphore(%arg15 : memref<!tpu.dma_semaphore, #tpu.memory_space<semaphore_mem>>)
      %dma_start3A_3107 = arith.constant 6 : i32
      %dma_start3A_3108 = arith.constant 0 : i32
      %dma_start3A_3109 = arith.constant 0 : i32
      %dma_start3A_3110 = tpu.memref_slice %arg10[%dma_start3A_3107, %dma_start3A_3108, %dma_start3A_3109] : memref<8x16x128xf32, #tpu.memory_space<vmem>> -> memref<1x16x128xf32, #tpu.memory_space<vmem>>
      %dma_start3A_3111 = tpu.memref_squeeze %dma_start3A_3110 : memref<1x16x128xf32, #tpu.memory_space<vmem>> -> memref<16x128xf32, #tpu.memory_space<vmem>>
      %dma_start3A_3112 = arith.constant 0 : i32
      %dma_start3A_3113 = tpu.memref_slice %arg5[%dma_start3A_3112, %multiple_of3A_3093] : memref<16x1000000xf32, #tpu.memory_space<hbm>> -> memref<16x128xf32, #tpu.memory_space<hbm>>
      %dma_start3A_3114 = arith.constant 0 : i32
      %dma_start3A_3115 = arith.constant 0 : i32
      %dma_start3A_3116 = tpu.memref_slice %arg10[%dma_start3A_3107, %dma_start3A_3114, %dma_start3A_3115] : memref<8x16x128xf32, #tpu.memory_space<vmem>> -> memref<1x16x128xf32, #tpu.memory_space<vmem>>
      %dma_start3A_3117 = tpu.memref_squeeze %dma_start3A_3116 : memref<1x16x128xf32, #tpu.memory_space<vmem>> -> memref<16x128xf32, #tpu.memory_space<vmem>>
      %dma_start3A_3118 = arith.constant 0 : i32
      %dma_start3A_3119 = tpu.memref_slice %arg5[%dma_start3A_3118, %multiple_of3A_3093] : memref<16x1000000xf32, #tpu.memory_space<hbm>> -> memref<16x128xf32, #tpu.memory_space<hbm>>
      tpu.enqueue_dma source(%dma_start3A_3119 : memref<16x128xf32, #tpu.memory_space<hbm>>) target(%dma_start3A_3117 : memref<16x128xf32, #tpu.memory_space<vmem>>) target_semaphore(%arg15 : memref<!tpu.dma_semaphore, #tpu.memory_space<semaphore_mem>>)
      %slice3A_3120 = vector.extract_strided_slice %sub3A_1858 {offsets = [7], sizes = [1], strides = [1]} : vector<16xi32> to vector<1xi32>
      %squeeze3A_3121 = vector.extract %slice3A_3120[0] : i32 from vector<1xi32>
      %slice3A_3122 = vector.extract_strided_slice %sub3A_1863 {offsets = [7], sizes = [1], strides = [1]} : vector<16xi32> to vector<1xi32>
      %squeeze3A_3123 = vector.extract %slice3A_3122[0] : i32 from vector<1xi32>
      %jit3A_3124 = arith.constant 128 : i32
      %div3A_3125 = arith.divsi %squeeze3A_3121, %jit3A_3124 : i32
      %sign3A_3126 = arith.constant 0 : i32
      %sign3A_3127 = arith.cmpi sgt, %squeeze3A_3121, %sign3A_3126 : i32
      %sign3A_3128 = arith.extui %sign3A_3127 : i1 to i32
      %sign3A_3129 = arith.constant 0 : i32
      %sign3A_3130 = arith.cmpi slt, %squeeze3A_3121, %sign3A_3129 : i32
      %sign3A_3131 = arith.extui %sign3A_3130 : i1 to i32
      %sign3A_3132 = arith.subi %sign3A_3128, %sign3A_3131 : i32
      %sign3A_3133 = arith.constant 0 : i32
      %sign3A_3134 = arith.cmpi sgt, %jit3A_3124, %sign3A_3133 : i32
      %sign3A_3135 = arith.extui %sign3A_3134 : i1 to i32
      %sign3A_3136 = arith.constant 0 : i32
      %sign3A_3137 = arith.cmpi slt, %jit3A_3124, %sign3A_3136 : i32
      %sign3A_3138 = arith.extui %sign3A_3137 : i1 to i32
      %sign3A_3139 = arith.subi %sign3A_3135, %sign3A_3138 : i32
      %ne3A_3140 = arith.cmpi ne, %sign3A_3132, %sign3A_3139 : i32
      %rem3A_3141 = arith.remsi %squeeze3A_3121, %jit3A_3124 : i32
      %ne3A_3142 = arith.constant 0 : i32
      %ne3A_3143 = arith.cmpi ne, %rem3A_3141, %ne3A_3142 : i32
      %and3A_3144 = arith.andi %ne3A_3140, %ne3A_3143 : i1
      %sub3A_3145 = arith.constant 1 : i32
      %sub3A_3146 = arith.subi %div3A_3125, %sub3A_3145 : i32
      %select_n3A_3147 = arith.select %and3A_3144, %sub3A_3146, %div3A_3125 : i32
      %mul3A_3148 = arith.constant 128 : i32
      %mul3A_3149 = arith.muli %select_n3A_3147, %mul3A_3148 : i32
      %multiple_of3A_3150 = tpu.assume_multiple %mul3A_3149, 128 : i32
      %jit3A_3151 = arith.constant 128 : i32
      %div3A_3152 = arith.divsi %squeeze3A_3123, %jit3A_3151 : i32
      %sign3A_3153 = arith.constant 0 : i32
      %sign3A_3154 = arith.cmpi sgt, %squeeze3A_3123, %sign3A_3153 : i32
      %sign3A_3155 = arith.extui %sign3A_3154 : i1 to i32
      %sign3A_3156 = arith.constant 0 : i32
      %sign3A_3157 = arith.cmpi slt, %squeeze3A_3123, %sign3A_3156 : i32
      %sign3A_3158 = arith.extui %sign3A_3157 : i1 to i32
      %sign3A_3159 = arith.subi %sign3A_3155, %sign3A_3158 : i32
      %sign3A_3160 = arith.constant 0 : i32
      %sign3A_3161 = arith.cmpi sgt, %jit3A_3151, %sign3A_3160 : i32
      %sign3A_3162 = arith.extui %sign3A_3161 : i1 to i32
      %sign3A_3163 = arith.constant 0 : i32
      %sign3A_3164 = arith.cmpi slt, %jit3A_3151, %sign3A_3163 : i32
      %sign3A_3165 = arith.extui %sign3A_3164 : i1 to i32
      %sign3A_3166 = arith.subi %sign3A_3162, %sign3A_3165 : i32
      %ne3A_3167 = arith.cmpi ne, %sign3A_3159, %sign3A_3166 : i32
      %rem3A_3168 = arith.remsi %squeeze3A_3123, %jit3A_3151 : i32
      %ne3A_3169 = arith.constant 0 : i32
      %ne3A_3170 = arith.cmpi ne, %rem3A_3168, %ne3A_3169 : i32
      %and3A_3171 = arith.andi %ne3A_3167, %ne3A_3170 : i1
      %sub3A_3172 = arith.constant 1 : i32
      %sub3A_3173 = arith.subi %div3A_3152, %sub3A_3172 : i32
      %select_n3A_3174 = arith.select %and3A_3171, %sub3A_3173, %div3A_3152 : i32
      %mul3A_3175 = arith.constant 128 : i32
      %mul3A_3176 = arith.muli %select_n3A_3174, %mul3A_3175 : i32
      %multiple_of3A_3177 = tpu.assume_multiple %mul3A_3176, 128 : i32
      %dma_start3A_3178 = arith.constant 7 : i32
      %dma_start3A_3179 = arith.constant 0 : i32
      %dma_start3A_3180 = arith.constant 0 : i32
      %dma_start3A_3181 = tpu.memref_slice %arg9[%dma_start3A_3178, %dma_start3A_3179, %dma_start3A_3180] : memref<8x16x128xf32, #tpu.memory_space<vmem>> -> memref<1x16x128xf32, #tpu.memory_space<vmem>>
      %dma_start3A_3182 = tpu.memref_squeeze %dma_start3A_3181 : memref<1x16x128xf32, #tpu.memory_space<vmem>> -> memref<16x128xf32, #tpu.memory_space<vmem>>
      %dma_start3A_3183 = arith.constant 0 : i32
      %dma_start3A_3184 = tpu.memref_slice %arg4[%dma_start3A_3183, %multiple_of3A_3150] : memref<16x1000000xf32, #tpu.memory_space<hbm>> -> memref<16x128xf32, #tpu.memory_space<hbm>>
      %dma_start3A_3185 = arith.constant 0 : i32
      %dma_start3A_3186 = arith.constant 0 : i32
      %dma_start3A_3187 = tpu.memref_slice %arg9[%dma_start3A_3178, %dma_start3A_3185, %dma_start3A_3186] : memref<8x16x128xf32, #tpu.memory_space<vmem>> -> memref<1x16x128xf32, #tpu.memory_space<vmem>>
      %dma_start3A_3188 = tpu.memref_squeeze %dma_start3A_3187 : memref<1x16x128xf32, #tpu.memory_space<vmem>> -> memref<16x128xf32, #tpu.memory_space<vmem>>
      %dma_start3A_3189 = arith.constant 0 : i32
      %dma_start3A_3190 = tpu.memref_slice %arg4[%dma_start3A_3189, %multiple_of3A_3150] : memref<16x1000000xf32, #tpu.memory_space<hbm>> -> memref<16x128xf32, #tpu.memory_space<hbm>>
      tpu.enqueue_dma source(%dma_start3A_3190 : memref<16x128xf32, #tpu.memory_space<hbm>>) target(%dma_start3A_3188 : memref<16x128xf32, #tpu.memory_space<vmem>>) target_semaphore(%arg15 : memref<!tpu.dma_semaphore, #tpu.memory_space<semaphore_mem>>)
      %dma_start3A_3191 = arith.constant 7 : i32
      %dma_start3A_3192 = arith.constant 0 : i32
      %dma_start3A_3193 = arith.constant 0 : i32
      %dma_start3A_3194 = tpu.memref_slice %arg10[%dma_start3A_3191, %dma_start3A_3192, %dma_start3A_3193] : memref<8x16x128xf32, #tpu.memory_space<vmem>> -> memref<1x16x128xf32, #tpu.memory_space<vmem>>
      %dma_start3A_3195 = tpu.memref_squeeze %dma_start3A_3194 : memref<1x16x128xf32, #tpu.memory_space<vmem>> -> memref<16x128xf32, #tpu.memory_space<vmem>>
      %dma_start3A_3196 = arith.constant 0 : i32
      %dma_start3A_3197 = tpu.memref_slice %arg5[%dma_start3A_3196, %multiple_of3A_3177] : memref<16x1000000xf32, #tpu.memory_space<hbm>> -> memref<16x128xf32, #tpu.memory_space<hbm>>
      %dma_start3A_3198 = arith.constant 0 : i32
      %dma_start3A_3199 = arith.constant 0 : i32
      %dma_start3A_3200 = tpu.memref_slice %arg10[%dma_start3A_3191, %dma_start3A_3198, %dma_start3A_3199] : memref<8x16x128xf32, #tpu.memory_space<vmem>> -> memref<1x16x128xf32, #tpu.memory_space<vmem>>
      %dma_start3A_3201 = tpu.memref_squeeze %dma_start3A_3200 : memref<1x16x128xf32, #tpu.memory_space<vmem>> -> memref<16x128xf32, #tpu.memory_space<vmem>>
      %dma_start3A_3202 = arith.constant 0 : i32
      %dma_start3A_3203 = tpu.memref_slice %arg5[%dma_start3A_3202, %multiple_of3A_3177] : memref<16x1000000xf32, #tpu.memory_space<hbm>> -> memref<16x128xf32, #tpu.memory_space<hbm>>
      tpu.enqueue_dma source(%dma_start3A_3203 : memref<16x128xf32, #tpu.memory_space<hbm>>) target(%dma_start3A_3201 : memref<16x128xf32, #tpu.memory_space<vmem>>) target_semaphore(%arg15 : memref<!tpu.dma_semaphore, #tpu.memory_space<semaphore_mem>>)
      %dma_wait3A_3204 = arith.constant 0 : i32
      %dma_wait3A_3205 = arith.constant 0 : i32
      %dma_wait3A_3206 = arith.constant 0 : i32
      %dma_wait3A_3207 = tpu.memref_slice %arg11[%dma_wait3A_3204, %dma_wait3A_3205, %dma_wait3A_3206] : memref<8x16x128xf32, #tpu.memory_space<vmem>> -> memref<1x16x128xf32, #tpu.memory_space<vmem>>
      %dma_wait3A_3208 = tpu.memref_squeeze %dma_wait3A_3207 : memref<1x16x128xf32, #tpu.memory_space<vmem>> -> memref<16x128xf32, #tpu.memory_space<vmem>>
      %dma_wait3A_3209 = arith.constant 0 : i32
      %dma_wait3A_3210 = arith.constant 0 : i32
      %dma_wait3A_3211 = tpu.memref_slice %arg4[%dma_wait3A_3209, %dma_wait3A_3210] : memref<16x1000000xf32, #tpu.memory_space<hbm>> -> memref<16x128xf32, #tpu.memory_space<hbm>>
      %dma_wait3A_3212 = arith.constant 0 : i32
      %dma_wait3A_3213 = arith.constant 0 : i32
      %dma_wait3A_3214 = tpu.memref_slice %arg11[%dma_wait3A_3204, %dma_wait3A_3212, %dma_wait3A_3213] : memref<8x16x128xf32, #tpu.memory_space<vmem>> -> memref<1x16x128xf32, #tpu.memory_space<vmem>>
      %dma_wait3A_3215 = tpu.memref_squeeze %dma_wait3A_3214 : memref<1x16x128xf32, #tpu.memory_space<vmem>> -> memref<16x128xf32, #tpu.memory_space<vmem>>
      %dma_wait3A_3216 = arith.constant 0 : i32
      %dma_wait3A_3217 = arith.constant 0 : i32
      %dma_wait3A_3218 = tpu.memref_slice %arg4[%dma_wait3A_3216, %dma_wait3A_3217] : memref<16x1000000xf32, #tpu.memory_space<hbm>> -> memref<16x128xf32, #tpu.memory_space<hbm>>
      tpu.wait_dma2 semaphore(%arg16 : memref<!tpu.dma_semaphore, #tpu.memory_space<semaphore_mem>>) src(%dma_wait3A_3218 : memref<16x128xf32, #tpu.memory_space<hbm>>) dst(%dma_wait3A_3215 : memref<16x128xf32, #tpu.memory_space<vmem>>)
      %dma_wait3A_3219 = arith.constant 0 : i32
      %dma_wait3A_3220 = arith.constant 0 : i32
      %dma_wait3A_3221 = arith.constant 0 : i32
      %dma_wait3A_3222 = tpu.memref_slice %arg12[%dma_wait3A_3219, %dma_wait3A_3220, %dma_wait3A_3221] : memref<8x16x128xf32, #tpu.memory_space<vmem>> -> memref<1x16x128xf32, #tpu.memory_space<vmem>>
      %dma_wait3A_3223 = tpu.memref_squeeze %dma_wait3A_3222 : memref<1x16x128xf32, #tpu.memory_space<vmem>> -> memref<16x128xf32, #tpu.memory_space<vmem>>
      %dma_wait3A_3224 = arith.constant 0 : i32
      %dma_wait3A_3225 = arith.constant 0 : i32
      %dma_wait3A_3226 = tpu.memref_slice %arg5[%dma_wait3A_3224, %dma_wait3A_3225] : memref<16x1000000xf32, #tpu.memory_space<hbm>> -> memref<16x128xf32, #tpu.memory_space<hbm>>
      %dma_wait3A_3227 = arith.constant 0 : i32
      %dma_wait3A_3228 = arith.constant 0 : i32
      %dma_wait3A_3229 = tpu.memref_slice %arg12[%dma_wait3A_3219, %dma_wait3A_3227, %dma_wait3A_3228] : memref<8x16x128xf32, #tpu.memory_space<vmem>> -> memref<1x16x128xf32, #tpu.memory_space<vmem>>
      %dma_wait3A_3230 = tpu.memref_squeeze %dma_wait3A_3229 : memref<1x16x128xf32, #tpu.memory_space<vmem>> -> memref<16x128xf32, #tpu.memory_space<vmem>>
      %dma_wait3A_3231 = arith.constant 0 : i32
      %dma_wait3A_3232 = arith.constant 0 : i32
      %dma_wait3A_3233 = tpu.memref_slice %arg5[%dma_wait3A_3231, %dma_wait3A_3232] : memref<16x1000000xf32, #tpu.memory_space<hbm>> -> memref<16x128xf32, #tpu.memory_space<hbm>>
      tpu.wait_dma2 semaphore(%arg16 : memref<!tpu.dma_semaphore, #tpu.memory_space<semaphore_mem>>) src(%dma_wait3A_3233 : memref<16x128xf32, #tpu.memory_space<hbm>>) dst(%dma_wait3A_3230 : memref<16x128xf32, #tpu.memory_space<vmem>>)
      %dma_wait3A_3234 = arith.constant 1 : i32
      %dma_wait3A_3235 = arith.constant 0 : i32
      %dma_wait3A_3236 = arith.constant 0 : i32
      %dma_wait3A_3237 = tpu.memref_slice %arg11[%dma_wait3A_3234, %dma_wait3A_3235, %dma_wait3A_3236] : memref<8x16x128xf32, #tpu.memory_space<vmem>> -> memref<1x16x128xf32, #tpu.memory_space<vmem>>
      %dma_wait3A_3238 = tpu.memref_squeeze %dma_wait3A_3237 : memref<1x16x128xf32, #tpu.memory_space<vmem>> -> memref<16x128xf32, #tpu.memory_space<vmem>>
      %dma_wait3A_3239 = arith.constant 0 : i32
      %dma_wait3A_3240 = arith.constant 0 : i32
      %dma_wait3A_3241 = tpu.memref_slice %arg4[%dma_wait3A_3239, %dma_wait3A_3240] : memref<16x1000000xf32, #tpu.memory_space<hbm>> -> memref<16x128xf32, #tpu.memory_space<hbm>>
      %dma_wait3A_3242 = arith.constant 0 : i32
      %dma_wait3A_3243 = arith.constant 0 : i32
      %dma_wait3A_3244 = tpu.memref_slice %arg11[%dma_wait3A_3234, %dma_wait3A_3242, %dma_wait3A_3243] : memref<8x16x128xf32, #tpu.memory_space<vmem>> -> memref<1x16x128xf32, #tpu.memory_space<vmem>>
      %dma_wait3A_3245 = tpu.memref_squeeze %dma_wait3A_3244 : memref<1x16x128xf32, #tpu.memory_space<vmem>> -> memref<16x128xf32, #tpu.memory_space<vmem>>
      %dma_wait3A_3246 = arith.constant 0 : i32
      %dma_wait3A_3247 = arith.constant 0 : i32
      %dma_wait3A_3248 = tpu.memref_slice %arg4[%dma_wait3A_3246, %dma_wait3A_3247] : memref<16x1000000xf32, #tpu.memory_space<hbm>> -> memref<16x128xf32, #tpu.memory_space<hbm>>
      tpu.wait_dma2 semaphore(%arg16 : memref<!tpu.dma_semaphore, #tpu.memory_space<semaphore_mem>>) src(%dma_wait3A_3248 : memref<16x128xf32, #tpu.memory_space<hbm>>) dst(%dma_wait3A_3245 : memref<16x128xf32, #tpu.memory_space<vmem>>)
      %dma_wait3A_3249 = arith.constant 1 : i32
      %dma_wait3A_3250 = arith.constant 0 : i32
      %dma_wait3A_3251 = arith.constant 0 : i32
      %dma_wait3A_3252 = tpu.memref_slice %arg12[%dma_wait3A_3249, %dma_wait3A_3250, %dma_wait3A_3251] : memref<8x16x128xf32, #tpu.memory_space<vmem>> -> memref<1x16x128xf32, #tpu.memory_space<vmem>>
      %dma_wait3A_3253 = tpu.memref_squeeze %dma_wait3A_3252 : memref<1x16x128xf32, #tpu.memory_space<vmem>> -> memref<16x128xf32, #tpu.memory_space<vmem>>
      %dma_wait3A_3254 = arith.constant 0 : i32
      %dma_wait3A_3255 = arith.constant 0 : i32
      %dma_wait3A_3256 = tpu.memref_slice %arg5[%dma_wait3A_3254, %dma_wait3A_3255] : memref<16x1000000xf32, #tpu.memory_space<hbm>> -> memref<16x128xf32, #tpu.memory_space<hbm>>
      %dma_wait3A_3257 = arith.constant 0 : i32
      %dma_wait3A_3258 = arith.constant 0 : i32
      %dma_wait3A_3259 = tpu.memref_slice %arg12[%dma_wait3A_3249, %dma_wait3A_3257, %dma_wait3A_3258] : memref<8x16x128xf32, #tpu.memory_space<vmem>> -> memref<1x16x128xf32, #tpu.memory_space<vmem>>
      %dma_wait3A_3260 = tpu.memref_squeeze %dma_wait3A_3259 : memref<1x16x128xf32, #tpu.memory_space<vmem>> -> memref<16x128xf32, #tpu.memory_space<vmem>>
      %dma_wait3A_3261 = arith.constant 0 : i32
      %dma_wait3A_3262 = arith.constant 0 : i32
      %dma_wait3A_3263 = tpu.memref_slice %arg5[%dma_wait3A_3261, %dma_wait3A_3262] : memref<16x1000000xf32, #tpu.memory_space<hbm>> -> memref<16x128xf32, #tpu.memory_space<hbm>>
      tpu.wait_dma2 semaphore(%arg16 : memref<!tpu.dma_semaphore, #tpu.memory_space<semaphore_mem>>) src(%dma_wait3A_3263 : memref<16x128xf32, #tpu.memory_space<hbm>>) dst(%dma_wait3A_3260 : memref<16x128xf32, #tpu.memory_space<vmem>>)
      %dma_wait3A_3264 = arith.constant 2 : i32
      %dma_wait3A_3265 = arith.constant 0 : i32
      %dma_wait3A_3266 = arith.constant 0 : i32
      %dma_wait3A_3267 = tpu.memref_slice %arg11[%dma_wait3A_3264, %dma_wait3A_3265, %dma_wait3A_3266] : memref<8x16x128xf32, #tpu.memory_space<vmem>> -> memref<1x16x128xf32, #tpu.memory_space<vmem>>
      %dma_wait3A_3268 = tpu.memref_squeeze %dma_wait3A_3267 : memref<1x16x128xf32, #tpu.memory_space<vmem>> -> memref<16x128xf32, #tpu.memory_space<vmem>>
      %dma_wait3A_3269 = arith.constant 0 : i32
      %dma_wait3A_3270 = arith.constant 0 : i32
      %dma_wait3A_3271 = tpu.memref_slice %arg4[%dma_wait3A_3269, %dma_wait3A_3270] : memref<16x1000000xf32, #tpu.memory_space<hbm>> -> memref<16x128xf32, #tpu.memory_space<hbm>>
      %dma_wait3A_3272 = arith.constant 0 : i32
      %dma_wait3A_3273 = arith.constant 0 : i32
      %dma_wait3A_3274 = tpu.memref_slice %arg11[%dma_wait3A_3264, %dma_wait3A_3272, %dma_wait3A_3273] : memref<8x16x128xf32, #tpu.memory_space<vmem>> -> memref<1x16x128xf32, #tpu.memory_space<vmem>>
      %dma_wait3A_3275 = tpu.memref_squeeze %dma_wait3A_3274 : memref<1x16x128xf32, #tpu.memory_space<vmem>> -> memref<16x128xf32, #tpu.memory_space<vmem>>
      %dma_wait3A_3276 = arith.constant 0 : i32
      %dma_wait3A_3277 = arith.constant 0 : i32
      %dma_wait3A_3278 = tpu.memref_slice %arg4[%dma_wait3A_3276, %dma_wait3A_3277] : memref<16x1000000xf32, #tpu.memory_space<hbm>> -> memref<16x128xf32, #tpu.memory_space<hbm>>
      tpu.wait_dma2 semaphore(%arg16 : memref<!tpu.dma_semaphore, #tpu.memory_space<semaphore_mem>>) src(%dma_wait3A_3278 : memref<16x128xf32, #tpu.memory_space<hbm>>) dst(%dma_wait3A_3275 : memref<16x128xf32, #tpu.memory_space<vmem>>)
      %dma_wait3A_3279 = arith.constant 2 : i32
      %dma_wait3A_3280 = arith.constant 0 : i32
      %dma_wait3A_3281 = arith.constant 0 : i32
      %dma_wait3A_3282 = tpu.memref_slice %arg12[%dma_wait3A_3279, %dma_wait3A_3280, %dma_wait3A_3281] : memref<8x16x128xf32, #tpu.memory_space<vmem>> -> memref<1x16x128xf32, #tpu.memory_space<vmem>>
      %dma_wait3A_3283 = tpu.memref_squeeze %dma_wait3A_3282 : memref<1x16x128xf32, #tpu.memory_space<vmem>> -> memref<16x128xf32, #tpu.memory_space<vmem>>
      %dma_wait3A_3284 = arith.constant 0 : i32
      %dma_wait3A_3285 = arith.constant 0 : i32
      %dma_wait3A_3286 = tpu.memref_slice %arg5[%dma_wait3A_3284, %dma_wait3A_3285] : memref<16x1000000xf32, #tpu.memory_space<hbm>> -> memref<16x128xf32, #tpu.memory_space<hbm>>
      %dma_wait3A_3287 = arith.constant 0 : i32
      %dma_wait3A_3288 = arith.constant 0 : i32
      %dma_wait3A_3289 = tpu.memref_slice %arg12[%dma_wait3A_3279, %dma_wait3A_3287, %dma_wait3A_3288] : memref<8x16x128xf32, #tpu.memory_space<vmem>> -> memref<1x16x128xf32, #tpu.memory_space<vmem>>
      %dma_wait3A_3290 = tpu.memref_squeeze %dma_wait3A_3289 : memref<1x16x128xf32, #tpu.memory_space<vmem>> -> memref<16x128xf32, #tpu.memory_space<vmem>>
      %dma_wait3A_3291 = arith.constant 0 : i32
      %dma_wait3A_3292 = arith.constant 0 : i32
      %dma_wait3A_3293 = tpu.memref_slice %arg5[%dma_wait3A_3291, %dma_wait3A_3292] : memref<16x1000000xf32, #tpu.memory_space<hbm>> -> memref<16x128xf32, #tpu.memory_space<hbm>>
      tpu.wait_dma2 semaphore(%arg16 : memref<!tpu.dma_semaphore, #tpu.memory_space<semaphore_mem>>) src(%dma_wait3A_3293 : memref<16x128xf32, #tpu.memory_space<hbm>>) dst(%dma_wait3A_3290 : memref<16x128xf32, #tpu.memory_space<vmem>>)
      %dma_wait3A_3294 = arith.constant 3 : i32
      %dma_wait3A_3295 = arith.constant 0 : i32
      %dma_wait3A_3296 = arith.constant 0 : i32
      %dma_wait3A_3297 = tpu.memref_slice %arg11[%dma_wait3A_3294, %dma_wait3A_3295, %dma_wait3A_3296] : memref<8x16x128xf32, #tpu.memory_space<vmem>> -> memref<1x16x128xf32, #tpu.memory_space<vmem>>
      %dma_wait3A_3298 = tpu.memref_squeeze %dma_wait3A_3297 : memref<1x16x128xf32, #tpu.memory_space<vmem>> -> memref<16x128xf32, #tpu.memory_space<vmem>>
      %dma_wait3A_3299 = arith.constant 0 : i32
      %dma_wait3A_3300 = arith.constant 0 : i32
      %dma_wait3A_3301 = tpu.memref_slice %arg4[%dma_wait3A_3299, %dma_wait3A_3300] : memref<16x1000000xf32, #tpu.memory_space<hbm>> -> memref<16x128xf32, #tpu.memory_space<hbm>>
      %dma_wait3A_3302 = arith.constant 0 : i32
      %dma_wait3A_3303 = arith.constant 0 : i32
      %dma_wait3A_3304 = tpu.memref_slice %arg11[%dma_wait3A_3294, %dma_wait3A_3302, %dma_wait3A_3303] : memref<8x16x128xf32, #tpu.memory_space<vmem>> -> memref<1x16x128xf32, #tpu.memory_space<vmem>>
      %dma_wait3A_3305 = tpu.memref_squeeze %dma_wait3A_3304 : memref<1x16x128xf32, #tpu.memory_space<vmem>> -> memref<16x128xf32, #tpu.memory_space<vmem>>
      %dma_wait3A_3306 = arith.constant 0 : i32
      %dma_wait3A_3307 = arith.constant 0 : i32
      %dma_wait3A_3308 = tpu.memref_slice %arg4[%dma_wait3A_3306, %dma_wait3A_3307] : memref<16x1000000xf32, #tpu.memory_space<hbm>> -> memref<16x128xf32, #tpu.memory_space<hbm>>
      tpu.wait_dma2 semaphore(%arg16 : memref<!tpu.dma_semaphore, #tpu.memory_space<semaphore_mem>>) src(%dma_wait3A_3308 : memref<16x128xf32, #tpu.memory_space<hbm>>) dst(%dma_wait3A_3305 : memref<16x128xf32, #tpu.memory_space<vmem>>)
      %dma_wait3A_3309 = arith.constant 3 : i32
      %dma_wait3A_3310 = arith.constant 0 : i32
      %dma_wait3A_3311 = arith.constant 0 : i32
      %dma_wait3A_3312 = tpu.memref_slice %arg12[%dma_wait3A_3309, %dma_wait3A_3310, %dma_wait3A_3311] : memref<8x16x128xf32, #tpu.memory_space<vmem>> -> memref<1x16x128xf32, #tpu.memory_space<vmem>>
      %dma_wait3A_3313 = tpu.memref_squeeze %dma_wait3A_3312 : memref<1x16x128xf32, #tpu.memory_space<vmem>> -> memref<16x128xf32, #tpu.memory_space<vmem>>
      %dma_wait3A_3314 = arith.constant 0 : i32
      %dma_wait3A_3315 = arith.constant 0 : i32
      %dma_wait3A_3316 = tpu.memref_slice %arg5[%dma_wait3A_3314, %dma_wait3A_3315] : memref<16x1000000xf32, #tpu.memory_space<hbm>> -> memref<16x128xf32, #tpu.memory_space<hbm>>
      %dma_wait3A_3317 = arith.constant 0 : i32
      %dma_wait3A_3318 = arith.constant 0 : i32
      %dma_wait3A_3319 = tpu.memref_slice %arg12[%dma_wait3A_3309, %dma_wait3A_3317, %dma_wait3A_3318] : memref<8x16x128xf32, #tpu.memory_space<vmem>> -> memref<1x16x128xf32, #tpu.memory_space<vmem>>
      %dma_wait3A_3320 = tpu.memref_squeeze %dma_wait3A_3319 : memref<1x16x128xf32, #tpu.memory_space<vmem>> -> memref<16x128xf32, #tpu.memory_space<vmem>>
      %dma_wait3A_3321 = arith.constant 0 : i32
      %dma_wait3A_3322 = arith.constant 0 : i32
      %dma_wait3A_3323 = tpu.memref_slice %arg5[%dma_wait3A_3321, %dma_wait3A_3322] : memref<16x1000000xf32, #tpu.memory_space<hbm>> -> memref<16x128xf32, #tpu.memory_space<hbm>>
      tpu.wait_dma2 semaphore(%arg16 : memref<!tpu.dma_semaphore, #tpu.memory_space<semaphore_mem>>) src(%dma_wait3A_3323 : memref<16x128xf32, #tpu.memory_space<hbm>>) dst(%dma_wait3A_3320 : memref<16x128xf32, #tpu.memory_space<vmem>>)
      %dma_wait3A_3324 = arith.constant 4 : i32
      %dma_wait3A_3325 = arith.constant 0 : i32
      %dma_wait3A_3326 = arith.constant 0 : i32
      %dma_wait3A_3327 = tpu.memref_slice %arg11[%dma_wait3A_3324, %dma_wait3A_3325, %dma_wait3A_3326] : memref<8x16x128xf32, #tpu.memory_space<vmem>> -> memref<1x16x128xf32, #tpu.memory_space<vmem>>
      %dma_wait3A_3328 = tpu.memref_squeeze %dma_wait3A_3327 : memref<1x16x128xf32, #tpu.memory_space<vmem>> -> memref<16x128xf32, #tpu.memory_space<vmem>>
      %dma_wait3A_3329 = arith.constant 0 : i32
      %dma_wait3A_3330 = arith.constant 0 : i32
      %dma_wait3A_3331 = tpu.memref_slice %arg4[%dma_wait3A_3329, %dma_wait3A_3330] : memref<16x1000000xf32, #tpu.memory_space<hbm>> -> memref<16x128xf32, #tpu.memory_space<hbm>>
      %dma_wait3A_3332 = arith.constant 0 : i32
      %dma_wait3A_3333 = arith.constant 0 : i32
      %dma_wait3A_3334 = tpu.memref_slice %arg11[%dma_wait3A_3324, %dma_wait3A_3332, %dma_wait3A_3333] : memref<8x16x128xf32, #tpu.memory_space<vmem>> -> memref<1x16x128xf32, #tpu.memory_space<vmem>>
      %dma_wait3A_3335 = tpu.memref_squeeze %dma_wait3A_3334 : memref<1x16x128xf32, #tpu.memory_space<vmem>> -> memref<16x128xf32, #tpu.memory_space<vmem>>
      %dma_wait3A_3336 = arith.constant 0 : i32
      %dma_wait3A_3337 = arith.constant 0 : i32
      %dma_wait3A_3338 = tpu.memref_slice %arg4[%dma_wait3A_3336, %dma_wait3A_3337] : memref<16x1000000xf32, #tpu.memory_space<hbm>> -> memref<16x128xf32, #tpu.memory_space<hbm>>
      tpu.wait_dma2 semaphore(%arg16 : memref<!tpu.dma_semaphore, #tpu.memory_space<semaphore_mem>>) src(%dma_wait3A_3338 : memref<16x128xf32, #tpu.memory_space<hbm>>) dst(%dma_wait3A_3335 : memref<16x128xf32, #tpu.memory_space<vmem>>)
      %dma_wait3A_3339 = arith.constant 4 : i32
      %dma_wait3A_3340 = arith.constant 0 : i32
      %dma_wait3A_3341 = arith.constant 0 : i32
      %dma_wait3A_3342 = tpu.memref_slice %arg12[%dma_wait3A_3339, %dma_wait3A_3340, %dma_wait3A_3341] : memref<8x16x128xf32, #tpu.memory_space<vmem>> -> memref<1x16x128xf32, #tpu.memory_space<vmem>>
      %dma_wait3A_3343 = tpu.memref_squeeze %dma_wait3A_3342 : memref<1x16x128xf32, #tpu.memory_space<vmem>> -> memref<16x128xf32, #tpu.memory_space<vmem>>
      %dma_wait3A_3344 = arith.constant 0 : i32
      %dma_wait3A_3345 = arith.constant 0 : i32
      %dma_wait3A_3346 = tpu.memref_slice %arg5[%dma_wait3A_3344, %dma_wait3A_3345] : memref<16x1000000xf32, #tpu.memory_space<hbm>> -> memref<16x128xf32, #tpu.memory_space<hbm>>
      %dma_wait3A_3347 = arith.constant 0 : i32
      %dma_wait3A_3348 = arith.constant 0 : i32
      %dma_wait3A_3349 = tpu.memref_slice %arg12[%dma_wait3A_3339, %dma_wait3A_3347, %dma_wait3A_3348] : memref<8x16x128xf32, #tpu.memory_space<vmem>> -> memref<1x16x128xf32, #tpu.memory_space<vmem>>
      %dma_wait3A_3350 = tpu.memref_squeeze %dma_wait3A_3349 : memref<1x16x128xf32, #tpu.memory_space<vmem>> -> memref<16x128xf32, #tpu.memory_space<vmem>>
      %dma_wait3A_3351 = arith.constant 0 : i32
      %dma_wait3A_3352 = arith.constant 0 : i32
      %dma_wait3A_3353 = tpu.memref_slice %arg5[%dma_wait3A_3351, %dma_wait3A_3352] : memref<16x1000000xf32, #tpu.memory_space<hbm>> -> memref<16x128xf32, #tpu.memory_space<hbm>>
      tpu.wait_dma2 semaphore(%arg16 : memref<!tpu.dma_semaphore, #tpu.memory_space<semaphore_mem>>) src(%dma_wait3A_3353 : memref<16x128xf32, #tpu.memory_space<hbm>>) dst(%dma_wait3A_3350 : memref<16x128xf32, #tpu.memory_space<vmem>>)
      %dma_wait3A_3354 = arith.constant 5 : i32
      %dma_wait3A_3355 = arith.constant 0 : i32
      %dma_wait3A_3356 = arith.constant 0 : i32
      %dma_wait3A_3357 = tpu.memref_slice %arg11[%dma_wait3A_3354, %dma_wait3A_3355, %dma_wait3A_3356] : memref<8x16x128xf32, #tpu.memory_space<vmem>> -> memref<1x16x128xf32, #tpu.memory_space<vmem>>
      %dma_wait3A_3358 = tpu.memref_squeeze %dma_wait3A_3357 : memref<1x16x128xf32, #tpu.memory_space<vmem>> -> memref<16x128xf32, #tpu.memory_space<vmem>>
      %dma_wait3A_3359 = arith.constant 0 : i32
      %dma_wait3A_3360 = arith.constant 0 : i32
      %dma_wait3A_3361 = tpu.memref_slice %arg4[%dma_wait3A_3359, %dma_wait3A_3360] : memref<16x1000000xf32, #tpu.memory_space<hbm>> -> memref<16x128xf32, #tpu.memory_space<hbm>>
      %dma_wait3A_3362 = arith.constant 0 : i32
      %dma_wait3A_3363 = arith.constant 0 : i32
      %dma_wait3A_3364 = tpu.memref_slice %arg11[%dma_wait3A_3354, %dma_wait3A_3362, %dma_wait3A_3363] : memref<8x16x128xf32, #tpu.memory_space<vmem>> -> memref<1x16x128xf32, #tpu.memory_space<vmem>>
      %dma_wait3A_3365 = tpu.memref_squeeze %dma_wait3A_3364 : memref<1x16x128xf32, #tpu.memory_space<vmem>> -> memref<16x128xf32, #tpu.memory_space<vmem>>
      %dma_wait3A_3366 = arith.constant 0 : i32
      %dma_wait3A_3367 = arith.constant 0 : i32
      %dma_wait3A_3368 = tpu.memref_slice %arg4[%dma_wait3A_3366, %dma_wait3A_3367] : memref<16x1000000xf32, #tpu.memory_space<hbm>> -> memref<16x128xf32, #tpu.memory_space<hbm>>
      tpu.wait_dma2 semaphore(%arg16 : memref<!tpu.dma_semaphore, #tpu.memory_space<semaphore_mem>>) src(%dma_wait3A_3368 : memref<16x128xf32, #tpu.memory_space<hbm>>) dst(%dma_wait3A_3365 : memref<16x128xf32, #tpu.memory_space<vmem>>)
      %dma_wait3A_3369 = arith.constant 5 : i32
      %dma_wait3A_3370 = arith.constant 0 : i32
      %dma_wait3A_3371 = arith.constant 0 : i32
      %dma_wait3A_3372 = tpu.memref_slice %arg12[%dma_wait3A_3369, %dma_wait3A_3370, %dma_wait3A_3371] : memref<8x16x128xf32, #tpu.memory_space<vmem>> -> memref<1x16x128xf32, #tpu.memory_space<vmem>>
      %dma_wait3A_3373 = tpu.memref_squeeze %dma_wait3A_3372 : memref<1x16x128xf32, #tpu.memory_space<vmem>> -> memref<16x128xf32, #tpu.memory_space<vmem>>
      %dma_wait3A_3374 = arith.constant 0 : i32
      %dma_wait3A_3375 = arith.constant 0 : i32
      %dma_wait3A_3376 = tpu.memref_slice %arg5[%dma_wait3A_3374, %dma_wait3A_3375] : memref<16x1000000xf32, #tpu.memory_space<hbm>> -> memref<16x128xf32, #tpu.memory_space<hbm>>
      %dma_wait3A_3377 = arith.constant 0 : i32
      %dma_wait3A_3378 = arith.constant 0 : i32
      %dma_wait3A_3379 = tpu.memref_slice %arg12[%dma_wait3A_3369, %dma_wait3A_3377, %dma_wait3A_3378] : memref<8x16x128xf32, #tpu.memory_space<vmem>> -> memref<1x16x128xf32, #tpu.memory_space<vmem>>
      %dma_wait3A_3380 = tpu.memref_squeeze %dma_wait3A_3379 : memref<1x16x128xf32, #tpu.memory_space<vmem>> -> memref<16x128xf32, #tpu.memory_space<vmem>>
      %dma_wait3A_3381 = arith.constant 0 : i32
      %dma_wait3A_3382 = arith.constant 0 : i32
      %dma_wait3A_3383 = tpu.memref_slice %arg5[%dma_wait3A_3381, %dma_wait3A_3382] : memref<16x1000000xf32, #tpu.memory_space<hbm>> -> memref<16x128xf32, #tpu.memory_space<hbm>>
      tpu.wait_dma2 semaphore(%arg16 : memref<!tpu.dma_semaphore, #tpu.memory_space<semaphore_mem>>) src(%dma_wait3A_3383 : memref<16x128xf32, #tpu.memory_space<hbm>>) dst(%dma_wait3A_3380 : memref<16x128xf32, #tpu.memory_space<vmem>>)
      %dma_wait3A_3384 = arith.constant 6 : i32
      %dma_wait3A_3385 = arith.constant 0 : i32
      %dma_wait3A_3386 = arith.constant 0 : i32
      %dma_wait3A_3387 = tpu.memref_slice %arg11[%dma_wait3A_3384, %dma_wait3A_3385, %dma_wait3A_3386] : memref<8x16x128xf32, #tpu.memory_space<vmem>> -> memref<1x16x128xf32, #tpu.memory_space<vmem>>
      %dma_wait3A_3388 = tpu.memref_squeeze %dma_wait3A_3387 : memref<1x16x128xf32, #tpu.memory_space<vmem>> -> memref<16x128xf32, #tpu.memory_space<vmem>>
      %dma_wait3A_3389 = arith.constant 0 : i32
      %dma_wait3A_3390 = arith.constant 0 : i32
      %dma_wait3A_3391 = tpu.memref_slice %arg4[%dma_wait3A_3389, %dma_wait3A_3390] : memref<16x1000000xf32, #tpu.memory_space<hbm>> -> memref<16x128xf32, #tpu.memory_space<hbm>>
      %dma_wait3A_3392 = arith.constant 0 : i32
      %dma_wait3A_3393 = arith.constant 0 : i32
      %dma_wait3A_3394 = tpu.memref_slice %arg11[%dma_wait3A_3384, %dma_wait3A_3392, %dma_wait3A_3393] : memref<8x16x128xf32, #tpu.memory_space<vmem>> -> memref<1x16x128xf32, #tpu.memory_space<vmem>>
      %dma_wait3A_3395 = tpu.memref_squeeze %dma_wait3A_3394 : memref<1x16x128xf32, #tpu.memory_space<vmem>> -> memref<16x128xf32, #tpu.memory_space<vmem>>
      %dma_wait3A_3396 = arith.constant 0 : i32
      %dma_wait3A_3397 = arith.constant 0 : i32
      %dma_wait3A_3398 = tpu.memref_slice %arg4[%dma_wait3A_3396, %dma_wait3A_3397] : memref<16x1000000xf32, #tpu.memory_space<hbm>> -> memref<16x128xf32, #tpu.memory_space<hbm>>
      tpu.wait_dma2 semaphore(%arg16 : memref<!tpu.dma_semaphore, #tpu.memory_space<semaphore_mem>>) src(%dma_wait3A_3398 : memref<16x128xf32, #tpu.memory_space<hbm>>) dst(%dma_wait3A_3395 : memref<16x128xf32, #tpu.memory_space<vmem>>)
      %dma_wait3A_3399 = arith.constant 6 : i32
      %dma_wait3A_3400 = arith.constant 0 : i32
      %dma_wait3A_3401 = arith.constant 0 : i32
      %dma_wait3A_3402 = tpu.memref_slice %arg12[%dma_wait3A_3399, %dma_wait3A_3400, %dma_wait3A_3401] : memref<8x16x128xf32, #tpu.memory_space<vmem>> -> memref<1x16x128xf32, #tpu.memory_space<vmem>>
      %dma_wait3A_3403 = tpu.memref_squeeze %dma_wait3A_3402 : memref<1x16x128xf32, #tpu.memory_space<vmem>> -> memref<16x128xf32, #tpu.memory_space<vmem>>
      %dma_wait3A_3404 = arith.constant 0 : i32
      %dma_wait3A_3405 = arith.constant 0 : i32
      %dma_wait3A_3406 = tpu.memref_slice %arg5[%dma_wait3A_3404, %dma_wait3A_3405] : memref<16x1000000xf32, #tpu.memory_space<hbm>> -> memref<16x128xf32, #tpu.memory_space<hbm>>
      %dma_wait3A_3407 = arith.constant 0 : i32
      %dma_wait3A_3408 = arith.constant 0 : i32
      %dma_wait3A_3409 = tpu.memref_slice %arg12[%dma_wait3A_3399, %dma_wait3A_3407, %dma_wait3A_3408] : memref<8x16x128xf32, #tpu.memory_space<vmem>> -> memref<1x16x128xf32, #tpu.memory_space<vmem>>
      %dma_wait3A_3410 = tpu.memref_squeeze %dma_wait3A_3409 : memref<1x16x128xf32, #tpu.memory_space<vmem>> -> memref<16x128xf32, #tpu.memory_space<vmem>>
      %dma_wait3A_3411 = arith.constant 0 : i32
      %dma_wait3A_3412 = arith.constant 0 : i32
      %dma_wait3A_3413 = tpu.memref_slice %arg5[%dma_wait3A_3411, %dma_wait3A_3412] : memref<16x1000000xf32, #tpu.memory_space<hbm>> -> memref<16x128xf32, #tpu.memory_space<hbm>>
      tpu.wait_dma2 semaphore(%arg16 : memref<!tpu.dma_semaphore, #tpu.memory_space<semaphore_mem>>) src(%dma_wait3A_3413 : memref<16x128xf32, #tpu.memory_space<hbm>>) dst(%dma_wait3A_3410 : memref<16x128xf32, #tpu.memory_space<vmem>>)
      %dma_wait3A_3414 = arith.constant 7 : i32
      %dma_wait3A_3415 = arith.constant 0 : i32
      %dma_wait3A_3416 = arith.constant 0 : i32
      %dma_wait3A_3417 = tpu.memref_slice %arg11[%dma_wait3A_3414, %dma_wait3A_3415, %dma_wait3A_3416] : memref<8x16x128xf32, #tpu.memory_space<vmem>> -> memref<1x16x128xf32, #tpu.memory_space<vmem>>
      %dma_wait3A_3418 = tpu.memref_squeeze %dma_wait3A_3417 : memref<1x16x128xf32, #tpu.memory_space<vmem>> -> memref<16x128xf32, #tpu.memory_space<vmem>>
      %dma_wait3A_3419 = arith.constant 0 : i32
      %dma_wait3A_3420 = arith.constant 0 : i32
      %dma_wait3A_3421 = tpu.memref_slice %arg4[%dma_wait3A_3419, %dma_wait3A_3420] : memref<16x1000000xf32, #tpu.memory_space<hbm>> -> memref<16x128xf32, #tpu.memory_space<hbm>>
      %dma_wait3A_3422 = arith.constant 0 : i32
      %dma_wait3A_3423 = arith.constant 0 : i32
      %dma_wait3A_3424 = tpu.memref_slice %arg11[%dma_wait3A_3414, %dma_wait3A_3422, %dma_wait3A_3423] : memref<8x16x128xf32, #tpu.memory_space<vmem>> -> memref<1x16x128xf32, #tpu.memory_space<vmem>>
      %dma_wait3A_3425 = tpu.memref_squeeze %dma_wait3A_3424 : memref<1x16x128xf32, #tpu.memory_space<vmem>> -> memref<16x128xf32, #tpu.memory_space<vmem>>
      %dma_wait3A_3426 = arith.constant 0 : i32
      %dma_wait3A_3427 = arith.constant 0 : i32
      %dma_wait3A_3428 = tpu.memref_slice %arg4[%dma_wait3A_3426, %dma_wait3A_3427] : memref<16x1000000xf32, #tpu.memory_space<hbm>> -> memref<16x128xf32, #tpu.memory_space<hbm>>
      tpu.wait_dma2 semaphore(%arg16 : memref<!tpu.dma_semaphore, #tpu.memory_space<semaphore_mem>>) src(%dma_wait3A_3428 : memref<16x128xf32, #tpu.memory_space<hbm>>) dst(%dma_wait3A_3425 : memref<16x128xf32, #tpu.memory_space<vmem>>)
      %dma_wait3A_3429 = arith.constant 7 : i32
      %dma_wait3A_3430 = arith.constant 0 : i32
      %dma_wait3A_3431 = arith.constant 0 : i32
      %dma_wait3A_3432 = tpu.memref_slice %arg12[%dma_wait3A_3429, %dma_wait3A_3430, %dma_wait3A_3431] : memref<8x16x128xf32, #tpu.memory_space<vmem>> -> memref<1x16x128xf32, #tpu.memory_space<vmem>>
      %dma_wait3A_3433 = tpu.memref_squeeze %dma_wait3A_3432 : memref<1x16x128xf32, #tpu.memory_space<vmem>> -> memref<16x128xf32, #tpu.memory_space<vmem>>
      %dma_wait3A_3434 = arith.constant 0 : i32
      %dma_wait3A_3435 = arith.constant 0 : i32
      %dma_wait3A_3436 = tpu.memref_slice %arg5[%dma_wait3A_3434, %dma_wait3A_3435] : memref<16x1000000xf32, #tpu.memory_space<hbm>> -> memref<16x128xf32, #tpu.memory_space<hbm>>
      %dma_wait3A_3437 = arith.constant 0 : i32
      %dma_wait3A_3438 = arith.constant 0 : i32
      %dma_wait3A_3439 = tpu.memref_slice %arg12[%dma_wait3A_3429, %dma_wait3A_3437, %dma_wait3A_3438] : memref<8x16x128xf32, #tpu.memory_space<vmem>> -> memref<1x16x128xf32, #tpu.memory_space<vmem>>
      %dma_wait3A_3440 = tpu.memref_squeeze %dma_wait3A_3439 : memref<1x16x128xf32, #tpu.memory_space<vmem>> -> memref<16x128xf32, #tpu.memory_space<vmem>>
      %dma_wait3A_3441 = arith.constant 0 : i32
      %dma_wait3A_3442 = arith.constant 0 : i32
      %dma_wait3A_3443 = tpu.memref_slice %arg5[%dma_wait3A_3441, %dma_wait3A_3442] : memref<16x1000000xf32, #tpu.memory_space<hbm>> -> memref<16x128xf32, #tpu.memory_space<hbm>>
      tpu.wait_dma2 semaphore(%arg16 : memref<!tpu.dma_semaphore, #tpu.memory_space<semaphore_mem>>) src(%dma_wait3A_3443 : memref<16x128xf32, #tpu.memory_space<hbm>>) dst(%dma_wait3A_3440 : memref<16x128xf32, #tpu.memory_space<vmem>>)
      %slice3A_3444 = vector.extract_strided_slice %sub3A_1840 {offsets = [8], sizes = [1], strides = [1]} : vector<16xi32> to vector<1xi32>
      %squeeze3A_3445 = vector.extract %slice3A_3444[0] : i32 from vector<1xi32>
      %jit3A_3446 = arith.constant 128 : i32
      %eq3A_3447 = arith.constant 0 : i32
      %eq3A_3448 = arith.cmpi eq, %jit3A_3446, %eq3A_3447 : i32
      %jit3A_3449 = arith.constant 1 : i32
      %select_n3A_3450 = arith.select %eq3A_3448, %jit3A_3449, %jit3A_3446 : i32
      %rem3A_3451 = arith.remsi %squeeze3A_3445, %select_n3A_3450 : i32
      %ne3A_3452 = arith.constant 0 : i32
      %ne3A_3453 = arith.cmpi ne, %rem3A_3451, %ne3A_3452 : i32
      %lt3A_3454 = arith.constant 0 : i32
      %lt3A_3455 = arith.cmpi slt, %rem3A_3451, %lt3A_3454 : i32
      %lt3A_3456 = arith.constant 0 : i32
      %lt3A_3457 = arith.cmpi slt, %select_n3A_3450, %lt3A_3456 : i32
      %ne3A_3458 = arith.xori %lt3A_3455, %lt3A_3457 : i1
      %and3A_3459 = arith.andi %ne3A_3458, %ne3A_3453 : i1
      %add3A_3460 = arith.addi %rem3A_3451, %select_n3A_3450 : i32
      %select_n3A_3461 = arith.select %and3A_3459, %add3A_3460, %rem3A_3451 : i32
      %broadcast_in_dim3A_3462 = vector.broadcast %select_n3A_3461 : i32 to vector<16xi32>
      %slice3A_3463 = vector.extract_strided_slice %sub3A_1845 {offsets = [8], sizes = [1], strides = [1]} : vector<16xi32> to vector<1xi32>
      %squeeze3A_3464 = vector.extract %slice3A_3463[0] : i32 from vector<1xi32>
      %jit3A_3465 = arith.constant 128 : i32
      %eq3A_3466 = arith.constant 0 : i32
      %eq3A_3467 = arith.cmpi eq, %jit3A_3465, %eq3A_3466 : i32
      %jit3A_3468 = arith.constant 1 : i32
      %select_n3A_3469 = arith.select %eq3A_3467, %jit3A_3468, %jit3A_3465 : i32
      %rem3A_3470 = arith.remsi %squeeze3A_3464, %select_n3A_3469 : i32
      %ne3A_3471 = arith.constant 0 : i32
      %ne3A_3472 = arith.cmpi ne, %rem3A_3470, %ne3A_3471 : i32
      %lt3A_3473 = arith.constant 0 : i32
      %lt3A_3474 = arith.cmpi slt, %rem3A_3470, %lt3A_3473 : i32
      %lt3A_3475 = arith.constant 0 : i32
      %lt3A_3476 = arith.cmpi slt, %select_n3A_3469, %lt3A_3475 : i32
      %ne3A_3477 = arith.xori %lt3A_3474, %lt3A_3476 : i1
      %and3A_3478 = arith.andi %ne3A_3477, %ne3A_3472 : i1
      %add3A_3479 = arith.addi %rem3A_3470, %select_n3A_3469 : i32
      %select_n3A_3480 = arith.select %and3A_3478, %add3A_3479, %rem3A_3470 : i32
      %broadcast_in_dim3A_3481 = vector.broadcast %select_n3A_3480 : i32 to vector<16xi32>
      %gather3A_3482 = arith.constant 0 : i32
      %gather3A_3483 = arith.constant 0 : i32
      %gather3A_3484 = arith.constant 0 : i32
      %gather3A_3485 = tpu.memref_slice %arg11[%gather3A_3482, %gather3A_3483, %gather3A_3484] : memref<8x16x128xf32, #tpu.memory_space<vmem>> -> memref<1x16x128xf32, #tpu.memory_space<vmem>>
      %gather3A_3486 = tpu.memref_squeeze %gather3A_3485 : memref<1x16x128xf32, #tpu.memory_space<vmem>> -> memref<16x128xf32, #tpu.memory_space<vmem>>
      %gather3A_3487 = tpu.vector_load_idx %gather3A_3486[%iota3A, %broadcast_in_dim3A_3462] : memref<16x128xf32, #tpu.memory_space<vmem>>[vector<16xi32>, vector<16xi32>], vector<16xf32>,
      %gather3A_3488 = arith.constant 0 : i32
      %gather3A_3489 = arith.constant 0 : i32
      %gather3A_3490 = arith.constant 0 : i32
      %gather3A_3491 = tpu.memref_slice %arg12[%gather3A_3488, %gather3A_3489, %gather3A_3490] : memref<8x16x128xf32, #tpu.memory_space<vmem>> -> memref<1x16x128xf32, #tpu.memory_space<vmem>>
      %gather3A_3492 = tpu.memref_squeeze %gather3A_3491 : memref<1x16x128xf32, #tpu.memory_space<vmem>> -> memref<16x128xf32, #tpu.memory_space<vmem>>
      %gather3A_3493 = tpu.vector_load_idx %gather3A_3492[%iota3A, %broadcast_in_dim3A_3481] : memref<16x128xf32, #tpu.memory_space<vmem>>[vector<16xi32>, vector<16xi32>], vector<16xf32>,
      %add3A_3494 = arith.constant 128 : i32
      %add3A_3495 = vector.broadcast %add3A_3494 : i32 to vector<16xi32>
      %add3A_3496 = arith.addi %add3A_3495, %iota3A : vector<16xi32>
      %mul3A_3497 = arith.mulf %gather3A_3487, %gather3A_3493 : vector<16xf32>
      tpu.vector_store_idx %arg13[%add3A_3496], %mul3A_3497 : memref<256xf32, #tpu.memory_space<vmem>>[vector<16xi32>], vector<16xf32>,
      %slice3A_3498 = vector.extract_strided_slice %sub3A_1840 {offsets = [9], sizes = [1], strides = [1]} : vector<16xi32> to vector<1xi32>
      %squeeze3A_3499 = vector.extract %slice3A_3498[0] : i32 from vector<1xi32>
      %jit3A_3500 = arith.constant 128 : i32
      %eq3A_3501 = arith.constant 0 : i32
      %eq3A_3502 = arith.cmpi eq, %jit3A_3500, %eq3A_3501 : i32
      %jit3A_3503 = arith.constant 1 : i32
      %select_n3A_3504 = arith.select %eq3A_3502, %jit3A_3503, %jit3A_3500 : i32
      %rem3A_3505 = arith.remsi %squeeze3A_3499, %select_n3A_3504 : i32
      %ne3A_3506 = arith.constant 0 : i32
      %ne3A_3507 = arith.cmpi ne, %rem3A_3505, %ne3A_3506 : i32
      %lt3A_3508 = arith.constant 0 : i32
      %lt3A_3509 = arith.cmpi slt, %rem3A_3505, %lt3A_3508 : i32
      %lt3A_3510 = arith.constant 0 : i32
      %lt3A_3511 = arith.cmpi slt, %select_n3A_3504, %lt3A_3510 : i32
      %ne3A_3512 = arith.xori %lt3A_3509, %lt3A_3511 : i1
      %and3A_3513 = arith.andi %ne3A_3512, %ne3A_3507 : i1
      %add3A_3514 = arith.addi %rem3A_3505, %select_n3A_3504 : i32
      %select_n3A_3515 = arith.select %and3A_3513, %add3A_3514, %rem3A_3505 : i32
      %broadcast_in_dim3A_3516 = vector.broadcast %select_n3A_3515 : i32 to vector<16xi32>
      %slice3A_3517 = vector.extract_strided_slice %sub3A_1845 {offsets = [9], sizes = [1], strides = [1]} : vector<16xi32> to vector<1xi32>
      %squeeze3A_3518 = vector.extract %slice3A_3517[0] : i32 from vector<1xi32>
      %jit3A_3519 = arith.constant 128 : i32
      %eq3A_3520 = arith.constant 0 : i32
      %eq3A_3521 = arith.cmpi eq, %jit3A_3519, %eq3A_3520 : i32
      %jit3A_3522 = arith.constant 1 : i32
      %select_n3A_3523 = arith.select %eq3A_3521, %jit3A_3522, %jit3A_3519 : i32
      %rem3A_3524 = arith.remsi %squeeze3A_3518, %select_n3A_3523 : i32
      %ne3A_3525 = arith.constant 0 : i32
      %ne3A_3526 = arith.cmpi ne, %rem3A_3524, %ne3A_3525 : i32
      %lt3A_3527 = arith.constant 0 : i32
      %lt3A_3528 = arith.cmpi slt, %rem3A_3524, %lt3A_3527 : i32
      %lt3A_3529 = arith.constant 0 : i32
      %lt3A_3530 = arith.cmpi slt, %select_n3A_3523, %lt3A_3529 : i32
      %ne3A_3531 = arith.xori %lt3A_3528, %lt3A_3530 : i1
      %and3A_3532 = arith.andi %ne3A_3531, %ne3A_3526 : i1
      %add3A_3533 = arith.addi %rem3A_3524, %select_n3A_3523 : i32
      %select_n3A_3534 = arith.select %and3A_3532, %add3A_3533, %rem3A_3524 : i32
      %broadcast_in_dim3A_3535 = vector.broadcast %select_n3A_3534 : i32 to vector<16xi32>
      %gather3A_3536 = arith.constant 1 : i32
      %gather3A_3537 = arith.constant 0 : i32
      %gather3A_3538 = arith.constant 0 : i32
      %gather3A_3539 = tpu.memref_slice %arg11[%gather3A_3536, %gather3A_3537, %gather3A_3538] : memref<8x16x128xf32, #tpu.memory_space<vmem>> -> memref<1x16x128xf32, #tpu.memory_space<vmem>>
      %gather3A_3540 = tpu.memref_squeeze %gather3A_3539 : memref<1x16x128xf32, #tpu.memory_space<vmem>> -> memref<16x128xf32, #tpu.memory_space<vmem>>
      %gather3A_3541 = tpu.vector_load_idx %gather3A_3540[%iota3A, %broadcast_in_dim3A_3516] : memref<16x128xf32, #tpu.memory_space<vmem>>[vector<16xi32>, vector<16xi32>], vector<16xf32>,
      %gather3A_3542 = arith.constant 1 : i32
      %gather3A_3543 = arith.constant 0 : i32
      %gather3A_3544 = arith.constant 0 : i32
      %gather3A_3545 = tpu.memref_slice %arg12[%gather3A_3542, %gather3A_3543, %gather3A_3544] : memref<8x16x128xf32, #tpu.memory_space<vmem>> -> memref<1x16x128xf32, #tpu.memory_space<vmem>>
      %gather3A_3546 = tpu.memref_squeeze %gather3A_3545 : memref<1x16x128xf32, #tpu.memory_space<vmem>> -> memref<16x128xf32, #tpu.memory_space<vmem>>
      %gather3A_3547 = tpu.vector_load_idx %gather3A_3546[%iota3A, %broadcast_in_dim3A_3535] : memref<16x128xf32, #tpu.memory_space<vmem>>[vector<16xi32>, vector<16xi32>], vector<16xf32>,
      %add3A_3548 = arith.constant 144 : i32
      %add3A_3549 = vector.broadcast %add3A_3548 : i32 to vector<16xi32>
      %add3A_3550 = arith.addi %add3A_3549, %iota3A : vector<16xi32>
      %mul3A_3551 = arith.mulf %gather3A_3541, %gather3A_3547 : vector<16xf32>
      tpu.vector_store_idx %arg13[%add3A_3550], %mul3A_3551 : memref<256xf32, #tpu.memory_space<vmem>>[vector<16xi32>], vector<16xf32>,
      %slice3A_3552 = vector.extract_strided_slice %sub3A_1840 {offsets = [10], sizes = [1], strides = [1]} : vector<16xi32> to vector<1xi32>
      %squeeze3A_3553 = vector.extract %slice3A_3552[0] : i32 from vector<1xi32>
      %jit3A_3554 = arith.constant 128 : i32
      %eq3A_3555 = arith.constant 0 : i32
      %eq3A_3556 = arith.cmpi eq, %jit3A_3554, %eq3A_3555 : i32
      %jit3A_3557 = arith.constant 1 : i32
      %select_n3A_3558 = arith.select %eq3A_3556, %jit3A_3557, %jit3A_3554 : i32
      %rem3A_3559 = arith.remsi %squeeze3A_3553, %select_n3A_3558 : i32
      %ne3A_3560 = arith.constant 0 : i32
      %ne3A_3561 = arith.cmpi ne, %rem3A_3559, %ne3A_3560 : i32
      %lt3A_3562 = arith.constant 0 : i32
      %lt3A_3563 = arith.cmpi slt, %rem3A_3559, %lt3A_3562 : i32
      %lt3A_3564 = arith.constant 0 : i32
      %lt3A_3565 = arith.cmpi slt, %select_n3A_3558, %lt3A_3564 : i32
      %ne3A_3566 = arith.xori %lt3A_3563, %lt3A_3565 : i1
      %and3A_3567 = arith.andi %ne3A_3566, %ne3A_3561 : i1
      %add3A_3568 = arith.addi %rem3A_3559, %select_n3A_3558 : i32
      %select_n3A_3569 = arith.select %and3A_3567, %add3A_3568, %rem3A_3559 : i32
      %broadcast_in_dim3A_3570 = vector.broadcast %select_n3A_3569 : i32 to vector<16xi32>
      %slice3A_3571 = vector.extract_strided_slice %sub3A_1845 {offsets = [10], sizes = [1], strides = [1]} : vector<16xi32> to vector<1xi32>
      %squeeze3A_3572 = vector.extract %slice3A_3571[0] : i32 from vector<1xi32>
      %jit3A_3573 = arith.constant 128 : i32
      %eq3A_3574 = arith.constant 0 : i32
      %eq3A_3575 = arith.cmpi eq, %jit3A_3573, %eq3A_3574 : i32
      %jit3A_3576 = arith.constant 1 : i32
      %select_n3A_3577 = arith.select %eq3A_3575, %jit3A_3576, %jit3A_3573 : i32
      %rem3A_3578 = arith.remsi %squeeze3A_3572, %select_n3A_3577 : i32
      %ne3A_3579 = arith.constant 0 : i32
      %ne3A_3580 = arith.cmpi ne, %rem3A_3578, %ne3A_3579 : i32
      %lt3A_3581 = arith.constant 0 : i32
      %lt3A_3582 = arith.cmpi slt, %rem3A_3578, %lt3A_3581 : i32
      %lt3A_3583 = arith.constant 0 : i32
      %lt3A_3584 = arith.cmpi slt, %select_n3A_3577, %lt3A_3583 : i32
      %ne3A_3585 = arith.xori %lt3A_3582, %lt3A_3584 : i1
      %and3A_3586 = arith.andi %ne3A_3585, %ne3A_3580 : i1
      %add3A_3587 = arith.addi %rem3A_3578, %select_n3A_3577 : i32
      %select_n3A_3588 = arith.select %and3A_3586, %add3A_3587, %rem3A_3578 : i32
      %broadcast_in_dim3A_3589 = vector.broadcast %select_n3A_3588 : i32 to vector<16xi32>
      %gather3A_3590 = arith.constant 2 : i32
      %gather3A_3591 = arith.constant 0 : i32
      %gather3A_3592 = arith.constant 0 : i32
      %gather3A_3593 = tpu.memref_slice %arg11[%gather3A_3590, %gather3A_3591, %gather3A_3592] : memref<8x16x128xf32, #tpu.memory_space<vmem>> -> memref<1x16x128xf32, #tpu.memory_space<vmem>>
      %gather3A_3594 = tpu.memref_squeeze %gather3A_3593 : memref<1x16x128xf32, #tpu.memory_space<vmem>> -> memref<16x128xf32, #tpu.memory_space<vmem>>
      %gather3A_3595 = tpu.vector_load_idx %gather3A_3594[%iota3A, %broadcast_in_dim3A_3570] : memref<16x128xf32, #tpu.memory_space<vmem>>[vector<16xi32>, vector<16xi32>], vector<16xf32>,
      %gather3A_3596 = arith.constant 2 : i32
      %gather3A_3597 = arith.constant 0 : i32
      %gather3A_3598 = arith.constant 0 : i32
      %gather3A_3599 = tpu.memref_slice %arg12[%gather3A_3596, %gather3A_3597, %gather3A_3598] : memref<8x16x128xf32, #tpu.memory_space<vmem>> -> memref<1x16x128xf32, #tpu.memory_space<vmem>>
      %gather3A_3600 = tpu.memref_squeeze %gather3A_3599 : memref<1x16x128xf32, #tpu.memory_space<vmem>> -> memref<16x128xf32, #tpu.memory_space<vmem>>
      %gather3A_3601 = tpu.vector_load_idx %gather3A_3600[%iota3A, %broadcast_in_dim3A_3589] : memref<16x128xf32, #tpu.memory_space<vmem>>[vector<16xi32>, vector<16xi32>], vector<16xf32>,
      %add3A_3602 = arith.constant 160 : i32
      %add3A_3603 = vector.broadcast %add3A_3602 : i32 to vector<16xi32>
      %add3A_3604 = arith.addi %add3A_3603, %iota3A : vector<16xi32>
      %mul3A_3605 = arith.mulf %gather3A_3595, %gather3A_3601 : vector<16xf32>
      tpu.vector_store_idx %arg13[%add3A_3604], %mul3A_3605 : memref<256xf32, #tpu.memory_space<vmem>>[vector<16xi32>], vector<16xf32>,
      %slice3A_3606 = vector.extract_strided_slice %sub3A_1840 {offsets = [11], sizes = [1], strides = [1]} : vector<16xi32> to vector<1xi32>
      %squeeze3A_3607 = vector.extract %slice3A_3606[0] : i32 from vector<1xi32>
      %jit3A_3608 = arith.constant 128 : i32
      %eq3A_3609 = arith.constant 0 : i32
      %eq3A_3610 = arith.cmpi eq, %jit3A_3608, %eq3A_3609 : i32
      %jit3A_3611 = arith.constant 1 : i32
      %select_n3A_3612 = arith.select %eq3A_3610, %jit3A_3611, %jit3A_3608 : i32
      %rem3A_3613 = arith.remsi %squeeze3A_3607, %select_n3A_3612 : i32
      %ne3A_3614 = arith.constant 0 : i32
      %ne3A_3615 = arith.cmpi ne, %rem3A_3613, %ne3A_3614 : i32
      %lt3A_3616 = arith.constant 0 : i32
      %lt3A_3617 = arith.cmpi slt, %rem3A_3613, %lt3A_3616 : i32
      %lt3A_3618 = arith.constant 0 : i32
      %lt3A_3619 = arith.cmpi slt, %select_n3A_3612, %lt3A_3618 : i32
      %ne3A_3620 = arith.xori %lt3A_3617, %lt3A_3619 : i1
      %and3A_3621 = arith.andi %ne3A_3620, %ne3A_3615 : i1
      %add3A_3622 = arith.addi %rem3A_3613, %select_n3A_3612 : i32
      %select_n3A_3623 = arith.select %and3A_3621, %add3A_3622, %rem3A_3613 : i32
      %broadcast_in_dim3A_3624 = vector.broadcast %select_n3A_3623 : i32 to vector<16xi32>
      %slice3A_3625 = vector.extract_strided_slice %sub3A_1845 {offsets = [11], sizes = [1], strides = [1]} : vector<16xi32> to vector<1xi32>
      %squeeze3A_3626 = vector.extract %slice3A_3625[0] : i32 from vector<1xi32>
      %jit3A_3627 = arith.constant 128 : i32
      %eq3A_3628 = arith.constant 0 : i32
      %eq3A_3629 = arith.cmpi eq, %jit3A_3627, %eq3A_3628 : i32
      %jit3A_3630 = arith.constant 1 : i32
      %select_n3A_3631 = arith.select %eq3A_3629, %jit3A_3630, %jit3A_3627 : i32
      %rem3A_3632 = arith.remsi %squeeze3A_3626, %select_n3A_3631 : i32
      %ne3A_3633 = arith.constant 0 : i32
      %ne3A_3634 = arith.cmpi ne, %rem3A_3632, %ne3A_3633 : i32
      %lt3A_3635 = arith.constant 0 : i32
      %lt3A_3636 = arith.cmpi slt, %rem3A_3632, %lt3A_3635 : i32
      %lt3A_3637 = arith.constant 0 : i32
      %lt3A_3638 = arith.cmpi slt, %select_n3A_3631, %lt3A_3637 : i32
      %ne3A_3639 = arith.xori %lt3A_3636, %lt3A_3638 : i1
      %and3A_3640 = arith.andi %ne3A_3639, %ne3A_3634 : i1
      %add3A_3641 = arith.addi %rem3A_3632, %select_n3A_3631 : i32
      %select_n3A_3642 = arith.select %and3A_3640, %add3A_3641, %rem3A_3632 : i32
      %broadcast_in_dim3A_3643 = vector.broadcast %select_n3A_3642 : i32 to vector<16xi32>
      %gather3A_3644 = arith.constant 3 : i32
      %gather3A_3645 = arith.constant 0 : i32
      %gather3A_3646 = arith.constant 0 : i32
      %gather3A_3647 = tpu.memref_slice %arg11[%gather3A_3644, %gather3A_3645, %gather3A_3646] : memref<8x16x128xf32, #tpu.memory_space<vmem>> -> memref<1x16x128xf32, #tpu.memory_space<vmem>>
      %gather3A_3648 = tpu.memref_squeeze %gather3A_3647 : memref<1x16x128xf32, #tpu.memory_space<vmem>> -> memref<16x128xf32, #tpu.memory_space<vmem>>
      %gather3A_3649 = tpu.vector_load_idx %gather3A_3648[%iota3A, %broadcast_in_dim3A_3624] : memref<16x128xf32, #tpu.memory_space<vmem>>[vector<16xi32>, vector<16xi32>], vector<16xf32>,
      %gather3A_3650 = arith.constant 3 : i32
      %gather3A_3651 = arith.constant 0 : i32
      %gather3A_3652 = arith.constant 0 : i32
      %gather3A_3653 = tpu.memref_slice %arg12[%gather3A_3650, %gather3A_3651, %gather3A_3652] : memref<8x16x128xf32, #tpu.memory_space<vmem>> -> memref<1x16x128xf32, #tpu.memory_space<vmem>>
      %gather3A_3654 = tpu.memref_squeeze %gather3A_3653 : memref<1x16x128xf32, #tpu.memory_space<vmem>> -> memref<16x128xf32, #tpu.memory_space<vmem>>
      %gather3A_3655 = tpu.vector_load_idx %gather3A_3654[%iota3A, %broadcast_in_dim3A_3643] : memref<16x128xf32, #tpu.memory_space<vmem>>[vector<16xi32>, vector<16xi32>], vector<16xf32>,
      %add3A_3656 = arith.constant 176 : i32
      %add3A_3657 = vector.broadcast %add3A_3656 : i32 to vector<16xi32>
      %add3A_3658 = arith.addi %add3A_3657, %iota3A : vector<16xi32>
      %mul3A_3659 = arith.mulf %gather3A_3649, %gather3A_3655 : vector<16xf32>
      tpu.vector_store_idx %arg13[%add3A_3658], %mul3A_3659 : memref<256xf32, #tpu.memory_space<vmem>>[vector<16xi32>], vector<16xf32>,
      %slice3A_3660 = vector.extract_strided_slice %sub3A_1840 {offsets = [12], sizes = [1], strides = [1]} : vector<16xi32> to vector<1xi32>
      %squeeze3A_3661 = vector.extract %slice3A_3660[0] : i32 from vector<1xi32>
      %jit3A_3662 = arith.constant 128 : i32
      %eq3A_3663 = arith.constant 0 : i32
      %eq3A_3664 = arith.cmpi eq, %jit3A_3662, %eq3A_3663 : i32
      %jit3A_3665 = arith.constant 1 : i32
      %select_n3A_3666 = arith.select %eq3A_3664, %jit3A_3665, %jit3A_3662 : i32
      %rem3A_3667 = arith.remsi %squeeze3A_3661, %select_n3A_3666 : i32
      %ne3A_3668 = arith.constant 0 : i32
      %ne3A_3669 = arith.cmpi ne, %rem3A_3667, %ne3A_3668 : i32
      %lt3A_3670 = arith.constant 0 : i32
      %lt3A_3671 = arith.cmpi slt, %rem3A_3667, %lt3A_3670 : i32
      %lt3A_3672 = arith.constant 0 : i32
      %lt3A_3673 = arith.cmpi slt, %select_n3A_3666, %lt3A_3672 : i32
      %ne3A_3674 = arith.xori %lt3A_3671, %lt3A_3673 : i1
      %and3A_3675 = arith.andi %ne3A_3674, %ne3A_3669 : i1
      %add3A_3676 = arith.addi %rem3A_3667, %select_n3A_3666 : i32
      %select_n3A_3677 = arith.select %and3A_3675, %add3A_3676, %rem3A_3667 : i32
      %broadcast_in_dim3A_3678 = vector.broadcast %select_n3A_3677 : i32 to vector<16xi32>
      %slice3A_3679 = vector.extract_strided_slice %sub3A_1845 {offsets = [12], sizes = [1], strides = [1]} : vector<16xi32> to vector<1xi32>
      %squeeze3A_3680 = vector.extract %slice3A_3679[0] : i32 from vector<1xi32>
      %jit3A_3681 = arith.constant 128 : i32
      %eq3A_3682 = arith.constant 0 : i32
      %eq3A_3683 = arith.cmpi eq, %jit3A_3681, %eq3A_3682 : i32
      %jit3A_3684 = arith.constant 1 : i32
      %select_n3A_3685 = arith.select %eq3A_3683, %jit3A_3684, %jit3A_3681 : i32
      %rem3A_3686 = arith.remsi %squeeze3A_3680, %select_n3A_3685 : i32
      %ne3A_3687 = arith.constant 0 : i32
      %ne3A_3688 = arith.cmpi ne, %rem3A_3686, %ne3A_3687 : i32
      %lt3A_3689 = arith.constant 0 : i32
      %lt3A_3690 = arith.cmpi slt, %rem3A_3686, %lt3A_3689 : i32
      %lt3A_3691 = arith.constant 0 : i32
      %lt3A_3692 = arith.cmpi slt, %select_n3A_3685, %lt3A_3691 : i32
      %ne3A_3693 = arith.xori %lt3A_3690, %lt3A_3692 : i1
      %and3A_3694 = arith.andi %ne3A_3693, %ne3A_3688 : i1
      %add3A_3695 = arith.addi %rem3A_3686, %select_n3A_3685 : i32
      %select_n3A_3696 = arith.select %and3A_3694, %add3A_3695, %rem3A_3686 : i32
      %broadcast_in_dim3A_3697 = vector.broadcast %select_n3A_3696 : i32 to vector<16xi32>
      %gather3A_3698 = arith.constant 4 : i32
      %gather3A_3699 = arith.constant 0 : i32
      %gather3A_3700 = arith.constant 0 : i32
      %gather3A_3701 = tpu.memref_slice %arg11[%gather3A_3698, %gather3A_3699, %gather3A_3700] : memref<8x16x128xf32, #tpu.memory_space<vmem>> -> memref<1x16x128xf32, #tpu.memory_space<vmem>>
      %gather3A_3702 = tpu.memref_squeeze %gather3A_3701 : memref<1x16x128xf32, #tpu.memory_space<vmem>> -> memref<16x128xf32, #tpu.memory_space<vmem>>
      %gather3A_3703 = tpu.vector_load_idx %gather3A_3702[%iota3A, %broadcast_in_dim3A_3678] : memref<16x128xf32, #tpu.memory_space<vmem>>[vector<16xi32>, vector<16xi32>], vector<16xf32>,
      %gather3A_3704 = arith.constant 4 : i32
      %gather3A_3705 = arith.constant 0 : i32
      %gather3A_3706 = arith.constant 0 : i32
      %gather3A_3707 = tpu.memref_slice %arg12[%gather3A_3704, %gather3A_3705, %gather3A_3706] : memref<8x16x128xf32, #tpu.memory_space<vmem>> -> memref<1x16x128xf32, #tpu.memory_space<vmem>>
      %gather3A_3708 = tpu.memref_squeeze %gather3A_3707 : memref<1x16x128xf32, #tpu.memory_space<vmem>> -> memref<16x128xf32, #tpu.memory_space<vmem>>
      %gather3A_3709 = tpu.vector_load_idx %gather3A_3708[%iota3A, %broadcast_in_dim3A_3697] : memref<16x128xf32, #tpu.memory_space<vmem>>[vector<16xi32>, vector<16xi32>], vector<16xf32>,
      %add3A_3710 = arith.constant 192 : i32
      %add3A_3711 = vector.broadcast %add3A_3710 : i32 to vector<16xi32>
      %add3A_3712 = arith.addi %add3A_3711, %iota3A : vector<16xi32>
      %mul3A_3713 = arith.mulf %gather3A_3703, %gather3A_3709 : vector<16xf32>
      tpu.vector_store_idx %arg13[%add3A_3712], %mul3A_3713 : memref<256xf32, #tpu.memory_space<vmem>>[vector<16xi32>], vector<16xf32>,
      %slice3A_3714 = vector.extract_strided_slice %sub3A_1840 {offsets = [13], sizes = [1], strides = [1]} : vector<16xi32> to vector<1xi32>
      %squeeze3A_3715 = vector.extract %slice3A_3714[0] : i32 from vector<1xi32>
      %jit3A_3716 = arith.constant 128 : i32
      %eq3A_3717 = arith.constant 0 : i32
      %eq3A_3718 = arith.cmpi eq, %jit3A_3716, %eq3A_3717 : i32
      %jit3A_3719 = arith.constant 1 : i32
      %select_n3A_3720 = arith.select %eq3A_3718, %jit3A_3719, %jit3A_3716 : i32
      %rem3A_3721 = arith.remsi %squeeze3A_3715, %select_n3A_3720 : i32
      %ne3A_3722 = arith.constant 0 : i32
      %ne3A_3723 = arith.cmpi ne, %rem3A_3721, %ne3A_3722 : i32
      %lt3A_3724 = arith.constant 0 : i32
      %lt3A_3725 = arith.cmpi slt, %rem3A_3721, %lt3A_3724 : i32
      %lt3A_3726 = arith.constant 0 : i32
      %lt3A_3727 = arith.cmpi slt, %select_n3A_3720, %lt3A_3726 : i32
      %ne3A_3728 = arith.xori %lt3A_3725, %lt3A_3727 : i1
      %and3A_3729 = arith.andi %ne3A_3728, %ne3A_3723 : i1
      %add3A_3730 = arith.addi %rem3A_3721, %select_n3A_3720 : i32
      %select_n3A_3731 = arith.select %and3A_3729, %add3A_3730, %rem3A_3721 : i32
      %broadcast_in_dim3A_3732 = vector.broadcast %select_n3A_3731 : i32 to vector<16xi32>
      %slice3A_3733 = vector.extract_strided_slice %sub3A_1845 {offsets = [13], sizes = [1], strides = [1]} : vector<16xi32> to vector<1xi32>
      %squeeze3A_3734 = vector.extract %slice3A_3733[0] : i32 from vector<1xi32>
      %jit3A_3735 = arith.constant 128 : i32
      %eq3A_3736 = arith.constant 0 : i32
      %eq3A_3737 = arith.cmpi eq, %jit3A_3735, %eq3A_3736 : i32
      %jit3A_3738 = arith.constant 1 : i32
      %select_n3A_3739 = arith.select %eq3A_3737, %jit3A_3738, %jit3A_3735 : i32
      %rem3A_3740 = arith.remsi %squeeze3A_3734, %select_n3A_3739 : i32
      %ne3A_3741 = arith.constant 0 : i32
      %ne3A_3742 = arith.cmpi ne, %rem3A_3740, %ne3A_3741 : i32
      %lt3A_3743 = arith.constant 0 : i32
      %lt3A_3744 = arith.cmpi slt, %rem3A_3740, %lt3A_3743 : i32
      %lt3A_3745 = arith.constant 0 : i32
      %lt3A_3746 = arith.cmpi slt, %select_n3A_3739, %lt3A_3745 : i32
      %ne3A_3747 = arith.xori %lt3A_3744, %lt3A_3746 : i1
      %and3A_3748 = arith.andi %ne3A_3747, %ne3A_3742 : i1
      %add3A_3749 = arith.addi %rem3A_3740, %select_n3A_3739 : i32
      %select_n3A_3750 = arith.select %and3A_3748, %add3A_3749, %rem3A_3740 : i32
      %broadcast_in_dim3A_3751 = vector.broadcast %select_n3A_3750 : i32 to vector<16xi32>
      %gather3A_3752 = arith.constant 5 : i32
      %gather3A_3753 = arith.constant 0 : i32
      %gather3A_3754 = arith.constant 0 : i32
      %gather3A_3755 = tpu.memref_slice %arg11[%gather3A_3752, %gather3A_3753, %gather3A_3754] : memref<8x16x128xf32, #tpu.memory_space<vmem>> -> memref<1x16x128xf32, #tpu.memory_space<vmem>>
      %gather3A_3756 = tpu.memref_squeeze %gather3A_3755 : memref<1x16x128xf32, #tpu.memory_space<vmem>> -> memref<16x128xf32, #tpu.memory_space<vmem>>
      %gather3A_3757 = tpu.vector_load_idx %gather3A_3756[%iota3A, %broadcast_in_dim3A_3732] : memref<16x128xf32, #tpu.memory_space<vmem>>[vector<16xi32>, vector<16xi32>], vector<16xf32>,
      %gather3A_3758 = arith.constant 5 : i32
      %gather3A_3759 = arith.constant 0 : i32
      %gather3A_3760 = arith.constant 0 : i32
      %gather3A_3761 = tpu.memref_slice %arg12[%gather3A_3758, %gather3A_3759, %gather3A_3760] : memref<8x16x128xf32, #tpu.memory_space<vmem>> -> memref<1x16x128xf32, #tpu.memory_space<vmem>>
      %gather3A_3762 = tpu.memref_squeeze %gather3A_3761 : memref<1x16x128xf32, #tpu.memory_space<vmem>> -> memref<16x128xf32, #tpu.memory_space<vmem>>
      %gather3A_3763 = tpu.vector_load_idx %gather3A_3762[%iota3A, %broadcast_in_dim3A_3751] : memref<16x128xf32, #tpu.memory_space<vmem>>[vector<16xi32>, vector<16xi32>], vector<16xf32>,
      %add3A_3764 = arith.constant 208 : i32
      %add3A_3765 = vector.broadcast %add3A_3764 : i32 to vector<16xi32>
      %add3A_3766 = arith.addi %add3A_3765, %iota3A : vector<16xi32>
      %mul3A_3767 = arith.mulf %gather3A_3757, %gather3A_3763 : vector<16xf32>
      tpu.vector_store_idx %arg13[%add3A_3766], %mul3A_3767 : memref<256xf32, #tpu.memory_space<vmem>>[vector<16xi32>], vector<16xf32>,
      %slice3A_3768 = vector.extract_strided_slice %sub3A_1840 {offsets = [14], sizes = [1], strides = [1]} : vector<16xi32> to vector<1xi32>
      %squeeze3A_3769 = vector.extract %slice3A_3768[0] : i32 from vector<1xi32>
      %jit3A_3770 = arith.constant 128 : i32
      %eq3A_3771 = arith.constant 0 : i32
      %eq3A_3772 = arith.cmpi eq, %jit3A_3770, %eq3A_3771 : i32
      %jit3A_3773 = arith.constant 1 : i32
      %select_n3A_3774 = arith.select %eq3A_3772, %jit3A_3773, %jit3A_3770 : i32
      %rem3A_3775 = arith.remsi %squeeze3A_3769, %select_n3A_3774 : i32
      %ne3A_3776 = arith.constant 0 : i32
      %ne3A_3777 = arith.cmpi ne, %rem3A_3775, %ne3A_3776 : i32
      %lt3A_3778 = arith.constant 0 : i32
      %lt3A_3779 = arith.cmpi slt, %rem3A_3775, %lt3A_3778 : i32
      %lt3A_3780 = arith.constant 0 : i32
      %lt3A_3781 = arith.cmpi slt, %select_n3A_3774, %lt3A_3780 : i32
      %ne3A_3782 = arith.xori %lt3A_3779, %lt3A_3781 : i1
      %and3A_3783 = arith.andi %ne3A_3782, %ne3A_3777 : i1
      %add3A_3784 = arith.addi %rem3A_3775, %select_n3A_3774 : i32
      %select_n3A_3785 = arith.select %and3A_3783, %add3A_3784, %rem3A_3775 : i32
      %broadcast_in_dim3A_3786 = vector.broadcast %select_n3A_3785 : i32 to vector<16xi32>
      %slice3A_3787 = vector.extract_strided_slice %sub3A_1845 {offsets = [14], sizes = [1], strides = [1]} : vector<16xi32> to vector<1xi32>
      %squeeze3A_3788 = vector.extract %slice3A_3787[0] : i32 from vector<1xi32>
      %jit3A_3789 = arith.constant 128 : i32
      %eq3A_3790 = arith.constant 0 : i32
      %eq3A_3791 = arith.cmpi eq, %jit3A_3789, %eq3A_3790 : i32
      %jit3A_3792 = arith.constant 1 : i32
      %select_n3A_3793 = arith.select %eq3A_3791, %jit3A_3792, %jit3A_3789 : i32
      %rem3A_3794 = arith.remsi %squeeze3A_3788, %select_n3A_3793 : i32
      %ne3A_3795 = arith.constant 0 : i32
      %ne3A_3796 = arith.cmpi ne, %rem3A_3794, %ne3A_3795 : i32
      %lt3A_3797 = arith.constant 0 : i32
      %lt3A_3798 = arith.cmpi slt, %rem3A_3794, %lt3A_3797 : i32
      %lt3A_3799 = arith.constant 0 : i32
      %lt3A_3800 = arith.cmpi slt, %select_n3A_3793, %lt3A_3799 : i32
      %ne3A_3801 = arith.xori %lt3A_3798, %lt3A_3800 : i1
      %and3A_3802 = arith.andi %ne3A_3801, %ne3A_3796 : i1
      %add3A_3803 = arith.addi %rem3A_3794, %select_n3A_3793 : i32
      %select_n3A_3804 = arith.select %and3A_3802, %add3A_3803, %rem3A_3794 : i32
      %broadcast_in_dim3A_3805 = vector.broadcast %select_n3A_3804 : i32 to vector<16xi32>
      %gather3A_3806 = arith.constant 6 : i32
      %gather3A_3807 = arith.constant 0 : i32
      %gather3A_3808 = arith.constant 0 : i32
      %gather3A_3809 = tpu.memref_slice %arg11[%gather3A_3806, %gather3A_3807, %gather3A_3808] : memref<8x16x128xf32, #tpu.memory_space<vmem>> -> memref<1x16x128xf32, #tpu.memory_space<vmem>>
      %gather3A_3810 = tpu.memref_squeeze %gather3A_3809 : memref<1x16x128xf32, #tpu.memory_space<vmem>> -> memref<16x128xf32, #tpu.memory_space<vmem>>
      %gather3A_3811 = tpu.vector_load_idx %gather3A_3810[%iota3A, %broadcast_in_dim3A_3786] : memref<16x128xf32, #tpu.memory_space<vmem>>[vector<16xi32>, vector<16xi32>], vector<16xf32>,
      %gather3A_3812 = arith.constant 6 : i32
      %gather3A_3813 = arith.constant 0 : i32
      %gather3A_3814 = arith.constant 0 : i32
      %gather3A_3815 = tpu.memref_slice %arg12[%gather3A_3812, %gather3A_3813, %gather3A_3814] : memref<8x16x128xf32, #tpu.memory_space<vmem>> -> memref<1x16x128xf32, #tpu.memory_space<vmem>>
      %gather3A_3816 = tpu.memref_squeeze %gather3A_3815 : memref<1x16x128xf32, #tpu.memory_space<vmem>> -> memref<16x128xf32, #tpu.memory_space<vmem>>
      %gather3A_3817 = tpu.vector_load_idx %gather3A_3816[%iota3A, %broadcast_in_dim3A_3805] : memref<16x128xf32, #tpu.memory_space<vmem>>[vector<16xi32>, vector<16xi32>], vector<16xf32>,
      %add3A_3818 = arith.constant 224 : i32
      %add3A_3819 = vector.broadcast %add3A_3818 : i32 to vector<16xi32>
      %add3A_3820 = arith.addi %add3A_3819, %iota3A : vector<16xi32>
      %mul3A_3821 = arith.mulf %gather3A_3811, %gather3A_3817 : vector<16xf32>
      tpu.vector_store_idx %arg13[%add3A_3820], %mul3A_3821 : memref<256xf32, #tpu.memory_space<vmem>>[vector<16xi32>], vector<16xf32>,
      %slice3A_3822 = vector.extract_strided_slice %sub3A_1840 {offsets = [15], sizes = [1], strides = [1]} : vector<16xi32> to vector<1xi32>
      %squeeze3A_3823 = vector.extract %slice3A_3822[0] : i32 from vector<1xi32>
      %jit3A_3824 = arith.constant 128 : i32
      %eq3A_3825 = arith.constant 0 : i32
      %eq3A_3826 = arith.cmpi eq, %jit3A_3824, %eq3A_3825 : i32
      %jit3A_3827 = arith.constant 1 : i32
      %select_n3A_3828 = arith.select %eq3A_3826, %jit3A_3827, %jit3A_3824 : i32
      %rem3A_3829 = arith.remsi %squeeze3A_3823, %select_n3A_3828 : i32
      %ne3A_3830 = arith.constant 0 : i32
      %ne3A_3831 = arith.cmpi ne, %rem3A_3829, %ne3A_3830 : i32
      %lt3A_3832 = arith.constant 0 : i32
      %lt3A_3833 = arith.cmpi slt, %rem3A_3829, %lt3A_3832 : i32
      %lt3A_3834 = arith.constant 0 : i32
      %lt3A_3835 = arith.cmpi slt, %select_n3A_3828, %lt3A_3834 : i32
      %ne3A_3836 = arith.xori %lt3A_3833, %lt3A_3835 : i1
      %and3A_3837 = arith.andi %ne3A_3836, %ne3A_3831 : i1
      %add3A_3838 = arith.addi %rem3A_3829, %select_n3A_3828 : i32
      %select_n3A_3839 = arith.select %and3A_3837, %add3A_3838, %rem3A_3829 : i32
      %broadcast_in_dim3A_3840 = vector.broadcast %select_n3A_3839 : i32 to vector<16xi32>
      %slice3A_3841 = vector.extract_strided_slice %sub3A_1845 {offsets = [15], sizes = [1], strides = [1]} : vector<16xi32> to vector<1xi32>
      %squeeze3A_3842 = vector.extract %slice3A_3841[0] : i32 from vector<1xi32>
      %jit3A_3843 = arith.constant 128 : i32
      %eq3A_3844 = arith.constant 0 : i32
      %eq3A_3845 = arith.cmpi eq, %jit3A_3843, %eq3A_3844 : i32
      %jit3A_3846 = arith.constant 1 : i32
      %select_n3A_3847 = arith.select %eq3A_3845, %jit3A_3846, %jit3A_3843 : i32
      %rem3A_3848 = arith.remsi %squeeze3A_3842, %select_n3A_3847 : i32
      %ne3A_3849 = arith.constant 0 : i32
      %ne3A_3850 = arith.cmpi ne, %rem3A_3848, %ne3A_3849 : i32
      %lt3A_3851 = arith.constant 0 : i32
      %lt3A_3852 = arith.cmpi slt, %rem3A_3848, %lt3A_3851 : i32
      %lt3A_3853 = arith.constant 0 : i32
      %lt3A_3854 = arith.cmpi slt, %select_n3A_3847, %lt3A_3853 : i32
      %ne3A_3855 = arith.xori %lt3A_3852, %lt3A_3854 : i1
      %and3A_3856 = arith.andi %ne3A_3855, %ne3A_3850 : i1
      %add3A_3857 = arith.addi %rem3A_3848, %select_n3A_3847 : i32
      %select_n3A_3858 = arith.select %and3A_3856, %add3A_3857, %rem3A_3848 : i32
      %broadcast_in_dim3A_3859 = vector.broadcast %select_n3A_3858 : i32 to vector<16xi32>
      %gather3A_3860 = arith.constant 7 : i32
      %gather3A_3861 = arith.constant 0 : i32
      %gather3A_3862 = arith.constant 0 : i32
      %gather3A_3863 = tpu.memref_slice %arg11[%gather3A_3860, %gather3A_3861, %gather3A_3862] : memref<8x16x128xf32, #tpu.memory_space<vmem>> -> memref<1x16x128xf32, #tpu.memory_space<vmem>>
      %gather3A_3864 = tpu.memref_squeeze %gather3A_3863 : memref<1x16x128xf32, #tpu.memory_space<vmem>> -> memref<16x128xf32, #tpu.memory_space<vmem>>
      %gather3A_3865 = tpu.vector_load_idx %gather3A_3864[%iota3A, %broadcast_in_dim3A_3840] : memref<16x128xf32, #tpu.memory_space<vmem>>[vector<16xi32>, vector<16xi32>], vector<16xf32>,
      %gather3A_3866 = arith.constant 7 : i32
      %gather3A_3867 = arith.constant 0 : i32
      %gather3A_3868 = arith.constant 0 : i32
      %gather3A_3869 = tpu.memref_slice %arg12[%gather3A_3866, %gather3A_3867, %gather3A_3868] : memref<8x16x128xf32, #tpu.memory_space<vmem>> -> memref<1x16x128xf32, #tpu.memory_space<vmem>>
      %gather3A_3870 = tpu.memref_squeeze %gather3A_3869 : memref<1x16x128xf32, #tpu.memory_space<vmem>> -> memref<16x128xf32, #tpu.memory_space<vmem>>
      %gather3A_3871 = tpu.vector_load_idx %gather3A_3870[%iota3A, %broadcast_in_dim3A_3859] : memref<16x128xf32, #tpu.memory_space<vmem>>[vector<16xi32>, vector<16xi32>], vector<16xf32>,
      %add3A_3872 = arith.constant 240 : i32
      %add3A_3873 = vector.broadcast %add3A_3872 : i32 to vector<16xi32>
      %add3A_3874 = arith.addi %add3A_3873, %iota3A : vector<16xi32>
      %mul3A_3875 = arith.mulf %gather3A_3865, %gather3A_3871 : vector<16xf32>
      tpu.vector_store_idx %arg13[%add3A_3874], %mul3A_3875 : memref<256xf32, #tpu.memory_space<vmem>>[vector<16xi32>], vector<16xf32>,
      %slice3A_3876 = vector.extract_strided_slice %sub3A_1858 {offsets = [8], sizes = [1], strides = [1]} : vector<16xi32> to vector<1xi32>
      %squeeze3A_3877 = vector.extract %slice3A_3876[0] : i32 from vector<1xi32>
      %slice3A_3878 = vector.extract_strided_slice %sub3A_1863 {offsets = [8], sizes = [1], strides = [1]} : vector<16xi32> to vector<1xi32>
      %squeeze3A_3879 = vector.extract %slice3A_3878[0] : i32 from vector<1xi32>
      %jit3A_3880 = arith.constant 128 : i32
      %div3A_3881 = arith.divsi %squeeze3A_3877, %jit3A_3880 : i32
      %sign3A_3882 = arith.constant 0 : i32
      %sign3A_3883 = arith.cmpi sgt, %squeeze3A_3877, %sign3A_3882 : i32
      %sign3A_3884 = arith.extui %sign3A_3883 : i1 to i32
      %sign3A_3885 = arith.constant 0 : i32
      %sign3A_3886 = arith.cmpi slt, %squeeze3A_3877, %sign3A_3885 : i32
      %sign3A_3887 = arith.extui %sign3A_3886 : i1 to i32
      %sign3A_3888 = arith.subi %sign3A_3884, %sign3A_3887 : i32
      %sign3A_3889 = arith.constant 0 : i32
      %sign3A_3890 = arith.cmpi sgt, %jit3A_3880, %sign3A_3889 : i32
      %sign3A_3891 = arith.extui %sign3A_3890 : i1 to i32
      %sign3A_3892 = arith.constant 0 : i32
      %sign3A_3893 = arith.cmpi slt, %jit3A_3880, %sign3A_3892 : i32
      %sign3A_3894 = arith.extui %sign3A_3893 : i1 to i32
      %sign3A_3895 = arith.subi %sign3A_3891, %sign3A_3894 : i32
      %ne3A_3896 = arith.cmpi ne, %sign3A_3888, %sign3A_3895 : i32
      %rem3A_3897 = arith.remsi %squeeze3A_3877, %jit3A_3880 : i32
      %ne3A_3898 = arith.constant 0 : i32
      %ne3A_3899 = arith.cmpi ne, %rem3A_3897, %ne3A_3898 : i32
      %and3A_3900 = arith.andi %ne3A_3896, %ne3A_3899 : i1
      %sub3A_3901 = arith.constant 1 : i32
      %sub3A_3902 = arith.subi %div3A_3881, %sub3A_3901 : i32
      %select_n3A_3903 = arith.select %and3A_3900, %sub3A_3902, %div3A_3881 : i32
      %mul3A_3904 = arith.constant 128 : i32
      %mul3A_3905 = arith.muli %select_n3A_3903, %mul3A_3904 : i32
      %multiple_of3A_3906 = tpu.assume_multiple %mul3A_3905, 128 : i32
      %jit3A_3907 = arith.constant 128 : i32
      %div3A_3908 = arith.divsi %squeeze3A_3879, %jit3A_3907 : i32
      %sign3A_3909 = arith.constant 0 : i32
      %sign3A_3910 = arith.cmpi sgt, %squeeze3A_3879, %sign3A_3909 : i32
      %sign3A_3911 = arith.extui %sign3A_3910 : i1 to i32
      %sign3A_3912 = arith.constant 0 : i32
      %sign3A_3913 = arith.cmpi slt, %squeeze3A_3879, %sign3A_3912 : i32
      %sign3A_3914 = arith.extui %sign3A_3913 : i1 to i32
      %sign3A_3915 = arith.subi %sign3A_3911, %sign3A_3914 : i32
      %sign3A_3916 = arith.constant 0 : i32
      %sign3A_3917 = arith.cmpi sgt, %jit3A_3907, %sign3A_3916 : i32
      %sign3A_3918 = arith.extui %sign3A_3917 : i1 to i32
      %sign3A_3919 = arith.constant 0 : i32
      %sign3A_3920 = arith.cmpi slt, %jit3A_3907, %sign3A_3919 : i32
      %sign3A_3921 = arith.extui %sign3A_3920 : i1 to i32
      %sign3A_3922 = arith.subi %sign3A_3918, %sign3A_3921 : i32
      %ne3A_3923 = arith.cmpi ne, %sign3A_3915, %sign3A_3922 : i32
      %rem3A_3924 = arith.remsi %squeeze3A_3879, %jit3A_3907 : i32
      %ne3A_3925 = arith.constant 0 : i32
      %ne3A_3926 = arith.cmpi ne, %rem3A_3924, %ne3A_3925 : i32
      %and3A_3927 = arith.andi %ne3A_3923, %ne3A_3926 : i1
      %sub3A_3928 = arith.constant 1 : i32
      %sub3A_3929 = arith.subi %div3A_3908, %sub3A_3928 : i32
      %select_n3A_3930 = arith.select %and3A_3927, %sub3A_3929, %div3A_3908 : i32
      %mul3A_3931 = arith.constant 128 : i32
      %mul3A_3932 = arith.muli %select_n3A_3930, %mul3A_3931 : i32
      %multiple_of3A_3933 = tpu.assume_multiple %mul3A_3932, 128 : i32
      %dma_start3A_3934 = arith.constant 0 : i32
      %dma_start3A_3935 = arith.constant 0 : i32
      %dma_start3A_3936 = arith.constant 0 : i32
      %dma_start3A_3937 = tpu.memref_slice %arg11[%dma_start3A_3934, %dma_start3A_3935, %dma_start3A_3936] : memref<8x16x128xf32, #tpu.memory_space<vmem>> -> memref<1x16x128xf32, #tpu.memory_space<vmem>>
      %dma_start3A_3938 = tpu.memref_squeeze %dma_start3A_3937 : memref<1x16x128xf32, #tpu.memory_space<vmem>> -> memref<16x128xf32, #tpu.memory_space<vmem>>
      %dma_start3A_3939 = arith.constant 0 : i32
      %dma_start3A_3940 = tpu.memref_slice %arg4[%dma_start3A_3939, %multiple_of3A_3906] : memref<16x1000000xf32, #tpu.memory_space<hbm>> -> memref<16x128xf32, #tpu.memory_space<hbm>>
      %dma_start3A_3941 = arith.constant 0 : i32
      %dma_start3A_3942 = arith.constant 0 : i32
      %dma_start3A_3943 = tpu.memref_slice %arg11[%dma_start3A_3934, %dma_start3A_3941, %dma_start3A_3942] : memref<8x16x128xf32, #tpu.memory_space<vmem>> -> memref<1x16x128xf32, #tpu.memory_space<vmem>>
      %dma_start3A_3944 = tpu.memref_squeeze %dma_start3A_3943 : memref<1x16x128xf32, #tpu.memory_space<vmem>> -> memref<16x128xf32, #tpu.memory_space<vmem>>
      %dma_start3A_3945 = arith.constant 0 : i32
      %dma_start3A_3946 = tpu.memref_slice %arg4[%dma_start3A_3945, %multiple_of3A_3906] : memref<16x1000000xf32, #tpu.memory_space<hbm>> -> memref<16x128xf32, #tpu.memory_space<hbm>>
      tpu.enqueue_dma source(%dma_start3A_3946 : memref<16x128xf32, #tpu.memory_space<hbm>>) target(%dma_start3A_3944 : memref<16x128xf32, #tpu.memory_space<vmem>>) target_semaphore(%arg16 : memref<!tpu.dma_semaphore, #tpu.memory_space<semaphore_mem>>)
      %dma_start3A_3947 = arith.constant 0 : i32
      %dma_start3A_3948 = arith.constant 0 : i32
      %dma_start3A_3949 = arith.constant 0 : i32
      %dma_start3A_3950 = tpu.memref_slice %arg12[%dma_start3A_3947, %dma_start3A_3948, %dma_start3A_3949] : memref<8x16x128xf32, #tpu.memory_space<vmem>> -> memref<1x16x128xf32, #tpu.memory_space<vmem>>
      %dma_start3A_3951 = tpu.memref_squeeze %dma_start3A_3950 : memref<1x16x128xf32, #tpu.memory_space<vmem>> -> memref<16x128xf32, #tpu.memory_space<vmem>>
      %dma_start3A_3952 = arith.constant 0 : i32
      %dma_start3A_3953 = tpu.memref_slice %arg5[%dma_start3A_3952, %multiple_of3A_3933] : memref<16x1000000xf32, #tpu.memory_space<hbm>> -> memref<16x128xf32, #tpu.memory_space<hbm>>
      %dma_start3A_3954 = arith.constant 0 : i32
      %dma_start3A_3955 = arith.constant 0 : i32
      %dma_start3A_3956 = tpu.memref_slice %arg12[%dma_start3A_3947, %dma_start3A_3954, %dma_start3A_3955] : memref<8x16x128xf32, #tpu.memory_space<vmem>> -> memref<1x16x128xf32, #tpu.memory_space<vmem>>
      %dma_start3A_3957 = tpu.memref_squeeze %dma_start3A_3956 : memref<1x16x128xf32, #tpu.memory_space<vmem>> -> memref<16x128xf32, #tpu.memory_space<vmem>>
      %dma_start3A_3958 = arith.constant 0 : i32
      %dma_start3A_3959 = tpu.memref_slice %arg5[%dma_start3A_3958, %multiple_of3A_3933] : memref<16x1000000xf32, #tpu.memory_space<hbm>> -> memref<16x128xf32, #tpu.memory_space<hbm>>
      tpu.enqueue_dma source(%dma_start3A_3959 : memref<16x128xf32, #tpu.memory_space<hbm>>) target(%dma_start3A_3957 : memref<16x128xf32, #tpu.memory_space<vmem>>) target_semaphore(%arg16 : memref<!tpu.dma_semaphore, #tpu.memory_space<semaphore_mem>>)
      %slice3A_3960 = vector.extract_strided_slice %sub3A_1858 {offsets = [9], sizes = [1], strides = [1]} : vector<16xi32> to vector<1xi32>
      %squeeze3A_3961 = vector.extract %slice3A_3960[0] : i32 from vector<1xi32>
      %slice3A_3962 = vector.extract_strided_slice %sub3A_1863 {offsets = [9], sizes = [1], strides = [1]} : vector<16xi32> to vector<1xi32>
      %squeeze3A_3963 = vector.extract %slice3A_3962[0] : i32 from vector<1xi32>
      %jit3A_3964 = arith.constant 128 : i32
      %div3A_3965 = arith.divsi %squeeze3A_3961, %jit3A_3964 : i32
      %sign3A_3966 = arith.constant 0 : i32
      %sign3A_3967 = arith.cmpi sgt, %squeeze3A_3961, %sign3A_3966 : i32
      %sign3A_3968 = arith.extui %sign3A_3967 : i1 to i32
      %sign3A_3969 = arith.constant 0 : i32
      %sign3A_3970 = arith.cmpi slt, %squeeze3A_3961, %sign3A_3969 : i32
      %sign3A_3971 = arith.extui %sign3A_3970 : i1 to i32
      %sign3A_3972 = arith.subi %sign3A_3968, %sign3A_3971 : i32
      %sign3A_3973 = arith.constant 0 : i32
      %sign3A_3974 = arith.cmpi sgt, %jit3A_3964, %sign3A_3973 : i32
      %sign3A_3975 = arith.extui %sign3A_3974 : i1 to i32
      %sign3A_3976 = arith.constant 0 : i32
      %sign3A_3977 = arith.cmpi slt, %jit3A_3964, %sign3A_3976 : i32
      %sign3A_3978 = arith.extui %sign3A_3977 : i1 to i32
      %sign3A_3979 = arith.subi %sign3A_3975, %sign3A_3978 : i32
      %ne3A_3980 = arith.cmpi ne, %sign3A_3972, %sign3A_3979 : i32
      %rem3A_3981 = arith.remsi %squeeze3A_3961, %jit3A_3964 : i32
      %ne3A_3982 = arith.constant 0 : i32
      %ne3A_3983 = arith.cmpi ne, %rem3A_3981, %ne3A_3982 : i32
      %and3A_3984 = arith.andi %ne3A_3980, %ne3A_3983 : i1
      %sub3A_3985 = arith.constant 1 : i32
      %sub3A_3986 = arith.subi %div3A_3965, %sub3A_3985 : i32
      %select_n3A_3987 = arith.select %and3A_3984, %sub3A_3986, %div3A_3965 : i32
      %mul3A_3988 = arith.constant 128 : i32
      %mul3A_3989 = arith.muli %select_n3A_3987, %mul3A_3988 : i32
      %multiple_of3A_3990 = tpu.assume_multiple %mul3A_3989, 128 : i32
      %jit3A_3991 = arith.constant 128 : i32
      %div3A_3992 = arith.divsi %squeeze3A_3963, %jit3A_3991 : i32
      %sign3A_3993 = arith.constant 0 : i32
      %sign3A_3994 = arith.cmpi sgt, %squeeze3A_3963, %sign3A_3993 : i32
      %sign3A_3995 = arith.extui %sign3A_3994 : i1 to i32
      %sign3A_3996 = arith.constant 0 : i32
      %sign3A_3997 = arith.cmpi slt, %squeeze3A_3963, %sign3A_3996 : i32
      %sign3A_3998 = arith.extui %sign3A_3997 : i1 to i32
      %sign3A_3999 = arith.subi %sign3A_3995, %sign3A_3998 : i32
      %sign3A_4000 = arith.constant 0 : i32
      %sign3A_4001 = arith.cmpi sgt, %jit3A_3991, %sign3A_4000 : i32
      %sign3A_4002 = arith.extui %sign3A_4001 : i1 to i32
      %sign3A_4003 = arith.constant 0 : i32
      %sign3A_4004 = arith.cmpi slt, %jit3A_3991, %sign3A_4003 : i32
      %sign3A_4005 = arith.extui %sign3A_4004 : i1 to i32
      %sign3A_4006 = arith.subi %sign3A_4002, %sign3A_4005 : i32
      %ne3A_4007 = arith.cmpi ne, %sign3A_3999, %sign3A_4006 : i32
      %rem3A_4008 = arith.remsi %squeeze3A_3963, %jit3A_3991 : i32
      %ne3A_4009 = arith.constant 0 : i32
      %ne3A_4010 = arith.cmpi ne, %rem3A_4008, %ne3A_4009 : i32
      %and3A_4011 = arith.andi %ne3A_4007, %ne3A_4010 : i1
      %sub3A_4012 = arith.constant 1 : i32
      %sub3A_4013 = arith.subi %div3A_3992, %sub3A_4012 : i32
      %select_n3A_4014 = arith.select %and3A_4011, %sub3A_4013, %div3A_3992 : i32
      %mul3A_4015 = arith.constant 128 : i32
      %mul3A_4016 = arith.muli %select_n3A_4014, %mul3A_4015 : i32
      %multiple_of3A_4017 = tpu.assume_multiple %mul3A_4016, 128 : i32
      %dma_start3A_4018 = arith.constant 1 : i32
      %dma_start3A_4019 = arith.constant 0 : i32
      %dma_start3A_4020 = arith.constant 0 : i32
      %dma_start3A_4021 = tpu.memref_slice %arg11[%dma_start3A_4018, %dma_start3A_4019, %dma_start3A_4020] : memref<8x16x128xf32, #tpu.memory_space<vmem>> -> memref<1x16x128xf32, #tpu.memory_space<vmem>>
      %dma_start3A_4022 = tpu.memref_squeeze %dma_start3A_4021 : memref<1x16x128xf32, #tpu.memory_space<vmem>> -> memref<16x128xf32, #tpu.memory_space<vmem>>
      %dma_start3A_4023 = arith.constant 0 : i32
      %dma_start3A_4024 = tpu.memref_slice %arg4[%dma_start3A_4023, %multiple_of3A_3990] : memref<16x1000000xf32, #tpu.memory_space<hbm>> -> memref<16x128xf32, #tpu.memory_space<hbm>>
      %dma_start3A_4025 = arith.constant 0 : i32
      %dma_start3A_4026 = arith.constant 0 : i32
      %dma_start3A_4027 = tpu.memref_slice %arg11[%dma_start3A_4018, %dma_start3A_4025, %dma_start3A_4026] : memref<8x16x128xf32, #tpu.memory_space<vmem>> -> memref<1x16x128xf32, #tpu.memory_space<vmem>>
      %dma_start3A_4028 = tpu.memref_squeeze %dma_start3A_4027 : memref<1x16x128xf32, #tpu.memory_space<vmem>> -> memref<16x128xf32, #tpu.memory_space<vmem>>
      %dma_start3A_4029 = arith.constant 0 : i32
      %dma_start3A_4030 = tpu.memref_slice %arg4[%dma_start3A_4029, %multiple_of3A_3990] : memref<16x1000000xf32, #tpu.memory_space<hbm>> -> memref<16x128xf32, #tpu.memory_space<hbm>>
      tpu.enqueue_dma source(%dma_start3A_4030 : memref<16x128xf32, #tpu.memory_space<hbm>>) target(%dma_start3A_4028 : memref<16x128xf32, #tpu.memory_space<vmem>>) target_semaphore(%arg16 : memref<!tpu.dma_semaphore, #tpu.memory_space<semaphore_mem>>)
      %dma_start3A_4031 = arith.constant 1 : i32
      %dma_start3A_4032 = arith.constant 0 : i32
      %dma_start3A_4033 = arith.constant 0 : i32
      %dma_start3A_4034 = tpu.memref_slice %arg12[%dma_start3A_4031, %dma_start3A_4032, %dma_start3A_4033] : memref<8x16x128xf32, #tpu.memory_space<vmem>> -> memref<1x16x128xf32, #tpu.memory_space<vmem>>
      %dma_start3A_4035 = tpu.memref_squeeze %dma_start3A_4034 : memref<1x16x128xf32, #tpu.memory_space<vmem>> -> memref<16x128xf32, #tpu.memory_space<vmem>>
      %dma_start3A_4036 = arith.constant 0 : i32
      %dma_start3A_4037 = tpu.memref_slice %arg5[%dma_start3A_4036, %multiple_of3A_4017] : memref<16x1000000xf32, #tpu.memory_space<hbm>> -> memref<16x128xf32, #tpu.memory_space<hbm>>
      %dma_start3A_4038 = arith.constant 0 : i32
      %dma_start3A_4039 = arith.constant 0 : i32
      %dma_start3A_4040 = tpu.memref_slice %arg12[%dma_start3A_4031, %dma_start3A_4038, %dma_start3A_4039] : memref<8x16x128xf32, #tpu.memory_space<vmem>> -> memref<1x16x128xf32, #tpu.memory_space<vmem>>
      %dma_start3A_4041 = tpu.memref_squeeze %dma_start3A_4040 : memref<1x16x128xf32, #tpu.memory_space<vmem>> -> memref<16x128xf32, #tpu.memory_space<vmem>>
      %dma_start3A_4042 = arith.constant 0 : i32
      %dma_start3A_4043 = tpu.memref_slice %arg5[%dma_start3A_4042, %multiple_of3A_4017] : memref<16x1000000xf32, #tpu.memory_space<hbm>> -> memref<16x128xf32, #tpu.memory_space<hbm>>
      tpu.enqueue_dma source(%dma_start3A_4043 : memref<16x128xf32, #tpu.memory_space<hbm>>) target(%dma_start3A_4041 : memref<16x128xf32, #tpu.memory_space<vmem>>) target_semaphore(%arg16 : memref<!tpu.dma_semaphore, #tpu.memory_space<semaphore_mem>>)
      %slice3A_4044 = vector.extract_strided_slice %sub3A_1858 {offsets = [10], sizes = [1], strides = [1]} : vector<16xi32> to vector<1xi32>
      %squeeze3A_4045 = vector.extract %slice3A_4044[0] : i32 from vector<1xi32>
      %slice3A_4046 = vector.extract_strided_slice %sub3A_1863 {offsets = [10], sizes = [1], strides = [1]} : vector<16xi32> to vector<1xi32>
      %squeeze3A_4047 = vector.extract %slice3A_4046[0] : i32 from vector<1xi32>
      %jit3A_4048 = arith.constant 128 : i32
      %div3A_4049 = arith.divsi %squeeze3A_4045, %jit3A_4048 : i32
      %sign3A_4050 = arith.constant 0 : i32
      %sign3A_4051 = arith.cmpi sgt, %squeeze3A_4045, %sign3A_4050 : i32
      %sign3A_4052 = arith.extui %sign3A_4051 : i1 to i32
      %sign3A_4053 = arith.constant 0 : i32
      %sign3A_4054 = arith.cmpi slt, %squeeze3A_4045, %sign3A_4053 : i32
      %sign3A_4055 = arith.extui %sign3A_4054 : i1 to i32
      %sign3A_4056 = arith.subi %sign3A_4052, %sign3A_4055 : i32
      %sign3A_4057 = arith.constant 0 : i32
      %sign3A_4058 = arith.cmpi sgt, %jit3A_4048, %sign3A_4057 : i32
      %sign3A_4059 = arith.extui %sign3A_4058 : i1 to i32
      %sign3A_4060 = arith.constant 0 : i32
      %sign3A_4061 = arith.cmpi slt, %jit3A_4048, %sign3A_4060 : i32
      %sign3A_4062 = arith.extui %sign3A_4061 : i1 to i32
      %sign3A_4063 = arith.subi %sign3A_4059, %sign3A_4062 : i32
      %ne3A_4064 = arith.cmpi ne, %sign3A_4056, %sign3A_4063 : i32
      %rem3A_4065 = arith.remsi %squeeze3A_4045, %jit3A_4048 : i32
      %ne3A_4066 = arith.constant 0 : i32
      %ne3A_4067 = arith.cmpi ne, %rem3A_4065, %ne3A_4066 : i32
      %and3A_4068 = arith.andi %ne3A_4064, %ne3A_4067 : i1
      %sub3A_4069 = arith.constant 1 : i32
      %sub3A_4070 = arith.subi %div3A_4049, %sub3A_4069 : i32
      %select_n3A_4071 = arith.select %and3A_4068, %sub3A_4070, %div3A_4049 : i32
      %mul3A_4072 = arith.constant 128 : i32
      %mul3A_4073 = arith.muli %select_n3A_4071, %mul3A_4072 : i32
      %multiple_of3A_4074 = tpu.assume_multiple %mul3A_4073, 128 : i32
      %jit3A_4075 = arith.constant 128 : i32
      %div3A_4076 = arith.divsi %squeeze3A_4047, %jit3A_4075 : i32
      %sign3A_4077 = arith.constant 0 : i32
      %sign3A_4078 = arith.cmpi sgt, %squeeze3A_4047, %sign3A_4077 : i32
      %sign3A_4079 = arith.extui %sign3A_4078 : i1 to i32
      %sign3A_4080 = arith.constant 0 : i32
      %sign3A_4081 = arith.cmpi slt, %squeeze3A_4047, %sign3A_4080 : i32
      %sign3A_4082 = arith.extui %sign3A_4081 : i1 to i32
      %sign3A_4083 = arith.subi %sign3A_4079, %sign3A_4082 : i32
      %sign3A_4084 = arith.constant 0 : i32
      %sign3A_4085 = arith.cmpi sgt, %jit3A_4075, %sign3A_4084 : i32
      %sign3A_4086 = arith.extui %sign3A_4085 : i1 to i32
      %sign3A_4087 = arith.constant 0 : i32
      %sign3A_4088 = arith.cmpi slt, %jit3A_4075, %sign3A_4087 : i32
      %sign3A_4089 = arith.extui %sign3A_4088 : i1 to i32
      %sign3A_4090 = arith.subi %sign3A_4086, %sign3A_4089 : i32
      %ne3A_4091 = arith.cmpi ne, %sign3A_4083, %sign3A_4090 : i32
      %rem3A_4092 = arith.remsi %squeeze3A_4047, %jit3A_4075 : i32
      %ne3A_4093 = arith.constant 0 : i32
      %ne3A_4094 = arith.cmpi ne, %rem3A_4092, %ne3A_4093 : i32
      %and3A_4095 = arith.andi %ne3A_4091, %ne3A_4094 : i1
      %sub3A_4096 = arith.constant 1 : i32
      %sub3A_4097 = arith.subi %div3A_4076, %sub3A_4096 : i32
      %select_n3A_4098 = arith.select %and3A_4095, %sub3A_4097, %div3A_4076 : i32
      %mul3A_4099 = arith.constant 128 : i32
      %mul3A_4100 = arith.muli %select_n3A_4098, %mul3A_4099 : i32
      %multiple_of3A_4101 = tpu.assume_multiple %mul3A_4100, 128 : i32
      %dma_start3A_4102 = arith.constant 2 : i32
      %dma_start3A_4103 = arith.constant 0 : i32
      %dma_start3A_4104 = arith.constant 0 : i32
      %dma_start3A_4105 = tpu.memref_slice %arg11[%dma_start3A_4102, %dma_start3A_4103, %dma_start3A_4104] : memref<8x16x128xf32, #tpu.memory_space<vmem>> -> memref<1x16x128xf32, #tpu.memory_space<vmem>>
      %dma_start3A_4106 = tpu.memref_squeeze %dma_start3A_4105 : memref<1x16x128xf32, #tpu.memory_space<vmem>> -> memref<16x128xf32, #tpu.memory_space<vmem>>
      %dma_start3A_4107 = arith.constant 0 : i32
      %dma_start3A_4108 = tpu.memref_slice %arg4[%dma_start3A_4107, %multiple_of3A_4074] : memref<16x1000000xf32, #tpu.memory_space<hbm>> -> memref<16x128xf32, #tpu.memory_space<hbm>>
      %dma_start3A_4109 = arith.constant 0 : i32
      %dma_start3A_4110 = arith.constant 0 : i32
      %dma_start3A_4111 = tpu.memref_slice %arg11[%dma_start3A_4102, %dma_start3A_4109, %dma_start3A_4110] : memref<8x16x128xf32, #tpu.memory_space<vmem>> -> memref<1x16x128xf32, #tpu.memory_space<vmem>>
      %dma_start3A_4112 = tpu.memref_squeeze %dma_start3A_4111 : memref<1x16x128xf32, #tpu.memory_space<vmem>> -> memref<16x128xf32, #tpu.memory_space<vmem>>
      %dma_start3A_4113 = arith.constant 0 : i32
      %dma_start3A_4114 = tpu.memref_slice %arg4[%dma_start3A_4113, %multiple_of3A_4074] : memref<16x1000000xf32, #tpu.memory_space<hbm>> -> memref<16x128xf32, #tpu.memory_space<hbm>>
      tpu.enqueue_dma source(%dma_start3A_4114 : memref<16x128xf32, #tpu.memory_space<hbm>>) target(%dma_start3A_4112 : memref<16x128xf32, #tpu.memory_space<vmem>>) target_semaphore(%arg16 : memref<!tpu.dma_semaphore, #tpu.memory_space<semaphore_mem>>)
      %dma_start3A_4115 = arith.constant 2 : i32
      %dma_start3A_4116 = arith.constant 0 : i32
      %dma_start3A_4117 = arith.constant 0 : i32
      %dma_start3A_4118 = tpu.memref_slice %arg12[%dma_start3A_4115, %dma_start3A_4116, %dma_start3A_4117] : memref<8x16x128xf32, #tpu.memory_space<vmem>> -> memref<1x16x128xf32, #tpu.memory_space<vmem>>
      %dma_start3A_4119 = tpu.memref_squeeze %dma_start3A_4118 : memref<1x16x128xf32, #tpu.memory_space<vmem>> -> memref<16x128xf32, #tpu.memory_space<vmem>>
      %dma_start3A_4120 = arith.constant 0 : i32
      %dma_start3A_4121 = tpu.memref_slice %arg5[%dma_start3A_4120, %multiple_of3A_4101] : memref<16x1000000xf32, #tpu.memory_space<hbm>> -> memref<16x128xf32, #tpu.memory_space<hbm>>
      %dma_start3A_4122 = arith.constant 0 : i32
      %dma_start3A_4123 = arith.constant 0 : i32
      %dma_start3A_4124 = tpu.memref_slice %arg12[%dma_start3A_4115, %dma_start3A_4122, %dma_start3A_4123] : memref<8x16x128xf32, #tpu.memory_space<vmem>> -> memref<1x16x128xf32, #tpu.memory_space<vmem>>
      %dma_start3A_4125 = tpu.memref_squeeze %dma_start3A_4124 : memref<1x16x128xf32, #tpu.memory_space<vmem>> -> memref<16x128xf32, #tpu.memory_space<vmem>>
      %dma_start3A_4126 = arith.constant 0 : i32
      %dma_start3A_4127 = tpu.memref_slice %arg5[%dma_start3A_4126, %multiple_of3A_4101] : memref<16x1000000xf32, #tpu.memory_space<hbm>> -> memref<16x128xf32, #tpu.memory_space<hbm>>
      tpu.enqueue_dma source(%dma_start3A_4127 : memref<16x128xf32, #tpu.memory_space<hbm>>) target(%dma_start3A_4125 : memref<16x128xf32, #tpu.memory_space<vmem>>) target_semaphore(%arg16 : memref<!tpu.dma_semaphore, #tpu.memory_space<semaphore_mem>>)
      %slice3A_4128 = vector.extract_strided_slice %sub3A_1858 {offsets = [11], sizes = [1], strides = [1]} : vector<16xi32> to vector<1xi32>
      %squeeze3A_4129 = vector.extract %slice3A_4128[0] : i32 from vector<1xi32>
      %slice3A_4130 = vector.extract_strided_slice %sub3A_1863 {offsets = [11], sizes = [1], strides = [1]} : vector<16xi32> to vector<1xi32>
      %squeeze3A_4131 = vector.extract %slice3A_4130[0] : i32 from vector<1xi32>
      %jit3A_4132 = arith.constant 128 : i32
      %div3A_4133 = arith.divsi %squeeze3A_4129, %jit3A_4132 : i32
      %sign3A_4134 = arith.constant 0 : i32
      %sign3A_4135 = arith.cmpi sgt, %squeeze3A_4129, %sign3A_4134 : i32
      %sign3A_4136 = arith.extui %sign3A_4135 : i1 to i32
      %sign3A_4137 = arith.constant 0 : i32
      %sign3A_4138 = arith.cmpi slt, %squeeze3A_4129, %sign3A_4137 : i32
      %sign3A_4139 = arith.extui %sign3A_4138 : i1 to i32
      %sign3A_4140 = arith.subi %sign3A_4136, %sign3A_4139 : i32
      %sign3A_4141 = arith.constant 0 : i32
      %sign3A_4142 = arith.cmpi sgt, %jit3A_4132, %sign3A_4141 : i32
      %sign3A_4143 = arith.extui %sign3A_4142 : i1 to i32
      %sign3A_4144 = arith.constant 0 : i32
      %sign3A_4145 = arith.cmpi slt, %jit3A_4132, %sign3A_4144 : i32
      %sign3A_4146 = arith.extui %sign3A_4145 : i1 to i32
      %sign3A_4147 = arith.subi %sign3A_4143, %sign3A_4146 : i32
      %ne3A_4148 = arith.cmpi ne, %sign3A_4140, %sign3A_4147 : i32
      %rem3A_4149 = arith.remsi %squeeze3A_4129, %jit3A_4132 : i32
      %ne3A_4150 = arith.constant 0 : i32
      %ne3A_4151 = arith.cmpi ne, %rem3A_4149, %ne3A_4150 : i32
      %and3A_4152 = arith.andi %ne3A_4148, %ne3A_4151 : i1
      %sub3A_4153 = arith.constant 1 : i32
      %sub3A_4154 = arith.subi %div3A_4133, %sub3A_4153 : i32
      %select_n3A_4155 = arith.select %and3A_4152, %sub3A_4154, %div3A_4133 : i32
      %mul3A_4156 = arith.constant 128 : i32
      %mul3A_4157 = arith.muli %select_n3A_4155, %mul3A_4156 : i32
      %multiple_of3A_4158 = tpu.assume_multiple %mul3A_4157, 128 : i32
      %jit3A_4159 = arith.constant 128 : i32
      %div3A_4160 = arith.divsi %squeeze3A_4131, %jit3A_4159 : i32
      %sign3A_4161 = arith.constant 0 : i32
      %sign3A_4162 = arith.cmpi sgt, %squeeze3A_4131, %sign3A_4161 : i32
      %sign3A_4163 = arith.extui %sign3A_4162 : i1 to i32
      %sign3A_4164 = arith.constant 0 : i32
      %sign3A_4165 = arith.cmpi slt, %squeeze3A_4131, %sign3A_4164 : i32
      %sign3A_4166 = arith.extui %sign3A_4165 : i1 to i32
      %sign3A_4167 = arith.subi %sign3A_4163, %sign3A_4166 : i32
      %sign3A_4168 = arith.constant 0 : i32
      %sign3A_4169 = arith.cmpi sgt, %jit3A_4159, %sign3A_4168 : i32
      %sign3A_4170 = arith.extui %sign3A_4169 : i1 to i32
      %sign3A_4171 = arith.constant 0 : i32
      %sign3A_4172 = arith.cmpi slt, %jit3A_4159, %sign3A_4171 : i32
      %sign3A_4173 = arith.extui %sign3A_4172 : i1 to i32
      %sign3A_4174 = arith.subi %sign3A_4170, %sign3A_4173 : i32
      %ne3A_4175 = arith.cmpi ne, %sign3A_4167, %sign3A_4174 : i32
      %rem3A_4176 = arith.remsi %squeeze3A_4131, %jit3A_4159 : i32
      %ne3A_4177 = arith.constant 0 : i32
      %ne3A_4178 = arith.cmpi ne, %rem3A_4176, %ne3A_4177 : i32
      %and3A_4179 = arith.andi %ne3A_4175, %ne3A_4178 : i1
      %sub3A_4180 = arith.constant 1 : i32
      %sub3A_4181 = arith.subi %div3A_4160, %sub3A_4180 : i32
      %select_n3A_4182 = arith.select %and3A_4179, %sub3A_4181, %div3A_4160 : i32
      %mul3A_4183 = arith.constant 128 : i32
      %mul3A_4184 = arith.muli %select_n3A_4182, %mul3A_4183 : i32
      %multiple_of3A_4185 = tpu.assume_multiple %mul3A_4184, 128 : i32
      %dma_start3A_4186 = arith.constant 3 : i32
      %dma_start3A_4187 = arith.constant 0 : i32
      %dma_start3A_4188 = arith.constant 0 : i32
      %dma_start3A_4189 = tpu.memref_slice %arg11[%dma_start3A_4186, %dma_start3A_4187, %dma_start3A_4188] : memref<8x16x128xf32, #tpu.memory_space<vmem>> -> memref<1x16x128xf32, #tpu.memory_space<vmem>>
      %dma_start3A_4190 = tpu.memref_squeeze %dma_start3A_4189 : memref<1x16x128xf32, #tpu.memory_space<vmem>> -> memref<16x128xf32, #tpu.memory_space<vmem>>
      %dma_start3A_4191 = arith.constant 0 : i32
      %dma_start3A_4192 = tpu.memref_slice %arg4[%dma_start3A_4191, %multiple_of3A_4158] : memref<16x1000000xf32, #tpu.memory_space<hbm>> -> memref<16x128xf32, #tpu.memory_space<hbm>>
      %dma_start3A_4193 = arith.constant 0 : i32
      %dma_start3A_4194 = arith.constant 0 : i32
      %dma_start3A_4195 = tpu.memref_slice %arg11[%dma_start3A_4186, %dma_start3A_4193, %dma_start3A_4194] : memref<8x16x128xf32, #tpu.memory_space<vmem>> -> memref<1x16x128xf32, #tpu.memory_space<vmem>>
      %dma_start3A_4196 = tpu.memref_squeeze %dma_start3A_4195 : memref<1x16x128xf32, #tpu.memory_space<vmem>> -> memref<16x128xf32, #tpu.memory_space<vmem>>
      %dma_start3A_4197 = arith.constant 0 : i32
      %dma_start3A_4198 = tpu.memref_slice %arg4[%dma_start3A_4197, %multiple_of3A_4158] : memref<16x1000000xf32, #tpu.memory_space<hbm>> -> memref<16x128xf32, #tpu.memory_space<hbm>>
      tpu.enqueue_dma source(%dma_start3A_4198 : memref<16x128xf32, #tpu.memory_space<hbm>>) target(%dma_start3A_4196 : memref<16x128xf32, #tpu.memory_space<vmem>>) target_semaphore(%arg16 : memref<!tpu.dma_semaphore, #tpu.memory_space<semaphore_mem>>)
      %dma_start3A_4199 = arith.constant 3 : i32
      %dma_start3A_4200 = arith.constant 0 : i32
      %dma_start3A_4201 = arith.constant 0 : i32
      %dma_start3A_4202 = tpu.memref_slice %arg12[%dma_start3A_4199, %dma_start3A_4200, %dma_start3A_4201] : memref<8x16x128xf32, #tpu.memory_space<vmem>> -> memref<1x16x128xf32, #tpu.memory_space<vmem>>
      %dma_start3A_4203 = tpu.memref_squeeze %dma_start3A_4202 : memref<1x16x128xf32, #tpu.memory_space<vmem>> -> memref<16x128xf32, #tpu.memory_space<vmem>>
      %dma_start3A_4204 = arith.constant 0 : i32
      %dma_start3A_4205 = tpu.memref_slice %arg5[%dma_start3A_4204, %multiple_of3A_4185] : memref<16x1000000xf32, #tpu.memory_space<hbm>> -> memref<16x128xf32, #tpu.memory_space<hbm>>
      %dma_start3A_4206 = arith.constant 0 : i32
      %dma_start3A_4207 = arith.constant 0 : i32
      %dma_start3A_4208 = tpu.memref_slice %arg12[%dma_start3A_4199, %dma_start3A_4206, %dma_start3A_4207] : memref<8x16x128xf32, #tpu.memory_space<vmem>> -> memref<1x16x128xf32, #tpu.memory_space<vmem>>
      %dma_start3A_4209 = tpu.memref_squeeze %dma_start3A_4208 : memref<1x16x128xf32, #tpu.memory_space<vmem>> -> memref<16x128xf32, #tpu.memory_space<vmem>>
      %dma_start3A_4210 = arith.constant 0 : i32
      %dma_start3A_4211 = tpu.memref_slice %arg5[%dma_start3A_4210, %multiple_of3A_4185] : memref<16x1000000xf32, #tpu.memory_space<hbm>> -> memref<16x128xf32, #tpu.memory_space<hbm>>
      tpu.enqueue_dma source(%dma_start3A_4211 : memref<16x128xf32, #tpu.memory_space<hbm>>) target(%dma_start3A_4209 : memref<16x128xf32, #tpu.memory_space<vmem>>) target_semaphore(%arg16 : memref<!tpu.dma_semaphore, #tpu.memory_space<semaphore_mem>>)
      %slice3A_4212 = vector.extract_strided_slice %sub3A_1858 {offsets = [12], sizes = [1], strides = [1]} : vector<16xi32> to vector<1xi32>
      %squeeze3A_4213 = vector.extract %slice3A_4212[0] : i32 from vector<1xi32>
      %slice3A_4214 = vector.extract_strided_slice %sub3A_1863 {offsets = [12], sizes = [1], strides = [1]} : vector<16xi32> to vector<1xi32>
      %squeeze3A_4215 = vector.extract %slice3A_4214[0] : i32 from vector<1xi32>
      %jit3A_4216 = arith.constant 128 : i32
      %div3A_4217 = arith.divsi %squeeze3A_4213, %jit3A_4216 : i32
      %sign3A_4218 = arith.constant 0 : i32
      %sign3A_4219 = arith.cmpi sgt, %squeeze3A_4213, %sign3A_4218 : i32
      %sign3A_4220 = arith.extui %sign3A_4219 : i1 to i32
      %sign3A_4221 = arith.constant 0 : i32
      %sign3A_4222 = arith.cmpi slt, %squeeze3A_4213, %sign3A_4221 : i32
      %sign3A_4223 = arith.extui %sign3A_4222 : i1 to i32
      %sign3A_4224 = arith.subi %sign3A_4220, %sign3A_4223 : i32
      %sign3A_4225 = arith.constant 0 : i32
      %sign3A_4226 = arith.cmpi sgt, %jit3A_4216, %sign3A_4225 : i32
      %sign3A_4227 = arith.extui %sign3A_4226 : i1 to i32
      %sign3A_4228 = arith.constant 0 : i32
      %sign3A_4229 = arith.cmpi slt, %jit3A_4216, %sign3A_4228 : i32
      %sign3A_4230 = arith.extui %sign3A_4229 : i1 to i32
      %sign3A_4231 = arith.subi %sign3A_4227, %sign3A_4230 : i32
      %ne3A_4232 = arith.cmpi ne, %sign3A_4224, %sign3A_4231 : i32
      %rem3A_4233 = arith.remsi %squeeze3A_4213, %jit3A_4216 : i32
      %ne3A_4234 = arith.constant 0 : i32
      %ne3A_4235 = arith.cmpi ne, %rem3A_4233, %ne3A_4234 : i32
      %and3A_4236 = arith.andi %ne3A_4232, %ne3A_4235 : i1
      %sub3A_4237 = arith.constant 1 : i32
      %sub3A_4238 = arith.subi %div3A_4217, %sub3A_4237 : i32
      %select_n3A_4239 = arith.select %and3A_4236, %sub3A_4238, %div3A_4217 : i32
      %mul3A_4240 = arith.constant 128 : i32
      %mul3A_4241 = arith.muli %select_n3A_4239, %mul3A_4240 : i32
      %multiple_of3A_4242 = tpu.assume_multiple %mul3A_4241, 128 : i32
      %jit3A_4243 = arith.constant 128 : i32
      %div3A_4244 = arith.divsi %squeeze3A_4215, %jit3A_4243 : i32
      %sign3A_4245 = arith.constant 0 : i32
      %sign3A_4246 = arith.cmpi sgt, %squeeze3A_4215, %sign3A_4245 : i32
      %sign3A_4247 = arith.extui %sign3A_4246 : i1 to i32
      %sign3A_4248 = arith.constant 0 : i32
      %sign3A_4249 = arith.cmpi slt, %squeeze3A_4215, %sign3A_4248 : i32
      %sign3A_4250 = arith.extui %sign3A_4249 : i1 to i32
      %sign3A_4251 = arith.subi %sign3A_4247, %sign3A_4250 : i32
      %sign3A_4252 = arith.constant 0 : i32
      %sign3A_4253 = arith.cmpi sgt, %jit3A_4243, %sign3A_4252 : i32
      %sign3A_4254 = arith.extui %sign3A_4253 : i1 to i32
      %sign3A_4255 = arith.constant 0 : i32
      %sign3A_4256 = arith.cmpi slt, %jit3A_4243, %sign3A_4255 : i32
      %sign3A_4257 = arith.extui %sign3A_4256 : i1 to i32
      %sign3A_4258 = arith.subi %sign3A_4254, %sign3A_4257 : i32
      %ne3A_4259 = arith.cmpi ne, %sign3A_4251, %sign3A_4258 : i32
      %rem3A_4260 = arith.remsi %squeeze3A_4215, %jit3A_4243 : i32
      %ne3A_4261 = arith.constant 0 : i32
      %ne3A_4262 = arith.cmpi ne, %rem3A_4260, %ne3A_4261 : i32
      %and3A_4263 = arith.andi %ne3A_4259, %ne3A_4262 : i1
      %sub3A_4264 = arith.constant 1 : i32
      %sub3A_4265 = arith.subi %div3A_4244, %sub3A_4264 : i32
      %select_n3A_4266 = arith.select %and3A_4263, %sub3A_4265, %div3A_4244 : i32
      %mul3A_4267 = arith.constant 128 : i32
      %mul3A_4268 = arith.muli %select_n3A_4266, %mul3A_4267 : i32
      %multiple_of3A_4269 = tpu.assume_multiple %mul3A_4268, 128 : i32
      %dma_start3A_4270 = arith.constant 4 : i32
      %dma_start3A_4271 = arith.constant 0 : i32
      %dma_start3A_4272 = arith.constant 0 : i32
      %dma_start3A_4273 = tpu.memref_slice %arg11[%dma_start3A_4270, %dma_start3A_4271, %dma_start3A_4272] : memref<8x16x128xf32, #tpu.memory_space<vmem>> -> memref<1x16x128xf32, #tpu.memory_space<vmem>>
      %dma_start3A_4274 = tpu.memref_squeeze %dma_start3A_4273 : memref<1x16x128xf32, #tpu.memory_space<vmem>> -> memref<16x128xf32, #tpu.memory_space<vmem>>
      %dma_start3A_4275 = arith.constant 0 : i32
      %dma_start3A_4276 = tpu.memref_slice %arg4[%dma_start3A_4275, %multiple_of3A_4242] : memref<16x1000000xf32, #tpu.memory_space<hbm>> -> memref<16x128xf32, #tpu.memory_space<hbm>>
      %dma_start3A_4277 = arith.constant 0 : i32
      %dma_start3A_4278 = arith.constant 0 : i32
      %dma_start3A_4279 = tpu.memref_slice %arg11[%dma_start3A_4270, %dma_start3A_4277, %dma_start3A_4278] : memref<8x16x128xf32, #tpu.memory_space<vmem>> -> memref<1x16x128xf32, #tpu.memory_space<vmem>>
      %dma_start3A_4280 = tpu.memref_squeeze %dma_start3A_4279 : memref<1x16x128xf32, #tpu.memory_space<vmem>> -> memref<16x128xf32, #tpu.memory_space<vmem>>
      %dma_start3A_4281 = arith.constant 0 : i32
      %dma_start3A_4282 = tpu.memref_slice %arg4[%dma_start3A_4281, %multiple_of3A_4242] : memref<16x1000000xf32, #tpu.memory_space<hbm>> -> memref<16x128xf32, #tpu.memory_space<hbm>>
      tpu.enqueue_dma source(%dma_start3A_4282 : memref<16x128xf32, #tpu.memory_space<hbm>>) target(%dma_start3A_4280 : memref<16x128xf32, #tpu.memory_space<vmem>>) target_semaphore(%arg16 : memref<!tpu.dma_semaphore, #tpu.memory_space<semaphore_mem>>)
      %dma_start3A_4283 = arith.constant 4 : i32
      %dma_start3A_4284 = arith.constant 0 : i32
      %dma_start3A_4285 = arith.constant 0 : i32
      %dma_start3A_4286 = tpu.memref_slice %arg12[%dma_start3A_4283, %dma_start3A_4284, %dma_start3A_4285] : memref<8x16x128xf32, #tpu.memory_space<vmem>> -> memref<1x16x128xf32, #tpu.memory_space<vmem>>
      %dma_start3A_4287 = tpu.memref_squeeze %dma_start3A_4286 : memref<1x16x128xf32, #tpu.memory_space<vmem>> -> memref<16x128xf32, #tpu.memory_space<vmem>>
      %dma_start3A_4288 = arith.constant 0 : i32
      %dma_start3A_4289 = tpu.memref_slice %arg5[%dma_start3A_4288, %multiple_of3A_4269] : memref<16x1000000xf32, #tpu.memory_space<hbm>> -> memref<16x128xf32, #tpu.memory_space<hbm>>
      %dma_start3A_4290 = arith.constant 0 : i32
      %dma_start3A_4291 = arith.constant 0 : i32
      %dma_start3A_4292 = tpu.memref_slice %arg12[%dma_start3A_4283, %dma_start3A_4290, %dma_start3A_4291] : memref<8x16x128xf32, #tpu.memory_space<vmem>> -> memref<1x16x128xf32, #tpu.memory_space<vmem>>
      %dma_start3A_4293 = tpu.memref_squeeze %dma_start3A_4292 : memref<1x16x128xf32, #tpu.memory_space<vmem>> -> memref<16x128xf32, #tpu.memory_space<vmem>>
      %dma_start3A_4294 = arith.constant 0 : i32
      %dma_start3A_4295 = tpu.memref_slice %arg5[%dma_start3A_4294, %multiple_of3A_4269] : memref<16x1000000xf32, #tpu.memory_space<hbm>> -> memref<16x128xf32, #tpu.memory_space<hbm>>
      tpu.enqueue_dma source(%dma_start3A_4295 : memref<16x128xf32, #tpu.memory_space<hbm>>) target(%dma_start3A_4293 : memref<16x128xf32, #tpu.memory_space<vmem>>) target_semaphore(%arg16 : memref<!tpu.dma_semaphore, #tpu.memory_space<semaphore_mem>>)
      %slice3A_4296 = vector.extract_strided_slice %sub3A_1858 {offsets = [13], sizes = [1], strides = [1]} : vector<16xi32> to vector<1xi32>
      %squeeze3A_4297 = vector.extract %slice3A_4296[0] : i32 from vector<1xi32>
      %slice3A_4298 = vector.extract_strided_slice %sub3A_1863 {offsets = [13], sizes = [1], strides = [1]} : vector<16xi32> to vector<1xi32>
      %squeeze3A_4299 = vector.extract %slice3A_4298[0] : i32 from vector<1xi32>
      %jit3A_4300 = arith.constant 128 : i32
      %div3A_4301 = arith.divsi %squeeze3A_4297, %jit3A_4300 : i32
      %sign3A_4302 = arith.constant 0 : i32
      %sign3A_4303 = arith.cmpi sgt, %squeeze3A_4297, %sign3A_4302 : i32
      %sign3A_4304 = arith.extui %sign3A_4303 : i1 to i32
      %sign3A_4305 = arith.constant 0 : i32
      %sign3A_4306 = arith.cmpi slt, %squeeze3A_4297, %sign3A_4305 : i32
      %sign3A_4307 = arith.extui %sign3A_4306 : i1 to i32
      %sign3A_4308 = arith.subi %sign3A_4304, %sign3A_4307 : i32
      %sign3A_4309 = arith.constant 0 : i32
      %sign3A_4310 = arith.cmpi sgt, %jit3A_4300, %sign3A_4309 : i32
      %sign3A_4311 = arith.extui %sign3A_4310 : i1 to i32
      %sign3A_4312 = arith.constant 0 : i32
      %sign3A_4313 = arith.cmpi slt, %jit3A_4300, %sign3A_4312 : i32
      %sign3A_4314 = arith.extui %sign3A_4313 : i1 to i32
      %sign3A_4315 = arith.subi %sign3A_4311, %sign3A_4314 : i32
      %ne3A_4316 = arith.cmpi ne, %sign3A_4308, %sign3A_4315 : i32
      %rem3A_4317 = arith.remsi %squeeze3A_4297, %jit3A_4300 : i32
      %ne3A_4318 = arith.constant 0 : i32
      %ne3A_4319 = arith.cmpi ne, %rem3A_4317, %ne3A_4318 : i32
      %and3A_4320 = arith.andi %ne3A_4316, %ne3A_4319 : i1
      %sub3A_4321 = arith.constant 1 : i32
      %sub3A_4322 = arith.subi %div3A_4301, %sub3A_4321 : i32
      %select_n3A_4323 = arith.select %and3A_4320, %sub3A_4322, %div3A_4301 : i32
      %mul3A_4324 = arith.constant 128 : i32
      %mul3A_4325 = arith.muli %select_n3A_4323, %mul3A_4324 : i32
      %multiple_of3A_4326 = tpu.assume_multiple %mul3A_4325, 128 : i32
      %jit3A_4327 = arith.constant 128 : i32
      %div3A_4328 = arith.divsi %squeeze3A_4299, %jit3A_4327 : i32
      %sign3A_4329 = arith.constant 0 : i32
      %sign3A_4330 = arith.cmpi sgt, %squeeze3A_4299, %sign3A_4329 : i32
      %sign3A_4331 = arith.extui %sign3A_4330 : i1 to i32
      %sign3A_4332 = arith.constant 0 : i32
      %sign3A_4333 = arith.cmpi slt, %squeeze3A_4299, %sign3A_4332 : i32
      %sign3A_4334 = arith.extui %sign3A_4333 : i1 to i32
      %sign3A_4335 = arith.subi %sign3A_4331, %sign3A_4334 : i32
      %sign3A_4336 = arith.constant 0 : i32
      %sign3A_4337 = arith.cmpi sgt, %jit3A_4327, %sign3A_4336 : i32
      %sign3A_4338 = arith.extui %sign3A_4337 : i1 to i32
      %sign3A_4339 = arith.constant 0 : i32
      %sign3A_4340 = arith.cmpi slt, %jit3A_4327, %sign3A_4339 : i32
      %sign3A_4341 = arith.extui %sign3A_4340 : i1 to i32
      %sign3A_4342 = arith.subi %sign3A_4338, %sign3A_4341 : i32
      %ne3A_4343 = arith.cmpi ne, %sign3A_4335, %sign3A_4342 : i32
      %rem3A_4344 = arith.remsi %squeeze3A_4299, %jit3A_4327 : i32
      %ne3A_4345 = arith.constant 0 : i32
      %ne3A_4346 = arith.cmpi ne, %rem3A_4344, %ne3A_4345 : i32
      %and3A_4347 = arith.andi %ne3A_4343, %ne3A_4346 : i1
      %sub3A_4348 = arith.constant 1 : i32
      %sub3A_4349 = arith.subi %div3A_4328, %sub3A_4348 : i32
      %select_n3A_4350 = arith.select %and3A_4347, %sub3A_4349, %div3A_4328 : i32
      %mul3A_4351 = arith.constant 128 : i32
      %mul3A_4352 = arith.muli %select_n3A_4350, %mul3A_4351 : i32
      %multiple_of3A_4353 = tpu.assume_multiple %mul3A_4352, 128 : i32
      %dma_start3A_4354 = arith.constant 5 : i32
      %dma_start3A_4355 = arith.constant 0 : i32
      %dma_start3A_4356 = arith.constant 0 : i32
      %dma_start3A_4357 = tpu.memref_slice %arg11[%dma_start3A_4354, %dma_start3A_4355, %dma_start3A_4356] : memref<8x16x128xf32, #tpu.memory_space<vmem>> -> memref<1x16x128xf32, #tpu.memory_space<vmem>>
      %dma_start3A_4358 = tpu.memref_squeeze %dma_start3A_4357 : memref<1x16x128xf32, #tpu.memory_space<vmem>> -> memref<16x128xf32, #tpu.memory_space<vmem>>
      %dma_start3A_4359 = arith.constant 0 : i32
      %dma_start3A_4360 = tpu.memref_slice %arg4[%dma_start3A_4359, %multiple_of3A_4326] : memref<16x1000000xf32, #tpu.memory_space<hbm>> -> memref<16x128xf32, #tpu.memory_space<hbm>>
      %dma_start3A_4361 = arith.constant 0 : i32
      %dma_start3A_4362 = arith.constant 0 : i32
      %dma_start3A_4363 = tpu.memref_slice %arg11[%dma_start3A_4354, %dma_start3A_4361, %dma_start3A_4362] : memref<8x16x128xf32, #tpu.memory_space<vmem>> -> memref<1x16x128xf32, #tpu.memory_space<vmem>>
      %dma_start3A_4364 = tpu.memref_squeeze %dma_start3A_4363 : memref<1x16x128xf32, #tpu.memory_space<vmem>> -> memref<16x128xf32, #tpu.memory_space<vmem>>
      %dma_start3A_4365 = arith.constant 0 : i32
      %dma_start3A_4366 = tpu.memref_slice %arg4[%dma_start3A_4365, %multiple_of3A_4326] : memref<16x1000000xf32, #tpu.memory_space<hbm>> -> memref<16x128xf32, #tpu.memory_space<hbm>>
      tpu.enqueue_dma source(%dma_start3A_4366 : memref<16x128xf32, #tpu.memory_space<hbm>>) target(%dma_start3A_4364 : memref<16x128xf32, #tpu.memory_space<vmem>>) target_semaphore(%arg16 : memref<!tpu.dma_semaphore, #tpu.memory_space<semaphore_mem>>)
      %dma_start3A_4367 = arith.constant 5 : i32
      %dma_start3A_4368 = arith.constant 0 : i32
      %dma_start3A_4369 = arith.constant 0 : i32
      %dma_start3A_4370 = tpu.memref_slice %arg12[%dma_start3A_4367, %dma_start3A_4368, %dma_start3A_4369] : memref<8x16x128xf32, #tpu.memory_space<vmem>> -> memref<1x16x128xf32, #tpu.memory_space<vmem>>
      %dma_start3A_4371 = tpu.memref_squeeze %dma_start3A_4370 : memref<1x16x128xf32, #tpu.memory_space<vmem>> -> memref<16x128xf32, #tpu.memory_space<vmem>>
      %dma_start3A_4372 = arith.constant 0 : i32
      %dma_start3A_4373 = tpu.memref_slice %arg5[%dma_start3A_4372, %multiple_of3A_4353] : memref<16x1000000xf32, #tpu.memory_space<hbm>> -> memref<16x128xf32, #tpu.memory_space<hbm>>
      %dma_start3A_4374 = arith.constant 0 : i32
      %dma_start3A_4375 = arith.constant 0 : i32
      %dma_start3A_4376 = tpu.memref_slice %arg12[%dma_start3A_4367, %dma_start3A_4374, %dma_start3A_4375] : memref<8x16x128xf32, #tpu.memory_space<vmem>> -> memref<1x16x128xf32, #tpu.memory_space<vmem>>
      %dma_start3A_4377 = tpu.memref_squeeze %dma_start3A_4376 : memref<1x16x128xf32, #tpu.memory_space<vmem>> -> memref<16x128xf32, #tpu.memory_space<vmem>>
      %dma_start3A_4378 = arith.constant 0 : i32
      %dma_start3A_4379 = tpu.memref_slice %arg5[%dma_start3A_4378, %multiple_of3A_4353] : memref<16x1000000xf32, #tpu.memory_space<hbm>> -> memref<16x128xf32, #tpu.memory_space<hbm>>
      tpu.enqueue_dma source(%dma_start3A_4379 : memref<16x128xf32, #tpu.memory_space<hbm>>) target(%dma_start3A_4377 : memref<16x128xf32, #tpu.memory_space<vmem>>) target_semaphore(%arg16 : memref<!tpu.dma_semaphore, #tpu.memory_space<semaphore_mem>>)
      %slice3A_4380 = vector.extract_strided_slice %sub3A_1858 {offsets = [14], sizes = [1], strides = [1]} : vector<16xi32> to vector<1xi32>
      %squeeze3A_4381 = vector.extract %slice3A_4380[0] : i32 from vector<1xi32>
      %slice3A_4382 = vector.extract_strided_slice %sub3A_1863 {offsets = [14], sizes = [1], strides = [1]} : vector<16xi32> to vector<1xi32>
      %squeeze3A_4383 = vector.extract %slice3A_4382[0] : i32 from vector<1xi32>
      %jit3A_4384 = arith.constant 128 : i32
      %div3A_4385 = arith.divsi %squeeze3A_4381, %jit3A_4384 : i32
      %sign3A_4386 = arith.constant 0 : i32
      %sign3A_4387 = arith.cmpi sgt, %squeeze3A_4381, %sign3A_4386 : i32
      %sign3A_4388 = arith.extui %sign3A_4387 : i1 to i32
      %sign3A_4389 = arith.constant 0 : i32
      %sign3A_4390 = arith.cmpi slt, %squeeze3A_4381, %sign3A_4389 : i32
      %sign3A_4391 = arith.extui %sign3A_4390 : i1 to i32
      %sign3A_4392 = arith.subi %sign3A_4388, %sign3A_4391 : i32
      %sign3A_4393 = arith.constant 0 : i32
      %sign3A_4394 = arith.cmpi sgt, %jit3A_4384, %sign3A_4393 : i32
      %sign3A_4395 = arith.extui %sign3A_4394 : i1 to i32
      %sign3A_4396 = arith.constant 0 : i32
      %sign3A_4397 = arith.cmpi slt, %jit3A_4384, %sign3A_4396 : i32
      %sign3A_4398 = arith.extui %sign3A_4397 : i1 to i32
      %sign3A_4399 = arith.subi %sign3A_4395, %sign3A_4398 : i32
      %ne3A_4400 = arith.cmpi ne, %sign3A_4392, %sign3A_4399 : i32
      %rem3A_4401 = arith.remsi %squeeze3A_4381, %jit3A_4384 : i32
      %ne3A_4402 = arith.constant 0 : i32
      %ne3A_4403 = arith.cmpi ne, %rem3A_4401, %ne3A_4402 : i32
      %and3A_4404 = arith.andi %ne3A_4400, %ne3A_4403 : i1
      %sub3A_4405 = arith.constant 1 : i32
      %sub3A_4406 = arith.subi %div3A_4385, %sub3A_4405 : i32
      %select_n3A_4407 = arith.select %and3A_4404, %sub3A_4406, %div3A_4385 : i32
      %mul3A_4408 = arith.constant 128 : i32
      %mul3A_4409 = arith.muli %select_n3A_4407, %mul3A_4408 : i32
      %multiple_of3A_4410 = tpu.assume_multiple %mul3A_4409, 128 : i32
      %jit3A_4411 = arith.constant 128 : i32
      %div3A_4412 = arith.divsi %squeeze3A_4383, %jit3A_4411 : i32
      %sign3A_4413 = arith.constant 0 : i32
      %sign3A_4414 = arith.cmpi sgt, %squeeze3A_4383, %sign3A_4413 : i32
      %sign3A_4415 = arith.extui %sign3A_4414 : i1 to i32
      %sign3A_4416 = arith.constant 0 : i32
      %sign3A_4417 = arith.cmpi slt, %squeeze3A_4383, %sign3A_4416 : i32
      %sign3A_4418 = arith.extui %sign3A_4417 : i1 to i32
      %sign3A_4419 = arith.subi %sign3A_4415, %sign3A_4418 : i32
      %sign3A_4420 = arith.constant 0 : i32
      %sign3A_4421 = arith.cmpi sgt, %jit3A_4411, %sign3A_4420 : i32
      %sign3A_4422 = arith.extui %sign3A_4421 : i1 to i32
      %sign3A_4423 = arith.constant 0 : i32
      %sign3A_4424 = arith.cmpi slt, %jit3A_4411, %sign3A_4423 : i32
      %sign3A_4425 = arith.extui %sign3A_4424 : i1 to i32
      %sign3A_4426 = arith.subi %sign3A_4422, %sign3A_4425 : i32
      %ne3A_4427 = arith.cmpi ne, %sign3A_4419, %sign3A_4426 : i32
      %rem3A_4428 = arith.remsi %squeeze3A_4383, %jit3A_4411 : i32
      %ne3A_4429 = arith.constant 0 : i32
      %ne3A_4430 = arith.cmpi ne, %rem3A_4428, %ne3A_4429 : i32
      %and3A_4431 = arith.andi %ne3A_4427, %ne3A_4430 : i1
      %sub3A_4432 = arith.constant 1 : i32
      %sub3A_4433 = arith.subi %div3A_4412, %sub3A_4432 : i32
      %select_n3A_4434 = arith.select %and3A_4431, %sub3A_4433, %div3A_4412 : i32
      %mul3A_4435 = arith.constant 128 : i32
      %mul3A_4436 = arith.muli %select_n3A_4434, %mul3A_4435 : i32
      %multiple_of3A_4437 = tpu.assume_multiple %mul3A_4436, 128 : i32
      %dma_start3A_4438 = arith.constant 6 : i32
      %dma_start3A_4439 = arith.constant 0 : i32
      %dma_start3A_4440 = arith.constant 0 : i32
      %dma_start3A_4441 = tpu.memref_slice %arg11[%dma_start3A_4438, %dma_start3A_4439, %dma_start3A_4440] : memref<8x16x128xf32, #tpu.memory_space<vmem>> -> memref<1x16x128xf32, #tpu.memory_space<vmem>>
      %dma_start3A_4442 = tpu.memref_squeeze %dma_start3A_4441 : memref<1x16x128xf32, #tpu.memory_space<vmem>> -> memref<16x128xf32, #tpu.memory_space<vmem>>
      %dma_start3A_4443 = arith.constant 0 : i32
      %dma_start3A_4444 = tpu.memref_slice %arg4[%dma_start3A_4443, %multiple_of3A_4410] : memref<16x1000000xf32, #tpu.memory_space<hbm>> -> memref<16x128xf32, #tpu.memory_space<hbm>>
      %dma_start3A_4445 = arith.constant 0 : i32
      %dma_start3A_4446 = arith.constant 0 : i32
      %dma_start3A_4447 = tpu.memref_slice %arg11[%dma_start3A_4438, %dma_start3A_4445, %dma_start3A_4446] : memref<8x16x128xf32, #tpu.memory_space<vmem>> -> memref<1x16x128xf32, #tpu.memory_space<vmem>>
      %dma_start3A_4448 = tpu.memref_squeeze %dma_start3A_4447 : memref<1x16x128xf32, #tpu.memory_space<vmem>> -> memref<16x128xf32, #tpu.memory_space<vmem>>
      %dma_start3A_4449 = arith.constant 0 : i32
      %dma_start3A_4450 = tpu.memref_slice %arg4[%dma_start3A_4449, %multiple_of3A_4410] : memref<16x1000000xf32, #tpu.memory_space<hbm>> -> memref<16x128xf32, #tpu.memory_space<hbm>>
      tpu.enqueue_dma source(%dma_start3A_4450 : memref<16x128xf32, #tpu.memory_space<hbm>>) target(%dma_start3A_4448 : memref<16x128xf32, #tpu.memory_space<vmem>>) target_semaphore(%arg16 : memref<!tpu.dma_semaphore, #tpu.memory_space<semaphore_mem>>)
      %dma_start3A_4451 = arith.constant 6 : i32
      %dma_start3A_4452 = arith.constant 0 : i32
      %dma_start3A_4453 = arith.constant 0 : i32
      %dma_start3A_4454 = tpu.memref_slice %arg12[%dma_start3A_4451, %dma_start3A_4452, %dma_start3A_4453] : memref<8x16x128xf32, #tpu.memory_space<vmem>> -> memref<1x16x128xf32, #tpu.memory_space<vmem>>
      %dma_start3A_4455 = tpu.memref_squeeze %dma_start3A_4454 : memref<1x16x128xf32, #tpu.memory_space<vmem>> -> memref<16x128xf32, #tpu.memory_space<vmem>>
      %dma_start3A_4456 = arith.constant 0 : i32
      %dma_start3A_4457 = tpu.memref_slice %arg5[%dma_start3A_4456, %multiple_of3A_4437] : memref<16x1000000xf32, #tpu.memory_space<hbm>> -> memref<16x128xf32, #tpu.memory_space<hbm>>
      %dma_start3A_4458 = arith.constant 0 : i32
      %dma_start3A_4459 = arith.constant 0 : i32
      %dma_start3A_4460 = tpu.memref_slice %arg12[%dma_start3A_4451, %dma_start3A_4458, %dma_start3A_4459] : memref<8x16x128xf32, #tpu.memory_space<vmem>> -> memref<1x16x128xf32, #tpu.memory_space<vmem>>
      %dma_start3A_4461 = tpu.memref_squeeze %dma_start3A_4460 : memref<1x16x128xf32, #tpu.memory_space<vmem>> -> memref<16x128xf32, #tpu.memory_space<vmem>>
      %dma_start3A_4462 = arith.constant 0 : i32
      %dma_start3A_4463 = tpu.memref_slice %arg5[%dma_start3A_4462, %multiple_of3A_4437] : memref<16x1000000xf32, #tpu.memory_space<hbm>> -> memref<16x128xf32, #tpu.memory_space<hbm>>
      tpu.enqueue_dma source(%dma_start3A_4463 : memref<16x128xf32, #tpu.memory_space<hbm>>) target(%dma_start3A_4461 : memref<16x128xf32, #tpu.memory_space<vmem>>) target_semaphore(%arg16 : memref<!tpu.dma_semaphore, #tpu.memory_space<semaphore_mem>>)
      %slice3A_4464 = vector.extract_strided_slice %sub3A_1858 {offsets = [15], sizes = [1], strides = [1]} : vector<16xi32> to vector<1xi32>
      %squeeze3A_4465 = vector.extract %slice3A_4464[0] : i32 from vector<1xi32>
      %slice3A_4466 = vector.extract_strided_slice %sub3A_1863 {offsets = [15], sizes = [1], strides = [1]} : vector<16xi32> to vector<1xi32>
      %squeeze3A_4467 = vector.extract %slice3A_4466[0] : i32 from vector<1xi32>
      %jit3A_4468 = arith.constant 128 : i32
      %div3A_4469 = arith.divsi %squeeze3A_4465, %jit3A_4468 : i32
      %sign3A_4470 = arith.constant 0 : i32
      %sign3A_4471 = arith.cmpi sgt, %squeeze3A_4465, %sign3A_4470 : i32
      %sign3A_4472 = arith.extui %sign3A_4471 : i1 to i32
      %sign3A_4473 = arith.constant 0 : i32
      %sign3A_4474 = arith.cmpi slt, %squeeze3A_4465, %sign3A_4473 : i32
      %sign3A_4475 = arith.extui %sign3A_4474 : i1 to i32
      %sign3A_4476 = arith.subi %sign3A_4472, %sign3A_4475 : i32
      %sign3A_4477 = arith.constant 0 : i32
      %sign3A_4478 = arith.cmpi sgt, %jit3A_4468, %sign3A_4477 : i32
      %sign3A_4479 = arith.extui %sign3A_4478 : i1 to i32
      %sign3A_4480 = arith.constant 0 : i32
      %sign3A_4481 = arith.cmpi slt, %jit3A_4468, %sign3A_4480 : i32
      %sign3A_4482 = arith.extui %sign3A_4481 : i1 to i32
      %sign3A_4483 = arith.subi %sign3A_4479, %sign3A_4482 : i32
      %ne3A_4484 = arith.cmpi ne, %sign3A_4476, %sign3A_4483 : i32
      %rem3A_4485 = arith.remsi %squeeze3A_4465, %jit3A_4468 : i32
      %ne3A_4486 = arith.constant 0 : i32
      %ne3A_4487 = arith.cmpi ne, %rem3A_4485, %ne3A_4486 : i32
      %and3A_4488 = arith.andi %ne3A_4484, %ne3A_4487 : i1
      %sub3A_4489 = arith.constant 1 : i32
      %sub3A_4490 = arith.subi %div3A_4469, %sub3A_4489 : i32
      %select_n3A_4491 = arith.select %and3A_4488, %sub3A_4490, %div3A_4469 : i32
      %mul3A_4492 = arith.constant 128 : i32
      %mul3A_4493 = arith.muli %select_n3A_4491, %mul3A_4492 : i32
      %multiple_of3A_4494 = tpu.assume_multiple %mul3A_4493, 128 : i32
      %jit3A_4495 = arith.constant 128 : i32
      %div3A_4496 = arith.divsi %squeeze3A_4467, %jit3A_4495 : i32
      %sign3A_4497 = arith.constant 0 : i32
      %sign3A_4498 = arith.cmpi sgt, %squeeze3A_4467, %sign3A_4497 : i32
      %sign3A_4499 = arith.extui %sign3A_4498 : i1 to i32
      %sign3A_4500 = arith.constant 0 : i32
      %sign3A_4501 = arith.cmpi slt, %squeeze3A_4467, %sign3A_4500 : i32
      %sign3A_4502 = arith.extui %sign3A_4501 : i1 to i32
      %sign3A_4503 = arith.subi %sign3A_4499, %sign3A_4502 : i32
      %sign3A_4504 = arith.constant 0 : i32
      %sign3A_4505 = arith.cmpi sgt, %jit3A_4495, %sign3A_4504 : i32
      %sign3A_4506 = arith.extui %sign3A_4505 : i1 to i32
      %sign3A_4507 = arith.constant 0 : i32
      %sign3A_4508 = arith.cmpi slt, %jit3A_4495, %sign3A_4507 : i32
      %sign3A_4509 = arith.extui %sign3A_4508 : i1 to i32
      %sign3A_4510 = arith.subi %sign3A_4506, %sign3A_4509 : i32
      %ne3A_4511 = arith.cmpi ne, %sign3A_4503, %sign3A_4510 : i32
      %rem3A_4512 = arith.remsi %squeeze3A_4467, %jit3A_4495 : i32
      %ne3A_4513 = arith.constant 0 : i32
      %ne3A_4514 = arith.cmpi ne, %rem3A_4512, %ne3A_4513 : i32
      %and3A_4515 = arith.andi %ne3A_4511, %ne3A_4514 : i1
      %sub3A_4516 = arith.constant 1 : i32
      %sub3A_4517 = arith.subi %div3A_4496, %sub3A_4516 : i32
      %select_n3A_4518 = arith.select %and3A_4515, %sub3A_4517, %div3A_4496 : i32
      %mul3A_4519 = arith.constant 128 : i32
      %mul3A_4520 = arith.muli %select_n3A_4518, %mul3A_4519 : i32
      %multiple_of3A_4521 = tpu.assume_multiple %mul3A_4520, 128 : i32
      %dma_start3A_4522 = arith.constant 7 : i32
      %dma_start3A_4523 = arith.constant 0 : i32
      %dma_start3A_4524 = arith.constant 0 : i32
      %dma_start3A_4525 = tpu.memref_slice %arg11[%dma_start3A_4522, %dma_start3A_4523, %dma_start3A_4524] : memref<8x16x128xf32, #tpu.memory_space<vmem>> -> memref<1x16x128xf32, #tpu.memory_space<vmem>>
      %dma_start3A_4526 = tpu.memref_squeeze %dma_start3A_4525 : memref<1x16x128xf32, #tpu.memory_space<vmem>> -> memref<16x128xf32, #tpu.memory_space<vmem>>
      %dma_start3A_4527 = arith.constant 0 : i32
      %dma_start3A_4528 = tpu.memref_slice %arg4[%dma_start3A_4527, %multiple_of3A_4494] : memref<16x1000000xf32, #tpu.memory_space<hbm>> -> memref<16x128xf32, #tpu.memory_space<hbm>>
      %dma_start3A_4529 = arith.constant 0 : i32
      %dma_start3A_4530 = arith.constant 0 : i32
      %dma_start3A_4531 = tpu.memref_slice %arg11[%dma_start3A_4522, %dma_start3A_4529, %dma_start3A_4530] : memref<8x16x128xf32, #tpu.memory_space<vmem>> -> memref<1x16x128xf32, #tpu.memory_space<vmem>>
      %dma_start3A_4532 = tpu.memref_squeeze %dma_start3A_4531 : memref<1x16x128xf32, #tpu.memory_space<vmem>> -> memref<16x128xf32, #tpu.memory_space<vmem>>
      %dma_start3A_4533 = arith.constant 0 : i32
      %dma_start3A_4534 = tpu.memref_slice %arg4[%dma_start3A_4533, %multiple_of3A_4494] : memref<16x1000000xf32, #tpu.memory_space<hbm>> -> memref<16x128xf32, #tpu.memory_space<hbm>>
      tpu.enqueue_dma source(%dma_start3A_4534 : memref<16x128xf32, #tpu.memory_space<hbm>>) target(%dma_start3A_4532 : memref<16x128xf32, #tpu.memory_space<vmem>>) target_semaphore(%arg16 : memref<!tpu.dma_semaphore, #tpu.memory_space<semaphore_mem>>)
      %dma_start3A_4535 = arith.constant 7 : i32
      %dma_start3A_4536 = arith.constant 0 : i32
      %dma_start3A_4537 = arith.constant 0 : i32
      %dma_start3A_4538 = tpu.memref_slice %arg12[%dma_start3A_4535, %dma_start3A_4536, %dma_start3A_4537] : memref<8x16x128xf32, #tpu.memory_space<vmem>> -> memref<1x16x128xf32, #tpu.memory_space<vmem>>
      %dma_start3A_4539 = tpu.memref_squeeze %dma_start3A_4538 : memref<1x16x128xf32, #tpu.memory_space<vmem>> -> memref<16x128xf32, #tpu.memory_space<vmem>>
      %dma_start3A_4540 = arith.constant 0 : i32
      %dma_start3A_4541 = tpu.memref_slice %arg5[%dma_start3A_4540, %multiple_of3A_4521] : memref<16x1000000xf32, #tpu.memory_space<hbm>> -> memref<16x128xf32, #tpu.memory_space<hbm>>
      %dma_start3A_4542 = arith.constant 0 : i32
      %dma_start3A_4543 = arith.constant 0 : i32
      %dma_start3A_4544 = tpu.memref_slice %arg12[%dma_start3A_4535, %dma_start3A_4542, %dma_start3A_4543] : memref<8x16x128xf32, #tpu.memory_space<vmem>> -> memref<1x16x128xf32, #tpu.memory_space<vmem>>
      %dma_start3A_4545 = tpu.memref_squeeze %dma_start3A_4544 : memref<1x16x128xf32, #tpu.memory_space<vmem>> -> memref<16x128xf32, #tpu.memory_space<vmem>>
      %dma_start3A_4546 = arith.constant 0 : i32
      %dma_start3A_4547 = tpu.memref_slice %arg5[%dma_start3A_4546, %multiple_of3A_4521] : memref<16x1000000xf32, #tpu.memory_space<hbm>> -> memref<16x128xf32, #tpu.memory_space<hbm>>
      tpu.enqueue_dma source(%dma_start3A_4547 : memref<16x128xf32, #tpu.memory_space<hbm>>) target(%dma_start3A_4545 : memref<16x128xf32, #tpu.memory_space<vmem>>) target_semaphore(%arg16 : memref<!tpu.dma_semaphore, #tpu.memory_space<semaphore_mem>>)
      %mul3A_4548 = arith.constant 16 : i32
      %mul3A_4549 = vector.broadcast %mul3A_4548 : i32 to vector<16xi32>
      %mul3A_4550 = arith.muli %iota3A, %mul3A_4549 : vector<16xi32>
      %gather3A_4551 = tpu.vector_load_idx %arg13[%mul3A_4550] : memref<256xf32, #tpu.memory_space<vmem>>[vector<16xi32>], vector<16xf32>,
      %mul3A_4552 = arith.constant 16 : i32
      %mul3A_4553 = vector.broadcast %mul3A_4552 : i32 to vector<16xi32>
      %mul3A_4554 = arith.muli %iota3A, %mul3A_4553 : vector<16xi32>
      %add3A_4555 = arith.constant 1 : i32
      %add3A_4556 = vector.broadcast %add3A_4555 : i32 to vector<16xi32>
      %add3A_4557 = arith.addi %mul3A_4554, %add3A_4556 : vector<16xi32>
      %gather3A_4558 = tpu.vector_load_idx %arg13[%add3A_4557] : memref<256xf32, #tpu.memory_space<vmem>>[vector<16xi32>], vector<16xf32>,
      %add3A_4559 = arith.addf %gather3A_4551, %gather3A_4558 : vector<16xf32>
      %mul3A_4560 = arith.constant 16 : i32
      %mul3A_4561 = vector.broadcast %mul3A_4560 : i32 to vector<16xi32>
      %mul3A_4562 = arith.muli %iota3A, %mul3A_4561 : vector<16xi32>
      %add3A_4563 = arith.constant 2 : i32
      %add3A_4564 = vector.broadcast %add3A_4563 : i32 to vector<16xi32>
      %add3A_4565 = arith.addi %mul3A_4562, %add3A_4564 : vector<16xi32>
      %gather3A_4566 = tpu.vector_load_idx %arg13[%add3A_4565] : memref<256xf32, #tpu.memory_space<vmem>>[vector<16xi32>], vector<16xf32>,
      %add3A_4567 = arith.addf %add3A_4559, %gather3A_4566 : vector<16xf32>
      %mul3A_4568 = arith.constant 16 : i32
      %mul3A_4569 = vector.broadcast %mul3A_4568 : i32 to vector<16xi32>
      %mul3A_4570 = arith.muli %iota3A, %mul3A_4569 : vector<16xi32>
      %add3A_4571 = arith.constant 3 : i32
      %add3A_4572 = vector.broadcast %add3A_4571 : i32 to vector<16xi32>
      %add3A_4573 = arith.addi %mul3A_4570, %add3A_4572 : vector<16xi32>
      %gather3A_4574 = tpu.vector_load_idx %arg13[%add3A_4573] : memref<256xf32, #tpu.memory_space<vmem>>[vector<16xi32>], vector<16xf32>,
      %add3A_4575 = arith.addf %add3A_4567, %gather3A_4574 : vector<16xf32>
      %mul3A_4576 = arith.constant 16 : i32
      %mul3A_4577 = vector.broadcast %mul3A_4576 : i32 to vector<16xi32>
      %mul3A_4578 = arith.muli %iota3A, %mul3A_4577 : vector<16xi32>
      %add3A_4579 = arith.constant 4 : i32
      %add3A_4580 = vector.broadcast %add3A_4579 : i32 to vector<16xi32>
      %add3A_4581 = arith.addi %mul3A_4578, %add3A_4580 : vector<16xi32>
      %gather3A_4582 = tpu.vector_load_idx %arg13[%add3A_4581] : memref<256xf32, #tpu.memory_space<vmem>>[vector<16xi32>], vector<16xf32>,
      %add3A_4583 = arith.addf %add3A_4575, %gather3A_4582 : vector<16xf32>
      %mul3A_4584 = arith.constant 16 : i32
      %mul3A_4585 = vector.broadcast %mul3A_4584 : i32 to vector<16xi32>
      %mul3A_4586 = arith.muli %iota3A, %mul3A_4585 : vector<16xi32>
      %add3A_4587 = arith.constant 5 : i32
      %add3A_4588 = vector.broadcast %add3A_4587 : i32 to vector<16xi32>
      %add3A_4589 = arith.addi %mul3A_4586, %add3A_4588 : vector<16xi32>
      %gather3A_4590 = tpu.vector_load_idx %arg13[%add3A_4589] : memref<256xf32, #tpu.memory_space<vmem>>[vector<16xi32>], vector<16xf32>,
      %add3A_4591 = arith.addf %add3A_4583, %gather3A_4590 : vector<16xf32>
      %mul3A_4592 = arith.constant 16 : i32
      %mul3A_4593 = vector.broadcast %mul3A_4592 : i32 to vector<16xi32>
      %mul3A_4594 = arith.muli %iota3A, %mul3A_4593 : vector<16xi32>
      %add3A_4595 = arith.constant 6 : i32
      %add3A_4596 = vector.broadcast %add3A_4595 : i32 to vector<16xi32>
      %add3A_4597 = arith.addi %mul3A_4594, %add3A_4596 : vector<16xi32>
      %gather3A_4598 = tpu.vector_load_idx %arg13[%add3A_4597] : memref<256xf32, #tpu.memory_space<vmem>>[vector<16xi32>], vector<16xf32>,
      %add3A_4599 = arith.addf %add3A_4591, %gather3A_4598 : vector<16xf32>
      %mul3A_4600 = arith.constant 16 : i32
      %mul3A_4601 = vector.broadcast %mul3A_4600 : i32 to vector<16xi32>
      %mul3A_4602 = arith.muli %iota3A, %mul3A_4601 : vector<16xi32>
      %add3A_4603 = arith.constant 7 : i32
      %add3A_4604 = vector.broadcast %add3A_4603 : i32 to vector<16xi32>
      %add3A_4605 = arith.addi %mul3A_4602, %add3A_4604 : vector<16xi32>
      %gather3A_4606 = tpu.vector_load_idx %arg13[%add3A_4605] : memref<256xf32, #tpu.memory_space<vmem>>[vector<16xi32>], vector<16xf32>,
      %add3A_4607 = arith.addf %add3A_4599, %gather3A_4606 : vector<16xf32>
      %mul3A_4608 = arith.constant 16 : i32
      %mul3A_4609 = vector.broadcast %mul3A_4608 : i32 to vector<16xi32>
      %mul3A_4610 = arith.muli %iota3A, %mul3A_4609 : vector<16xi32>
      %add3A_4611 = arith.constant 8 : i32
      %add3A_4612 = vector.broadcast %add3A_4611 : i32 to vector<16xi32>
      %add3A_4613 = arith.addi %mul3A_4610, %add3A_4612 : vector<16xi32>
      %gather3A_4614 = tpu.vector_load_idx %arg13[%add3A_4613] : memref<256xf32, #tpu.memory_space<vmem>>[vector<16xi32>], vector<16xf32>,
      %add3A_4615 = arith.addf %add3A_4607, %gather3A_4614 : vector<16xf32>
      %mul3A_4616 = arith.constant 16 : i32
      %mul3A_4617 = vector.broadcast %mul3A_4616 : i32 to vector<16xi32>
      %mul3A_4618 = arith.muli %iota3A, %mul3A_4617 : vector<16xi32>
      %add3A_4619 = arith.constant 9 : i32
      %add3A_4620 = vector.broadcast %add3A_4619 : i32 to vector<16xi32>
      %add3A_4621 = arith.addi %mul3A_4618, %add3A_4620 : vector<16xi32>
      %gather3A_4622 = tpu.vector_load_idx %arg13[%add3A_4621] : memref<256xf32, #tpu.memory_space<vmem>>[vector<16xi32>], vector<16xf32>,
      %add3A_4623 = arith.addf %add3A_4615, %gather3A_4622 : vector<16xf32>
      %mul3A_4624 = arith.constant 16 : i32
      %mul3A_4625 = vector.broadcast %mul3A_4624 : i32 to vector<16xi32>
      %mul3A_4626 = arith.muli %iota3A, %mul3A_4625 : vector<16xi32>
      %add3A_4627 = arith.constant 10 : i32
      %add3A_4628 = vector.broadcast %add3A_4627 : i32 to vector<16xi32>
      %add3A_4629 = arith.addi %mul3A_4626, %add3A_4628 : vector<16xi32>
      %gather3A_4630 = tpu.vector_load_idx %arg13[%add3A_4629] : memref<256xf32, #tpu.memory_space<vmem>>[vector<16xi32>], vector<16xf32>,
      %add3A_4631 = arith.addf %add3A_4623, %gather3A_4630 : vector<16xf32>
      %mul3A_4632 = arith.constant 16 : i32
      %mul3A_4633 = vector.broadcast %mul3A_4632 : i32 to vector<16xi32>
      %mul3A_4634 = arith.muli %iota3A, %mul3A_4633 : vector<16xi32>
      %add3A_4635 = arith.constant 11 : i32
      %add3A_4636 = vector.broadcast %add3A_4635 : i32 to vector<16xi32>
      %add3A_4637 = arith.addi %mul3A_4634, %add3A_4636 : vector<16xi32>
      %gather3A_4638 = tpu.vector_load_idx %arg13[%add3A_4637] : memref<256xf32, #tpu.memory_space<vmem>>[vector<16xi32>], vector<16xf32>,
      %add3A_4639 = arith.addf %add3A_4631, %gather3A_4638 : vector<16xf32>
      %mul3A_4640 = arith.constant 16 : i32
      %mul3A_4641 = vector.broadcast %mul3A_4640 : i32 to vector<16xi32>
      %mul3A_4642 = arith.muli %iota3A, %mul3A_4641 : vector<16xi32>
      %add3A_4643 = arith.constant 12 : i32
      %add3A_4644 = vector.broadcast %add3A_4643 : i32 to vector<16xi32>
      %add3A_4645 = arith.addi %mul3A_4642, %add3A_4644 : vector<16xi32>
      %gather3A_4646 = tpu.vector_load_idx %arg13[%add3A_4645] : memref<256xf32, #tpu.memory_space<vmem>>[vector<16xi32>], vector<16xf32>,
      %add3A_4647 = arith.addf %add3A_4639, %gather3A_4646 : vector<16xf32>
      %mul3A_4648 = arith.constant 16 : i32
      %mul3A_4649 = vector.broadcast %mul3A_4648 : i32 to vector<16xi32>
      %mul3A_4650 = arith.muli %iota3A, %mul3A_4649 : vector<16xi32>
      %add3A_4651 = arith.constant 13 : i32
      %add3A_4652 = vector.broadcast %add3A_4651 : i32 to vector<16xi32>
      %add3A_4653 = arith.addi %mul3A_4650, %add3A_4652 : vector<16xi32>
      %gather3A_4654 = tpu.vector_load_idx %arg13[%add3A_4653] : memref<256xf32, #tpu.memory_space<vmem>>[vector<16xi32>], vector<16xf32>,
      %add3A_4655 = arith.addf %add3A_4647, %gather3A_4654 : vector<16xf32>
      %mul3A_4656 = arith.constant 16 : i32
      %mul3A_4657 = vector.broadcast %mul3A_4656 : i32 to vector<16xi32>
      %mul3A_4658 = arith.muli %iota3A, %mul3A_4657 : vector<16xi32>
      %add3A_4659 = arith.constant 14 : i32
      %add3A_4660 = vector.broadcast %add3A_4659 : i32 to vector<16xi32>
      %add3A_4661 = arith.addi %mul3A_4658, %add3A_4660 : vector<16xi32>
      %gather3A_4662 = tpu.vector_load_idx %arg13[%add3A_4661] : memref<256xf32, #tpu.memory_space<vmem>>[vector<16xi32>], vector<16xf32>,
      %add3A_4663 = arith.addf %add3A_4655, %gather3A_4662 : vector<16xf32>
      %mul3A_4664 = arith.constant 16 : i32
      %mul3A_4665 = vector.broadcast %mul3A_4664 : i32 to vector<16xi32>
      %mul3A_4666 = arith.muli %iota3A, %mul3A_4665 : vector<16xi32>
      %add3A_4667 = arith.constant 15 : i32
      %add3A_4668 = vector.broadcast %add3A_4667 : i32 to vector<16xi32>
      %add3A_4669 = arith.addi %mul3A_4666, %add3A_4668 : vector<16xi32>
      %gather3A_4670 = tpu.vector_load_idx %arg13[%add3A_4669] : memref<256xf32, #tpu.memory_space<vmem>>[vector<16xi32>], vector<16xf32>,
      %add3A_4671 = arith.addf %add3A_4663, %gather3A_4670 : vector<16xf32>
      %mul3A_4672 = arith.constant 16 : i32
      %mul3A_4673 = arith.muli %scan3A_1830, %mul3A_4672 : i32
      %add3A_4674 = vector.broadcast %mul3A_4673 : i32 to vector<16xi32>
      %add3A_4675 = arith.addi %add3A_4674, %iota3A : vector<16xi32>
      %mul3A_4676 = arith.constant 5.000000e+00 : f32
      %mul3A_4677 = vector.broadcast %mul3A_4676 : f32 to vector<16xf32>
      %mul3A_4678 = arith.mulf %add3A_4671, %mul3A_4677 : vector<16xf32>
      tpu.vector_store_idx %arg14[%add3A_4675], %mul3A_4678 : memref<512xf32, #tpu.memory_space<vmem>>[vector<16xi32>], vector<16xf32>,
    }
    %scan3A_1350 = arith.constant 32 : i32
    %dma_wait3A = arith.constant 0 : i32
    %dma_wait3A_1351 = arith.constant 0 : i32
    %dma_wait3A_1352 = arith.constant 0 : i32
    %dma_wait3A_1353 = tpu.memref_slice %arg9[%dma_wait3A, %dma_wait3A_1351, %dma_wait3A_1352] : memref<8x16x128xf32, #tpu.memory_space<vmem>> -> memref<1x16x128xf32, #tpu.memory_space<vmem>>
    %dma_wait3A_1354 = tpu.memref_squeeze %dma_wait3A_1353 : memref<1x16x128xf32, #tpu.memory_space<vmem>> -> memref<16x128xf32, #tpu.memory_space<vmem>>
    %dma_wait3A_1355 = arith.constant 0 : i32
    %dma_wait3A_1356 = arith.constant 0 : i32
    %dma_wait3A_1357 = tpu.memref_slice %arg4[%dma_wait3A_1355, %dma_wait3A_1356] : memref<16x1000000xf32, #tpu.memory_space<hbm>> -> memref<16x128xf32, #tpu.memory_space<hbm>>
    %dma_wait3A_1358 = arith.constant 0 : i32
    %dma_wait3A_1359 = arith.constant 0 : i32
    %dma_wait3A_1360 = tpu.memref_slice %arg9[%dma_wait3A, %dma_wait3A_1358, %dma_wait3A_1359] : memref<8x16x128xf32, #tpu.memory_space<vmem>> -> memref<1x16x128xf32, #tpu.memory_space<vmem>>
    %dma_wait3A_1361 = tpu.memref_squeeze %dma_wait3A_1360 : memref<1x16x128xf32, #tpu.memory_space<vmem>> -> memref<16x128xf32, #tpu.memory_space<vmem>>
    %dma_wait3A_1362 = arith.constant 0 : i32
    %dma_wait3A_1363 = arith.constant 0 : i32
    %dma_wait3A_1364 = tpu.memref_slice %arg4[%dma_wait3A_1362, %dma_wait3A_1363] : memref<16x1000000xf32, #tpu.memory_space<hbm>> -> memref<16x128xf32, #tpu.memory_space<hbm>>
    tpu.wait_dma2 semaphore(%arg15 : memref<!tpu.dma_semaphore, #tpu.memory_space<semaphore_mem>>) src(%dma_wait3A_1364 : memref<16x128xf32, #tpu.memory_space<hbm>>) dst(%dma_wait3A_1361 : memref<16x128xf32, #tpu.memory_space<vmem>>)
    %dma_wait3A_1365 = arith.constant 0 : i32
    %dma_wait3A_1366 = arith.constant 0 : i32
    %dma_wait3A_1367 = arith.constant 0 : i32
    %dma_wait3A_1368 = tpu.memref_slice %arg10[%dma_wait3A_1365, %dma_wait3A_1366, %dma_wait3A_1367] : memref<8x16x128xf32, #tpu.memory_space<vmem>> -> memref<1x16x128xf32, #tpu.memory_space<vmem>>
    %dma_wait3A_1369 = tpu.memref_squeeze %dma_wait3A_1368 : memref<1x16x128xf32, #tpu.memory_space<vmem>> -> memref<16x128xf32, #tpu.memory_space<vmem>>
    %dma_wait3A_1370 = arith.constant 0 : i32
    %dma_wait3A_1371 = arith.constant 0 : i32
    %dma_wait3A_1372 = tpu.memref_slice %arg5[%dma_wait3A_1370, %dma_wait3A_1371] : memref<16x1000000xf32, #tpu.memory_space<hbm>> -> memref<16x128xf32, #tpu.memory_space<hbm>>
    %dma_wait3A_1373 = arith.constant 0 : i32
    %dma_wait3A_1374 = arith.constant 0 : i32
    %dma_wait3A_1375 = tpu.memref_slice %arg10[%dma_wait3A_1365, %dma_wait3A_1373, %dma_wait3A_1374] : memref<8x16x128xf32, #tpu.memory_space<vmem>> -> memref<1x16x128xf32, #tpu.memory_space<vmem>>
    %dma_wait3A_1376 = tpu.memref_squeeze %dma_wait3A_1375 : memref<1x16x128xf32, #tpu.memory_space<vmem>> -> memref<16x128xf32, #tpu.memory_space<vmem>>
    %dma_wait3A_1377 = arith.constant 0 : i32
    %dma_wait3A_1378 = arith.constant 0 : i32
    %dma_wait3A_1379 = tpu.memref_slice %arg5[%dma_wait3A_1377, %dma_wait3A_1378] : memref<16x1000000xf32, #tpu.memory_space<hbm>> -> memref<16x128xf32, #tpu.memory_space<hbm>>
    tpu.wait_dma2 semaphore(%arg15 : memref<!tpu.dma_semaphore, #tpu.memory_space<semaphore_mem>>) src(%dma_wait3A_1379 : memref<16x128xf32, #tpu.memory_space<hbm>>) dst(%dma_wait3A_1376 : memref<16x128xf32, #tpu.memory_space<vmem>>)
    %dma_wait3A_1380 = arith.constant 1 : i32
    %dma_wait3A_1381 = arith.constant 0 : i32
    %dma_wait3A_1382 = arith.constant 0 : i32
    %dma_wait3A_1383 = tpu.memref_slice %arg9[%dma_wait3A_1380, %dma_wait3A_1381, %dma_wait3A_1382] : memref<8x16x128xf32, #tpu.memory_space<vmem>> -> memref<1x16x128xf32, #tpu.memory_space<vmem>>
    %dma_wait3A_1384 = tpu.memref_squeeze %dma_wait3A_1383 : memref<1x16x128xf32, #tpu.memory_space<vmem>> -> memref<16x128xf32, #tpu.memory_space<vmem>>
    %dma_wait3A_1385 = arith.constant 0 : i32
    %dma_wait3A_1386 = arith.constant 0 : i32
    %dma_wait3A_1387 = tpu.memref_slice %arg4[%dma_wait3A_1385, %dma_wait3A_1386] : memref<16x1000000xf32, #tpu.memory_space<hbm>> -> memref<16x128xf32, #tpu.memory_space<hbm>>
    %dma_wait3A_1388 = arith.constant 0 : i32
    %dma_wait3A_1389 = arith.constant 0 : i32
    %dma_wait3A_1390 = tpu.memref_slice %arg9[%dma_wait3A_1380, %dma_wait3A_1388, %dma_wait3A_1389] : memref<8x16x128xf32, #tpu.memory_space<vmem>> -> memref<1x16x128xf32, #tpu.memory_space<vmem>>
    %dma_wait3A_1391 = tpu.memref_squeeze %dma_wait3A_1390 : memref<1x16x128xf32, #tpu.memory_space<vmem>> -> memref<16x128xf32, #tpu.memory_space<vmem>>
    %dma_wait3A_1392 = arith.constant 0 : i32
    %dma_wait3A_1393 = arith.constant 0 : i32
    %dma_wait3A_1394 = tpu.memref_slice %arg4[%dma_wait3A_1392, %dma_wait3A_1393] : memref<16x1000000xf32, #tpu.memory_space<hbm>> -> memref<16x128xf32, #tpu.memory_space<hbm>>
    tpu.wait_dma2 semaphore(%arg15 : memref<!tpu.dma_semaphore, #tpu.memory_space<semaphore_mem>>) src(%dma_wait3A_1394 : memref<16x128xf32, #tpu.memory_space<hbm>>) dst(%dma_wait3A_1391 : memref<16x128xf32, #tpu.memory_space<vmem>>)
    %dma_wait3A_1395 = arith.constant 1 : i32
    %dma_wait3A_1396 = arith.constant 0 : i32
    %dma_wait3A_1397 = arith.constant 0 : i32
    %dma_wait3A_1398 = tpu.memref_slice %arg10[%dma_wait3A_1395, %dma_wait3A_1396, %dma_wait3A_1397] : memref<8x16x128xf32, #tpu.memory_space<vmem>> -> memref<1x16x128xf32, #tpu.memory_space<vmem>>
    %dma_wait3A_1399 = tpu.memref_squeeze %dma_wait3A_1398 : memref<1x16x128xf32, #tpu.memory_space<vmem>> -> memref<16x128xf32, #tpu.memory_space<vmem>>
    %dma_wait3A_1400 = arith.constant 0 : i32
    %dma_wait3A_1401 = arith.constant 0 : i32
    %dma_wait3A_1402 = tpu.memref_slice %arg5[%dma_wait3A_1400, %dma_wait3A_1401] : memref<16x1000000xf32, #tpu.memory_space<hbm>> -> memref<16x128xf32, #tpu.memory_space<hbm>>
    %dma_wait3A_1403 = arith.constant 0 : i32
    %dma_wait3A_1404 = arith.constant 0 : i32
    %dma_wait3A_1405 = tpu.memref_slice %arg10[%dma_wait3A_1395, %dma_wait3A_1403, %dma_wait3A_1404] : memref<8x16x128xf32, #tpu.memory_space<vmem>> -> memref<1x16x128xf32, #tpu.memory_space<vmem>>
    %dma_wait3A_1406 = tpu.memref_squeeze %dma_wait3A_1405 : memref<1x16x128xf32, #tpu.memory_space<vmem>> -> memref<16x128xf32, #tpu.memory_space<vmem>>
    %dma_wait3A_1407 = arith.constant 0 : i32
    %dma_wait3A_1408 = arith.constant 0 : i32
    %dma_wait3A_1409 = tpu.memref_slice %arg5[%dma_wait3A_1407, %dma_wait3A_1408] : memref<16x1000000xf32, #tpu.memory_space<hbm>> -> memref<16x128xf32, #tpu.memory_space<hbm>>
    tpu.wait_dma2 semaphore(%arg15 : memref<!tpu.dma_semaphore, #tpu.memory_space<semaphore_mem>>) src(%dma_wait3A_1409 : memref<16x128xf32, #tpu.memory_space<hbm>>) dst(%dma_wait3A_1406 : memref<16x128xf32, #tpu.memory_space<vmem>>)
    %dma_wait3A_1410 = arith.constant 2 : i32
    %dma_wait3A_1411 = arith.constant 0 : i32
    %dma_wait3A_1412 = arith.constant 0 : i32
    %dma_wait3A_1413 = tpu.memref_slice %arg9[%dma_wait3A_1410, %dma_wait3A_1411, %dma_wait3A_1412] : memref<8x16x128xf32, #tpu.memory_space<vmem>> -> memref<1x16x128xf32, #tpu.memory_space<vmem>>
    %dma_wait3A_1414 = tpu.memref_squeeze %dma_wait3A_1413 : memref<1x16x128xf32, #tpu.memory_space<vmem>> -> memref<16x128xf32, #tpu.memory_space<vmem>>
    %dma_wait3A_1415 = arith.constant 0 : i32
    %dma_wait3A_1416 = arith.constant 0 : i32
    %dma_wait3A_1417 = tpu.memref_slice %arg4[%dma_wait3A_1415, %dma_wait3A_1416] : memref<16x1000000xf32, #tpu.memory_space<hbm>> -> memref<16x128xf32, #tpu.memory_space<hbm>>
    %dma_wait3A_1418 = arith.constant 0 : i32
    %dma_wait3A_1419 = arith.constant 0 : i32
    %dma_wait3A_1420 = tpu.memref_slice %arg9[%dma_wait3A_1410, %dma_wait3A_1418, %dma_wait3A_1419] : memref<8x16x128xf32, #tpu.memory_space<vmem>> -> memref<1x16x128xf32, #tpu.memory_space<vmem>>
    %dma_wait3A_1421 = tpu.memref_squeeze %dma_wait3A_1420 : memref<1x16x128xf32, #tpu.memory_space<vmem>> -> memref<16x128xf32, #tpu.memory_space<vmem>>
    %dma_wait3A_1422 = arith.constant 0 : i32
    %dma_wait3A_1423 = arith.constant 0 : i32
    %dma_wait3A_1424 = tpu.memref_slice %arg4[%dma_wait3A_1422, %dma_wait3A_1423] : memref<16x1000000xf32, #tpu.memory_space<hbm>> -> memref<16x128xf32, #tpu.memory_space<hbm>>
    tpu.wait_dma2 semaphore(%arg15 : memref<!tpu.dma_semaphore, #tpu.memory_space<semaphore_mem>>) src(%dma_wait3A_1424 : memref<16x128xf32, #tpu.memory_space<hbm>>) dst(%dma_wait3A_1421 : memref<16x128xf32, #tpu.memory_space<vmem>>)
    %dma_wait3A_1425 = arith.constant 2 : i32
    %dma_wait3A_1426 = arith.constant 0 : i32
    %dma_wait3A_1427 = arith.constant 0 : i32
    %dma_wait3A_1428 = tpu.memref_slice %arg10[%dma_wait3A_1425, %dma_wait3A_1426, %dma_wait3A_1427] : memref<8x16x128xf32, #tpu.memory_space<vmem>> -> memref<1x16x128xf32, #tpu.memory_space<vmem>>
    %dma_wait3A_1429 = tpu.memref_squeeze %dma_wait3A_1428 : memref<1x16x128xf32, #tpu.memory_space<vmem>> -> memref<16x128xf32, #tpu.memory_space<vmem>>
    %dma_wait3A_1430 = arith.constant 0 : i32
    %dma_wait3A_1431 = arith.constant 0 : i32
    %dma_wait3A_1432 = tpu.memref_slice %arg5[%dma_wait3A_1430, %dma_wait3A_1431] : memref<16x1000000xf32, #tpu.memory_space<hbm>> -> memref<16x128xf32, #tpu.memory_space<hbm>>
    %dma_wait3A_1433 = arith.constant 0 : i32
    %dma_wait3A_1434 = arith.constant 0 : i32
    %dma_wait3A_1435 = tpu.memref_slice %arg10[%dma_wait3A_1425, %dma_wait3A_1433, %dma_wait3A_1434] : memref<8x16x128xf32, #tpu.memory_space<vmem>> -> memref<1x16x128xf32, #tpu.memory_space<vmem>>
    %dma_wait3A_1436 = tpu.memref_squeeze %dma_wait3A_1435 : memref<1x16x128xf32, #tpu.memory_space<vmem>> -> memref<16x128xf32, #tpu.memory_space<vmem>>
    %dma_wait3A_1437 = arith.constant 0 : i32
    %dma_wait3A_1438 = arith.constant 0 : i32
    %dma_wait3A_1439 = tpu.memref_slice %arg5[%dma_wait3A_1437, %dma_wait3A_1438] : memref<16x1000000xf32, #tpu.memory_space<hbm>> -> memref<16x128xf32, #tpu.memory_space<hbm>>
    tpu.wait_dma2 semaphore(%arg15 : memref<!tpu.dma_semaphore, #tpu.memory_space<semaphore_mem>>) src(%dma_wait3A_1439 : memref<16x128xf32, #tpu.memory_space<hbm>>) dst(%dma_wait3A_1436 : memref<16x128xf32, #tpu.memory_space<vmem>>)
    %dma_wait3A_1440 = arith.constant 3 : i32
    %dma_wait3A_1441 = arith.constant 0 : i32
    %dma_wait3A_1442 = arith.constant 0 : i32
    %dma_wait3A_1443 = tpu.memref_slice %arg9[%dma_wait3A_1440, %dma_wait3A_1441, %dma_wait3A_1442] : memref<8x16x128xf32, #tpu.memory_space<vmem>> -> memref<1x16x128xf32, #tpu.memory_space<vmem>>
    %dma_wait3A_1444 = tpu.memref_squeeze %dma_wait3A_1443 : memref<1x16x128xf32, #tpu.memory_space<vmem>> -> memref<16x128xf32, #tpu.memory_space<vmem>>
    %dma_wait3A_1445 = arith.constant 0 : i32
    %dma_wait3A_1446 = arith.constant 0 : i32
    %dma_wait3A_1447 = tpu.memref_slice %arg4[%dma_wait3A_1445, %dma_wait3A_1446] : memref<16x1000000xf32, #tpu.memory_space<hbm>> -> memref<16x128xf32, #tpu.memory_space<hbm>>
    %dma_wait3A_1448 = arith.constant 0 : i32
    %dma_wait3A_1449 = arith.constant 0 : i32
    %dma_wait3A_1450 = tpu.memref_slice %arg9[%dma_wait3A_1440, %dma_wait3A_1448, %dma_wait3A_1449] : memref<8x16x128xf32, #tpu.memory_space<vmem>> -> memref<1x16x128xf32, #tpu.memory_space<vmem>>
    %dma_wait3A_1451 = tpu.memref_squeeze %dma_wait3A_1450 : memref<1x16x128xf32, #tpu.memory_space<vmem>> -> memref<16x128xf32, #tpu.memory_space<vmem>>
    %dma_wait3A_1452 = arith.constant 0 : i32
    %dma_wait3A_1453 = arith.constant 0 : i32
    %dma_wait3A_1454 = tpu.memref_slice %arg4[%dma_wait3A_1452, %dma_wait3A_1453] : memref<16x1000000xf32, #tpu.memory_space<hbm>> -> memref<16x128xf32, #tpu.memory_space<hbm>>
    tpu.wait_dma2 semaphore(%arg15 : memref<!tpu.dma_semaphore, #tpu.memory_space<semaphore_mem>>) src(%dma_wait3A_1454 : memref<16x128xf32, #tpu.memory_space<hbm>>) dst(%dma_wait3A_1451 : memref<16x128xf32, #tpu.memory_space<vmem>>)
    %dma_wait3A_1455 = arith.constant 3 : i32
    %dma_wait3A_1456 = arith.constant 0 : i32
    %dma_wait3A_1457 = arith.constant 0 : i32
    %dma_wait3A_1458 = tpu.memref_slice %arg10[%dma_wait3A_1455, %dma_wait3A_1456, %dma_wait3A_1457] : memref<8x16x128xf32, #tpu.memory_space<vmem>> -> memref<1x16x128xf32, #tpu.memory_space<vmem>>
    %dma_wait3A_1459 = tpu.memref_squeeze %dma_wait3A_1458 : memref<1x16x128xf32, #tpu.memory_space<vmem>> -> memref<16x128xf32, #tpu.memory_space<vmem>>
    %dma_wait3A_1460 = arith.constant 0 : i32
    %dma_wait3A_1461 = arith.constant 0 : i32
    %dma_wait3A_1462 = tpu.memref_slice %arg5[%dma_wait3A_1460, %dma_wait3A_1461] : memref<16x1000000xf32, #tpu.memory_space<hbm>> -> memref<16x128xf32, #tpu.memory_space<hbm>>
    %dma_wait3A_1463 = arith.constant 0 : i32
    %dma_wait3A_1464 = arith.constant 0 : i32
    %dma_wait3A_1465 = tpu.memref_slice %arg10[%dma_wait3A_1455, %dma_wait3A_1463, %dma_wait3A_1464] : memref<8x16x128xf32, #tpu.memory_space<vmem>> -> memref<1x16x128xf32, #tpu.memory_space<vmem>>
    %dma_wait3A_1466 = tpu.memref_squeeze %dma_wait3A_1465 : memref<1x16x128xf32, #tpu.memory_space<vmem>> -> memref<16x128xf32, #tpu.memory_space<vmem>>
    %dma_wait3A_1467 = arith.constant 0 : i32
    %dma_wait3A_1468 = arith.constant 0 : i32
    %dma_wait3A_1469 = tpu.memref_slice %arg5[%dma_wait3A_1467, %dma_wait3A_1468] : memref<16x1000000xf32, #tpu.memory_space<hbm>> -> memref<16x128xf32, #tpu.memory_space<hbm>>
    tpu.wait_dma2 semaphore(%arg15 : memref<!tpu.dma_semaphore, #tpu.memory_space<semaphore_mem>>) src(%dma_wait3A_1469 : memref<16x128xf32, #tpu.memory_space<hbm>>) dst(%dma_wait3A_1466 : memref<16x128xf32, #tpu.memory_space<vmem>>)
    %dma_wait3A_1470 = arith.constant 4 : i32
    %dma_wait3A_1471 = arith.constant 0 : i32
    %dma_wait3A_1472 = arith.constant 0 : i32
    %dma_wait3A_1473 = tpu.memref_slice %arg9[%dma_wait3A_1470, %dma_wait3A_1471, %dma_wait3A_1472] : memref<8x16x128xf32, #tpu.memory_space<vmem>> -> memref<1x16x128xf32, #tpu.memory_space<vmem>>
    %dma_wait3A_1474 = tpu.memref_squeeze %dma_wait3A_1473 : memref<1x16x128xf32, #tpu.memory_space<vmem>> -> memref<16x128xf32, #tpu.memory_space<vmem>>
    %dma_wait3A_1475 = arith.constant 0 : i32
    %dma_wait3A_1476 = arith.constant 0 : i32
    %dma_wait3A_1477 = tpu.memref_slice %arg4[%dma_wait3A_1475, %dma_wait3A_1476] : memref<16x1000000xf32, #tpu.memory_space<hbm>> -> memref<16x128xf32, #tpu.memory_space<hbm>>
    %dma_wait3A_1478 = arith.constant 0 : i32
    %dma_wait3A_1479 = arith.constant 0 : i32
    %dma_wait3A_1480 = tpu.memref_slice %arg9[%dma_wait3A_1470, %dma_wait3A_1478, %dma_wait3A_1479] : memref<8x16x128xf32, #tpu.memory_space<vmem>> -> memref<1x16x128xf32, #tpu.memory_space<vmem>>
    %dma_wait3A_1481 = tpu.memref_squeeze %dma_wait3A_1480 : memref<1x16x128xf32, #tpu.memory_space<vmem>> -> memref<16x128xf32, #tpu.memory_space<vmem>>
    %dma_wait3A_1482 = arith.constant 0 : i32
    %dma_wait3A_1483 = arith.constant 0 : i32
    %dma_wait3A_1484 = tpu.memref_slice %arg4[%dma_wait3A_1482, %dma_wait3A_1483] : memref<16x1000000xf32, #tpu.memory_space<hbm>> -> memref<16x128xf32, #tpu.memory_space<hbm>>
    tpu.wait_dma2 semaphore(%arg15 : memref<!tpu.dma_semaphore, #tpu.memory_space<semaphore_mem>>) src(%dma_wait3A_1484 : memref<16x128xf32, #tpu.memory_space<hbm>>) dst(%dma_wait3A_1481 : memref<16x128xf32, #tpu.memory_space<vmem>>)
    %dma_wait3A_1485 = arith.constant 4 : i32
    %dma_wait3A_1486 = arith.constant 0 : i32
    %dma_wait3A_1487 = arith.constant 0 : i32
    %dma_wait3A_1488 = tpu.memref_slice %arg10[%dma_wait3A_1485, %dma_wait3A_1486, %dma_wait3A_1487] : memref<8x16x128xf32, #tpu.memory_space<vmem>> -> memref<1x16x128xf32, #tpu.memory_space<vmem>>
    %dma_wait3A_1489 = tpu.memref_squeeze %dma_wait3A_1488 : memref<1x16x128xf32, #tpu.memory_space<vmem>> -> memref<16x128xf32, #tpu.memory_space<vmem>>
    %dma_wait3A_1490 = arith.constant 0 : i32
    %dma_wait3A_1491 = arith.constant 0 : i32
    %dma_wait3A_1492 = tpu.memref_slice %arg5[%dma_wait3A_1490, %dma_wait3A_1491] : memref<16x1000000xf32, #tpu.memory_space<hbm>> -> memref<16x128xf32, #tpu.memory_space<hbm>>
    %dma_wait3A_1493 = arith.constant 0 : i32
    %dma_wait3A_1494 = arith.constant 0 : i32
    %dma_wait3A_1495 = tpu.memref_slice %arg10[%dma_wait3A_1485, %dma_wait3A_1493, %dma_wait3A_1494] : memref<8x16x128xf32, #tpu.memory_space<vmem>> -> memref<1x16x128xf32, #tpu.memory_space<vmem>>
    %dma_wait3A_1496 = tpu.memref_squeeze %dma_wait3A_1495 : memref<1x16x128xf32, #tpu.memory_space<vmem>> -> memref<16x128xf32, #tpu.memory_space<vmem>>
    %dma_wait3A_1497 = arith.constant 0 : i32
    %dma_wait3A_1498 = arith.constant 0 : i32
    %dma_wait3A_1499 = tpu.memref_slice %arg5[%dma_wait3A_1497, %dma_wait3A_1498] : memref<16x1000000xf32, #tpu.memory_space<hbm>> -> memref<16x128xf32, #tpu.memory_space<hbm>>
    tpu.wait_dma2 semaphore(%arg15 : memref<!tpu.dma_semaphore, #tpu.memory_space<semaphore_mem>>) src(%dma_wait3A_1499 : memref<16x128xf32, #tpu.memory_space<hbm>>) dst(%dma_wait3A_1496 : memref<16x128xf32, #tpu.memory_space<vmem>>)
    %dma_wait3A_1500 = arith.constant 5 : i32
    %dma_wait3A_1501 = arith.constant 0 : i32
    %dma_wait3A_1502 = arith.constant 0 : i32
    %dma_wait3A_1503 = tpu.memref_slice %arg9[%dma_wait3A_1500, %dma_wait3A_1501, %dma_wait3A_1502] : memref<8x16x128xf32, #tpu.memory_space<vmem>> -> memref<1x16x128xf32, #tpu.memory_space<vmem>>
    %dma_wait3A_1504 = tpu.memref_squeeze %dma_wait3A_1503 : memref<1x16x128xf32, #tpu.memory_space<vmem>> -> memref<16x128xf32, #tpu.memory_space<vmem>>
    %dma_wait3A_1505 = arith.constant 0 : i32
    %dma_wait3A_1506 = arith.constant 0 : i32
    %dma_wait3A_1507 = tpu.memref_slice %arg4[%dma_wait3A_1505, %dma_wait3A_1506] : memref<16x1000000xf32, #tpu.memory_space<hbm>> -> memref<16x128xf32, #tpu.memory_space<hbm>>
    %dma_wait3A_1508 = arith.constant 0 : i32
    %dma_wait3A_1509 = arith.constant 0 : i32
    %dma_wait3A_1510 = tpu.memref_slice %arg9[%dma_wait3A_1500, %dma_wait3A_1508, %dma_wait3A_1509] : memref<8x16x128xf32, #tpu.memory_space<vmem>> -> memref<1x16x128xf32, #tpu.memory_space<vmem>>
    %dma_wait3A_1511 = tpu.memref_squeeze %dma_wait3A_1510 : memref<1x16x128xf32, #tpu.memory_space<vmem>> -> memref<16x128xf32, #tpu.memory_space<vmem>>
    %dma_wait3A_1512 = arith.constant 0 : i32
    %dma_wait3A_1513 = arith.constant 0 : i32
    %dma_wait3A_1514 = tpu.memref_slice %arg4[%dma_wait3A_1512, %dma_wait3A_1513] : memref<16x1000000xf32, #tpu.memory_space<hbm>> -> memref<16x128xf32, #tpu.memory_space<hbm>>
    tpu.wait_dma2 semaphore(%arg15 : memref<!tpu.dma_semaphore, #tpu.memory_space<semaphore_mem>>) src(%dma_wait3A_1514 : memref<16x128xf32, #tpu.memory_space<hbm>>) dst(%dma_wait3A_1511 : memref<16x128xf32, #tpu.memory_space<vmem>>)
    %dma_wait3A_1515 = arith.constant 5 : i32
    %dma_wait3A_1516 = arith.constant 0 : i32
    %dma_wait3A_1517 = arith.constant 0 : i32
    %dma_wait3A_1518 = tpu.memref_slice %arg10[%dma_wait3A_1515, %dma_wait3A_1516, %dma_wait3A_1517] : memref<8x16x128xf32, #tpu.memory_space<vmem>> -> memref<1x16x128xf32, #tpu.memory_space<vmem>>
    %dma_wait3A_1519 = tpu.memref_squeeze %dma_wait3A_1518 : memref<1x16x128xf32, #tpu.memory_space<vmem>> -> memref<16x128xf32, #tpu.memory_space<vmem>>
    %dma_wait3A_1520 = arith.constant 0 : i32
    %dma_wait3A_1521 = arith.constant 0 : i32
    %dma_wait3A_1522 = tpu.memref_slice %arg5[%dma_wait3A_1520, %dma_wait3A_1521] : memref<16x1000000xf32, #tpu.memory_space<hbm>> -> memref<16x128xf32, #tpu.memory_space<hbm>>
    %dma_wait3A_1523 = arith.constant 0 : i32
    %dma_wait3A_1524 = arith.constant 0 : i32
    %dma_wait3A_1525 = tpu.memref_slice %arg10[%dma_wait3A_1515, %dma_wait3A_1523, %dma_wait3A_1524] : memref<8x16x128xf32, #tpu.memory_space<vmem>> -> memref<1x16x128xf32, #tpu.memory_space<vmem>>
    %dma_wait3A_1526 = tpu.memref_squeeze %dma_wait3A_1525 : memref<1x16x128xf32, #tpu.memory_space<vmem>> -> memref<16x128xf32, #tpu.memory_space<vmem>>
    %dma_wait3A_1527 = arith.constant 0 : i32
    %dma_wait3A_1528 = arith.constant 0 : i32
    %dma_wait3A_1529 = tpu.memref_slice %arg5[%dma_wait3A_1527, %dma_wait3A_1528] : memref<16x1000000xf32, #tpu.memory_space<hbm>> -> memref<16x128xf32, #tpu.memory_space<hbm>>
    tpu.wait_dma2 semaphore(%arg15 : memref<!tpu.dma_semaphore, #tpu.memory_space<semaphore_mem>>) src(%dma_wait3A_1529 : memref<16x128xf32, #tpu.memory_space<hbm>>) dst(%dma_wait3A_1526 : memref<16x128xf32, #tpu.memory_space<vmem>>)
    %dma_wait3A_1530 = arith.constant 6 : i32
    %dma_wait3A_1531 = arith.constant 0 : i32
    %dma_wait3A_1532 = arith.constant 0 : i32
    %dma_wait3A_1533 = tpu.memref_slice %arg9[%dma_wait3A_1530, %dma_wait3A_1531, %dma_wait3A_1532] : memref<8x16x128xf32, #tpu.memory_space<vmem>> -> memref<1x16x128xf32, #tpu.memory_space<vmem>>
    %dma_wait3A_1534 = tpu.memref_squeeze %dma_wait3A_1533 : memref<1x16x128xf32, #tpu.memory_space<vmem>> -> memref<16x128xf32, #tpu.memory_space<vmem>>
    %dma_wait3A_1535 = arith.constant 0 : i32
    %dma_wait3A_1536 = arith.constant 0 : i32
    %dma_wait3A_1537 = tpu.memref_slice %arg4[%dma_wait3A_1535, %dma_wait3A_1536] : memref<16x1000000xf32, #tpu.memory_space<hbm>> -> memref<16x128xf32, #tpu.memory_space<hbm>>
    %dma_wait3A_1538 = arith.constant 0 : i32
    %dma_wait3A_1539 = arith.constant 0 : i32
    %dma_wait3A_1540 = tpu.memref_slice %arg9[%dma_wait3A_1530, %dma_wait3A_1538, %dma_wait3A_1539] : memref<8x16x128xf32, #tpu.memory_space<vmem>> -> memref<1x16x128xf32, #tpu.memory_space<vmem>>
    %dma_wait3A_1541 = tpu.memref_squeeze %dma_wait3A_1540 : memref<1x16x128xf32, #tpu.memory_space<vmem>> -> memref<16x128xf32, #tpu.memory_space<vmem>>
    %dma_wait3A_1542 = arith.constant 0 : i32
    %dma_wait3A_1543 = arith.constant 0 : i32
    %dma_wait3A_1544 = tpu.memref_slice %arg4[%dma_wait3A_1542, %dma_wait3A_1543] : memref<16x1000000xf32, #tpu.memory_space<hbm>> -> memref<16x128xf32, #tpu.memory_space<hbm>>
    tpu.wait_dma2 semaphore(%arg15 : memref<!tpu.dma_semaphore, #tpu.memory_space<semaphore_mem>>) src(%dma_wait3A_1544 : memref<16x128xf32, #tpu.memory_space<hbm>>) dst(%dma_wait3A_1541 : memref<16x128xf32, #tpu.memory_space<vmem>>)
    %dma_wait3A_1545 = arith.constant 6 : i32
    %dma_wait3A_1546 = arith.constant 0 : i32
    %dma_wait3A_1547 = arith.constant 0 : i32
    %dma_wait3A_1548 = tpu.memref_slice %arg10[%dma_wait3A_1545, %dma_wait3A_1546, %dma_wait3A_1547] : memref<8x16x128xf32, #tpu.memory_space<vmem>> -> memref<1x16x128xf32, #tpu.memory_space<vmem>>
    %dma_wait3A_1549 = tpu.memref_squeeze %dma_wait3A_1548 : memref<1x16x128xf32, #tpu.memory_space<vmem>> -> memref<16x128xf32, #tpu.memory_space<vmem>>
    %dma_wait3A_1550 = arith.constant 0 : i32
    %dma_wait3A_1551 = arith.constant 0 : i32
    %dma_wait3A_1552 = tpu.memref_slice %arg5[%dma_wait3A_1550, %dma_wait3A_1551] : memref<16x1000000xf32, #tpu.memory_space<hbm>> -> memref<16x128xf32, #tpu.memory_space<hbm>>
    %dma_wait3A_1553 = arith.constant 0 : i32
    %dma_wait3A_1554 = arith.constant 0 : i32
    %dma_wait3A_1555 = tpu.memref_slice %arg10[%dma_wait3A_1545, %dma_wait3A_1553, %dma_wait3A_1554] : memref<8x16x128xf32, #tpu.memory_space<vmem>> -> memref<1x16x128xf32, #tpu.memory_space<vmem>>
    %dma_wait3A_1556 = tpu.memref_squeeze %dma_wait3A_1555 : memref<1x16x128xf32, #tpu.memory_space<vmem>> -> memref<16x128xf32, #tpu.memory_space<vmem>>
    %dma_wait3A_1557 = arith.constant 0 : i32
    %dma_wait3A_1558 = arith.constant 0 : i32
    %dma_wait3A_1559 = tpu.memref_slice %arg5[%dma_wait3A_1557, %dma_wait3A_1558] : memref<16x1000000xf32, #tpu.memory_space<hbm>> -> memref<16x128xf32, #tpu.memory_space<hbm>>
    tpu.wait_dma2 semaphore(%arg15 : memref<!tpu.dma_semaphore, #tpu.memory_space<semaphore_mem>>) src(%dma_wait3A_1559 : memref<16x128xf32, #tpu.memory_space<hbm>>) dst(%dma_wait3A_1556 : memref<16x128xf32, #tpu.memory_space<vmem>>)
    %dma_wait3A_1560 = arith.constant 7 : i32
    %dma_wait3A_1561 = arith.constant 0 : i32
    %dma_wait3A_1562 = arith.constant 0 : i32
    %dma_wait3A_1563 = tpu.memref_slice %arg9[%dma_wait3A_1560, %dma_wait3A_1561, %dma_wait3A_1562] : memref<8x16x128xf32, #tpu.memory_space<vmem>> -> memref<1x16x128xf32, #tpu.memory_space<vmem>>
    %dma_wait3A_1564 = tpu.memref_squeeze %dma_wait3A_1563 : memref<1x16x128xf32, #tpu.memory_space<vmem>> -> memref<16x128xf32, #tpu.memory_space<vmem>>
    %dma_wait3A_1565 = arith.constant 0 : i32
    %dma_wait3A_1566 = arith.constant 0 : i32
    %dma_wait3A_1567 = tpu.memref_slice %arg4[%dma_wait3A_1565, %dma_wait3A_1566] : memref<16x1000000xf32, #tpu.memory_space<hbm>> -> memref<16x128xf32, #tpu.memory_space<hbm>>
    %dma_wait3A_1568 = arith.constant 0 : i32
    %dma_wait3A_1569 = arith.constant 0 : i32
    %dma_wait3A_1570 = tpu.memref_slice %arg9[%dma_wait3A_1560, %dma_wait3A_1568, %dma_wait3A_1569] : memref<8x16x128xf32, #tpu.memory_space<vmem>> -> memref<1x16x128xf32, #tpu.memory_space<vmem>>
    %dma_wait3A_1571 = tpu.memref_squeeze %dma_wait3A_1570 : memref<1x16x128xf32, #tpu.memory_space<vmem>> -> memref<16x128xf32, #tpu.memory_space<vmem>>
    %dma_wait3A_1572 = arith.constant 0 : i32
    %dma_wait3A_1573 = arith.constant 0 : i32
    %dma_wait3A_1574 = tpu.memref_slice %arg4[%dma_wait3A_1572, %dma_wait3A_1573] : memref<16x1000000xf32, #tpu.memory_space<hbm>> -> memref<16x128xf32, #tpu.memory_space<hbm>>
    tpu.wait_dma2 semaphore(%arg15 : memref<!tpu.dma_semaphore, #tpu.memory_space<semaphore_mem>>) src(%dma_wait3A_1574 : memref<16x128xf32, #tpu.memory_space<hbm>>) dst(%dma_wait3A_1571 : memref<16x128xf32, #tpu.memory_space<vmem>>)
    %dma_wait3A_1575 = arith.constant 7 : i32
    %dma_wait3A_1576 = arith.constant 0 : i32
    %dma_wait3A_1577 = arith.constant 0 : i32
    %dma_wait3A_1578 = tpu.memref_slice %arg10[%dma_wait3A_1575, %dma_wait3A_1576, %dma_wait3A_1577] : memref<8x16x128xf32, #tpu.memory_space<vmem>> -> memref<1x16x128xf32, #tpu.memory_space<vmem>>
    %dma_wait3A_1579 = tpu.memref_squeeze %dma_wait3A_1578 : memref<1x16x128xf32, #tpu.memory_space<vmem>> -> memref<16x128xf32, #tpu.memory_space<vmem>>
    %dma_wait3A_1580 = arith.constant 0 : i32
    %dma_wait3A_1581 = arith.constant 0 : i32
    %dma_wait3A_1582 = tpu.memref_slice %arg5[%dma_wait3A_1580, %dma_wait3A_1581] : memref<16x1000000xf32, #tpu.memory_space<hbm>> -> memref<16x128xf32, #tpu.memory_space<hbm>>
    %dma_wait3A_1583 = arith.constant 0 : i32
    %dma_wait3A_1584 = arith.constant 0 : i32
    %dma_wait3A_1585 = tpu.memref_slice %arg10[%dma_wait3A_1575, %dma_wait3A_1583, %dma_wait3A_1584] : memref<8x16x128xf32, #tpu.memory_space<vmem>> -> memref<1x16x128xf32, #tpu.memory_space<vmem>>
    %dma_wait3A_1586 = tpu.memref_squeeze %dma_wait3A_1585 : memref<1x16x128xf32, #tpu.memory_space<vmem>> -> memref<16x128xf32, #tpu.memory_space<vmem>>
    %dma_wait3A_1587 = arith.constant 0 : i32
    %dma_wait3A_1588 = arith.constant 0 : i32
    %dma_wait3A_1589 = tpu.memref_slice %arg5[%dma_wait3A_1587, %dma_wait3A_1588] : memref<16x1000000xf32, #tpu.memory_space<hbm>> -> memref<16x128xf32, #tpu.memory_space<hbm>>
    tpu.wait_dma2 semaphore(%arg15 : memref<!tpu.dma_semaphore, #tpu.memory_space<semaphore_mem>>) src(%dma_wait3A_1589 : memref<16x128xf32, #tpu.memory_space<hbm>>) dst(%dma_wait3A_1586 : memref<16x128xf32, #tpu.memory_space<vmem>>)
    %dma_wait3A_1590 = arith.constant 0 : i32
    %dma_wait3A_1591 = arith.constant 0 : i32
    %dma_wait3A_1592 = arith.constant 0 : i32
    %dma_wait3A_1593 = tpu.memref_slice %arg11[%dma_wait3A_1590, %dma_wait3A_1591, %dma_wait3A_1592] : memref<8x16x128xf32, #tpu.memory_space<vmem>> -> memref<1x16x128xf32, #tpu.memory_space<vmem>>
    %dma_wait3A_1594 = tpu.memref_squeeze %dma_wait3A_1593 : memref<1x16x128xf32, #tpu.memory_space<vmem>> -> memref<16x128xf32, #tpu.memory_space<vmem>>
    %dma_wait3A_1595 = arith.constant 0 : i32
    %dma_wait3A_1596 = arith.constant 0 : i32
    %dma_wait3A_1597 = tpu.memref_slice %arg4[%dma_wait3A_1595, %dma_wait3A_1596] : memref<16x1000000xf32, #tpu.memory_space<hbm>> -> memref<16x128xf32, #tpu.memory_space<hbm>>
    %dma_wait3A_1598 = arith.constant 0 : i32
    %dma_wait3A_1599 = arith.constant 0 : i32
    %dma_wait3A_1600 = tpu.memref_slice %arg11[%dma_wait3A_1590, %dma_wait3A_1598, %dma_wait3A_1599] : memref<8x16x128xf32, #tpu.memory_space<vmem>> -> memref<1x16x128xf32, #tpu.memory_space<vmem>>
    %dma_wait3A_1601 = tpu.memref_squeeze %dma_wait3A_1600 : memref<1x16x128xf32, #tpu.memory_space<vmem>> -> memref<16x128xf32, #tpu.memory_space<vmem>>
    %dma_wait3A_1602 = arith.constant 0 : i32
    %dma_wait3A_1603 = arith.constant 0 : i32
    %dma_wait3A_1604 = tpu.memref_slice %arg4[%dma_wait3A_1602, %dma_wait3A_1603] : memref<16x1000000xf32, #tpu.memory_space<hbm>> -> memref<16x128xf32, #tpu.memory_space<hbm>>
    tpu.wait_dma2 semaphore(%arg16 : memref<!tpu.dma_semaphore, #tpu.memory_space<semaphore_mem>>) src(%dma_wait3A_1604 : memref<16x128xf32, #tpu.memory_space<hbm>>) dst(%dma_wait3A_1601 : memref<16x128xf32, #tpu.memory_space<vmem>>)
    %dma_wait3A_1605 = arith.constant 0 : i32
    %dma_wait3A_1606 = arith.constant 0 : i32
    %dma_wait3A_1607 = arith.constant 0 : i32
    %dma_wait3A_1608 = tpu.memref_slice %arg12[%dma_wait3A_1605, %dma_wait3A_1606, %dma_wait3A_1607] : memref<8x16x128xf32, #tpu.memory_space<vmem>> -> memref<1x16x128xf32, #tpu.memory_space<vmem>>
    %dma_wait3A_1609 = tpu.memref_squeeze %dma_wait3A_1608 : memref<1x16x128xf32, #tpu.memory_space<vmem>> -> memref<16x128xf32, #tpu.memory_space<vmem>>
    %dma_wait3A_1610 = arith.constant 0 : i32
    %dma_wait3A_1611 = arith.constant 0 : i32
    %dma_wait3A_1612 = tpu.memref_slice %arg5[%dma_wait3A_1610, %dma_wait3A_1611] : memref<16x1000000xf32, #tpu.memory_space<hbm>> -> memref<16x128xf32, #tpu.memory_space<hbm>>
    %dma_wait3A_1613 = arith.constant 0 : i32
    %dma_wait3A_1614 = arith.constant 0 : i32
    %dma_wait3A_1615 = tpu.memref_slice %arg12[%dma_wait3A_1605, %dma_wait3A_1613, %dma_wait3A_1614] : memref<8x16x128xf32, #tpu.memory_space<vmem>> -> memref<1x16x128xf32, #tpu.memory_space<vmem>>
    %dma_wait3A_1616 = tpu.memref_squeeze %dma_wait3A_1615 : memref<1x16x128xf32, #tpu.memory_space<vmem>> -> memref<16x128xf32, #tpu.memory_space<vmem>>
    %dma_wait3A_1617 = arith.constant 0 : i32
    %dma_wait3A_1618 = arith.constant 0 : i32
    %dma_wait3A_1619 = tpu.memref_slice %arg5[%dma_wait3A_1617, %dma_wait3A_1618] : memref<16x1000000xf32, #tpu.memory_space<hbm>> -> memref<16x128xf32, #tpu.memory_space<hbm>>
    tpu.wait_dma2 semaphore(%arg16 : memref<!tpu.dma_semaphore, #tpu.memory_space<semaphore_mem>>) src(%dma_wait3A_1619 : memref<16x128xf32, #tpu.memory_space<hbm>>) dst(%dma_wait3A_1616 : memref<16x128xf32, #tpu.memory_space<vmem>>)
    %dma_wait3A_1620 = arith.constant 1 : i32
    %dma_wait3A_1621 = arith.constant 0 : i32
    %dma_wait3A_1622 = arith.constant 0 : i32
    %dma_wait3A_1623 = tpu.memref_slice %arg11[%dma_wait3A_1620, %dma_wait3A_1621, %dma_wait3A_1622] : memref<8x16x128xf32, #tpu.memory_space<vmem>> -> memref<1x16x128xf32, #tpu.memory_space<vmem>>
    %dma_wait3A_1624 = tpu.memref_squeeze %dma_wait3A_1623 : memref<1x16x128xf32, #tpu.memory_space<vmem>> -> memref<16x128xf32, #tpu.memory_space<vmem>>
    %dma_wait3A_1625 = arith.constant 0 : i32
    %dma_wait3A_1626 = arith.constant 0 : i32
    %dma_wait3A_1627 = tpu.memref_slice %arg4[%dma_wait3A_1625, %dma_wait3A_1626] : memref<16x1000000xf32, #tpu.memory_space<hbm>> -> memref<16x128xf32, #tpu.memory_space<hbm>>
    %dma_wait3A_1628 = arith.constant 0 : i32
    %dma_wait3A_1629 = arith.constant 0 : i32
    %dma_wait3A_1630 = tpu.memref_slice %arg11[%dma_wait3A_1620, %dma_wait3A_1628, %dma_wait3A_1629] : memref<8x16x128xf32, #tpu.memory_space<vmem>> -> memref<1x16x128xf32, #tpu.memory_space<vmem>>
    %dma_wait3A_1631 = tpu.memref_squeeze %dma_wait3A_1630 : memref<1x16x128xf32, #tpu.memory_space<vmem>> -> memref<16x128xf32, #tpu.memory_space<vmem>>
    %dma_wait3A_1632 = arith.constant 0 : i32
    %dma_wait3A_1633 = arith.constant 0 : i32
    %dma_wait3A_1634 = tpu.memref_slice %arg4[%dma_wait3A_1632, %dma_wait3A_1633] : memref<16x1000000xf32, #tpu.memory_space<hbm>> -> memref<16x128xf32, #tpu.memory_space<hbm>>
    tpu.wait_dma2 semaphore(%arg16 : memref<!tpu.dma_semaphore, #tpu.memory_space<semaphore_mem>>) src(%dma_wait3A_1634 : memref<16x128xf32, #tpu.memory_space<hbm>>) dst(%dma_wait3A_1631 : memref<16x128xf32, #tpu.memory_space<vmem>>)
    %dma_wait3A_1635 = arith.constant 1 : i32
    %dma_wait3A_1636 = arith.constant 0 : i32
    %dma_wait3A_1637 = arith.constant 0 : i32
    %dma_wait3A_1638 = tpu.memref_slice %arg12[%dma_wait3A_1635, %dma_wait3A_1636, %dma_wait3A_1637] : memref<8x16x128xf32, #tpu.memory_space<vmem>> -> memref<1x16x128xf32, #tpu.memory_space<vmem>>
    %dma_wait3A_1639 = tpu.memref_squeeze %dma_wait3A_1638 : memref<1x16x128xf32, #tpu.memory_space<vmem>> -> memref<16x128xf32, #tpu.memory_space<vmem>>
    %dma_wait3A_1640 = arith.constant 0 : i32
    %dma_wait3A_1641 = arith.constant 0 : i32
    %dma_wait3A_1642 = tpu.memref_slice %arg5[%dma_wait3A_1640, %dma_wait3A_1641] : memref<16x1000000xf32, #tpu.memory_space<hbm>> -> memref<16x128xf32, #tpu.memory_space<hbm>>
    %dma_wait3A_1643 = arith.constant 0 : i32
    %dma_wait3A_1644 = arith.constant 0 : i32
    %dma_wait3A_1645 = tpu.memref_slice %arg12[%dma_wait3A_1635, %dma_wait3A_1643, %dma_wait3A_1644] : memref<8x16x128xf32, #tpu.memory_space<vmem>> -> memref<1x16x128xf32, #tpu.memory_space<vmem>>
    %dma_wait3A_1646 = tpu.memref_squeeze %dma_wait3A_1645 : memref<1x16x128xf32, #tpu.memory_space<vmem>> -> memref<16x128xf32, #tpu.memory_space<vmem>>
    %dma_wait3A_1647 = arith.constant 0 : i32
    %dma_wait3A_1648 = arith.constant 0 : i32
    %dma_wait3A_1649 = tpu.memref_slice %arg5[%dma_wait3A_1647, %dma_wait3A_1648] : memref<16x1000000xf32, #tpu.memory_space<hbm>> -> memref<16x128xf32, #tpu.memory_space<hbm>>
    tpu.wait_dma2 semaphore(%arg16 : memref<!tpu.dma_semaphore, #tpu.memory_space<semaphore_mem>>) src(%dma_wait3A_1649 : memref<16x128xf32, #tpu.memory_space<hbm>>) dst(%dma_wait3A_1646 : memref<16x128xf32, #tpu.memory_space<vmem>>)
    %dma_wait3A_1650 = arith.constant 2 : i32
    %dma_wait3A_1651 = arith.constant 0 : i32
    %dma_wait3A_1652 = arith.constant 0 : i32
    %dma_wait3A_1653 = tpu.memref_slice %arg11[%dma_wait3A_1650, %dma_wait3A_1651, %dma_wait3A_1652] : memref<8x16x128xf32, #tpu.memory_space<vmem>> -> memref<1x16x128xf32, #tpu.memory_space<vmem>>
    %dma_wait3A_1654 = tpu.memref_squeeze %dma_wait3A_1653 : memref<1x16x128xf32, #tpu.memory_space<vmem>> -> memref<16x128xf32, #tpu.memory_space<vmem>>
    %dma_wait3A_1655 = arith.constant 0 : i32
    %dma_wait3A_1656 = arith.constant 0 : i32
    %dma_wait3A_1657 = tpu.memref_slice %arg4[%dma_wait3A_1655, %dma_wait3A_1656] : memref<16x1000000xf32, #tpu.memory_space<hbm>> -> memref<16x128xf32, #tpu.memory_space<hbm>>
    %dma_wait3A_1658 = arith.constant 0 : i32
    %dma_wait3A_1659 = arith.constant 0 : i32
    %dma_wait3A_1660 = tpu.memref_slice %arg11[%dma_wait3A_1650, %dma_wait3A_1658, %dma_wait3A_1659] : memref<8x16x128xf32, #tpu.memory_space<vmem>> -> memref<1x16x128xf32, #tpu.memory_space<vmem>>
    %dma_wait3A_1661 = tpu.memref_squeeze %dma_wait3A_1660 : memref<1x16x128xf32, #tpu.memory_space<vmem>> -> memref<16x128xf32, #tpu.memory_space<vmem>>
    %dma_wait3A_1662 = arith.constant 0 : i32
    %dma_wait3A_1663 = arith.constant 0 : i32
    %dma_wait3A_1664 = tpu.memref_slice %arg4[%dma_wait3A_1662, %dma_wait3A_1663] : memref<16x1000000xf32, #tpu.memory_space<hbm>> -> memref<16x128xf32, #tpu.memory_space<hbm>>
    tpu.wait_dma2 semaphore(%arg16 : memref<!tpu.dma_semaphore, #tpu.memory_space<semaphore_mem>>) src(%dma_wait3A_1664 : memref<16x128xf32, #tpu.memory_space<hbm>>) dst(%dma_wait3A_1661 : memref<16x128xf32, #tpu.memory_space<vmem>>)
    %dma_wait3A_1665 = arith.constant 2 : i32
    %dma_wait3A_1666 = arith.constant 0 : i32
    %dma_wait3A_1667 = arith.constant 0 : i32
    %dma_wait3A_1668 = tpu.memref_slice %arg12[%dma_wait3A_1665, %dma_wait3A_1666, %dma_wait3A_1667] : memref<8x16x128xf32, #tpu.memory_space<vmem>> -> memref<1x16x128xf32, #tpu.memory_space<vmem>>
    %dma_wait3A_1669 = tpu.memref_squeeze %dma_wait3A_1668 : memref<1x16x128xf32, #tpu.memory_space<vmem>> -> memref<16x128xf32, #tpu.memory_space<vmem>>
    %dma_wait3A_1670 = arith.constant 0 : i32
    %dma_wait3A_1671 = arith.constant 0 : i32
    %dma_wait3A_1672 = tpu.memref_slice %arg5[%dma_wait3A_1670, %dma_wait3A_1671] : memref<16x1000000xf32, #tpu.memory_space<hbm>> -> memref<16x128xf32, #tpu.memory_space<hbm>>
    %dma_wait3A_1673 = arith.constant 0 : i32
    %dma_wait3A_1674 = arith.constant 0 : i32
    %dma_wait3A_1675 = tpu.memref_slice %arg12[%dma_wait3A_1665, %dma_wait3A_1673, %dma_wait3A_1674] : memref<8x16x128xf32, #tpu.memory_space<vmem>> -> memref<1x16x128xf32, #tpu.memory_space<vmem>>
    %dma_wait3A_1676 = tpu.memref_squeeze %dma_wait3A_1675 : memref<1x16x128xf32, #tpu.memory_space<vmem>> -> memref<16x128xf32, #tpu.memory_space<vmem>>
    %dma_wait3A_1677 = arith.constant 0 : i32
    %dma_wait3A_1678 = arith.constant 0 : i32
    %dma_wait3A_1679 = tpu.memref_slice %arg5[%dma_wait3A_1677, %dma_wait3A_1678] : memref<16x1000000xf32, #tpu.memory_space<hbm>> -> memref<16x128xf32, #tpu.memory_space<hbm>>
    tpu.wait_dma2 semaphore(%arg16 : memref<!tpu.dma_semaphore, #tpu.memory_space<semaphore_mem>>) src(%dma_wait3A_1679 : memref<16x128xf32, #tpu.memory_space<hbm>>) dst(%dma_wait3A_1676 : memref<16x128xf32, #tpu.memory_space<vmem>>)
    %dma_wait3A_1680 = arith.constant 3 : i32
    %dma_wait3A_1681 = arith.constant 0 : i32
    %dma_wait3A_1682 = arith.constant 0 : i32
    %dma_wait3A_1683 = tpu.memref_slice %arg11[%dma_wait3A_1680, %dma_wait3A_1681, %dma_wait3A_1682] : memref<8x16x128xf32, #tpu.memory_space<vmem>> -> memref<1x16x128xf32, #tpu.memory_space<vmem>>
    %dma_wait3A_1684 = tpu.memref_squeeze %dma_wait3A_1683 : memref<1x16x128xf32, #tpu.memory_space<vmem>> -> memref<16x128xf32, #tpu.memory_space<vmem>>
    %dma_wait3A_1685 = arith.constant 0 : i32
    %dma_wait3A_1686 = arith.constant 0 : i32
    %dma_wait3A_1687 = tpu.memref_slice %arg4[%dma_wait3A_1685, %dma_wait3A_1686] : memref<16x1000000xf32, #tpu.memory_space<hbm>> -> memref<16x128xf32, #tpu.memory_space<hbm>>
    %dma_wait3A_1688 = arith.constant 0 : i32
    %dma_wait3A_1689 = arith.constant 0 : i32
    %dma_wait3A_1690 = tpu.memref_slice %arg11[%dma_wait3A_1680, %dma_wait3A_1688, %dma_wait3A_1689] : memref<8x16x128xf32, #tpu.memory_space<vmem>> -> memref<1x16x128xf32, #tpu.memory_space<vmem>>
    %dma_wait3A_1691 = tpu.memref_squeeze %dma_wait3A_1690 : memref<1x16x128xf32, #tpu.memory_space<vmem>> -> memref<16x128xf32, #tpu.memory_space<vmem>>
    %dma_wait3A_1692 = arith.constant 0 : i32
    %dma_wait3A_1693 = arith.constant 0 : i32
    %dma_wait3A_1694 = tpu.memref_slice %arg4[%dma_wait3A_1692, %dma_wait3A_1693] : memref<16x1000000xf32, #tpu.memory_space<hbm>> -> memref<16x128xf32, #tpu.memory_space<hbm>>
    tpu.wait_dma2 semaphore(%arg16 : memref<!tpu.dma_semaphore, #tpu.memory_space<semaphore_mem>>) src(%dma_wait3A_1694 : memref<16x128xf32, #tpu.memory_space<hbm>>) dst(%dma_wait3A_1691 : memref<16x128xf32, #tpu.memory_space<vmem>>)
    %dma_wait3A_1695 = arith.constant 3 : i32
    %dma_wait3A_1696 = arith.constant 0 : i32
    %dma_wait3A_1697 = arith.constant 0 : i32
    %dma_wait3A_1698 = tpu.memref_slice %arg12[%dma_wait3A_1695, %dma_wait3A_1696, %dma_wait3A_1697] : memref<8x16x128xf32, #tpu.memory_space<vmem>> -> memref<1x16x128xf32, #tpu.memory_space<vmem>>
    %dma_wait3A_1699 = tpu.memref_squeeze %dma_wait3A_1698 : memref<1x16x128xf32, #tpu.memory_space<vmem>> -> memref<16x128xf32, #tpu.memory_space<vmem>>
    %dma_wait3A_1700 = arith.constant 0 : i32
    %dma_wait3A_1701 = arith.constant 0 : i32
    %dma_wait3A_1702 = tpu.memref_slice %arg5[%dma_wait3A_1700, %dma_wait3A_1701] : memref<16x1000000xf32, #tpu.memory_space<hbm>> -> memref<16x128xf32, #tpu.memory_space<hbm>>
    %dma_wait3A_1703 = arith.constant 0 : i32
    %dma_wait3A_1704 = arith.constant 0 : i32
    %dma_wait3A_1705 = tpu.memref_slice %arg12[%dma_wait3A_1695, %dma_wait3A_1703, %dma_wait3A_1704] : memref<8x16x128xf32, #tpu.memory_space<vmem>> -> memref<1x16x128xf32, #tpu.memory_space<vmem>>
    %dma_wait3A_1706 = tpu.memref_squeeze %dma_wait3A_1705 : memref<1x16x128xf32, #tpu.memory_space<vmem>> -> memref<16x128xf32, #tpu.memory_space<vmem>>
    %dma_wait3A_1707 = arith.constant 0 : i32
    %dma_wait3A_1708 = arith.constant 0 : i32
    %dma_wait3A_1709 = tpu.memref_slice %arg5[%dma_wait3A_1707, %dma_wait3A_1708] : memref<16x1000000xf32, #tpu.memory_space<hbm>> -> memref<16x128xf32, #tpu.memory_space<hbm>>
    tpu.wait_dma2 semaphore(%arg16 : memref<!tpu.dma_semaphore, #tpu.memory_space<semaphore_mem>>) src(%dma_wait3A_1709 : memref<16x128xf32, #tpu.memory_space<hbm>>) dst(%dma_wait3A_1706 : memref<16x128xf32, #tpu.memory_space<vmem>>)
    %dma_wait3A_1710 = arith.constant 4 : i32
    %dma_wait3A_1711 = arith.constant 0 : i32
    %dma_wait3A_1712 = arith.constant 0 : i32
    %dma_wait3A_1713 = tpu.memref_slice %arg11[%dma_wait3A_1710, %dma_wait3A_1711, %dma_wait3A_1712] : memref<8x16x128xf32, #tpu.memory_space<vmem>> -> memref<1x16x128xf32, #tpu.memory_space<vmem>>
    %dma_wait3A_1714 = tpu.memref_squeeze %dma_wait3A_1713 : memref<1x16x128xf32, #tpu.memory_space<vmem>> -> memref<16x128xf32, #tpu.memory_space<vmem>>
    %dma_wait3A_1715 = arith.constant 0 : i32
    %dma_wait3A_1716 = arith.constant 0 : i32
    %dma_wait3A_1717 = tpu.memref_slice %arg4[%dma_wait3A_1715, %dma_wait3A_1716] : memref<16x1000000xf32, #tpu.memory_space<hbm>> -> memref<16x128xf32, #tpu.memory_space<hbm>>
    %dma_wait3A_1718 = arith.constant 0 : i32
    %dma_wait3A_1719 = arith.constant 0 : i32
    %dma_wait3A_1720 = tpu.memref_slice %arg11[%dma_wait3A_1710, %dma_wait3A_1718, %dma_wait3A_1719] : memref<8x16x128xf32, #tpu.memory_space<vmem>> -> memref<1x16x128xf32, #tpu.memory_space<vmem>>
    %dma_wait3A_1721 = tpu.memref_squeeze %dma_wait3A_1720 : memref<1x16x128xf32, #tpu.memory_space<vmem>> -> memref<16x128xf32, #tpu.memory_space<vmem>>
    %dma_wait3A_1722 = arith.constant 0 : i32
    %dma_wait3A_1723 = arith.constant 0 : i32
    %dma_wait3A_1724 = tpu.memref_slice %arg4[%dma_wait3A_1722, %dma_wait3A_1723] : memref<16x1000000xf32, #tpu.memory_space<hbm>> -> memref<16x128xf32, #tpu.memory_space<hbm>>
    tpu.wait_dma2 semaphore(%arg16 : memref<!tpu.dma_semaphore, #tpu.memory_space<semaphore_mem>>) src(%dma_wait3A_1724 : memref<16x128xf32, #tpu.memory_space<hbm>>) dst(%dma_wait3A_1721 : memref<16x128xf32, #tpu.memory_space<vmem>>)
    %dma_wait3A_1725 = arith.constant 4 : i32
    %dma_wait3A_1726 = arith.constant 0 : i32
    %dma_wait3A_1727 = arith.constant 0 : i32
    %dma_wait3A_1728 = tpu.memref_slice %arg12[%dma_wait3A_1725, %dma_wait3A_1726, %dma_wait3A_1727] : memref<8x16x128xf32, #tpu.memory_space<vmem>> -> memref<1x16x128xf32, #tpu.memory_space<vmem>>
    %dma_wait3A_1729 = tpu.memref_squeeze %dma_wait3A_1728 : memref<1x16x128xf32, #tpu.memory_space<vmem>> -> memref<16x128xf32, #tpu.memory_space<vmem>>
    %dma_wait3A_1730 = arith.constant 0 : i32
    %dma_wait3A_1731 = arith.constant 0 : i32
    %dma_wait3A_1732 = tpu.memref_slice %arg5[%dma_wait3A_1730, %dma_wait3A_1731] : memref<16x1000000xf32, #tpu.memory_space<hbm>> -> memref<16x128xf32, #tpu.memory_space<hbm>>
    %dma_wait3A_1733 = arith.constant 0 : i32
    %dma_wait3A_1734 = arith.constant 0 : i32
    %dma_wait3A_1735 = tpu.memref_slice %arg12[%dma_wait3A_1725, %dma_wait3A_1733, %dma_wait3A_1734] : memref<8x16x128xf32, #tpu.memory_space<vmem>> -> memref<1x16x128xf32, #tpu.memory_space<vmem>>
    %dma_wait3A_1736 = tpu.memref_squeeze %dma_wait3A_1735 : memref<1x16x128xf32, #tpu.memory_space<vmem>> -> memref<16x128xf32, #tpu.memory_space<vmem>>
    %dma_wait3A_1737 = arith.constant 0 : i32
    %dma_wait3A_1738 = arith.constant 0 : i32
    %dma_wait3A_1739 = tpu.memref_slice %arg5[%dma_wait3A_1737, %dma_wait3A_1738] : memref<16x1000000xf32, #tpu.memory_space<hbm>> -> memref<16x128xf32, #tpu.memory_space<hbm>>
    tpu.wait_dma2 semaphore(%arg16 : memref<!tpu.dma_semaphore, #tpu.memory_space<semaphore_mem>>) src(%dma_wait3A_1739 : memref<16x128xf32, #tpu.memory_space<hbm>>) dst(%dma_wait3A_1736 : memref<16x128xf32, #tpu.memory_space<vmem>>)
    %dma_wait3A_1740 = arith.constant 5 : i32
    %dma_wait3A_1741 = arith.constant 0 : i32
    %dma_wait3A_1742 = arith.constant 0 : i32
    %dma_wait3A_1743 = tpu.memref_slice %arg11[%dma_wait3A_1740, %dma_wait3A_1741, %dma_wait3A_1742] : memref<8x16x128xf32, #tpu.memory_space<vmem>> -> memref<1x16x128xf32, #tpu.memory_space<vmem>>
    %dma_wait3A_1744 = tpu.memref_squeeze %dma_wait3A_1743 : memref<1x16x128xf32, #tpu.memory_space<vmem>> -> memref<16x128xf32, #tpu.memory_space<vmem>>
    %dma_wait3A_1745 = arith.constant 0 : i32
    %dma_wait3A_1746 = arith.constant 0 : i32
    %dma_wait3A_1747 = tpu.memref_slice %arg4[%dma_wait3A_1745, %dma_wait3A_1746] : memref<16x1000000xf32, #tpu.memory_space<hbm>> -> memref<16x128xf32, #tpu.memory_space<hbm>>
    %dma_wait3A_1748 = arith.constant 0 : i32
    %dma_wait3A_1749 = arith.constant 0 : i32
    %dma_wait3A_1750 = tpu.memref_slice %arg11[%dma_wait3A_1740, %dma_wait3A_1748, %dma_wait3A_1749] : memref<8x16x128xf32, #tpu.memory_space<vmem>> -> memref<1x16x128xf32, #tpu.memory_space<vmem>>
    %dma_wait3A_1751 = tpu.memref_squeeze %dma_wait3A_1750 : memref<1x16x128xf32, #tpu.memory_space<vmem>> -> memref<16x128xf32, #tpu.memory_space<vmem>>
    %dma_wait3A_1752 = arith.constant 0 : i32
    %dma_wait3A_1753 = arith.constant 0 : i32
    %dma_wait3A_1754 = tpu.memref_slice %arg4[%dma_wait3A_1752, %dma_wait3A_1753] : memref<16x1000000xf32, #tpu.memory_space<hbm>> -> memref<16x128xf32, #tpu.memory_space<hbm>>
    tpu.wait_dma2 semaphore(%arg16 : memref<!tpu.dma_semaphore, #tpu.memory_space<semaphore_mem>>) src(%dma_wait3A_1754 : memref<16x128xf32, #tpu.memory_space<hbm>>) dst(%dma_wait3A_1751 : memref<16x128xf32, #tpu.memory_space<vmem>>)
    %dma_wait3A_1755 = arith.constant 5 : i32
    %dma_wait3A_1756 = arith.constant 0 : i32
    %dma_wait3A_1757 = arith.constant 0 : i32
    %dma_wait3A_1758 = tpu.memref_slice %arg12[%dma_wait3A_1755, %dma_wait3A_1756, %dma_wait3A_1757] : memref<8x16x128xf32, #tpu.memory_space<vmem>> -> memref<1x16x128xf32, #tpu.memory_space<vmem>>
    %dma_wait3A_1759 = tpu.memref_squeeze %dma_wait3A_1758 : memref<1x16x128xf32, #tpu.memory_space<vmem>> -> memref<16x128xf32, #tpu.memory_space<vmem>>
    %dma_wait3A_1760 = arith.constant 0 : i32
    %dma_wait3A_1761 = arith.constant 0 : i32
    %dma_wait3A_1762 = tpu.memref_slice %arg5[%dma_wait3A_1760, %dma_wait3A_1761] : memref<16x1000000xf32, #tpu.memory_space<hbm>> -> memref<16x128xf32, #tpu.memory_space<hbm>>
    %dma_wait3A_1763 = arith.constant 0 : i32
    %dma_wait3A_1764 = arith.constant 0 : i32
    %dma_wait3A_1765 = tpu.memref_slice %arg12[%dma_wait3A_1755, %dma_wait3A_1763, %dma_wait3A_1764] : memref<8x16x128xf32, #tpu.memory_space<vmem>> -> memref<1x16x128xf32, #tpu.memory_space<vmem>>
    %dma_wait3A_1766 = tpu.memref_squeeze %dma_wait3A_1765 : memref<1x16x128xf32, #tpu.memory_space<vmem>> -> memref<16x128xf32, #tpu.memory_space<vmem>>
    %dma_wait3A_1767 = arith.constant 0 : i32
    %dma_wait3A_1768 = arith.constant 0 : i32
    %dma_wait3A_1769 = tpu.memref_slice %arg5[%dma_wait3A_1767, %dma_wait3A_1768] : memref<16x1000000xf32, #tpu.memory_space<hbm>> -> memref<16x128xf32, #tpu.memory_space<hbm>>
    tpu.wait_dma2 semaphore(%arg16 : memref<!tpu.dma_semaphore, #tpu.memory_space<semaphore_mem>>) src(%dma_wait3A_1769 : memref<16x128xf32, #tpu.memory_space<hbm>>) dst(%dma_wait3A_1766 : memref<16x128xf32, #tpu.memory_space<vmem>>)
    %dma_wait3A_1770 = arith.constant 6 : i32
    %dma_wait3A_1771 = arith.constant 0 : i32
    %dma_wait3A_1772 = arith.constant 0 : i32
    %dma_wait3A_1773 = tpu.memref_slice %arg11[%dma_wait3A_1770, %dma_wait3A_1771, %dma_wait3A_1772] : memref<8x16x128xf32, #tpu.memory_space<vmem>> -> memref<1x16x128xf32, #tpu.memory_space<vmem>>
    %dma_wait3A_1774 = tpu.memref_squeeze %dma_wait3A_1773 : memref<1x16x128xf32, #tpu.memory_space<vmem>> -> memref<16x128xf32, #tpu.memory_space<vmem>>
    %dma_wait3A_1775 = arith.constant 0 : i32
    %dma_wait3A_1776 = arith.constant 0 : i32
    %dma_wait3A_1777 = tpu.memref_slice %arg4[%dma_wait3A_1775, %dma_wait3A_1776] : memref<16x1000000xf32, #tpu.memory_space<hbm>> -> memref<16x128xf32, #tpu.memory_space<hbm>>
    %dma_wait3A_1778 = arith.constant 0 : i32
    %dma_wait3A_1779 = arith.constant 0 : i32
    %dma_wait3A_1780 = tpu.memref_slice %arg11[%dma_wait3A_1770, %dma_wait3A_1778, %dma_wait3A_1779] : memref<8x16x128xf32, #tpu.memory_space<vmem>> -> memref<1x16x128xf32, #tpu.memory_space<vmem>>
    %dma_wait3A_1781 = tpu.memref_squeeze %dma_wait3A_1780 : memref<1x16x128xf32, #tpu.memory_space<vmem>> -> memref<16x128xf32, #tpu.memory_space<vmem>>
    %dma_wait3A_1782 = arith.constant 0 : i32
    %dma_wait3A_1783 = arith.constant 0 : i32
    %dma_wait3A_1784 = tpu.memref_slice %arg4[%dma_wait3A_1782, %dma_wait3A_1783] : memref<16x1000000xf32, #tpu.memory_space<hbm>> -> memref<16x128xf32, #tpu.memory_space<hbm>>
    tpu.wait_dma2 semaphore(%arg16 : memref<!tpu.dma_semaphore, #tpu.memory_space<semaphore_mem>>) src(%dma_wait3A_1784 : memref<16x128xf32, #tpu.memory_space<hbm>>) dst(%dma_wait3A_1781 : memref<16x128xf32, #tpu.memory_space<vmem>>)
    %dma_wait3A_1785 = arith.constant 6 : i32
    %dma_wait3A_1786 = arith.constant 0 : i32
    %dma_wait3A_1787 = arith.constant 0 : i32
    %dma_wait3A_1788 = tpu.memref_slice %arg12[%dma_wait3A_1785, %dma_wait3A_1786, %dma_wait3A_1787] : memref<8x16x128xf32, #tpu.memory_space<vmem>> -> memref<1x16x128xf32, #tpu.memory_space<vmem>>
    %dma_wait3A_1789 = tpu.memref_squeeze %dma_wait3A_1788 : memref<1x16x128xf32, #tpu.memory_space<vmem>> -> memref<16x128xf32, #tpu.memory_space<vmem>>
    %dma_wait3A_1790 = arith.constant 0 : i32
    %dma_wait3A_1791 = arith.constant 0 : i32
    %dma_wait3A_1792 = tpu.memref_slice %arg5[%dma_wait3A_1790, %dma_wait3A_1791] : memref<16x1000000xf32, #tpu.memory_space<hbm>> -> memref<16x128xf32, #tpu.memory_space<hbm>>
    %dma_wait3A_1793 = arith.constant 0 : i32
    %dma_wait3A_1794 = arith.constant 0 : i32
    %dma_wait3A_1795 = tpu.memref_slice %arg12[%dma_wait3A_1785, %dma_wait3A_1793, %dma_wait3A_1794] : memref<8x16x128xf32, #tpu.memory_space<vmem>> -> memref<1x16x128xf32, #tpu.memory_space<vmem>>
    %dma_wait3A_1796 = tpu.memref_squeeze %dma_wait3A_1795 : memref<1x16x128xf32, #tpu.memory_space<vmem>> -> memref<16x128xf32, #tpu.memory_space<vmem>>
    %dma_wait3A_1797 = arith.constant 0 : i32
    %dma_wait3A_1798 = arith.constant 0 : i32
    %dma_wait3A_1799 = tpu.memref_slice %arg5[%dma_wait3A_1797, %dma_wait3A_1798] : memref<16x1000000xf32, #tpu.memory_space<hbm>> -> memref<16x128xf32, #tpu.memory_space<hbm>>
    tpu.wait_dma2 semaphore(%arg16 : memref<!tpu.dma_semaphore, #tpu.memory_space<semaphore_mem>>) src(%dma_wait3A_1799 : memref<16x128xf32, #tpu.memory_space<hbm>>) dst(%dma_wait3A_1796 : memref<16x128xf32, #tpu.memory_space<vmem>>)
    %dma_wait3A_1800 = arith.constant 7 : i32
    %dma_wait3A_1801 = arith.constant 0 : i32
    %dma_wait3A_1802 = arith.constant 0 : i32
    %dma_wait3A_1803 = tpu.memref_slice %arg11[%dma_wait3A_1800, %dma_wait3A_1801, %dma_wait3A_1802] : memref<8x16x128xf32, #tpu.memory_space<vmem>> -> memref<1x16x128xf32, #tpu.memory_space<vmem>>
    %dma_wait3A_1804 = tpu.memref_squeeze %dma_wait3A_1803 : memref<1x16x128xf32, #tpu.memory_space<vmem>> -> memref<16x128xf32, #tpu.memory_space<vmem>>
    %dma_wait3A_1805 = arith.constant 0 : i32
    %dma_wait3A_1806 = arith.constant 0 : i32
    %dma_wait3A_1807 = tpu.memref_slice %arg4[%dma_wait3A_1805, %dma_wait3A_1806] : memref<16x1000000xf32, #tpu.memory_space<hbm>> -> memref<16x128xf32, #tpu.memory_space<hbm>>
    %dma_wait3A_1808 = arith.constant 0 : i32
    %dma_wait3A_1809 = arith.constant 0 : i32
    %dma_wait3A_1810 = tpu.memref_slice %arg11[%dma_wait3A_1800, %dma_wait3A_1808, %dma_wait3A_1809] : memref<8x16x128xf32, #tpu.memory_space<vmem>> -> memref<1x16x128xf32, #tpu.memory_space<vmem>>
    %dma_wait3A_1811 = tpu.memref_squeeze %dma_wait3A_1810 : memref<1x16x128xf32, #tpu.memory_space<vmem>> -> memref<16x128xf32, #tpu.memory_space<vmem>>
    %dma_wait3A_1812 = arith.constant 0 : i32
    %dma_wait3A_1813 = arith.constant 0 : i32
    %dma_wait3A_1814 = tpu.memref_slice %arg4[%dma_wait3A_1812, %dma_wait3A_1813] : memref<16x1000000xf32, #tpu.memory_space<hbm>> -> memref<16x128xf32, #tpu.memory_space<hbm>>
    tpu.wait_dma2 semaphore(%arg16 : memref<!tpu.dma_semaphore, #tpu.memory_space<semaphore_mem>>) src(%dma_wait3A_1814 : memref<16x128xf32, #tpu.memory_space<hbm>>) dst(%dma_wait3A_1811 : memref<16x128xf32, #tpu.memory_space<vmem>>)
    %dma_wait3A_1815 = arith.constant 7 : i32
    %dma_wait3A_1816 = arith.constant 0 : i32
    %dma_wait3A_1817 = arith.constant 0 : i32
    %dma_wait3A_1818 = tpu.memref_slice %arg12[%dma_wait3A_1815, %dma_wait3A_1816, %dma_wait3A_1817] : memref<8x16x128xf32, #tpu.memory_space<vmem>> -> memref<1x16x128xf32, #tpu.memory_space<vmem>>
    %dma_wait3A_1819 = tpu.memref_squeeze %dma_wait3A_1818 : memref<1x16x128xf32, #tpu.memory_space<vmem>> -> memref<16x128xf32, #tpu.memory_space<vmem>>
    %dma_wait3A_1820 = arith.constant 0 : i32
    %dma_wait3A_1821 = arith.constant 0 : i32
    %dma_wait3A_1822 = tpu.memref_slice %arg5[%dma_wait3A_1820, %dma_wait3A_1821] : memref<16x1000000xf32, #tpu.memory_space<hbm>> -> memref<16x128xf32, #tpu.memory_space<hbm>>
    %dma_wait3A_1823 = arith.constant 0 : i32
    %dma_wait3A_1824 = arith.constant 0 : i32
    %dma_wait3A_1825 = tpu.memref_slice %arg12[%dma_wait3A_1815, %dma_wait3A_1823, %dma_wait3A_1824] : memref<8x16x128xf32, #tpu.memory_space<vmem>> -> memref<1x16x128xf32, #tpu.memory_space<vmem>>
    %dma_wait3A_1826 = tpu.memref_squeeze %dma_wait3A_1825 : memref<1x16x128xf32, #tpu.memory_space<vmem>> -> memref<16x128xf32, #tpu.memory_space<vmem>>
    %dma_wait3A_1827 = arith.constant 0 : i32
    %dma_wait3A_1828 = arith.constant 0 : i32
    %dma_wait3A_1829 = tpu.memref_slice %arg5[%dma_wait3A_1827, %dma_wait3A_1828] : memref<16x1000000xf32, #tpu.memory_space<hbm>> -> memref<16x128xf32, #tpu.memory_space<hbm>>
    tpu.wait_dma2 semaphore(%arg16 : memref<!tpu.dma_semaphore, #tpu.memory_space<semaphore_mem>>) src(%dma_wait3A_1829 : memref<16x128xf32, #tpu.memory_space<hbm>>) dst(%dma_wait3A_1826 : memref<16x128xf32, #tpu.memory_space<vmem>>)
    "tpu.region"() ({
      %run_scoped3A = tpu.sem_alloc : memref<!tpu.dma_semaphore, #tpu.memory_space<semaphore_mem>>
      %dma_start3A_1830 = tpu.memref_slice %arg6[%mul3A_2] : memref<16384xf32, #tpu.memory_space<hbm>> -> memref<512xf32, #tpu.memory_space<hbm>>
      %dma_start3A_1831 = tpu.memref_slice %arg6[%mul3A_2] : memref<16384xf32, #tpu.memory_space<hbm>> -> memref<512xf32, #tpu.memory_space<hbm>>
      tpu.enqueue_dma source(%arg14 : memref<512xf32, #tpu.memory_space<vmem>>) target(%dma_start3A_1831 : memref<512xf32, #tpu.memory_space<hbm>>) target_semaphore(%run_scoped3A : memref<!tpu.dma_semaphore, #tpu.memory_space<semaphore_mem>>)
      %dma_wait3A_1832 = tpu.memref_slice %arg6[%mul3A_2] : memref<16384xf32, #tpu.memory_space<hbm>> -> memref<512xf32, #tpu.memory_space<hbm>>
      %dma_wait3A_1833 = tpu.memref_slice %arg6[%mul3A_2] : memref<16384xf32, #tpu.memory_space<hbm>> -> memref<512xf32, #tpu.memory_space<hbm>>
      tpu.wait_dma2 semaphore(%run_scoped3A : memref<!tpu.dma_semaphore, #tpu.memory_space<semaphore_mem>>) src(%arg14 : memref<512xf32, #tpu.memory_space<vmem>>) dst(%dma_wait3A_1833 : memref<512xf32, #tpu.memory_space<hbm>>)
      tpu.yield
    }) : () -> ()
    return
  }
}

</mosaic_0001>

<sc_bundles>
// kernel: kernel.3.cloned.1.call-start
scs
__scs_entry_jumppad:
0x0: {  	(pc) =	sbr.rel $0x88, $3  }
0x1: {  	(tag) =	ssettag $0x0;
	lr =	simm.s32 $0x1  }
0x2: {  	[smem:$0x3F9D] =	sst lr;
	_ =	strace $0xD0000000  }
0x3: {  	_ = 	snop  }
0x4: {  	_ = 	snop  }
0x5: {  	_ = 	snop  }
0x6: {  	_ = 	snop  }
0x7: {  	_ = 	snop  }
__scs_overlays_trampoline_lowered:
0x8: {  	[smem:$0x3FAC] =	sst s0  }
0x9: {  	[smem:$0x3FAD] =	sst s1  }
0xa: {  	[smem:$0x3FAE] =	sst s2  }
0xb: {  	[smem:$0x3FAF] =	sst s3  }
0xc: {  	[smem:$0x3FB0] =	sst s4  }
0xd: {  	[smem:$0x3FB1] =	sst s5  }
0xe: {  	[smem:$0x3FB2] =	sst s6  }
0xf: {  	[smem:$0x3FB3] =	sst s7  }
0x10: {  	[smem:$0x3FB4] =	sst s8  }
0x11: {  	[smem:$0x3FB5] =	sst s9;
	s0 =	simm.s32 @!p0 $0x0  }
0x12: {  	s1 =	sld [smem:$0x3F9B];
	s0 =	simm.s32 @p0 $0x1  }
0x13: {  	[smem:$0x3FB6] =	sst s0;
	s0 =	simm.s32 @!p1 $0x0  }
0x14: {  	s2 =	sld [smem:$0x3F9A];
	s0 =	simm.s32 @p1 $0x1  }
0x15: {  	[smem:$0x3FB7] =	sst s0;
	s0 =	simm.s32 @!p2 $0x0  }
0x16: {  	s3 =	sld [smem:$0x3FDB];
	s0 =	simm.s32 @p2 $0x1  }
0x17: {  	s4 =	simm.s32 $0x1BF5;
	[smem:$0x3FB9] =	sst s0  }
0x18: {  	s0 =	sld [smem:$0x3F9C];
	_ =	swait.ge [sflag:s4], $0x0  }
0x19: {  	s7 =	sld [smem:$0x3F9D]  }
0x1a: {  	s8 =	sadd.s32 $0xFFFFE003, lr  }
0x1b: {  	s9 =	sadd.s32 $0xFFFFFEF7, lr;
	s5 =	simm.s32 $0xFFFFFFFF;
	p2 =	slt.u32 s8, $0xFFFFF086  }
0x1c: {  	p1 =	slt.u32 s9, $0xF7A;
	s5 =	simm.s32 @!p2 $0x0  }
0x1d: {  	s5 =	simm.s32 @p1 $0x1;
	p0 =	seq.s32 s7, s2  }
0x1e: {  	s7 =	smul.u32 @!p0 $0xF7A, s2;
	p2 =	seq.s32 @!p0 s5, $0x0  }
0x1f: {  	s9 =	smul.u32 $0xF7A, s1;
	s8 =	simm.s32 @!p0 $0x1BF5;
	p2 =	por !p2, p0  }
0x20: {  	[sflag:s8] =	ssyncset.s32 @!p0 $0xFFFFF086;
	s6 =	sadd.s32 @!p0 s3, s7;
	s7 =	simm.s32 @!p0 $0x108  }
0x21: {  	s3 =	sadd.s32 s3, s9;
	s6 =	sadd.s32 @!p0 $0x88, s6;
	s7 =	simm.s32 @p2 $0x1082  }
0x22: {  	[simem:s7], [sflag:s8] =	dma.local @!p0 [hbm:s6], $0xF7A  }
0x23: {  	s9 =	sor.u32 $0xD0000000, s2;
	s6 =	simm.s32 $0x108;
	_ =	swait.ge @!p0 [sflag:s8], $0x0  }
0x24: {  	s3 =	sadd.s32 $0x88, s3;
	s6 =	simm.s32 @!p1 $0x1082;
	[sflag:s4] =	ssyncset.s32 $0xFFFFF086  }
0x25: {  	[simem:s6], [sflag:s4] =	dma.local [hbm:s3], $0xF7A  }
0x26: {  	[smem:$0x3F9D] =	sst s1;
	(tag) =	ssettag s2;
	_ =	strace s9  }
0x27: {  	s1 =	sld [smem:$0x3FAD]  }
0x28: {  	s2 =	sld [smem:$0x3FAE]  }
0x29: {  	s4 =	sld [smem:$0x3FB0]  }
0x2a: {  	p0 =	seq.s32 s5, $0x0;
	s5 =	sld [smem:$0x3FB1]  }
0x2b: {  	s6 =	sld [smem:$0x3FB2]  }
0x2c: {  	s7 =	sld [smem:$0x3FB3]  }
0x2d: {  	s3 =	simm.s32 $0x108;
	s8 =	sld [smem:$0x3FB4]  }
0x2e: {  	s3 =	simm.s32 @!p0 $0x1082;
	s9 =	sld [smem:$0x3FB5]  }
0x2f: {  	lr =	sadd.s32 s0, s3;
	s0 =	sld [smem:$0x3FAC]  }
0x30: {  	s3 =	sld [smem:$0x3FAF]  }
0x31: {  	[smem:$0x3FB8] =	sst s10  }
0x32: {  	s10 =	sld [smem:$0x3FB6];
	_ =	sdelay $0x3  }
0x33: {  	p0 =	seq.s32 s10, $0x1;
	s10 =	sld [smem:$0x3FB8];
	_ =	sdelay $0x3  }
0x34: {  	[smem:$0x3FB8] =	sst s10  }
0x35: {  	s10 =	sld [smem:$0x3FB7];
	_ =	sdelay $0x3  }
0x36: {  	p1 =	seq.s32 s10, $0x1;
	s10 =	sld [smem:$0x3FB8];
	_ =	sdelay $0x3  }
0x37: {  	[smem:$0x3FB8] =	sst s10  }
0x38: {  	s10 =	sld [smem:$0x3FB9]  }
0x39: {  	_ = 	snop;
	(pc) =	sbr.ind lr, $3  }
0x3a: {  	_ = 	snop  }
0x3b: {  	_ = 	snop  }
0x3c: {  	p2 =	seq.s32 s10, $0x1;
	s10 =	sld [smem:$0x3FB8]  }
0x3d: {  	_ =	shalt  }
0x3e: {  	_ =	shalt  }
0x3f: {  	_ =	shalt  }
0x40: {  	_ =	shalt  }
0x41: {  	_ =	shalt  }
0x42: {  	_ =	shalt  }
0x43: {  	_ =	shalt  }
0x44: {  	_ =	shalt  }
0x45: {  	_ =	shalt  }
0x46: {  	_ =	shalt  }
0x47: {  	_ =	shalt  }
0x48: {  	_ =	shalt  }
0x49: {  	_ =	shalt  }
0x4a: {  	_ =	shalt  }
0x4b: {  	_ =	shalt  }
0x4c: {  	_ =	shalt  }
0x4d: {  	_ =	shalt  }
0x4e: {  	_ =	shalt  }
0x4f: {  	_ =	shalt  }
0x50: {  	_ =	shalt  }
0x51: {  	_ =	shalt  }
0x52: {  	_ =	shalt  }
0x53: {  	_ =	shalt  }
0x54: {  	_ =	shalt  }
0x55: {  	_ =	shalt  }
0x56: {  	_ =	shalt  }
0x57: {  	_ =	shalt  }
0x58: {  	_ =	shalt  }
0x59: {  	_ =	shalt  }
0x5a: {  	_ =	shalt  }
0x5b: {  	_ =	shalt  }
0x5c: {  	_ =	shalt  }
0x5d: {  	_ =	shalt  }
0x5e: {  	_ =	shalt  }
0x5f: {  	_ =	shalt  }
0x60: {  	_ =	shalt  }
0x61: {  	_ =	shalt  }
0x62: {  	_ =	shalt  }
0x63: {  	_ =	shalt  }
0x64: {  	_ =	shalt  }
0x65: {  	_ =	shalt  }
0x66: {  	_ =	shalt  }
0x67: {  	_ =	shalt  }
0x68: {  	_ =	shalt  }
0x69: {  	_ =	shalt  }
0x6a: {  	_ =	shalt  }
0x6b: {  	_ =	shalt  }
0x6c: {  	_ =	shalt  }
0x6d: {  	_ =	shalt  }
0x6e: {  	_ =	shalt  }
0x6f: {  	_ =	shalt  }
0x70: {  	_ =	shalt  }
0x71: {  	_ =	shalt  }
0x72: {  	_ =	shalt  }
0x73: {  	_ =	shalt  }
0x74: {  	_ =	shalt  }
0x75: {  	_ =	shalt  }
0x76: {  	_ =	shalt  }
0x77: {  	_ =	shalt  }
0x78: {  	_ =	shalt  }
0x79: {  	_ =	shalt  }
0x7a: {  	_ =	shalt  }
0x7b: {  	_ =	shalt  }
0x7c: {  	_ =	shalt  }
0x7d: {  	_ =	shalt  }
0x7e: {  	_ =	shalt  }
0x7f: {  	_ =	shalt  }
0x80: {  	_ =	shalt  }
0x81: {  	_ =	shalt  }
0x82: {  	_ =	shalt  }
0x83: {  	_ =	shalt  }
0x84: {  	_ =	shalt  }
0x85: {  	_ =	shalt  }
0x86: {  	_ =	shalt  }
0x87: {  	_ =	shalt  }
.Lfunc_end0:
.L_simem_size_0:
called_computation_lowered:
.L_overlay_start_0:
0x88: {  	s2 =	sld [smem:$0x3FD9]  }
0x89: {  	s3 =	sld [smem:$0x3FFE];
	_ =	sdelay $0x1  }
0x8a: {  	s1 =	srdreg.scid  }
0x8b: {  	s0 =	sand.u32 $0x1, s1  }
0x8c: {  	s18 =	sshll.u32 s0, $0xA;
	s2 =	sadd.s32 s3, s2  }
0x8d: {  	s2 =	sadd.s32 s2, s18  }
0x8e: {  	[smem:$0x3FC4] =	sst s2  }
0x8f: {  	_ = 	snop  }
0x90: {  	s2 =	sld [smem:$0x3FC9]  }
0x91: {  	s19 =	sld [smem:$0x3FC8]  }
0x92: {  	s4 =	sld [smem:$0x3FC7]  }
0x93: {  	s5 =	sld [smem:$0x3FC6]  }
0x94: {  	s6 =	sld [smem:$0x3FD0];
	(tm) =	ssettm $0x1  }
0x95: {  	s7 =	sld [smem:$0x3FFB];
	_ =	sdelay $0x3  }
0x96: {  	_ =	strace s7  }
0x97: {  	s7 =	sld [smem:$0x3FFC];
	_ =	sdelay $0x3  }
0x98: {  	_ =	strace s7  }
0x99: {  	s7 =	sld [smem:$0x3FFD];
	_ =	sdelay $0x3  }
0x9a: {  	_ =	strace s7  }
0x9b: {  	_ =	strace $0x8FFFFFFF  }
0x9c: {  	s20 =	sld [smem:$0x3FDB];
	_ =	sdelay $0x1  }
0x9d: {  	s8 =	simm.s32 $_scs_section_size  }
0x9e: {  	s9 =	simm.s32 $_size__tile_overlayer_lowered;
	s10 =	simm.s32 $_tile_overlayer_lowered  }
0x9f: {  	s23 =	simm.s32 $0x1BFF;
	s22 =	sshll.u32 s10, $0x1;
	s7 =	sadd.s32 s8, s20  }
0xa0: {  	s11 =	simm.s32 $0x0;
	s21 =	sshll.u32 s9, $0x1;
	s9 =	sadd.s32 s22, s7  }
0xa1: {  	[timem:s11], [sflag:s23] =	dma.local [hbm:s9], s21  }
0xa2: {  	_ =	swait.ge [sflag:s23], s21  }
0xa3: {  	s8 =	ssub.s32 $0x0, s21;
	[sflag:s23] =	ssyncset.done $0x0  }
0xa4: {  	[sflag:s23] =	ssyncadd.s32 s8;
	_ =	sdelay $0x1  }
0xa5: {  	s24 =	simm.s32 $0x1B8B  }
0xa6: {  	_ =	swait.ge [sflag:s24], $0x1  }
0xa7: {  	[sflag:s24] =	ssyncset.done $0x0  }
0xa8: {  	s25 =	simm.s32 $0x1B8E;
	[sflag:s24] =	ssyncadd.s32 $0xFFFFFFFF  }
0xa9: {  	s26 =	simm.s32 $execute0_lowered;
	[smem:$0x3FD2] =	sst s25  }
0xaa: {  	s8 =	sshll.u32 s26, $0x1;
	_ =	strace $0x80000046;
	[dreg:$0x1] =	wrdreg $0xFFFFFFFF  }
0xab: {  	s28 =	simm.s32 $_size_execute0_lowered;
	s7 =	sadd.s32 s7, s8;
	[dreg:$0x0] =	wrdreg $0x0  }
0xac: {  	s8 =	sshll.u32 s28, $0x1;
	[dreg:$0x2] =	wrdreg s7  }
0xad: {  	[dreg:$0x3] =	wrdreg s8  }
0xae: {  	[dreg:$0x4] =	wrdreg $0xC0  }
0xaf: {  	_ =	task [dreg:s11], $0x5FFFF  }
0xb0: {  	[dreg:$0x1] =	wrdreg $0xFFFFFFFF  }
0xb1: {  	[dreg:$0x0] =	wrdreg $0x60  }
0xb2: {  	[dreg:$0x2] =	wrdreg s2  }
0xb3: {  	[dreg:$0x3] =	wrdreg s19  }
0xb4: {  	[dreg:$0x4] =	wrdreg s4  }
0xb5: {  	[dreg:$0x5] =	wrdreg s5  }
0xb6: {  	[dreg:$0x6] =	wrdreg s6  }
0xb7: {  	[dreg:$0x7] =	wrdreg $0x9  }
0xb8: {  	_ =	task.clear_ibuf [dreg:s11], $0x8FFFF;
	_ =	strace $0x90000046  }
0xb9: {  	s29 =	simm.s32 $0x9;
	_ =	strace $0x80000048  }
0xba: {  	_ =	swait.ge [sflag:s29], $0x1  }
0xbb: {  	[sflag:s29] =	ssyncadd.s32 $0xFFFFFFFF  }
0xbc: {  	_ =	strace $0x90000048  }
0xbd: {  	_ =	sfence  }
0xbe: {  	s30 =	sld [smem:$0x0];
	_ =	sdelay $0x2  }
0xbf: {  	s31 =	sshll.u32 s1, $0xD;
	s1 =	sshrl.u32 s1, $0x2  }
0xc0: {  	s3 =	sand.u32 $0x4000, s31;
	s1 =	sadd.s32 s1, s30  }
0xc1: {  	s0 =	sor.u32 s3, s0;
	s1 =	sshll.u32 s1, $0x11  }
0xc2: {  	s0 =	sor.u32 s1, s0  }
0xc3: {  	s0 =	sadd.s32 $0x8F2B, s0  }
0xc4: {  	[sflag:s0] =	ssyncadd.remote.s32 $0x1  }
0xc5: {  	_ =	sfence.sel $0xFFFF  }
0xc6: {  	[dreg:$0x0] =	wrdreg $0xFFFFFFFF;
	(pc) =	sbr.abs _section_cstart, $3  }
0xc7: {  	[dreg:$0x1] =	wrdreg $0xFFFFFFFF  }
0xc8: {  	_ =	task.clear_ibuf [dreg:s11], $0x2FFFF;
	_ =	strace $0x9FFFFFFF  }
0xc9: {  	(tm) =	ssettm $0x7FFFFFFF  }
tec
execute0_lowered:
.L_overlay_start_1:
0x0: {  	(tag) =	ssettag $0x1  }
0x1: {  	s0 =	rddreg [dreg:$0x0]  }
0x2: {  	s3 =	rddreg [dreg:$0x1]  }
0x3: {  	s1 =	rddreg [dreg:$0x2]  }
0x4: {  	s2 =	rddreg [dreg:$0x3]  }
0x5: {  	s4 =	rddreg [dreg:$0x4];
	s5 =	srdreg.scid  }
0x6: {  	s21 =	simm.s32 $0x0;
	s7 =	stileid.u32;
	s23 =	simm.s32 $0x3  }
0x7: {  	s10 =	simm.s32 $0x1;
	s11 =	simm.s32 $0x7A1400;
	s12 =	simm.s32 $0x400  }
0x8: {  	s28 =	simm.s32 $0x4C00;
	s9 =	simm.s32 $0x6C00;
	s13 =	simm.s32 $0x3400  }
0x9: {  	v0 =	vlaneseq.u32;
	s14 =	simm.s32 $0x7400;
	s15 =	simm.s32 $0x3C00;
	s16 =	simm.s32 $0x7C00  }
0xa: {  	s17 =	simm.s32 $0x8400;
	s29 =	simm.s32 $0xC400;
	s30 =	simm.s32 $0x8C00;
	v1 =	vmul.u32 $0x80, v0;
	v2 =	vor.u32 $0x10, v0  }
0xb: {  	s31 =	simm.s32 $0xCC00;
	s18 =	simm.s32 $0x10400;
	s19 =	simm.s32 $0x2;
	v3 =	vor.u32 $0x20, v0;
	v4 =	vor.u32 $0x30, v0;
	v5 =	vor.u32 $0x40, v0  }
0xc: {  	s22 =	simm.s32 $0x0;
	s5 =	sand.u32 $0x1, s5;
	s7 =	sshll.u32 s7, $0x7;
	v6 =	vor.u32 $0x50, v0;
	v7 =	vor.u32 $0x60, v0;
	v8 =	vor.u32 $0x70, v0  }
0xd: {  	[smem:$0x7FF] =	sst s21;
	v9 =	vor.u32 $0x80, v0;
	v10 =	vor.u32 $0x90, v0;
	v11 =	vor.u32 $0xA0, v0;
	s6 =	ssub.s32 $0x2, s5;
	s5 =	sshll.u32 s5, $0x6  }
0xe: {  	v12 =	vor.u32 $0xB0, v0;
	v13 =	vor.u32 $0xC0, v0;
	v14 =	vmul.u32 $0x10, v0;
	_ =	strace $0x80000047;
	s8 =	sshrl.u32 s6, $0x1;
	s5 =	sor.u32 s5, s7  }
0xf: {  	v15 =	vor.u32 $0xD0, v0;
	v16 =	vor.u32 $0xE0, v0;
	v17 =	vor.u32 $0xF0, v0;
	s7 =	simm.s32 $0x2400;
	s6 =	ssub.s32 s6, s8;
	s0 =	sadd.s32 s0, s5  }
0x10: {  	v18 =	vor.u32 $0x1, v14;
	v19 =	vor.u32 $0x2, v14;
	v20 =	vor.u32 $0x3, v14;
	s24 =	sadd.s32 s3, s5;
	s25 =	sadd.s32 s4, s5;
	[dreg:$0x6] =	wrdreg s0  }
0x11: {  	v21 =	vor.u32 $0x4, v14;
	v22 =	vor.u32 $0x5, v14;
	v23 =	vor.u32 $0x6, v14;
	s3 =	simm.s32 $0x5400;
	s5 =	simm.s32 $0x1C00;
	[dreg:$0x7] =	wrdreg s24  }
0x12: {  	v24 =	vor.u32 $0x7, v14;
	v25 =	vor.u32 $0x8, v14;
	v26 =	vor.u32 $0x9, v14;
	s8 =	simm.s32 $0x6400;
	s4 =	simm.s32 $0x2C00;
	[dreg:$0x8] =	wrdreg s25  }
0x13: {  	v27 =	vor.u32 $0xA, v14;
	v28 =	vor.u32 $0xB, v14;
	v29 =	vor.u32 $0xC, v14;
	s26 =	smax.u32 s6, $0x1;
	s25 =	simm.s32 $0x4400;
	s0 =	simm.s32 $0x1400  }
0x14: {  	v30 =	vor.u32 $0xD, v14;
	v31 =	vor.u32 $0xE, v14;
	v32 =	vor.u32 $0xF, v14;
	s6 =	simm.s32 $0x5C00;
	[dreg:$0x9] =	wrdreg s26;
	s26 =	simm.s32 $0xC00  }
.LBB2_1:
0x15: {  	[dreg:$0xa] =	wrdreg s22  }
0x16: {  	s20 =	rddreg [dreg:$0x6]  }
0x17: {  	[tilespmem:s21], [sflag:$0x3] =	stream.linear.gather [hbm4b:s20+s21], $0x200, $0x38;
	[tilespmem:$0x10700] =	vst v63  }
0x18: {  	_ =	swait.ge [sflag:s23], $0x200  }
0x19: {  	[sflag:s23] =	ssyncset.done $0x0  }
0x1a: {  	s20 =	simm.s32 $0x200;
	s24 =	rddreg [dreg:$0x7];
	[sflag:s23] =	ssyncadd.s32 $0xFFFFFE00  }
0x1b: {  	[tilespmem:s20], [sflag:$0x3] =	stream.linear.gather [hbm4b:s24+s21], $0x200, $0x38;
	[tilespmem:$0x10700] =	vst v63  }
0x1c: {  	_ =	swait.ge [sflag:s23], $0x200  }
0x1d: {  	[sflag:s23] =	ssyncset.done $0x0  }
0x1e: {  	[sflag:s23] =	ssyncadd.s32 $0xFFFFFE00  }
0x1f: {  	v33 =	vld [tilespmem:$0x200];
	_ =	sdelay $0x2  }
0x20: {  	v35 =	vld [tilespmem:$0x0];
	_ =	sdelay $0x1  }
0x21: {  	v34 =	vadd.s32 $0xFFFFFFFF, v33  }
0x22: {  	(v2sf) =	vpush v34, $0x0;
	_ =	sdelay $0x1  }
0x23: {  	v63 =	vadd.s32 $0xFFFFFFFF, v35  }
0x24: {  	(v2sf) =	vpush v63, $0x0;
	_ =	sdelay $0xa  }
0x25: {  	(v2sf) =	vpush v34, $0x1  }
0x26: {  	s21 =	spop (v2sf);
	(v2sf) =	vpush v63, $0x1;
	_ =	sdelay $0x2  }
0x27: {  	s22 =	sand.u32 $0x7F, s21;
	s23 =	spop (v2sf)  }
0x28: {  	s24 =	sshra.s32 s21, $0x1F;
	p0 =	sne.s32 s22, $0x0;
	s22 =	sand.u32 $0x7F, s23  }
0x29: {  	p2 =	slt.s32 s23, $0x1;
	p1 =	sne.s32 s22, $0x0;
	s22 =	sshra.s32 s23, $0x1F  }
0x2a: {  	p6 =	slt.s32 s21, $0x1;
	s22 =	sshrl.u32 s22, $0x19;
	p1 =	por !p2, !p1  }
0x2b: {  	s22 =	sadd.s32 s22, s23;
	p1 =	por !p1, !p1;
	s23 =	simm.s32 $0x1  }
0x2c: {  	s24 =	sshrl.u32 s24, $0x19;
	s22 =	sshrl.u32 s22, $0x7;
	s23 =	simm.s32 @!p1 $0x0  }
0x2d: {  	s21 =	sadd.s32 s24, s21;
	p0 =	por !p6, !p0;
	s22 =	ssub.s32 s22, s23  }
0x2e: {  	p0 =	por !p0, !p0;
	s23 =	simm.s32 $0x1;
	s22 =	sshll.u32 s22, $0x7  }
0x2f: {  	s21 =	sshrl.u32 s21, $0x7;
	s23 =	simm.s32 @!p0 $0x0;
	s22 =	sand.u32 $0x1FFFFF80, s22  }
0x30: {  	(v2sf) =	vpush v34, $0x2;
	s21 =	ssub.s32 s21, s23;
	s22 =	sadd.s32 s1, s22  }
0x31: {  	[tilespmem:s12], [sflag:$0x1] =	stream.strided.gather [hbm4b:s22+s12], $0x800, s11, s12, $0x38;
	[tilespmem:$0x10700] =	vst v63  }
0x32: {  	s21 =	sshll.u32 s21, $0x7;
	s22 =	spop (v2sf)  }
0x33: {  	s21 =	sand.u32 $0x1FFFFF80, s21;
	s23 =	spop (v2sf);
	(v2sf) =	vpush v63, $0x2  }
0x34: {  	s21 =	sadd.s32 s2, s21  }
0x35: {  	[tilespmem:s25], [sflag:$0x1] =	stream.strided.gather [hbm4b:s21+s12], $0x800, s11, s12, $0x38;
	[tilespmem:$0x10700] =	vst v63  }
0x36: {  	s24 =	sshra.s32 s22, $0x1F;
	p6 =	slt.s32 s22, $0x1;
	s25 =	sand.u32 $0x7F, s22  }
0x37: {  	s24 =	sshrl.u32 s24, $0x19;
	p3 =	sne.s32 s25, $0x0;
	s25 =	sand.u32 $0x7F, s23  }
0x38: {  	p5 =	slt.s32 s23, $0x1;
	p4 =	sne.s32 s25, $0x0;
	s25 =	sshra.s32 s23, $0x1F  }
0x39: {  	s22 =	sadd.s32 s24, s22;
	s21 =	sshrl.u32 s25, $0x19;
	p1 =	por !p5, !p4  }
0x3a: {  	s21 =	sadd.s32 s21, s23;
	p1 =	por !p1, !p1;
	s23 =	simm.s32 $0x1  }
0x3b: {  	p0 =	por !p6, !p3;
	s21 =	sshrl.u32 s21, $0x7;
	s23 =	simm.s32 @!p1 $0x0  }
0x3c: {  	p0 =	por !p0, !p0;
	s21 =	ssub.s32 s21, s23;
	s23 =	simm.s32 $0x1  }
0x3d: {  	s22 =	sshrl.u32 s22, $0x7;
	s23 =	simm.s32 @!p0 $0x0  }
0x3e: {  	s21 =	sshll.u32 s21, $0x7;
	s22 =	ssub.s32 s22, s23  }
0x3f: {  	s21 =	sand.u32 $0x1FFFFF80, s21;
	s23 =	sshll.u32 s22, $0x7;
	s22 =	spop (v2sf);
	(v2sf) =	vpush v34, $0x3  }
0x40: {  	s21 =	sadd.s32 s1, s21  }
0x41: {  	[tilespmem:s26], [sflag:$0x1] =	stream.strided.gather [hbm4b:s21+s12], $0x800, s11, s12, $0x38;
	[tilespmem:$0x10700] =	vst v63  }
0x42: {  	s21 =	sand.u32 $0x1FFFFF80, s23;
	s23 =	spop (v2sf);
	(v2sf) =	vpush v63, $0x3  }
0x43: {  	s24 =	sand.u32 $0x7F, s22  }
0x44: {  	s25 =	sshra.s32 s22, $0x1F;
	p6 =	slt.s32 s22, $0x1;
	s21 =	sadd.s32 s2, s21  }
0x45: {  	[tilespmem:s28], [sflag:$0x1] =	stream.strided.gather [hbm4b:s21+s12], $0x800, s11, s12, $0x38;
	[tilespmem:$0x10700] =	vst v63  }
0x46: {  	p3 =	sne.s32 s24, $0x0;
	s24 =	sshrl.u32 s25, $0x19;
	s26 =	sand.u32 $0x7F, s23  }
0x47: {  	s28 =	sshra.s32 s23, $0x1F;
	p5 =	slt.s32 s23, $0x1;
	p4 =	sne.s32 s26, $0x0  }
0x48: {  	s22 =	sadd.s32 s24, s22;
	s21 =	sshrl.u32 s28, $0x19;
	p1 =	por !p5, !p4  }
0x49: {  	s21 =	sadd.s32 s21, s23;
	s23 =	simm.s32 $0x1;
	p1 =	por !p1, !p1  }
0x4a: {  	p0 =	por !p6, !p3;
	s21 =	sshrl.u32 s21, $0x7;
	s23 =	simm.s32 @!p1 $0x0  }
0x4b: {  	p0 =	por !p0, !p0;
	s21 =	ssub.s32 s21, s23;
	s23 =	simm.s32 $0x1  }
0x4c: {  	s22 =	sshrl.u32 s22, $0x7;
	s23 =	simm.s32 @!p0 $0x0  }
0x4d: {  	s22 =	ssub.s32 s22, s23  }
0x4e: {  	s24 =	sshll.u32 s22, $0x7;
	s22 =	spop (v2sf);
	(v2sf) =	vpush v34, $0x4;
	_ =	sdelay $0x2  }
0x4f: {  	s26 =	spop (v2sf);
	(v2sf) =	vpush v63, $0x4;
	_ =	sdelay $0x1  }
0x50: {  	s21 =	sshll.u32 s21, $0x7  }
0x51: {  	s21 =	sand.u32 $0x1FFFFF80, s21  }
0x52: {  	s23 =	simm.s32 $0x1;
	s21 =	sadd.s32 s1, s21  }
0x53: {  	[tilespmem:s0], [sflag:$0x1] =	stream.strided.gather [hbm4b:s21+s12], $0x800, s11, s12, $0x38;
	[tilespmem:$0x10700] =	vst v63  }
0x54: {  	s21 =	sand.u32 $0x1FFFFF80, s24;
	s25 =	sand.u32 $0x7F, s22;
	s28 =	sshra.s32 s22, $0x1F  }
0x55: {  	p6 =	slt.s32 s22, $0x1;
	s21 =	sadd.s32 s2, s21;
	s24 =	sshrl.u32 s28, $0x19  }
0x56: {  	[tilespmem:s3], [sflag:$0x1] =	stream.strided.gather [hbm4b:s21+s12], $0x800, s11, s12, $0x38;
	[tilespmem:$0x10700] =	vst v63  }
0x57: {  	p3 =	sne.s32 s25, $0x0;
	s22 =	sadd.s32 s24, s22;
	s0 =	sand.u32 $0x7F, s26  }
0x58: {  	s3 =	sshra.s32 s26, $0x1F;
	p5 =	slt.s32 s26, $0x1;
	p4 =	sne.s32 s0, $0x0  }
0x59: {  	p0 =	por !p6, !p3;
	s21 =	sshrl.u32 s3, $0x19;
	p1 =	por !p5, !p4  }
0x5a: {  	s21 =	sadd.s32 s21, s26;
	p1 =	por !p1, !p1;
	s26 =	spop (v2sf);
	(v2sf) =	vpush v34, $0x5  }
0x5b: {  	p0 =	por !p0, !p0;
	s21 =	sshrl.u32 s21, $0x7;
	s23 =	simm.s32 @!p1 $0x0  }
0x5c: {  	s22 =	sshrl.u32 s22, $0x7;
	s21 =	ssub.s32 s21, s23;
	s23 =	simm.s32 $0x1  }
0x5d: {  	s21 =	sshll.u32 s21, $0x7;
	s23 =	simm.s32 @!p0 $0x0;
	s0 =	spop (v2sf);
	(v2sf) =	vpush v63, $0x5  }
0x5e: {  	s21 =	sand.u32 $0x1FFFFF80, s21;
	s22 =	ssub.s32 s22, s23  }
0x5f: {  	s21 =	sadd.s32 s1, s21;
	s25 =	sshll.u32 s22, $0x7  }
0x60: {  	[tilespmem:s5], [sflag:$0x1] =	stream.strided.gather [hbm4b:s21+s12], $0x800, s11, s12, $0x38;
	[tilespmem:$0x10700] =	vst v63  }
0x61: {  	s23 =	simm.s32 $0x1;
	s21 =	sand.u32 $0x1FFFFF80, s25;
	s28 =	sand.u32 $0x7F, s26  }
0x62: {  	s3 =	sshra.s32 s26, $0x1F;
	p6 =	slt.s32 s26, $0x1;
	s21 =	sadd.s32 s2, s21  }
0x63: {  	[tilespmem:s6], [sflag:$0x1] =	stream.strided.gather [hbm4b:s21+s12], $0x800, s11, s12, $0x38;
	[tilespmem:$0x10700] =	vst v63  }
0x64: {  	p3 =	sne.s32 s28, $0x0;
	s24 =	sshrl.u32 s3, $0x19;
	s5 =	sand.u32 $0x7F, s0  }
0x65: {  	s6 =	sshra.s32 s0, $0x1F;
	p5 =	slt.s32 s0, $0x1;
	p4 =	sne.s32 s5, $0x0  }
0x66: {  	s22 =	sadd.s32 s24, s26;
	s21 =	sshrl.u32 s6, $0x19;
	p1 =	por !p5, !p4  }
0x67: {  	p0 =	por !p6, !p3;
	s21 =	sadd.s32 s21, s0;
	p1 =	por !p1, !p1  }
0x68: {  	p0 =	por !p0, !p0;
	s21 =	sshrl.u32 s21, $0x7;
	s23 =	simm.s32 @!p1 $0x0  }
0x69: {  	s21 =	ssub.s32 s21, s23;
	s23 =	simm.s32 $0x1;
	s26 =	spop (v2sf);
	(v2sf) =	vpush v34, $0x6  }
0x6a: {  	s22 =	sshrl.u32 s22, $0x7;
	s21 =	sshll.u32 s21, $0x7;
	s23 =	simm.s32 @!p0 $0x0  }
0x6b: {  	s21 =	sand.u32 $0x1FFFFF80, s21;
	s22 =	ssub.s32 s22, s23  }
0x6c: {  	s21 =	sadd.s32 s1, s21;
	s25 =	sshll.u32 s22, $0x7;
	s0 =	spop (v2sf);
	(v2sf) =	vpush v63, $0x6  }
0x6d: {  	[tilespmem:s7], [sflag:$0x1] =	stream.strided.gather [hbm4b:s21+s12], $0x800, s11, s12, $0x38;
	[tilespmem:$0x10700] =	vst v63  }
0x6e: {  	s21 =	sand.u32 $0x1FFFFF80, s25  }
0x6f: {  	s23 =	simm.s32 $0x1;
	s28 =	sand.u32 $0x7F, s26;
	s21 =	sadd.s32 s2, s21  }
0x70: {  	[tilespmem:s8], [sflag:$0x1] =	stream.strided.gather [hbm4b:s21+s12], $0x800, s11, s12, $0x38;
	[tilespmem:$0x10700] =	vst v63  }
0x71: {  	s3 =	sshra.s32 s26, $0x1F;
	p6 =	slt.s32 s26, $0x1;
	s5 =	sand.u32 $0x7F, s0  }
0x72: {  	s6 =	sshra.s32 s0, $0x1F;
	p5 =	slt.s32 s0, $0x1;
	p4 =	sne.s32 s5, $0x0  }
0x73: {  	p3 =	sne.s32 s28, $0x0;
	s21 =	sshrl.u32 s6, $0x19;
	p1 =	por !p5, !p4  }
0x74: {  	s24 =	sshrl.u32 s3, $0x19;
	s21 =	sadd.s32 s21, s0;
	p1 =	por !p1, !p1  }
0x75: {  	p0 =	por !p6, !p3;
	s21 =	sshrl.u32 s21, $0x7;
	s23 =	simm.s32 @!p1 $0x0  }
0x76: {  	s22 =	sadd.s32 s24, s26;
	p0 =	por !p0, !p0;
	s21 =	ssub.s32 s21, s23  }
0x77: {  	s22 =	sshrl.u32 s22, $0x7;
	s23 =	simm.s32 $0x1;
	s21 =	sshll.u32 s21, $0x7  }
0x78: {  	s23 =	simm.s32 @!p0 $0x0;
	s21 =	sand.u32 $0x1FFFFF80, s21;
	s8 =	spop (v2sf);
	(v2sf) =	vpush v34, $0x7  }
0x79: {  	s22 =	ssub.s32 s22, s23;
	s21 =	sadd.s32 s1, s21  }
0x7a: {  	[tilespmem:s4], [sflag:$0x1] =	stream.strided.gather [hbm4b:s21+s12], $0x800, s11, s12, $0x38;
	[tilespmem:$0x10700] =	vst v63  }
0x7b: {  	s7 =	sshll.u32 s22, $0x7;
	s25 =	spop (v2sf);
	(v2sf) =	vpush v63, $0x7  }
0x7c: {  	s23 =	simm.s32 $0x1;
	s21 =	sand.u32 $0x1FFFFF80, s7  }
0x7d: {  	s24 =	sand.u32 $0x7F, s8;
	s26 =	sshra.s32 s8, $0x1F;
	s21 =	sadd.s32 s2, s21  }
0x7e: {  	[tilespmem:s9], [sflag:$0x1] =	stream.strided.gather [hbm4b:s21+s12], $0x800, s11, s12, $0x38;
	[tilespmem:$0x10700] =	vst v63  }
0x7f: {  	p6 =	slt.s32 s8, $0x1;
	p3 =	sne.s32 s24, $0x0;
	s28 =	sand.u32 $0x7F, s25  }
0x80: {  	s0 =	sshra.s32 s25, $0x1F;
	p5 =	slt.s32 s25, $0x1;
	p4 =	sne.s32 s28, $0x0  }
0x81: {  	s24 =	sshrl.u32 s26, $0x19;
	s21 =	sshrl.u32 s0, $0x19;
	p1 =	por !p5, !p4  }
0x82: {  	s22 =	sadd.s32 s24, s8;
	s21 =	sadd.s32 s21, s25;
	p1 =	por !p1, !p1  }
0x83: {  	p0 =	por !p6, !p3;
	s21 =	sshrl.u32 s21, $0x7;
	s23 =	simm.s32 @!p1 $0x0  }
0x84: {  	p0 =	por !p0, !p0;
	s21 =	ssub.s32 s21, s23;
	s23 =	simm.s32 $0x1  }
0x85: {  	s22 =	sshrl.u32 s22, $0x7;
	s21 =	sshll.u32 s21, $0x7;
	s23 =	simm.s32 @!p0 $0x0  }
0x86: {  	s21 =	sand.u32 $0x1FFFFF80, s21;
	s22 =	ssub.s32 s22, s23  }
0x87: {  	s21 =	sadd.s32 s1, s21;
	s3 =	sshll.u32 s22, $0x7;
	s4 =	spop (v2sf);
	(v2sf) =	vpush v34, $0x8  }
0x88: {  	[tilespmem:s13], [sflag:$0x1] =	stream.strided.gather [hbm4b:s21+s12], $0x800, s11, s12, $0x38;
	[tilespmem:$0x10700] =	vst v63  }
0x89: {  	s23 =	simm.s32 $0x1;
	s21 =	sand.u32 $0x1FFFFF80, s3;
	s5 =	sand.u32 $0x7F, s4  }
0x8a: {  	s7 =	sshra.s32 s4, $0x1F;
	s21 =	sadd.s32 s2, s21;
	s6 =	spop (v2sf);
	(v2sf) =	vpush v63, $0x8  }
0x8b: {  	[tilespmem:s14], [sflag:$0x1] =	stream.strided.gather [hbm4b:s21+s12], $0x800, s11, s12, $0x38;
	[tilespmem:$0x10700] =	vst v63  }
0x8c: {  	p6 =	slt.s32 s4, $0x1;
	p3 =	sne.s32 s5, $0x0;
	s8 =	sand.u32 $0x7F, s6  }
0x8d: {  	s9 =	sshra.s32 s6, $0x1F;
	p5 =	slt.s32 s6, $0x1;
	p4 =	sne.s32 s8, $0x0  }
0x8e: {  	s24 =	sshrl.u32 s7, $0x19;
	s21 =	sshrl.u32 s9, $0x19;
	p1 =	por !p5, !p4  }
0x8f: {  	s22 =	sadd.s32 s24, s4;
	s21 =	sadd.s32 s21, s6;
	p1 =	por !p1, !p1  }
0x90: {  	p0 =	por !p6, !p3;
	s21 =	sshrl.u32 s21, $0x7;
	s23 =	simm.s32 @!p1 $0x0  }
0x91: {  	p0 =	por !p0, !p0;
	s21 =	ssub.s32 s21, s23;
	s23 =	simm.s32 $0x1  }
0x92: {  	s22 =	sshrl.u32 s22, $0x7;
	s21 =	sshll.u32 s21, $0x7;
	s23 =	simm.s32 @!p0 $0x0  }
0x93: {  	s21 =	sand.u32 $0x1FFFFF80, s21;
	s22 =	ssub.s32 s22, s23  }
0x94: {  	s21 =	sadd.s32 s1, s21;
	s13 =	sshll.u32 s22, $0x7  }
0x95: {  	[tilespmem:s15], [sflag:$0x1] =	stream.strided.gather [hbm4b:s21+s12], $0x800, s11, s12, $0x38;
	[tilespmem:$0x10700] =	vst v63  }
0x96: {  	s14 =	spop (v2sf);
	(v2sf) =	vpush v34, $0x9;
	s21 =	sand.u32 $0x1FFFFF80, s13  }
0x97: {  	s21 =	sadd.s32 s2, s21  }
0x98: {  	[tilespmem:s16], [sflag:$0x1] =	stream.strided.gather [hbm4b:s21+s12], $0x800, s11, s12, $0x38;
	[tilespmem:$0x10700] =	vst v63  }
0x99: {  	s16 =	spop (v2sf);
	(v2sf) =	vpush v63, $0x9;
	_ =	sdelay $0xa  }
0x9a: {  	s23 =	simm.s32 $0x1;
	s15 =	sand.u32 $0x7F, s14  }
0x9b: {  	s25 =	sshra.s32 s14, $0x1F;
	p6 =	slt.s32 s14, $0x1;
	s3 =	spop (v2sf);
	(v2sf) =	vpush v34, $0xA  }
0x9c: {  	p3 =	sne.s32 s15, $0x0;
	s24 =	sshrl.u32 s25, $0x19;
	s26 =	sand.u32 $0x7F, s16  }
0x9d: {  	s28 =	sshra.s32 s16, $0x1F;
	p5 =	slt.s32 s16, $0x1;
	p4 =	sne.s32 s26, $0x0  }
0x9e: {  	s21 =	sshrl.u32 s28, $0x19;
	p1 =	por !p5, !p4;
	s5 =	spop (v2sf);
	(v2sf) =	vpush v63, $0xA  }
0x9f: {  	s22 =	sadd.s32 s24, s14;
	s21 =	sadd.s32 s21, s16;
	p1 =	por !p1, !p1  }
0xa0: {  	p0 =	por !p6, !p3;
	s21 =	sshrl.u32 s21, $0x7;
	s23 =	simm.s32 @!p1 $0x0  }
0xa1: {  	p0 =	por !p0, !p0;
	s21 =	ssub.s32 s21, s23;
	s23 =	simm.s32 $0x1  }
0xa2: {  	s22 =	sshrl.u32 s22, $0x7;
	s21 =	sshll.u32 s21, $0x7;
	s23 =	simm.s32 @!p0 $0x0  }
0xa3: {  	s21 =	sand.u32 $0x1FFFFF80, s21;
	s22 =	ssub.s32 s22, s23  }
0xa4: {  	s23 =	simm.s32 $0x1;
	s21 =	sadd.s32 s1, s21;
	s0 =	sshll.u32 s22, $0x7  }
0xa5: {  	[tilespmem:s17], [sflag:$0x2] =	stream.strided.gather [hbm4b:s21+s12], $0x800, s11, s12, $0x38;
	[tilespmem:$0x10700] =	vst v63  }
0xa6: {  	s21 =	sand.u32 $0x1FFFFF80, s0;
	s4 =	sand.u32 $0x7F, s3;
	s6 =	sshra.s32 s3, $0x1F  }
0xa7: {  	p6 =	slt.s32 s3, $0x1;
	s21 =	sadd.s32 s2, s21;
	p3 =	sne.s32 s4, $0x0  }
0xa8: {  	[tilespmem:s29], [sflag:$0x2] =	stream.strided.gather [hbm4b:s21+s12], $0x800, s11, s12, $0x38;
	[tilespmem:$0x10700] =	vst v63  }
0xa9: {  	s24 =	sshrl.u32 s6, $0x19;
	s7 =	sand.u32 $0x7F, s5;
	s8 =	sshra.s32 s5, $0x1F  }
0xaa: {  	p5 =	slt.s32 s5, $0x1;
	p4 =	sne.s32 s7, $0x0;
	s13 =	spop (v2sf);
	(v2sf) =	vpush v34, $0xB  }
0xab: {  	s22 =	sadd.s32 s24, s3;
	s21 =	sshrl.u32 s8, $0x19;
	p1 =	por !p5, !p4  }
0xac: {  	p0 =	por !p6, !p3;
	s21 =	sadd.s32 s21, s5;
	p1 =	por !p1, !p1  }
0xad: {  	s21 =	sshrl.u32 s21, $0x7;
	s23 =	simm.s32 @!p1 $0x0;
	s15 =	spop (v2sf);
	(v2sf) =	vpush v63, $0xB  }
0xae: {  	p0 =	por !p0, !p0;
	s21 =	ssub.s32 s21, s23;
	s23 =	simm.s32 $0x1  }
0xaf: {  	s22 =	sshrl.u32 s22, $0x7;
	s21 =	sshll.u32 s21, $0x7;
	s23 =	simm.s32 @!p0 $0x0  }
0xb0: {  	s21 =	sand.u32 $0x1FFFFF80, s21;
	s22 =	ssub.s32 s22, s23  }
0xb1: {  	s23 =	simm.s32 $0x1;
	s21 =	sadd.s32 s1, s21;
	s9 =	sshll.u32 s22, $0x7  }
0xb2: {  	[tilespmem:s30], [sflag:$0x2] =	stream.strided.gather [hbm4b:s21+s12], $0x800, s11, s12, $0x38;
	[tilespmem:$0x10700] =	vst v63  }
0xb3: {  	s21 =	sand.u32 $0x1FFFFF80, s9;
	s14 =	sand.u32 $0x7F, s13;
	s16 =	sshra.s32 s13, $0x1F  }
0xb4: {  	p6 =	slt.s32 s13, $0x1;
	s21 =	sadd.s32 s2, s21;
	s24 =	sshrl.u32 s16, $0x19  }
0xb5: {  	[tilespmem:s31], [sflag:$0x2] =	stream.strided.gather [hbm4b:s21+s12], $0x800, s11, s12, $0x38;
	[tilespmem:$0x10700] =	vst v63  }
0xb6: {  	p3 =	sne.s32 s14, $0x0;
	s22 =	sadd.s32 s24, s13;
	s17 =	sand.u32 $0x7F, s15  }
0xb7: {  	s25 =	sshra.s32 s15, $0x1F;
	p5 =	slt.s32 s15, $0x1;
	p4 =	sne.s32 s17, $0x0  }
0xb8: {  	p0 =	por !p6, !p3;
	s21 =	sshrl.u32 s25, $0x19;
	p1 =	por !p5, !p4  }
0xb9: {  	s21 =	sadd.s32 s21, s15;
	p1 =	por !p1, !p1;
	s29 =	spop (v2sf);
	(v2sf) =	vpush v34, $0xC  }
0xba: {  	p0 =	por !p0, !p0;
	s21 =	sshrl.u32 s21, $0x7;
	s23 =	simm.s32 @!p1 $0x0  }
0xbb: {  	s22 =	sshrl.u32 s22, $0x7;
	s21 =	ssub.s32 s21, s23;
	s23 =	simm.s32 $0x1  }
0xbc: {  	s21 =	sshll.u32 s21, $0x7;
	s23 =	simm.s32 @!p0 $0x0;
	s0 =	spop (v2sf);
	(v2sf) =	vpush v63, $0xC  }
0xbd: {  	s26 =	simm.s32 $0x9400;
	s21 =	sand.u32 $0x1FFFFF80, s21;
	s22 =	ssub.s32 s22, s23  }
0xbe: {  	s30 =	simm.s32 $0xD400;
	s21 =	sadd.s32 s1, s21;
	s28 =	sshll.u32 s22, $0x7  }
0xbf: {  	[tilespmem:s26], [sflag:$0x2] =	stream.strided.gather [hbm4b:s21+s12], $0x800, s11, s12, $0x38;
	[tilespmem:$0x10700] =	vst v63  }
0xc0: {  	s23 =	simm.s32 $0x1;
	s21 =	sand.u32 $0x1FFFFF80, s28;
	s31 =	sand.u32 $0x7F, s29  }
0xc1: {  	s3 =	sshra.s32 s29, $0x1F;
	p6 =	slt.s32 s29, $0x1;
	s21 =	sadd.s32 s2, s21  }
0xc2: {  	[tilespmem:s30], [sflag:$0x2] =	stream.strided.gather [hbm4b:s21+s12], $0x800, s11, s12, $0x38;
	[tilespmem:$0x10700] =	vst v63  }
0xc3: {  	p3 =	sne.s32 s31, $0x0;
	s24 =	sshrl.u32 s3, $0x19;
	s4 =	sand.u32 $0x7F, s0  }
0xc4: {  	s5 =	sshra.s32 s0, $0x1F;
	p5 =	slt.s32 s0, $0x1;
	p4 =	sne.s32 s4, $0x0  }
0xc5: {  	s22 =	sadd.s32 s24, s29;
	s21 =	sshrl.u32 s5, $0x19;
	p1 =	por !p5, !p4  }
0xc6: {  	p0 =	por !p6, !p3;
	s21 =	sadd.s32 s21, s0;
	p1 =	por !p1, !p1  }
0xc7: {  	p0 =	por !p0, !p0;
	s21 =	sshrl.u32 s21, $0x7;
	s23 =	simm.s32 @!p1 $0x0  }
0xc8: {  	s21 =	ssub.s32 s21, s23;
	s23 =	simm.s32 $0x1;
	s8 =	spop (v2sf);
	(v2sf) =	vpush v34, $0xD  }
0xc9: {  	s22 =	sshrl.u32 s22, $0x7;
	s21 =	sshll.u32 s21, $0x7;
	s23 =	simm.s32 @!p0 $0x0  }
0xca: {  	s6 =	simm.s32 $0x9C00;
	s21 =	sand.u32 $0x1FFFFF80, s21;
	s22 =	ssub.s32 s22, s23  }
0xcb: {  	s21 =	sadd.s32 s1, s21;
	s7 =	sshll.u32 s22, $0x7;
	s14 =	spop (v2sf);
	(v2sf) =	vpush v63, $0xD  }
0xcc: {  	[tilespmem:s6], [sflag:$0x2] =	stream.strided.gather [hbm4b:s21+s12], $0x800, s11, s12, $0x38;
	[tilespmem:$0x10700] =	vst v63  }
0xcd: {  	s9 =	simm.s32 $0xDC00;
	s21 =	sand.u32 $0x1FFFFF80, s7  }
0xce: {  	s23 =	simm.s32 $0x1;
	s13 =	sand.u32 $0x7F, s8;
	s21 =	sadd.s32 s2, s21  }
0xcf: {  	[tilespmem:s9], [sflag:$0x2] =	stream.strided.gather [hbm4b:s21+s12], $0x800, s11, s12, $0x38;
	[tilespmem:$0x10700] =	vst v63  }
0xd0: {  	s15 =	sshra.s32 s8, $0x1F;
	p6 =	slt.s32 s8, $0x1;
	s16 =	sand.u32 $0x7F, s14  }
0xd1: {  	s17 =	sshra.s32 s14, $0x1F;
	p5 =	slt.s32 s14, $0x1;
	p4 =	sne.s32 s16, $0x0  }
0xd2: {  	p3 =	sne.s32 s13, $0x0;
	s21 =	sshrl.u32 s17, $0x19;
	p1 =	por !p5, !p4  }
0xd3: {  	s24 =	sshrl.u32 s15, $0x19;
	s21 =	sadd.s32 s21, s14;
	p1 =	por !p1, !p1  }
0xd4: {  	p0 =	por !p6, !p3;
	s21 =	sshrl.u32 s21, $0x7;
	s23 =	simm.s32 @!p1 $0x0  }
0xd5: {  	s22 =	sadd.s32 s24, s8;
	p0 =	por !p0, !p0;
	s21 =	ssub.s32 s21, s23  }
0xd6: {  	s22 =	sshrl.u32 s22, $0x7;
	s23 =	simm.s32 $0x1;
	s21 =	sshll.u32 s21, $0x7  }
0xd7: {  	s23 =	simm.s32 @!p0 $0x0;
	s21 =	sand.u32 $0x1FFFFF80, s21;
	s25 =	spop (v2sf);
	(v2sf) =	vpush v34, $0xE  }
0xd8: {  	s22 =	ssub.s32 s22, s23;
	s23 =	simm.s32 $0xA400;
	s21 =	sadd.s32 s1, s21  }
0xd9: {  	[tilespmem:s23], [sflag:$0x2] =	stream.strided.gather [hbm4b:s21+s12], $0x800, s11, s12, $0x38;
	[tilespmem:$0x10700] =	vst v63  }
0xda: {  	s26 =	simm.s32 $0xE400;
	s24 =	sshll.u32 s22, $0x7;
	s29 =	spop (v2sf);
	(v2sf) =	vpush v63, $0xE  }
0xdb: {  	s3 =	simm.s32 $0xAC00;
	s21 =	sand.u32 $0x1FFFFF80, s24;
	s28 =	sand.u32 $0x7F, s25  }
0xdc: {  	s30 =	sshra.s32 s25, $0x1F;
	s23 =	simm.s32 $0x1;
	s21 =	sadd.s32 s2, s21  }
0xdd: {  	[tilespmem:s26], [sflag:$0x2] =	stream.strided.gather [hbm4b:s21+s12], $0x800, s11, s12, $0x38;
	[tilespmem:$0x10700] =	vst v63  }
0xde: {  	p6 =	slt.s32 s25, $0x1;
	p3 =	sne.s32 s28, $0x0;
	s31 =	sand.u32 $0x7F, s29  }
0xdf: {  	s0 =	sshra.s32 s29, $0x1F;
	p5 =	slt.s32 s29, $0x1;
	p4 =	sne.s32 s31, $0x0  }
0xe0: {  	s24 =	sshrl.u32 s30, $0x19;
	s21 =	sshrl.u32 s0, $0x19;
	p1 =	por !p5, !p4  }
0xe1: {  	s22 =	sadd.s32 s24, s25;
	s21 =	sadd.s32 s21, s29;
	p1 =	por !p1, !p1  }
0xe2: {  	p0 =	por !p6, !p3;
	s21 =	sshrl.u32 s21, $0x7;
	s23 =	simm.s32 @!p1 $0x0  }
0xe3: {  	p0 =	por !p0, !p0;
	s21 =	ssub.s32 s21, s23;
	s23 =	simm.s32 $0x1  }
0xe4: {  	s22 =	sshrl.u32 s22, $0x7;
	s21 =	sshll.u32 s21, $0x7;
	s23 =	simm.s32 @!p0 $0x0  }
0xe5: {  	s6 =	simm.s32 $0xEC00;
	s21 =	sand.u32 $0x1FFFFF80, s21;
	s22 =	ssub.s32 s22, s23  }
0xe6: {  	s21 =	sadd.s32 s1, s21;
	s4 =	sshll.u32 s22, $0x7;
	s5 =	spop (v2sf);
	(v2sf) =	vpush v34, $0xF  }
0xe7: {  	[tilespmem:s3], [sflag:$0x2] =	stream.strided.gather [hbm4b:s21+s12], $0x800, s11, s12, $0x38;
	[tilespmem:$0x10700] =	vst v63  }
0xe8: {  	s23 =	simm.s32 $0x1;
	s21 =	sand.u32 $0x1FFFFF80, s4;
	s7 =	sand.u32 $0x7F, s5  }
0xe9: {  	s9 =	sshra.s32 s5, $0x1F;
	s21 =	sadd.s32 s2, s21;
	s8 =	spop (v2sf);
	(v2sf) =	vpush v63, $0xF  }
0xea: {  	[tilespmem:s6], [sflag:$0x2] =	stream.strided.gather [hbm4b:s21+s12], $0x800, s11, s12, $0x38;
	[tilespmem:$0x10700] =	vst v63  }
0xeb: {  	p6 =	slt.s32 s5, $0x1;
	p3 =	sne.s32 s7, $0x0;
	s13 =	sand.u32 $0x7F, s8  }
0xec: {  	s14 =	sshra.s32 s8, $0x1F;
	p5 =	slt.s32 s8, $0x1;
	p4 =	sne.s32 s13, $0x0  }
0xed: {  	s24 =	sshrl.u32 s9, $0x19;
	s21 =	sshrl.u32 s14, $0x19;
	p1 =	por !p5, !p4  }
0xee: {  	s22 =	sadd.s32 s24, s5;
	s21 =	sadd.s32 s21, s8;
	p1 =	por !p1, !p1  }
0xef: {  	p0 =	por !p6, !p3;
	s21 =	sshrl.u32 s21, $0x7;
	s23 =	simm.s32 @!p1 $0x0  }
0xf0: {  	p0 =	por !p0, !p0;
	s21 =	ssub.s32 s21, s23;
	s23 =	simm.s32 $0x1  }
0xf1: {  	s22 =	sshrl.u32 s22, $0x7;
	s21 =	sshll.u32 s21, $0x7;
	s23 =	simm.s32 @!p0 $0x0  }
0xf2: {  	s21 =	sand.u32 $0x1FFFFF80, s21;
	s22 =	ssub.s32 s22, s23  }
0xf3: {  	s15 =	simm.s32 $0xB400;
	s21 =	sadd.s32 s1, s21;
	s16 =	sshll.u32 s22, $0x7  }
0xf4: {  	[tilespmem:s15], [sflag:$0x2] =	stream.strided.gather [hbm4b:s21+s12], $0x800, s11, s12, $0x38;
	[tilespmem:$0x10700] =	vst v63  }
0xf5: {  	s17 =	spop (v2sf);
	s21 =	sand.u32 $0x1FFFFF80, s16  }
0xf6: {  	s23 =	simm.s32 $0xF400;
	s24 =	sand.u32 $0x7F, s17;
	s21 =	sadd.s32 s2, s21  }
0xf7: {  	[tilespmem:s23], [sflag:$0x2] =	stream.strided.gather [hbm4b:s21+s12], $0x800, s11, s12, $0x38;
	[tilespmem:$0x10700] =	vst v63  }
0xf8: {  	s26 =	sshra.s32 s17, $0x1F;
	p6 =	slt.s32 s17, $0x1;
	s25 =	spop (v2sf)  }
0xf9: {  	p3 =	sne.s32 s24, $0x0;
	s24 =	sshrl.u32 s26, $0x19;
	s28 =	sand.u32 $0x7F, s25  }
0xfa: {  	s29 =	sshra.s32 s25, $0x1F;
	p5 =	slt.s32 s25, $0x1;
	p4 =	sne.s32 s28, $0x0  }
0xfb: {  	s23 =	simm.s32 $0x1;
	s21 =	sshrl.u32 s29, $0x19;
	p1 =	por !p5, !p4  }
0xfc: {  	s22 =	sadd.s32 s24, s17;
	s21 =	sadd.s32 s21, s25;
	p1 =	por !p1, !p1  }
0xfd: {  	p0 =	por !p6, !p3;
	s21 =	sshrl.u32 s21, $0x7;
	s23 =	simm.s32 @!p1 $0x0  }
0xfe: {  	p0 =	por !p0, !p0;
	s21 =	ssub.s32 s21, s23;
	s23 =	simm.s32 $0x1  }
0xff: {  	s22 =	sshrl.u32 s22, $0x7;
	s21 =	sshll.u32 s21, $0x7;
	s23 =	simm.s32 @!p0 $0x0  }
0x100: {  	s21 =	sand.u32 $0x1FFFFF80, s21;
	s22 =	ssub.s32 s22, s23  }
0x101: {  	s30 =	simm.s32 $0xBC00;
	s21 =	sadd.s32 s1, s21;
	s31 =	sshll.u32 s22, $0x7  }
0x102: {  	[tilespmem:s30], [sflag:$0x2] =	stream.strided.gather [hbm4b:s21+s12], $0x800, s11, s12, $0x38;
	[tilespmem:$0x10700] =	vst v63  }
0x103: {  	s21 =	sand.u32 $0x1FFFFF80, s31  }
0x104: {  	s0 =	simm.s32 $0xFC00;
	s21 =	sadd.s32 s2, s21  }
0x105: {  	[tilespmem:s0], [sflag:$0x2] =	stream.strided.gather [hbm4b:s21+s12], $0x800, s11, s12, $0x38;
	[tilespmem:$0x10700] =	vst v63  }
0x106: {  	s23 =	simm.s32 $0x1;
	s22 =	simm.s32 $0x0;
	s21 =	simm.s32 $0x0  }
.LBB2_2:
0x107: {  	v33 =	vld [tilespmem:s22+$0x0];
	s24 =	smin.u32 s23, $0x1F  }
0x108: {  	v34 =	vld [tilespmem:s20+$0x0];
	s24 =	sshll.u32 s24, $0x4  }
0x109: {  	v37 =	vld [tilespmem:s24+$0x0]  }
0x10a: {  	v38 =	vld [tilespmem:s24+$0x200];
	_ =	swait.ge [sflag:s10], $0x800  }
0x10b: {  	[sflag:s10] =	ssyncset.done $0x0  }
0x10c: {  	[sflag:s10] =	ssyncadd.s32 $0xFFFFF800  }
0x10d: {  	_ =	swait.ge [sflag:s10], $0x800  }
0x10e: {  	[sflag:s10] =	ssyncset.done $0x0  }
0x10f: {  	[sflag:s10] =	ssyncadd.s32 $0xFFFFF800  }
0x110: {  	_ =	swait.ge [sflag:s10], $0x800  }
0x111: {  	[sflag:s10] =	ssyncset.done $0x0  }
0x112: {  	[sflag:s10] =	ssyncadd.s32 $0xFFFFF800  }
0x113: {  	_ =	swait.ge [sflag:s10], $0x800  }
0x114: {  	[sflag:s10] =	ssyncset.done $0x0  }
0x115: {  	[sflag:s10] =	ssyncadd.s32 $0xFFFFF800  }
0x116: {  	_ =	swait.ge [sflag:s10], $0x800  }
0x117: {  	[sflag:s10] =	ssyncset.done $0x0  }
0x118: {  	[sflag:s10] =	ssyncadd.s32 $0xFFFFF800  }
0x119: {  	_ =	swait.ge [sflag:s10], $0x800  }
0x11a: {  	[sflag:s10] =	ssyncset.done $0x0  }
0x11b: {  	[sflag:s10] =	ssyncadd.s32 $0xFFFFF800  }
0x11c: {  	_ =	swait.ge [sflag:s10], $0x800  }
0x11d: {  	[sflag:s10] =	ssyncset.done $0x0  }
0x11e: {  	[sflag:s10] =	ssyncadd.s32 $0xFFFFF800  }
0x11f: {  	_ =	swait.ge [sflag:s10], $0x800  }
0x120: {  	[sflag:s10] =	ssyncset.done $0x0  }
0x121: {  	[sflag:s10] =	ssyncadd.s32 $0xFFFFF800  }
0x122: {  	_ =	swait.ge [sflag:s10], $0x800  }
0x123: {  	[sflag:s10] =	ssyncset.done $0x0  }
0x124: {  	[sflag:s10] =	ssyncadd.s32 $0xFFFFF800  }
0x125: {  	_ =	swait.ge [sflag:s10], $0x800  }
0x126: {  	[sflag:s10] =	ssyncset.done $0x0  }
0x127: {  	[sflag:s10] =	ssyncadd.s32 $0xFFFFF800  }
0x128: {  	_ =	swait.ge [sflag:s10], $0x800  }
0x129: {  	[sflag:s10] =	ssyncset.done $0x0  }
0x12a: {  	[sflag:s10] =	ssyncadd.s32 $0xFFFFF800  }
0x12b: {  	_ =	swait.ge [sflag:s10], $0x800  }
0x12c: {  	[sflag:s10] =	ssyncset.done $0x0  }
0x12d: {  	[sflag:s10] =	ssyncadd.s32 $0xFFFFF800  }
0x12e: {  	_ =	swait.ge [sflag:s10], $0x800  }
0x12f: {  	[sflag:s10] =	ssyncset.done $0x0  }
0x130: {  	[sflag:s10] =	ssyncadd.s32 $0xFFFFF800  }
0x131: {  	_ =	swait.ge [sflag:s10], $0x800  }
0x132: {  	[sflag:s10] =	ssyncset.done $0x0  }
0x133: {  	[sflag:s10] =	ssyncadd.s32 $0xFFFFF800  }
0x134: {  	_ =	swait.ge [sflag:s10], $0x800  }
0x135: {  	[sflag:s10] =	ssyncset.done $0x0  }
0x136: {  	[sflag:s10] =	ssyncadd.s32 $0xFFFFF800  }
0x137: {  	v36 =	vadd.s32 $0xFFFFFFFF, v33;
	_ =	swait.ge [sflag:s10], $0x800  }
0x138: {  	v35 =	vadd.s32 $0xFFFFFFFF, v34;
	(v2sf) =	vpush v36, $0x0  }
0x139: {  	(v2sf) =	vpush v35, $0x0;
	_ =	sdelay $0x7  }
0x13a: {  	(v2sf) =	vpush v36, $0x1  }
0x13b: {  	(v2sf) =	vpush v35, $0x1;
	_ =	sdelay $0x4  }
0x13c: {  	s4 =	spop (v2sf)  }
0x13d: {  	s24 =	sand.u32 $0x7F, s4;
	s25 =	spop (v2sf)  }
0x13e: {  	s25 =	sand.u32 $0x7F, s25;
	v47 =	vor.u32 s24, v1  }
0x13f: {  	(v2sf) =	vpush v36, $0x2;
	v48 =	vor.u32 s25, v1  }
0x140: {  	(v2sf) =	vpush v35, $0x2  }
0x141: {  	[sflag:s10] =	ssyncset.done $0x0  }
0x142: {  	[sflag:s10] =	ssyncadd.s32 $0xFFFFF800  }
0x143: {  	s31 =	simm.s32 $0x4400;
	v33 =	vld.idx.msk [tilespmem:v47+s12+$0x0], $0xffff  }
0x144: {  	v34 =	vld.idx.msk [tilespmem:v48+s31+$0x0], $0xffff  }
0x145: {  	s5 =	spop (v2sf)  }
0x146: {  	s24 =	sand.u32 $0x7F, s5;
	s6 =	spop (v2sf)  }
0x147: {  	s25 =	sand.u32 $0x7F, s6;
	v39 =	vor.u32 s24, v1  }
0x148: {  	(v2sf) =	vpush v36, $0x3;
	v40 =	vor.u32 s25, v1  }
0x149: {  	(v2sf) =	vpush v35, $0x3;
	v33 =	vmul.f32 v34, v33;
	_ =	sdelay $0x1  }
0x14a: {  	s3 =	simm.s32 $0xC00;
	[tilespmem:v0+s18+$0x0] =	vst.idx.msk $0xffff, v33  }
0x14b: {  	s4 =	simm.s32 $0x4C00;
	v33 =	vld.idx.msk [tilespmem:v39+s3+$0x0], $0xffff  }
0x14c: {  	v49 =	vld.idx.msk [tilespmem:v40+s4+$0x0], $0xffff  }
0x14d: {  	s7 =	spop (v2sf)  }
0x14e: {  	s24 =	sand.u32 $0x7F, s7;
	s8 =	spop (v2sf)  }
0x14f: {  	s25 =	sand.u32 $0x7F, s8;
	v50 =	vor.u32 s24, v1  }
0x150: {  	(v2sf) =	vpush v36, $0x4;
	v51 =	vor.u32 s25, v1  }
0x151: {  	(v2sf) =	vpush v35, $0x4;
	v33 =	vmul.f32 v49, v33;
	_ =	sdelay $0x1  }
0x152: {  	s5 =	simm.s32 $0x1400;
	[tilespmem:v2+s18+$0x0] =	vst.idx.msk $0xffff, v33  }
0x153: {  	s6 =	simm.s32 $0x5400;
	v33 =	vld.idx.msk [tilespmem:v50+s5+$0x0], $0xffff  }
0x154: {  	v52 =	vld.idx.msk [tilespmem:v51+s6+$0x0], $0xffff  }
0x155: {  	s9 =	spop (v2sf)  }
0x156: {  	s24 =	sand.u32 $0x7F, s9;
	s13 =	spop (v2sf)  }
0x157: {  	s25 =	sand.u32 $0x7F, s13;
	v53 =	vor.u32 s24, v1  }
0x158: {  	(v2sf) =	vpush v36, $0x5;
	v54 =	vor.u32 s25, v1  }
0x159: {  	(v2sf) =	vpush v35, $0x5;
	v33 =	vmul.f32 v52, v33;
	_ =	sdelay $0x1  }
0x15a: {  	s7 =	simm.s32 $0x1C00;
	[tilespmem:v3+s18+$0x0] =	vst.idx.msk $0xffff, v33  }
0x15b: {  	s8 =	simm.s32 $0x5C00;
	v33 =	vld.idx.msk [tilespmem:v53+s7+$0x0], $0xffff  }
0x15c: {  	v55 =	vld.idx.msk [tilespmem:v54+s8+$0x0], $0xffff  }
0x15d: {  	s14 =	spop (v2sf)  }
0x15e: {  	s24 =	sand.u32 $0x7F, s14;
	s15 =	spop (v2sf)  }
0x15f: {  	s25 =	sand.u32 $0x7F, s15;
	v56 =	vor.u32 s24, v1  }
0x160: {  	(v2sf) =	vpush v36, $0x6;
	v57 =	vor.u32 s25, v1  }
0x161: {  	(v2sf) =	vpush v35, $0x6;
	v33 =	vmul.f32 v55, v33;
	_ =	sdelay $0x1  }
0x162: {  	s9 =	simm.s32 $0x2400;
	[tilespmem:v4+s18+$0x0] =	vst.idx.msk $0xffff, v33  }
0x163: {  	s13 =	simm.s32 $0x6400;
	v33 =	vld.idx.msk [tilespmem:v56+s9+$0x0], $0xffff  }
0x164: {  	v58 =	vld.idx.msk [tilespmem:v57+s13+$0x0], $0xffff  }
0x165: {  	s16 =	spop (v2sf)  }
0x166: {  	s24 =	sand.u32 $0x7F, s16;
	s17 =	spop (v2sf)  }
0x167: {  	s25 =	sand.u32 $0x7F, s17;
	v59 =	vor.u32 s24, v1  }
0x168: {  	(v2sf) =	vpush v36, $0x7;
	v60 =	vor.u32 s25, v1  }
0x169: {  	(v2sf) =	vpush v35, $0x7;
	v33 =	vmul.f32 v58, v33;
	_ =	sdelay $0x1  }
0x16a: {  	v34 =	vadd.s32 $0xFFFFFFFF, v38;
	s14 =	simm.s32 $0x2C00;
	[tilespmem:v5+s18+$0x0] =	vst.idx.msk $0xffff, v33  }
0x16b: {  	s15 =	simm.s32 $0x6C00;
	(v2sf) =	vpush v34, $0x0;
	v61 =	vld.idx.msk [tilespmem:v59+s14+$0x0], $0xffff  }
0x16c: {  	v33 =	vadd.s32 $0xFFFFFFFF, v37;
	v62 =	vld.idx.msk [tilespmem:v60+s15+$0x0], $0xffff  }
0x16d: {  	s25 =	spop (v2sf);
	(v2sf) =	vpush v33, $0x0  }
0x16e: {  	s24 =	sand.u32 $0x7F, s25;
	s26 =	spop (v2sf)  }
0x16f: {  	s25 =	sand.u32 $0x7F, s26;
	v63 =	vor.u32 s24, v1  }
0x170: {  	v44 =	vor.u32 s25, v1  }
0x171: {  	v37 =	vmul.f32 v62, v61;
	_ =	sdelay $0x1  }
0x172: {  	s16 =	simm.s32 $0x3400;
	[tilespmem:v6+s18+$0x0] =	vst.idx.msk $0xffff, v37  }
0x173: {  	s17 =	simm.s32 $0x7400;
	v37 =	vld.idx.msk [tilespmem:v63+s16+$0x0], $0xffff  }
0x174: {  	v45 =	vld.idx.msk [tilespmem:v44+s17+$0x0], $0xffff  }
0x175: {  	s28 =	spop (v2sf)  }
0x176: {  	s24 =	sand.u32 $0x7F, s28;
	s29 =	spop (v2sf)  }
0x177: {  	s25 =	sand.u32 $0x7F, s29;
	v46 =	vor.u32 s24, v1  }
0x178: {  	v47 =	vor.u32 s25, v1  }
0x179: {  	s24 =	spop (v2sf);
	v37 =	vmul.f32 v45, v37  }
0x17a: {  	(v2sf) =	vpush v34, $0x1;
	s29 =	simm.s32 $0x3C00;
	s30 =	sand.u32 $0x7F, s24;
	s28 =	sshra.s32 s24, $0x1F  }
0x17b: {  	p6 =	slt.s32 s24, $0x1;
	p0 =	sne.s32 s30, $0x0;
	[tilespmem:v7+s18+$0x0] =	vst.idx.msk $0xffff, v37;
	s26 =	spop (v2sf)  }
0x17c: {  	(v2sf) =	vpush v33, $0x1;
	s30 =	simm.s32 $0x7C00;
	s28 =	sshrl.u32 s28, $0x19;
	v37 =	vld.idx.msk [tilespmem:v46+s29+$0x0], $0xffff;
	s25 =	sand.u32 $0x7F, s26  }
0x17d: {  	v48 =	vld.idx.msk [tilespmem:v47+s30+$0x0], $0xffff;
	p2 =	slt.s32 s26, $0x1;
	p1 =	sne.s32 s25, $0x0;
	s25 =	sshra.s32 s26, $0x1F  }
0x17e: {  	s24 =	sadd.s32 s28, s24;
	s25 =	sshrl.u32 s25, $0x19;
	p1 =	por !p2, !p1  }
0x17f: {  	s25 =	sadd.s32 s25, s26;
	p1 =	por !p1, !p1;
	s26 =	simm.s32 $0x1  }
0x180: {  	p0 =	por !p6, !p0;
	s25 =	sshrl.u32 s25, $0x7;
	s26 =	simm.s32 @!p1 $0x0  }
0x181: {  	p0 =	por !p0, !p0;
	s25 =	ssub.s32 s25, s26;
	s26 =	simm.s32 $0x1  }
0x182: {  	s24 =	sshrl.u32 s24, $0x7;
	v37 =	vmul.f32 v48, v37;
	s25 =	sshll.u32 s25, $0x7;
	s26 =	simm.s32 @!p0 $0x0  }
0x183: {  	s25 =	sand.u32 $0x1FFFFF80, s25;
	s24 =	ssub.s32 s24, s26  }
0x184: {  	[tilespmem:v8+s18+$0x0] =	vst.idx.msk $0xffff, v37;
	s25 =	sadd.s32 s1, s25;
	s24 =	sshll.u32 s24, $0x7  }
0x185: {  	[tilespmem:s12], [sflag:$0x1] =	stream.strided.gather [hbm4b:s25+s12], $0x800, s11, s12, $0x38;
	[tilespmem:$0x10700] =	vst v63  }
0x186: {  	s24 =	sand.u32 $0x1FFFFF80, s24  }
0x187: {  	s24 =	sadd.s32 s2, s24  }
0x188: {  	[tilespmem:s31], [sflag:$0x1] =	stream.strided.gather [hbm4b:s24+s12], $0x800, s11, s12, $0x38;
	[tilespmem:$0x10700] =	vst v63  }
0x189: {  	s24 =	spop (v2sf)  }
0x18a: {  	(v2sf) =	vpush v34, $0x2;
	s31 =	sand.u32 $0x7F, s24  }
0x18b: {  	s26 =	spop (v2sf);
	s28 =	sshra.s32 s24, $0x1F;
	p6 =	slt.s32 s24, $0x1  }
0x18c: {  	(v2sf) =	vpush v33, $0x2;
	p3 =	sne.s32 s31, $0x0;
	s31 =	sand.u32 $0x7F, s26;
	p5 =	slt.s32 s26, $0x1  }
0x18d: {  	s28 =	sshrl.u32 s28, $0x19;
	p4 =	sne.s32 s31, $0x0;
	s31 =	sshra.s32 s26, $0x1F  }
0x18e: {  	s24 =	sadd.s32 s28, s24;
	s25 =	sshrl.u32 s31, $0x19;
	p1 =	por !p5, !p4  }
0x18f: {  	s25 =	sadd.s32 s25, s26;
	p1 =	por !p1, !p1;
	s26 =	simm.s32 $0x1  }
0x190: {  	p0 =	por !p6, !p3;
	s25 =	sshrl.u32 s25, $0x7;
	s26 =	simm.s32 @!p1 $0x0  }
0x191: {  	p0 =	por !p0, !p0;
	s25 =	ssub.s32 s25, s26;
	s26 =	simm.s32 $0x1  }
0x192: {  	s24 =	sshrl.u32 s24, $0x7;
	s25 =	sshll.u32 s25, $0x7;
	s26 =	simm.s32 @!p0 $0x0  }
0x193: {  	s25 =	sand.u32 $0x1FFFFF80, s25;
	s24 =	ssub.s32 s24, s26  }
0x194: {  	s25 =	sadd.s32 s1, s25;
	s24 =	sshll.u32 s24, $0x7  }
0x195: {  	[tilespmem:s3], [sflag:$0x1] =	stream.strided.gather [hbm4b:s25+s12], $0x800, s11, s12, $0x38;
	[tilespmem:$0x10700] =	vst v63  }
0x196: {  	s24 =	sand.u32 $0x1FFFFF80, s24  }
0x197: {  	s24 =	sadd.s32 s2, s24  }
0x198: {  	[tilespmem:s4], [sflag:$0x1] =	stream.strided.gather [hbm4b:s24+s12], $0x800, s11, s12, $0x38;
	[tilespmem:$0x10700] =	vst v63  }
0x199: {  	s24 =	spop (v2sf)  }
0x19a: {  	(v2sf) =	vpush v34, $0x3;
	s4 =	sand.u32 $0x7F, s24  }
0x19b: {  	(v2sf) =	vpush v33, $0x3;
	s26 =	spop (v2sf);
	s31 =	sshra.s32 s24, $0x1F;
	p6 =	slt.s32 s24, $0x1  }
0x19c: {  	p3 =	sne.s32 s4, $0x0;
	s3 =	sand.u32 $0x7F, s26;
	s4 =	sshra.s32 s26, $0x1F  }
0x19d: {  	p5 =	slt.s32 s26, $0x1;
	s28 =	sshrl.u32 s31, $0x19;
	p4 =	sne.s32 s3, $0x0  }
0x19e: {  	s25 =	sshrl.u32 s4, $0x19;
	s24 =	sadd.s32 s28, s24;
	p1 =	por !p5, !p4  }
0x19f: {  	s25 =	sadd.s32 s25, s26;
	s26 =	simm.s32 $0x1;
	p1 =	por !p1, !p1  }
0x1a0: {  	p0 =	por !p6, !p3;
	s25 =	sshrl.u32 s25, $0x7;
	s26 =	simm.s32 @!p1 $0x0  }
0x1a1: {  	p0 =	por !p0, !p0;
	s25 =	ssub.s32 s25, s26;
	s26 =	simm.s32 $0x1  }
0x1a2: {  	s24 =	sshrl.u32 s24, $0x7;
	s25 =	sshll.u32 s25, $0x7;
	s26 =	simm.s32 @!p0 $0x0  }
0x1a3: {  	s25 =	sand.u32 $0x1FFFFF80, s25;
	s24 =	ssub.s32 s24, s26  }
0x1a4: {  	s25 =	sadd.s32 s1, s25;
	s24 =	sshll.u32 s24, $0x7  }
0x1a5: {  	[tilespmem:s5], [sflag:$0x1] =	stream.strided.gather [hbm4b:s25+s12], $0x800, s11, s12, $0x38;
	[tilespmem:$0x10700] =	vst v63  }
0x1a6: {  	s24 =	sand.u32 $0x1FFFFF80, s24  }
0x1a7: {  	s24 =	sadd.s32 s2, s24  }
0x1a8: {  	[tilespmem:s6], [sflag:$0x1] =	stream.strided.gather [hbm4b:s24+s12], $0x800, s11, s12, $0x38;
	[tilespmem:$0x10700] =	vst v63  }
0x1a9: {  	(v2sf) =	vpush v34, $0x4;
	s26 =	simm.s32 $0x1;
	s24 =	spop (v2sf)  }
0x1aa: {  	s31 =	sand.u32 $0x7F, s24;
	s3 =	spop (v2sf);
	s4 =	sshra.s32 s24, $0x1F  }
0x1ab: {  	(v2sf) =	vpush v33, $0x4;
	p6 =	slt.s32 s24, $0x1;
	p3 =	sne.s32 s31, $0x0;
	s5 =	sand.u32 $0x7F, s3  }
0x1ac: {  	s6 =	sshra.s32 s3, $0x1F;
	p5 =	slt.s32 s3, $0x1;
	p4 =	sne.s32 s5, $0x0  }
0x1ad: {  	s28 =	sshrl.u32 s4, $0x19;
	s25 =	sshrl.u32 s6, $0x19;
	p1 =	por !p5, !p4  }
0x1ae: {  	(v2sf) =	vpush v34, $0x5;
	s24 =	sadd.s32 s28, s24;
	s25 =	sadd.s32 s25, s3;
	p1 =	por !p1, !p1  }
0x1af: {  	p0 =	por !p6, !p3;
	s25 =	sshrl.u32 s25, $0x7;
	s26 =	simm.s32 @!p1 $0x0  }
0x1b0: {  	(v2sf) =	vpush v33, $0x5;
	p0 =	por !p0, !p0;
	s25 =	ssub.s32 s25, s26;
	s26 =	simm.s32 $0x1  }
0x1b1: {  	s24 =	sshrl.u32 s24, $0x7;
	s25 =	sshll.u32 s25, $0x7;
	s26 =	simm.s32 @!p0 $0x0  }
0x1b2: {  	s25 =	sand.u32 $0x1FFFFF80, s25;
	s24 =	ssub.s32 s24, s26  }
0x1b3: {  	s25 =	sadd.s32 s1, s25;
	s24 =	sshll.u32 s24, $0x7  }
0x1b4: {  	[tilespmem:s7], [sflag:$0x1] =	stream.strided.gather [hbm4b:s25+s12], $0x800, s11, s12, $0x38;
	[tilespmem:$0x10700] =	vst v63  }
0x1b5: {  	s24 =	sand.u32 $0x1FFFFF80, s24  }
0x1b6: {  	s24 =	sadd.s32 s2, s24  }
0x1b7: {  	[tilespmem:s8], [sflag:$0x1] =	stream.strided.gather [hbm4b:s24+s12], $0x800, s11, s12, $0x38;
	[tilespmem:$0x10700] =	vst v63  }
0x1b8: {  	s8 =	spop (v2sf)  }
0x1b9: {  	s26 =	sand.u32 $0x7F, s8  }
0x1ba: {  	s31 =	spop (v2sf);
	s3 =	sshra.s32 s8, $0x1F;
	p6 =	slt.s32 s8, $0x1  }
0x1bb: {  	p3 =	sne.s32 s26, $0x0;
	s4 =	sand.u32 $0x7F, s31;
	s5 =	sshra.s32 s31, $0x1F  }
0x1bc: {  	p5 =	slt.s32 s31, $0x1;
	s28 =	sshrl.u32 s3, $0x19;
	s26 =	simm.s32 $0x1  }
0x1bd: {  	(v2sf) =	vpush v34, $0x6;
	s6 =	spop (v2sf);
	p4 =	sne.s32 s4, $0x0;
	s25 =	sshrl.u32 s5, $0x19  }
0x1be: {  	(v2sf) =	vpush v33, $0x6;
	s24 =	sadd.s32 s28, s8;
	p0 =	por !p6, !p3;
	s7 =	sand.u32 $0x7F, s6  }
0x1bf: {  	s8 =	spop (v2sf);
	p6 =	slt.s32 s6, $0x1;
	p1 =	por !p5, !p4  }
0x1c0: {  	s25 =	sadd.s32 s25, s31;
	p0 =	por !p0, !p0;
	p1 =	por !p1, !p1  }
0x1c1: {  	(v2sf) =	vpush v34, $0x7;
	s24 =	sshrl.u32 s24, $0x7;
	s25 =	sshrl.u32 s25, $0x7;
	s26 =	simm.s32 @!p1 $0x0  }
0x1c2: {  	p3 =	sne.s32 s7, $0x0;
	s25 =	ssub.s32 s25, s26;
	s26 =	simm.s32 $0x1  }
0x1c3: {  	s31 =	sshra.s32 s8, $0x1F;
	s25 =	sshll.u32 s25, $0x7;
	s26 =	simm.s32 @!p0 $0x0  }
0x1c4: {  	p5 =	slt.s32 s8, $0x1;
	s25 =	sand.u32 $0x1FFFFF80, s25;
	s24 =	ssub.s32 s24, s26  }
0x1c5: {  	p0 =	por !p6, !p3;
	s25 =	sadd.s32 s1, s25;
	s24 =	sshll.u32 s24, $0x7  }
0x1c6: {  	[tilespmem:s9], [sflag:$0x1] =	stream.strided.gather [hbm4b:s25+s12], $0x800, s11, s12, $0x38;
	[tilespmem:$0x10700] =	vst v63  }
0x1c7: {  	s26 =	simm.s32 $0x1;
	p0 =	por !p0, !p0;
	s24 =	sand.u32 $0x1FFFFF80, s24  }
0x1c8: {  	s9 =	sshra.s32 s6, $0x1F;
	s25 =	sshrl.u32 s31, $0x19;
	s24 =	sadd.s32 s2, s24  }
0x1c9: {  	[tilespmem:s13], [sflag:$0x1] =	stream.strided.gather [hbm4b:s24+s12], $0x800, s11, s12, $0x38;
	[tilespmem:$0x10700] =	vst v63  }
0x1ca: {  	s28 =	sshrl.u32 s9, $0x19;
	s25 =	sadd.s32 s25, s8;
	s13 =	sand.u32 $0x7F, s8  }
0x1cb: {  	s25 =	sshrl.u32 s25, $0x7;
	s24 =	sadd.s32 s28, s6;
	p4 =	sne.s32 s13, $0x0  }
0x1cc: {  	s24 =	sshrl.u32 s24, $0x7;
	p1 =	por !p5, !p4;
	s3 =	spop (v2sf)  }
0x1cd: {  	p1 =	por !p1, !p1;
	s4 =	sand.u32 $0x7F, s3;
	s5 =	spop (v2sf)  }
0x1ce: {  	(v2sf) =	vpush v33, $0x7;
	s6 =	sshra.s32 s3, $0x1F;
	p6 =	slt.s32 s3, $0x1;
	s26 =	simm.s32 @!p1 $0x0  }
0x1cf: {  	p3 =	sne.s32 s4, $0x0;
	s7 =	sand.u32 $0x7F, s5;
	s8 =	sshra.s32 s5, $0x1F  }
0x1d0: {  	p5 =	slt.s32 s5, $0x1;
	s28 =	sshrl.u32 s6, $0x19;
	s9 =	spop (v2sf)  }
0x1d1: {  	s25 =	ssub.s32 s25, s26;
	s26 =	simm.s32 $0x1;
	p4 =	sne.s32 s7, $0x0  }
0x1d2: {  	s13 =	sand.u32 $0x7F, s9;
	s25 =	sshll.u32 s25, $0x7;
	s26 =	simm.s32 @!p0 $0x0  }
0x1d3: {  	p1 =	por !p5, !p4;
	s25 =	sand.u32 $0x1FFFFF80, s25;
	s24 =	ssub.s32 s24, s26  }
0x1d4: {  	p0 =	por !p6, !p3;
	s25 =	sadd.s32 s1, s25;
	s24 =	sshll.u32 s24, $0x7  }
0x1d5: {  	[tilespmem:s14], [sflag:$0x1] =	stream.strided.gather [hbm4b:s25+s12], $0x800, s11, s12, $0x38;
	[tilespmem:$0x10700] =	vst v63  }
0x1d6: {  	p1 =	por !p1, !p1;
	s24 =	sand.u32 $0x1FFFFF80, s24;
	s25 =	sshrl.u32 s8, $0x19  }
0x1d7: {  	s26 =	simm.s32 $0x1;
	s24 =	sadd.s32 s2, s24;
	s25 =	sadd.s32 s25, s5  }
0x1d8: {  	[tilespmem:s15], [sflag:$0x1] =	stream.strided.gather [hbm4b:s24+s12], $0x800, s11, s12, $0x38;
	[tilespmem:$0x10700] =	vst v63  }
0x1d9: {  	p0 =	por !p0, !p0;
	s26 =	simm.s32 @!p1 $0x0;
	s25 =	sshrl.u32 s25, $0x7  }
0x1da: {  	s24 =	sadd.s32 s28, s3;
	s25 =	ssub.s32 s25, s26;
	s26 =	simm.s32 $0x1  }
0x1db: {  	s24 =	sshrl.u32 s24, $0x7;
	s25 =	sshll.u32 s25, $0x7;
	s26 =	simm.s32 @!p0 $0x0  }
0x1dc: {  	p3 =	sne.s32 s13, $0x0;
	s25 =	sand.u32 $0x1FFFFF80, s25;
	s24 =	ssub.s32 s24, s26  }
0x1dd: {  	s14 =	spop (v2sf);
	s25 =	sadd.s32 s1, s25;
	s24 =	sshll.u32 s24, $0x7  }
0x1de: {  	[tilespmem:s16], [sflag:$0x1] =	stream.strided.gather [hbm4b:s25+s12], $0x800, s11, s12, $0x38;
	[tilespmem:$0x10700] =	vst v63  }
0x1df: {  	p6 =	slt.s32 s9, $0x1;
	p5 =	slt.s32 s14, $0x1;
	s24 =	sand.u32 $0x1FFFFF80, s24  }
0x1e0: {  	s15 =	sshra.s32 s9, $0x1F;
	s16 =	sand.u32 $0x7F, s14;
	s24 =	sadd.s32 s2, s24  }
0x1e1: {  	[tilespmem:s17], [sflag:$0x1] =	stream.strided.gather [hbm4b:s24+s12], $0x800, s11, s12, $0x38;
	[tilespmem:$0x10700] =	vst v63  }
0x1e2: {  	s28 =	sshrl.u32 s15, $0x19;
	p4 =	sne.s32 s16, $0x0;
	s17 =	sshra.s32 s14, $0x1F  }
0x1e3: {  	p0 =	por !p6, !p3;
	p1 =	por !p5, !p4;
	s25 =	sshrl.u32 s17, $0x19  }
0x1e4: {  	s26 =	simm.s32 $0x1;
	p1 =	por !p1, !p1;
	s25 =	sadd.s32 s25, s14  }
0x1e5: {  	p0 =	por !p0, !p0;
	s26 =	simm.s32 @!p1 $0x0;
	s25 =	sshrl.u32 s25, $0x7  }
0x1e6: {  	s24 =	sadd.s32 s28, s9;
	s25 =	ssub.s32 s25, s26;
	s26 =	simm.s32 $0x1  }
0x1e7: {  	s24 =	sshrl.u32 s24, $0x7;
	s25 =	sshll.u32 s25, $0x7;
	s26 =	simm.s32 @!p0 $0x0  }
0x1e8: {  	s25 =	sand.u32 $0x1FFFFF80, s25;
	s24 =	ssub.s32 s24, s26  }
0x1e9: {  	s25 =	sadd.s32 s1, s25;
	s24 =	sshll.u32 s24, $0x7  }
0x1ea: {  	[tilespmem:s29], [sflag:$0x1] =	stream.strided.gather [hbm4b:s25+s12], $0x800, s11, s12, $0x38;
	[tilespmem:$0x10700] =	vst v63  }
0x1eb: {  	s24 =	sand.u32 $0x1FFFFF80, s24  }
0x1ec: {  	s24 =	sadd.s32 s2, s24  }
0x1ed: {  	[tilespmem:s30], [sflag:$0x1] =	stream.strided.gather [hbm4b:s24+s12], $0x800, s11, s12, $0x38;
	[tilespmem:$0x10700] =	vst v63  }
0x1ee: {  	_ =	swait.ge [sflag:s19], $0x800  }
0x1ef: {  	[sflag:s19] =	ssyncset.done $0x0  }
0x1f0: {  	[sflag:s19] =	ssyncadd.s32 $0xFFFFF800  }
0x1f1: {  	_ =	swait.ge [sflag:s19], $0x800  }
0x1f2: {  	[sflag:s19] =	ssyncset.done $0x0  }
0x1f3: {  	[sflag:s19] =	ssyncadd.s32 $0xFFFFF800  }
0x1f4: {  	_ =	swait.ge [sflag:s19], $0x800  }
0x1f5: {  	[sflag:s19] =	ssyncset.done $0x0  }
0x1f6: {  	[sflag:s19] =	ssyncadd.s32 $0xFFFFF800  }
0x1f7: {  	_ =	swait.ge [sflag:s19], $0x800  }
0x1f8: {  	[sflag:s19] =	ssyncset.done $0x0  }
0x1f9: {  	[sflag:s19] =	ssyncadd.s32 $0xFFFFF800  }
0x1fa: {  	_ =	swait.ge [sflag:s19], $0x800  }
0x1fb: {  	[sflag:s19] =	ssyncset.done $0x0  }
0x1fc: {  	[sflag:s19] =	ssyncadd.s32 $0xFFFFF800  }
0x1fd: {  	_ =	swait.ge [sflag:s19], $0x800  }
0x1fe: {  	[sflag:s19] =	ssyncset.done $0x0  }
0x1ff: {  	[sflag:s19] =	ssyncadd.s32 $0xFFFFF800  }
0x200: {  	_ =	swait.ge [sflag:s19], $0x800  }
0x201: {  	[sflag:s19] =	ssyncset.done $0x0  }
0x202: {  	[sflag:s19] =	ssyncadd.s32 $0xFFFFF800  }
0x203: {  	_ =	swait.ge [sflag:s19], $0x800  }
0x204: {  	[sflag:s19] =	ssyncset.done $0x0  }
0x205: {  	[sflag:s19] =	ssyncadd.s32 $0xFFFFF800  }
0x206: {  	_ =	swait.ge [sflag:s19], $0x800  }
0x207: {  	[sflag:s19] =	ssyncset.done $0x0  }
0x208: {  	[sflag:s19] =	ssyncadd.s32 $0xFFFFF800  }
0x209: {  	_ =	swait.ge [sflag:s19], $0x800  }
0x20a: {  	[sflag:s19] =	ssyncset.done $0x0  }
0x20b: {  	[sflag:s19] =	ssyncadd.s32 $0xFFFFF800  }
0x20c: {  	_ =	swait.ge [sflag:s19], $0x800  }
0x20d: {  	[sflag:s19] =	ssyncset.done $0x0  }
0x20e: {  	[sflag:s19] =	ssyncadd.s32 $0xFFFFF800  }
0x20f: {  	_ =	swait.ge [sflag:s19], $0x800  }
0x210: {  	[sflag:s19] =	ssyncset.done $0x0  }
0x211: {  	[sflag:s19] =	ssyncadd.s32 $0xFFFFF800  }
0x212: {  	_ =	swait.ge [sflag:s19], $0x800  }
0x213: {  	[sflag:s19] =	ssyncset.done $0x0  }
0x214: {  	[sflag:s19] =	ssyncadd.s32 $0xFFFFF800  }
0x215: {  	_ =	swait.ge [sflag:s19], $0x800  }
0x216: {  	[sflag:s19] =	ssyncset.done $0x0  }
0x217: {  	[sflag:s19] =	ssyncadd.s32 $0xFFFFF800  }
0x218: {  	_ =	swait.ge [sflag:s19], $0x800  }
0x219: {  	[sflag:s19] =	ssyncset.done $0x0  }
0x21a: {  	[sflag:s19] =	ssyncadd.s32 $0xFFFFF800  }
0x21b: {  	_ =	swait.ge [sflag:s19], $0x800  }
0x21c: {  	(v2sf) =	vpush v36, $0x8  }
0x21d: {  	(v2sf) =	vpush v35, $0x8;
	_ =	sdelay $0x7  }
0x21e: {  	(v2sf) =	vpush v36, $0x9  }
0x21f: {  	(v2sf) =	vpush v35, $0x9;
	_ =	sdelay $0x4  }
0x220: {  	s30 =	spop (v2sf)  }
0x221: {  	s24 =	sand.u32 $0x7F, s30;
	s31 =	spop (v2sf)  }
0x222: {  	s25 =	sand.u32 $0x7F, s31;
	v49 =	vor.u32 s24, v1  }
0x223: {  	(v2sf) =	vpush v36, $0xA;
	v50 =	vor.u32 s25, v1  }
0x224: {  	(v2sf) =	vpush v35, $0xA  }
0x225: {  	[sflag:s19] =	ssyncset.done $0x0  }
0x226: {  	s17 =	simm.s32 $0x8400;
	[sflag:s19] =	ssyncadd.s32 $0xFFFFF800  }
0x227: {  	s30 =	simm.s32 $0xC400;
	v37 =	vld.idx.msk [tilespmem:v49+s17+$0x0], $0xffff  }
0x228: {  	v38 =	vld.idx.msk [tilespmem:v50+s30+$0x0], $0xffff  }
0x229: {  	s3 =	spop (v2sf)  }
0x22a: {  	s24 =	sand.u32 $0x7F, s3;
	s4 =	spop (v2sf)  }
0x22b: {  	s25 =	sand.u32 $0x7F, s4;
	v51 =	vor.u32 s24, v1  }
0x22c: {  	(v2sf) =	vpush v36, $0xB;
	v52 =	vor.u32 s25, v1  }
0x22d: {  	(v2sf) =	vpush v35, $0xB;
	v37 =	vmul.f32 v38, v37;
	_ =	sdelay $0x1  }
0x22e: {  	s29 =	simm.s32 $0x8C00;
	[tilespmem:v9+s18+$0x0] =	vst.idx.msk $0xffff, v37  }
0x22f: {  	s16 =	simm.s32 $0xCC00;
	v37 =	vld.idx.msk [tilespmem:v51+s29+$0x0], $0xffff  }
0x230: {  	v53 =	vld.idx.msk [tilespmem:v52+s16+$0x0], $0xffff  }
0x231: {  	s5 =	spop (v2sf)  }
0x232: {  	s24 =	sand.u32 $0x7F, s5;
	s6 =	spop (v2sf)  }
0x233: {  	v54 =	vor.u32 s24, v1;
	s25 =	sand.u32 $0x7F, s6  }
0x234: {  	(v2sf) =	vpush v36, $0xC;
	v55 =	vor.u32 s25, v1  }
0x235: {  	(v2sf) =	vpush v35, $0xC;
	v37 =	vmul.f32 v53, v37;
	_ =	sdelay $0x1  }
0x236: {  	s3 =	simm.s32 $0x9400;
	[tilespmem:v10+s18+$0x0] =	vst.idx.msk $0xffff, v37  }
0x237: {  	s5 =	simm.s32 $0xD400;
	v37 =	vld.idx.msk [tilespmem:v54+s3+$0x0], $0xffff  }
0x238: {  	v56 =	vld.idx.msk [tilespmem:v55+s5+$0x0], $0xffff  }
0x239: {  	s7 =	spop (v2sf)  }
0x23a: {  	s24 =	sand.u32 $0x7F, s7;
	s8 =	spop (v2sf)  }
0x23b: {  	s25 =	sand.u32 $0x7F, s8;
	v57 =	vor.u32 s24, v1  }
0x23c: {  	(v2sf) =	vpush v36, $0xD;
	v58 =	vor.u32 s25, v1  }
0x23d: {  	(v2sf) =	vpush v35, $0xD;
	v37 =	vmul.f32 v56, v37;
	_ =	sdelay $0x1  }
0x23e: {  	s6 =	simm.s32 $0x9C00;
	[tilespmem:v11+s18+$0x0] =	vst.idx.msk $0xffff, v37  }
0x23f: {  	s7 =	simm.s32 $0xDC00;
	v37 =	vld.idx.msk [tilespmem:v57+s6+$0x0], $0xffff  }
0x240: {  	v59 =	vld.idx.msk [tilespmem:v58+s7+$0x0], $0xffff  }
0x241: {  	s9 =	spop (v2sf);
	(v2sf) =	vpush v36, $0xE  }
0x242: {  	s24 =	sand.u32 $0x7F, s9;
	s13 =	spop (v2sf)  }
0x243: {  	v60 =	vor.u32 s24, v1;
	s25 =	sand.u32 $0x7F, s13  }
0x244: {  	v61 =	vor.u32 s25, v1  }
0x245: {  	(v2sf) =	vpush v35, $0xE;
	v37 =	vmul.f32 v59, v37;
	_ =	sdelay $0x1  }
0x246: {  	s8 =	simm.s32 $0xA400;
	[tilespmem:v12+s18+$0x0] =	vst.idx.msk $0xffff, v37  }
0x247: {  	s4 =	simm.s32 $0xE400;
	v37 =	vld.idx.msk [tilespmem:v60+s8+$0x0], $0xffff  }
0x248: {  	v62 =	vld.idx.msk [tilespmem:v61+s4+$0x0], $0xffff  }
0x249: {  	s14 =	spop (v2sf)  }
0x24a: {  	s24 =	sand.u32 $0x7F, s14;
	s15 =	spop (v2sf)  }
0x24b: {  	s25 =	sand.u32 $0x7F, s15;
	v63 =	vor.u32 s24, v1  }
0x24c: {  	(v2sf) =	vpush v36, $0xF;
	v40 =	vor.u32 s25, v1  }
0x24d: {  	(v2sf) =	vpush v35, $0xF;
	v37 =	vmul.f32 v62, v37  }
0x24e: {  	(v2sf) =	vpush v34, $0x8  }
0x24f: {  	s9 =	simm.s32 $0xAC00;
	s25 =	spop (v2sf);
	(v2sf) =	vpush v33, $0x8;
	[tilespmem:v13+s18+$0x0] =	vst.idx.msk $0xffff, v37  }
0x250: {  	s13 =	simm.s32 $0xEC00;
	v41 =	vld.idx.msk [tilespmem:v63+s9+$0x0], $0xffff  }
0x251: {  	v36 =	vld.idx.msk [tilespmem:v40+s13+$0x0], $0xffff;
	_ =	sdelay $0x1  }
0x252: {  	s24 =	sand.u32 $0x7F, s25;
	s26 =	spop (v2sf)  }
0x253: {  	v42 =	vor.u32 s24, v1;
	s25 =	sand.u32 $0x7F, s26  }
0x254: {  	v43 =	vor.u32 s25, v1  }
0x255: {  	v35 =	vmul.f32 v36, v41;
	_ =	sdelay $0x1  }
0x256: {  	s14 =	simm.s32 $0xB400;
	[tilespmem:v15+s18+$0x0] =	vst.idx.msk $0xffff, v35  }
0x257: {  	s15 =	simm.s32 $0xF400;
	v35 =	vld.idx.msk [tilespmem:v42+s14+$0x0], $0xffff  }
0x258: {  	v44 =	vld.idx.msk [tilespmem:v43+s15+$0x0], $0xffff  }
0x259: {  	s28 =	spop (v2sf)  }
0x25a: {  	s24 =	sand.u32 $0x7F, s28;
	s31 =	spop (v2sf)  }
0x25b: {  	(v2sf) =	vpush v34, $0x9;
	s25 =	sand.u32 $0x7F, s31;
	v45 =	vor.u32 s24, v1;
	s24 =	spop (v2sf)  }
0x25c: {  	v46 =	vor.u32 s25, v1;
	s26 =	spop (v2sf);
	(v2sf) =	vpush v33, $0x9  }
0x25d: {  	v35 =	vmul.f32 v44, v35  }
0x25e: {  	s31 =	simm.s32 $0xBC00  }
0x25f: {  	s25 =	sand.u32 $0x7F, s24;
	s28 =	sshra.s32 s24, $0x1F;
	p6 =	slt.s32 s24, $0x1;
	[tilespmem:v16+s18+$0x0] =	vst.idx.msk $0xffff, v35  }
0x260: {  	p3 =	sne.s32 s25, $0x0;
	s28 =	sshrl.u32 s28, $0x19;
	s25 =	sand.u32 $0x7F, s26;
	v35 =	vld.idx.msk [tilespmem:v45+s31+$0x0], $0xffff  }
0x261: {  	p5 =	slt.s32 s26, $0x1;
	p4 =	sne.s32 s25, $0x0;
	s25 =	sshra.s32 s26, $0x1F;
	v47 =	vld.idx.msk [tilespmem:v46+s0+$0x0], $0xffff  }
0x262: {  	s24 =	sadd.s32 s28, s24;
	s25 =	sshrl.u32 s25, $0x19;
	p1 =	por !p5, !p4  }
0x263: {  	s25 =	sadd.s32 s25, s26;
	p1 =	por !p1, !p1;
	s26 =	simm.s32 $0x1  }
0x264: {  	p0 =	por !p6, !p3;
	s25 =	sshrl.u32 s25, $0x7;
	s26 =	simm.s32 @!p1 $0x0  }
0x265: {  	p0 =	por !p0, !p0;
	s25 =	ssub.s32 s25, s26;
	s26 =	simm.s32 $0x1  }
0x266: {  	s24 =	sshrl.u32 s24, $0x7;
	s25 =	sshll.u32 s25, $0x7;
	s26 =	simm.s32 @!p0 $0x0;
	v35 =	vmul.f32 v47, v35  }
0x267: {  	s25 =	sand.u32 $0x1FFFFF80, s25;
	s24 =	ssub.s32 s24, s26  }
0x268: {  	s25 =	sadd.s32 s1, s25;
	s24 =	sshll.u32 s24, $0x7;
	[tilespmem:v17+s18+$0x0] =	vst.idx.msk $0xffff, v35  }
0x269: {  	[tilespmem:s17], [sflag:$0x2] =	stream.strided.gather [hbm4b:s25+s12], $0x800, s11, s12, $0x38;
	[tilespmem:$0x10700] =	vst v63  }
0x26a: {  	s24 =	sand.u32 $0x1FFFFF80, s24;
	s25 =	spop (v2sf)  }
0x26b: {  	s24 =	sadd.s32 s2, s24;
	s17 =	sand.u32 $0x7F, s25;
	s26 =	spop (v2sf)  }
0x26c: {  	(v2sf) =	vpush v34, $0xA;
	[tilespmem:s30], [sflag:$0x2] =	stream.strided.gather [hbm4b:s24+s12], $0x800, s11, s12, $0x38;
	[tilespmem:$0x10700] =	vst v63  }
0x26d: {  	(v2sf) =	vpush v33, $0xA;
	s28 =	sshra.s32 s25, $0x1F;
	p3 =	sne.s32 s17, $0x0;
	s30 =	sand.u32 $0x7F, s26  }
0x26e: {  	s17 =	sshra.s32 s26, $0x1F;
	p5 =	slt.s32 s26, $0x1;
	p4 =	sne.s32 s30, $0x0  }
0x26f: {  	p6 =	slt.s32 s25, $0x1;
	s24 =	sshrl.u32 s17, $0x19;
	p1 =	por !p5, !p4  }
0x270: {  	s24 =	sadd.s32 s24, s26;
	s26 =	simm.s32 $0x1;
	p1 =	por !p1, !p1  }
0x271: {  	s28 =	sshrl.u32 s28, $0x19;
	s24 =	sshrl.u32 s24, $0x7;
	s26 =	simm.s32 @!p1 $0x0  }
0x272: {  	s25 =	sadd.s32 s28, s25;
	p0 =	por !p6, !p3;
	s24 =	ssub.s32 s24, s26  }
0x273: {  	p0 =	por !p0, !p0;
	s26 =	simm.s32 $0x1;
	s24 =	sshll.u32 s24, $0x7  }
0x274: {  	s25 =	sshrl.u32 s25, $0x7;
	s26 =	simm.s32 @!p0 $0x0;
	s24 =	sand.u32 $0x1FFFFF80, s24  }
0x275: {  	s25 =	ssub.s32 s25, s26;
	s24 =	sadd.s32 s1, s24  }
0x276: {  	[tilespmem:s29], [sflag:$0x2] =	stream.strided.gather [hbm4b:s24+s12], $0x800, s11, s12, $0x38;
	[tilespmem:$0x10700] =	vst v63  }
0x277: {  	s29 =	sshll.u32 s25, $0x7  }
0x278: {  	s24 =	sand.u32 $0x1FFFFF80, s29  }
0x279: {  	s24 =	sadd.s32 s2, s24  }
0x27a: {  	[tilespmem:s16], [sflag:$0x2] =	stream.strided.gather [hbm4b:s24+s12], $0x800, s11, s12, $0x38;
	[tilespmem:$0x10700] =	vst v63  }
0x27b: {  	s25 =	spop (v2sf)  }
0x27c: {  	(v2sf) =	vpush v34, $0xB;
	s30 =	sand.u32 $0x7F, s25;
	s16 =	spop (v2sf)  }
0x27d: {  	s26 =	simm.s32 $0x1;
	(v2sf) =	vpush v33, $0xB;
	p3 =	sne.s32 s30, $0x0;
	s29 =	sand.u32 $0x7F, s16  }
0x27e: {  	s30 =	sshra.s32 s16, $0x1F;
	p5 =	slt.s32 s16, $0x1;
	p4 =	sne.s32 s29, $0x0  }
0x27f: {  	s17 =	sshra.s32 s25, $0x1F;
	s24 =	sshrl.u32 s30, $0x19;
	p1 =	por !p5, !p4  }
0x280: {  	p6 =	slt.s32 s25, $0x1;
	s24 =	sadd.s32 s24, s16;
	p1 =	por !p1, !p1  }
0x281: {  	s28 =	sshrl.u32 s17, $0x19;
	s24 =	sshrl.u32 s24, $0x7;
	s26 =	simm.s32 @!p1 $0x0  }
0x282: {  	s25 =	sadd.s32 s28, s25;
	p0 =	por !p6, !p3;
	s24 =	ssub.s32 s24, s26  }
0x283: {  	p0 =	por !p0, !p0;
	s26 =	simm.s32 $0x1;
	s24 =	sshll.u32 s24, $0x7  }
0x284: {  	s25 =	sshrl.u32 s25, $0x7;
	s26 =	simm.s32 @!p0 $0x0;
	s24 =	sand.u32 $0x1FFFFF80, s24  }
0x285: {  	s25 =	ssub.s32 s25, s26;
	s24 =	sadd.s32 s1, s24  }
0x286: {  	[tilespmem:s3], [sflag:$0x2] =	stream.strided.gather [hbm4b:s24+s12], $0x800, s11, s12, $0x38;
	[tilespmem:$0x10700] =	vst v63  }
0x287: {  	s3 =	sshll.u32 s25, $0x7  }
0x288: {  	s24 =	sand.u32 $0x1FFFFF80, s3  }
0x289: {  	s24 =	sadd.s32 s2, s24  }
0x28a: {  	[tilespmem:s5], [sflag:$0x2] =	stream.strided.gather [hbm4b:s24+s12], $0x800, s11, s12, $0x38;
	[tilespmem:$0x10700] =	vst v63  }
0x28b: {  	s26 =	simm.s32 $0x1;
	s25 =	spop (v2sf);
	(v2sf) =	vpush v34, $0xC  }
0x28c: {  	s16 =	sand.u32 $0x7F, s25;
	s17 =	spop (v2sf);
	(v2sf) =	vpush v33, $0xC;
	s29 =	sshra.s32 s25, $0x1F  }
0x28d: {  	p6 =	slt.s32 s25, $0x1;
	p3 =	sne.s32 s16, $0x0;
	s30 =	sand.u32 $0x7F, s17  }
0x28e: {  	s3 =	sshra.s32 s17, $0x1F;
	p5 =	slt.s32 s17, $0x1;
	p4 =	sne.s32 s30, $0x0  }
0x28f: {  	s28 =	sshrl.u32 s29, $0x19;
	s24 =	sshrl.u32 s3, $0x19;
	p1 =	por !p5, !p4  }
0x290: {  	s25 =	sadd.s32 s28, s25;
	s24 =	sadd.s32 s24, s17;
	p1 =	por !p1, !p1  }
0x291: {  	p0 =	por !p6, !p3;
	s24 =	sshrl.u32 s24, $0x7;
	s26 =	simm.s32 @!p1 $0x0  }
0x292: {  	p0 =	por !p0, !p0;
	s24 =	ssub.s32 s24, s26;
	s26 =	simm.s32 $0x1  }
0x293: {  	s25 =	sshrl.u32 s25, $0x7;
	s24 =	sshll.u32 s24, $0x7;
	s26 =	simm.s32 @!p0 $0x0  }
0x294: {  	s24 =	sand.u32 $0x1FFFFF80, s24;
	s25 =	ssub.s32 s25, s26  }
0x295: {  	s24 =	sadd.s32 s1, s24;
	s5 =	sshll.u32 s25, $0x7  }
0x296: {  	[tilespmem:s6], [sflag:$0x2] =	stream.strided.gather [hbm4b:s24+s12], $0x800, s11, s12, $0x38;
	[tilespmem:$0x10700] =	vst v63  }
0x297: {  	s24 =	sand.u32 $0x1FFFFF80, s5  }
0x298: {  	s24 =	sadd.s32 s2, s24  }
0x299: {  	[tilespmem:s7], [sflag:$0x2] =	stream.strided.gather [hbm4b:s24+s12], $0x800, s11, s12, $0x38;
	[tilespmem:$0x10700] =	vst v63  }
0x29a: {  	s26 =	simm.s32 $0x1;
	s6 =	spop (v2sf);
	(v2sf) =	vpush v34, $0xD  }
0x29b: {  	s16 =	sand.u32 $0x7F, s6;
	s17 =	spop (v2sf);
	(v2sf) =	vpush v33, $0xD;
	s29 =	sshra.s32 s6, $0x1F  }
0x29c: {  	p6 =	slt.s32 s6, $0x1;
	p3 =	sne.s32 s16, $0x0;
	s30 =	sand.u32 $0x7F, s17  }
0x29d: {  	s3 =	sshra.s32 s17, $0x1F;
	p5 =	slt.s32 s17, $0x1;
	p4 =	sne.s32 s30, $0x0  }
0x29e: {  	s28 =	sshrl.u32 s29, $0x19;
	s24 =	sshrl.u32 s3, $0x19;
	p1 =	por !p5, !p4  }
0x29f: {  	s25 =	sadd.s32 s28, s6;
	s24 =	sadd.s32 s24, s17;
	p1 =	por !p1, !p1  }
0x2a0: {  	p0 =	por !p6, !p3;
	s24 =	sshrl.u32 s24, $0x7;
	s26 =	simm.s32 @!p1 $0x0  }
0x2a1: {  	p0 =	por !p0, !p0;
	s24 =	ssub.s32 s24, s26;
	s26 =	simm.s32 $0x1  }
0x2a2: {  	s25 =	sshrl.u32 s25, $0x7;
	s24 =	sshll.u32 s24, $0x7;
	s26 =	simm.s32 @!p0 $0x0  }
0x2a3: {  	s24 =	sand.u32 $0x1FFFFF80, s24;
	s25 =	ssub.s32 s25, s26  }
0x2a4: {  	s24 =	sadd.s32 s1, s24;
	s5 =	sshll.u32 s25, $0x7  }
0x2a5: {  	[tilespmem:s8], [sflag:$0x2] =	stream.strided.gather [hbm4b:s24+s12], $0x800, s11, s12, $0x38;
	[tilespmem:$0x10700] =	vst v63  }
0x2a6: {  	s24 =	sand.u32 $0x1FFFFF80, s5  }
0x2a7: {  	s24 =	sadd.s32 s2, s24  }
0x2a8: {  	[tilespmem:s4], [sflag:$0x2] =	stream.strided.gather [hbm4b:s24+s12], $0x800, s11, s12, $0x38;
	[tilespmem:$0x10700] =	vst v63  }
0x2a9: {  	s26 =	simm.s32 $0x1;
	s6 =	spop (v2sf);
	(v2sf) =	vpush v34, $0xE  }
0x2aa: {  	s7 =	sand.u32 $0x7F, s6;
	s8 =	spop (v2sf);
	(v2sf) =	vpush v33, $0xE;
	s16 =	sshra.s32 s6, $0x1F  }
0x2ab: {  	p6 =	slt.s32 s6, $0x1;
	p3 =	sne.s32 s7, $0x0;
	s17 =	sand.u32 $0x7F, s8  }
0x2ac: {  	s29 =	sshra.s32 s8, $0x1F;
	p5 =	slt.s32 s8, $0x1;
	p4 =	sne.s32 s17, $0x0  }
0x2ad: {  	s28 =	sshrl.u32 s16, $0x19;
	s24 =	sshrl.u32 s29, $0x19;
	p1 =	por !p5, !p4  }
0x2ae: {  	s25 =	sadd.s32 s28, s6;
	s24 =	sadd.s32 s24, s8;
	p1 =	por !p1, !p1  }
0x2af: {  	p0 =	por !p6, !p3;
	s24 =	sshrl.u32 s24, $0x7;
	s26 =	simm.s32 @!p1 $0x0  }
0x2b0: {  	p0 =	por !p0, !p0;
	s24 =	ssub.s32 s24, s26;
	s26 =	simm.s32 $0x1  }
0x2b1: {  	s25 =	sshrl.u32 s25, $0x7;
	s24 =	sshll.u32 s24, $0x7;
	s26 =	simm.s32 @!p0 $0x0  }
0x2b2: {  	s24 =	sand.u32 $0x1FFFFF80, s24;
	s25 =	ssub.s32 s25, s26  }
0x2b3: {  	s24 =	sadd.s32 s1, s24;
	s30 =	sshll.u32 s25, $0x7  }
0x2b4: {  	[tilespmem:s9], [sflag:$0x2] =	stream.strided.gather [hbm4b:s24+s12], $0x800, s11, s12, $0x38;
	[tilespmem:$0x10700] =	vst v63  }
0x2b5: {  	s24 =	sand.u32 $0x1FFFFF80, s30  }
0x2b6: {  	s24 =	sadd.s32 s2, s24  }
0x2b7: {  	[tilespmem:s13], [sflag:$0x2] =	stream.strided.gather [hbm4b:s24+s12], $0x800, s11, s12, $0x38;
	[tilespmem:$0x10700] =	vst v63  }
0x2b8: {  	s26 =	simm.s32 $0x1;
	s3 =	spop (v2sf);
	(v2sf) =	vpush v34, $0xF  }
0x2b9: {  	s4 =	sand.u32 $0x7F, s3;
	s5 =	spop (v2sf);
	(v2sf) =	vpush v33, $0xF;
	s6 =	sshra.s32 s3, $0x1F  }
0x2ba: {  	p6 =	slt.s32 s3, $0x1;
	p3 =	sne.s32 s4, $0x0;
	s7 =	sand.u32 $0x7F, s5  }
0x2bb: {  	s8 =	sshra.s32 s5, $0x1F;
	p5 =	slt.s32 s5, $0x1;
	p4 =	sne.s32 s7, $0x0  }
0x2bc: {  	s28 =	sshrl.u32 s6, $0x19;
	s24 =	sshrl.u32 s8, $0x19;
	p1 =	por !p5, !p4  }
0x2bd: {  	s25 =	sadd.s32 s28, s3;
	s24 =	sadd.s32 s24, s5;
	p1 =	por !p1, !p1  }
0x2be: {  	p0 =	por !p6, !p3;
	s24 =	sshrl.u32 s24, $0x7;
	s26 =	simm.s32 @!p1 $0x0  }
0x2bf: {  	p0 =	por !p0, !p0;
	s24 =	ssub.s32 s24, s26;
	s26 =	simm.s32 $0x1  }
0x2c0: {  	s25 =	sshrl.u32 s25, $0x7;
	s24 =	sshll.u32 s24, $0x7;
	s26 =	simm.s32 @!p0 $0x0  }
0x2c1: {  	s24 =	sand.u32 $0x1FFFFF80, s24;
	s25 =	ssub.s32 s25, s26  }
0x2c2: {  	s24 =	sadd.s32 s1, s24;
	s9 =	sshll.u32 s25, $0x7  }
0x2c3: {  	[tilespmem:s14], [sflag:$0x2] =	stream.strided.gather [hbm4b:s24+s12], $0x800, s11, s12, $0x38;
	[tilespmem:$0x10700] =	vst v63  }
0x2c4: {  	s24 =	sand.u32 $0x1FFFFF80, s9  }
0x2c5: {  	s24 =	sadd.s32 s2, s24  }
0x2c6: {  	[tilespmem:s15], [sflag:$0x2] =	stream.strided.gather [hbm4b:s24+s12], $0x800, s11, s12, $0x38;
	[tilespmem:$0x10700] =	vst v63  }
0x2c7: {  	s26 =	simm.s32 $0x1;
	s13 =	spop (v2sf)  }
0x2c8: {  	s14 =	sand.u32 $0x7F, s13;
	s15 =	spop (v2sf);
	s16 =	sshra.s32 s13, $0x1F  }
0x2c9: {  	p6 =	slt.s32 s13, $0x1;
	p3 =	sne.s32 s14, $0x0;
	s17 =	sand.u32 $0x7F, s15  }
0x2ca: {  	s29 =	sshra.s32 s15, $0x1F;
	p5 =	slt.s32 s15, $0x1;
	p4 =	sne.s32 s17, $0x0  }
0x2cb: {  	s28 =	sshrl.u32 s16, $0x19;
	s24 =	sshrl.u32 s29, $0x19;
	p1 =	por !p5, !p4  }
0x2cc: {  	s25 =	sadd.s32 s28, s13;
	s24 =	sadd.s32 s24, s15;
	p1 =	por !p1, !p1  }
0x2cd: {  	p0 =	por !p6, !p3;
	s24 =	sshrl.u32 s24, $0x7;
	s26 =	simm.s32 @!p1 $0x0  }
0x2ce: {  	p0 =	por !p0, !p0;
	s24 =	ssub.s32 s24, s26;
	s26 =	simm.s32 $0x1  }
0x2cf: {  	s25 =	sshrl.u32 s25, $0x7;
	s24 =	sshll.u32 s24, $0x7;
	s26 =	simm.s32 @!p0 $0x0  }
0x2d0: {  	s24 =	sand.u32 $0x1FFFFF80, s24;
	s25 =	ssub.s32 s25, s26  }
0x2d1: {  	s24 =	sadd.s32 s1, s24;
	s30 =	sshll.u32 s25, $0x7  }
0x2d2: {  	[tilespmem:s31], [sflag:$0x2] =	stream.strided.gather [hbm4b:s24+s12], $0x800, s11, s12, $0x38;
	[tilespmem:$0x10700] =	vst v63  }
0x2d3: {  	s24 =	sand.u32 $0x1FFFFF80, s30  }
0x2d4: {  	s24 =	sadd.s32 s2, s24  }
0x2d5: {  	[tilespmem:s0], [sflag:$0x2] =	stream.strided.gather [hbm4b:s24+s12], $0x800, s11, s12, $0x38;
	[tilespmem:$0x10700] =	vst v63  }
0x2d6: {  	v48 =	vld.idx.msk [tilespmem:v14+s18+$0x0], $0xffff  }
0x2d7: {  	v49 =	vld.idx.msk [tilespmem:v18+s18+$0x0], $0xffff;
	_ =	sdelay $0x1  }
0x2d8: {  	v35 =	vld.idx.msk [tilespmem:v19+s18+$0x0], $0xffff;
	_ =	sdelay $0x1  }
0x2d9: {  	v50 =	vld.idx.msk [tilespmem:v20+s18+$0x0], $0xffff  }
0x2da: {  	v33 =	vadd.f32 v49, v48  }
0x2db: {  	v51 =	vld.idx.msk [tilespmem:v21+s18+$0x0], $0xffff  }
0x2dc: {  	v33 =	vadd.f32 v35, v33  }
0x2dd: {  	v52 =	vld.idx.msk [tilespmem:v22+s18+$0x0], $0xffff  }
0x2de: {  	v33 =	vadd.f32 v50, v33  }
0x2df: {  	v53 =	vld.idx.msk [tilespmem:v23+s18+$0x0], $0xffff  }
0x2e0: {  	v33 =	vadd.f32 v51, v33  }
0x2e1: {  	v54 =	vld.idx.msk [tilespmem:v24+s18+$0x0], $0xffff  }
0x2e2: {  	v33 =	vadd.f32 v52, v33  }
0x2e3: {  	v55 =	vld.idx.msk [tilespmem:v25+s18+$0x0], $0xffff  }
0x2e4: {  	v33 =	vadd.f32 v53, v33  }
0x2e5: {  	v56 =	vld.idx.msk [tilespmem:v26+s18+$0x0], $0xffff  }
0x2e6: {  	v33 =	vadd.f32 v54, v33  }
0x2e7: {  	v57 =	vld.idx.msk [tilespmem:v27+s18+$0x0], $0xffff  }
0x2e8: {  	v33 =	vadd.f32 v55, v33  }
0x2e9: {  	v58 =	vld.idx.msk [tilespmem:v28+s18+$0x0], $0xffff  }
0x2ea: {  	v33 =	vadd.f32 v56, v33  }
0x2eb: {  	v59 =	vld.idx.msk [tilespmem:v29+s18+$0x0], $0xffff  }
0x2ec: {  	v33 =	vadd.f32 v57, v33  }
0x2ed: {  	v60 =	vld.idx.msk [tilespmem:v30+s18+$0x0], $0xffff  }
0x2ee: {  	v33 =	vadd.f32 v58, v33  }
0x2ef: {  	v61 =	vld.idx.msk [tilespmem:v31+s18+$0x0], $0xffff  }
0x2f0: {  	v33 =	vadd.f32 v59, v33  }
0x2f1: {  	v62 =	vld.idx.msk [tilespmem:v32+s18+$0x0], $0xffff  }
0x2f2: {  	v33 =	vadd.f32 v60, v33;
	_ =	sdelay $0x1  }
0x2f3: {  	v33 =	vadd.f32 v61, v33  }
0x2f4: {  	v63 =	vor.u32 s21, v0;
	p0 =	sne.s32 s23, $0x20  }
.Ltmp0:
0x2f5: {  	v33 =	vadd.f32 v62, v33;
	(pc) =	sbr.rel @p0 .LBB2_2-.Ltmp0, $4  }
0x2f6: {  	_ = 	snop  }
0x2f7: {  	v33 =	vmul.f32 $5.000000000e+00, v33  }
0x2f8: {  	s22 =	sadd.s32 $0x10, s22;
	s31 =	simm.s32 $0x10500  }
0x2f9: {  	s20 =	sadd.s32 $0x10, s20;
	s21 =	sadd.s32 $0x10, s21;
	s23 =	sadd.s32 $0x1, s23;
	[tilespmem:v63+s31+$0x0] =	vst.idx.msk $0xffff, v33  }
0x2fa: {  	_ =	swait.ge [sflag:s10], $0x800  }
0x2fb: {  	[sflag:s10] =	ssyncset.done $0x0  }
0x2fc: {  	[sflag:s10] =	ssyncadd.s32 $0xFFFFF800  }
0x2fd: {  	_ =	swait.ge [sflag:s10], $0x800  }
0x2fe: {  	[sflag:s10] =	ssyncset.done $0x0  }
0x2ff: {  	[sflag:s10] =	ssyncadd.s32 $0xFFFFF800  }
0x300: {  	_ =	swait.ge [sflag:s10], $0x800  }
0x301: {  	[sflag:s10] =	ssyncset.done $0x0  }
0x302: {  	[sflag:s10] =	ssyncadd.s32 $0xFFFFF800  }
0x303: {  	_ =	swait.ge [sflag:s10], $0x800  }
0x304: {  	[sflag:s10] =	ssyncset.done $0x0  }
0x305: {  	[sflag:s10] =	ssyncadd.s32 $0xFFFFF800  }
0x306: {  	_ =	swait.ge [sflag:s10], $0x800  }
0x307: {  	[sflag:s10] =	ssyncset.done $0x0  }
0x308: {  	[sflag:s10] =	ssyncadd.s32 $0xFFFFF800  }
0x309: {  	_ =	swait.ge [sflag:s10], $0x800  }
0x30a: {  	[sflag:s10] =	ssyncset.done $0x0  }
0x30b: {  	[sflag:s10] =	ssyncadd.s32 $0xFFFFF800  }
0x30c: {  	_ =	swait.ge [sflag:s10], $0x800  }
0x30d: {  	[sflag:s10] =	ssyncset.done $0x0  }
0x30e: {  	[sflag:s10] =	ssyncadd.s32 $0xFFFFF800  }
0x30f: {  	_ =	swait.ge [sflag:s10], $0x800  }
0x310: {  	[sflag:s10] =	ssyncset.done $0x0  }
0x311: {  	[sflag:s10] =	ssyncadd.s32 $0xFFFFF800  }
0x312: {  	_ =	swait.ge [sflag:s10], $0x800  }
0x313: {  	[sflag:s10] =	ssyncset.done $0x0  }
0x314: {  	[sflag:s10] =	ssyncadd.s32 $0xFFFFF800  }
0x315: {  	_ =	swait.ge [sflag:s10], $0x800  }
0x316: {  	[sflag:s10] =	ssyncset.done $0x0  }
0x317: {  	[sflag:s10] =	ssyncadd.s32 $0xFFFFF800  }
0x318: {  	_ =	swait.ge [sflag:s10], $0x800  }
0x319: {  	[sflag:s10] =	ssyncset.done $0x0  }
0x31a: {  	[sflag:s10] =	ssyncadd.s32 $0xFFFFF800  }
0x31b: {  	_ =	swait.ge [sflag:s10], $0x800  }
0x31c: {  	[sflag:s10] =	ssyncset.done $0x0  }
0x31d: {  	[sflag:s10] =	ssyncadd.s32 $0xFFFFF800  }
0x31e: {  	_ =	swait.ge [sflag:s10], $0x800  }
0x31f: {  	[sflag:s10] =	ssyncset.done $0x0  }
0x320: {  	[sflag:s10] =	ssyncadd.s32 $0xFFFFF800  }
0x321: {  	_ =	swait.ge [sflag:s10], $0x800  }
0x322: {  	[sflag:s10] =	ssyncset.done $0x0  }
0x323: {  	[sflag:s10] =	ssyncadd.s32 $0xFFFFF800  }
0x324: {  	_ =	swait.ge [sflag:s10], $0x800  }
0x325: {  	[sflag:s10] =	ssyncset.done $0x0  }
0x326: {  	[sflag:s10] =	ssyncadd.s32 $0xFFFFF800  }
0x327: {  	_ =	swait.ge [sflag:s10], $0x800  }
0x328: {  	[sflag:s10] =	ssyncset.done $0x0  }
0x329: {  	[sflag:s10] =	ssyncadd.s32 $0xFFFFF800  }
0x32a: {  	_ =	swait.ge [sflag:s19], $0x800  }
0x32b: {  	[sflag:s19] =	ssyncset.done $0x0  }
0x32c: {  	[sflag:s19] =	ssyncadd.s32 $0xFFFFF800  }
0x32d: {  	_ =	swait.ge [sflag:s19], $0x800  }
0x32e: {  	[sflag:s19] =	ssyncset.done $0x0  }
0x32f: {  	[sflag:s19] =	ssyncadd.s32 $0xFFFFF800  }
0x330: {  	_ =	swait.ge [sflag:s19], $0x800  }
0x331: {  	[sflag:s19] =	ssyncset.done $0x0  }
0x332: {  	[sflag:s19] =	ssyncadd.s32 $0xFFFFF800  }
0x333: {  	_ =	swait.ge [sflag:s19], $0x800  }
0x334: {  	[sflag:s19] =	ssyncset.done $0x0  }
0x335: {  	[sflag:s19] =	ssyncadd.s32 $0xFFFFF800  }
0x336: {  	_ =	swait.ge [sflag:s19], $0x800  }
0x337: {  	[sflag:s19] =	ssyncset.done $0x0  }
0x338: {  	[sflag:s19] =	ssyncadd.s32 $0xFFFFF800  }
0x339: {  	_ =	swait.ge [sflag:s19], $0x800  }
0x33a: {  	[sflag:s19] =	ssyncset.done $0x0  }
0x33b: {  	[sflag:s19] =	ssyncadd.s32 $0xFFFFF800  }
0x33c: {  	_ =	swait.ge [sflag:s19], $0x800  }
0x33d: {  	[sflag:s19] =	ssyncset.done $0x0  }
0x33e: {  	[sflag:s19] =	ssyncadd.s32 $0xFFFFF800  }
0x33f: {  	_ =	swait.ge [sflag:s19], $0x800  }
0x340: {  	[sflag:s19] =	ssyncset.done $0x0  }
0x341: {  	[sflag:s19] =	ssyncadd.s32 $0xFFFFF800  }
0x342: {  	_ =	swait.ge [sflag:s19], $0x800  }
0x343: {  	[sflag:s19] =	ssyncset.done $0x0  }
0x344: {  	[sflag:s19] =	ssyncadd.s32 $0xFFFFF800  }
0x345: {  	_ =	swait.ge [sflag:s19], $0x800  }
0x346: {  	[sflag:s19] =	ssyncset.done $0x0  }
0x347: {  	[sflag:s19] =	ssyncadd.s32 $0xFFFFF800  }
0x348: {  	_ =	swait.ge [sflag:s19], $0x800  }
0x349: {  	[sflag:s19] =	ssyncset.done $0x0  }
0x34a: {  	[sflag:s19] =	ssyncadd.s32 $0xFFFFF800  }
0x34b: {  	_ =	swait.ge [sflag:s19], $0x800  }
0x34c: {  	[sflag:s19] =	ssyncset.done $0x0  }
0x34d: {  	[sflag:s19] =	ssyncadd.s32 $0xFFFFF800  }
0x34e: {  	_ =	swait.ge [sflag:s19], $0x800  }
0x34f: {  	[sflag:s19] =	ssyncset.done $0x0  }
0x350: {  	[sflag:s19] =	ssyncadd.s32 $0xFFFFF800  }
0x351: {  	_ =	swait.ge [sflag:s19], $0x800  }
0x352: {  	[sflag:s19] =	ssyncset.done $0x0  }
0x353: {  	[sflag:s19] =	ssyncadd.s32 $0xFFFFF800  }
0x354: {  	_ =	swait.ge [sflag:s19], $0x800  }
0x355: {  	[sflag:s19] =	ssyncset.done $0x0  }
0x356: {  	[sflag:s19] =	ssyncadd.s32 $0xFFFFF800  }
0x357: {  	_ =	swait.ge [sflag:s19], $0x800  }
0x358: {  	s21 =	simm.s32 $0x0;
	s0 =	simm.s32 $0x10500;
	[sflag:s19] =	ssyncset.done $0x0  }
0x359: {  	s23 =	simm.s32 $0x3;
	s20 =	rddreg [dreg:$0x8];
	[sflag:s19] =	ssyncadd.s32 $0xFFFFF800  }
0x35a: {  	[hbm4b:s20+s21] =	stream.linear.scatter [tilespmem:s0], [sflag:$0x3], $0x200, $0x38;
	[tilespmem:$0x10700] =	vst v63  }
0x35b: {  	s25 =	simm.s32 $0x4400;
	s28 =	simm.s32 $0x4C00;
	_ =	swait.ge [sflag:s23], $0x200  }
0x35c: {  	s3 =	simm.s32 $0x5400;
	s5 =	simm.s32 $0x1C00;
	s22 =	rddreg [dreg:$0xa]  }
0x35d: {  	s6 =	simm.s32 $0x5C00;
	s26 =	rddreg [dreg:$0x9];
	s22 =	sadd.s32 $0x1, s22  }
0x35e: {  	s7 =	simm.s32 $0x2400;
	s8 =	simm.s32 $0x6400;
	p0 =	sne.s32 s22, s26  }
.Ltmp1:
0x35f: {  	s4 =	simm.s32 $0x2C00;
	s9 =	simm.s32 $0x6C00;
	(pc) =	sbr.rel @p0 .LBB2_1-.Ltmp1, $4  }
0x360: {  	s13 =	simm.s32 $0x3400;
	s14 =	simm.s32 $0x7400;
	s15 =	simm.s32 $0x3C00  }
0x361: {  	s16 =	simm.s32 $0x7C00;
	s17 =	simm.s32 $0x8400;
	s29 =	simm.s32 $0xC400  }
0x362: {  	s30 =	simm.s32 $0x8C00;
	s31 =	simm.s32 $0xCC00;
	[sflag:s23] =	ssyncset.done $0x0  }
0x363: {  	s0 =	simm.s32 $0x1400;
	[sflag:s23] =	ssyncadd.s32 $0xFFFFFE00;
	s26 =	simm.s32 $0xC00  }
0x364: {  	_ =	sfence.sel $0x180000  }
0x365: {  	[bflag:$0x0] =	sbarrier.arrive $0xFFFF  }
0x366: {  	_ =	strace $0x90000047  }
0x367: {  	s0 =	stileid.u32;
	[bflag:$0x2] =	sbarrier.arrive $0xFFFF  }
0x368: {  	p0 =	sne.s32 s0, $0x0;
	s0 =	rddreg [dreg:$0x5]  }
0x369: {  	s0 =	sadd.s32 @!p0 $0x100000, s0  }
0x36a: {  	[sflag:s0] =	ssyncadd.tile.s32 @!p0 $0x1;
	_ =	shalt  }
.Lfunc_end2:
_tile_overlayer_lowered:
.L_overlay_start_2:
0x36b: {  	(tag) =	ssettag $0x2  }
0x36c: {  	s0 =	rddreg [dreg:$0x0];
	s2 =	stileid.u32  }
0x36d: {  	s1 =	rddreg [dreg:$0x1];
	p0 =	sne.s32 s2, $0x0  }
0x36e: {  	s3 =	rddreg [dreg:$0x2];
	[bflag:$0x3] =	sbarrier.arrive $0xFFFF;
	s2 =	simm.s32 @!p0 $0x1C03  }
0x36f: {  	[timem:s3], [sflag:s2] =	dma.local @!p0 [hbm:s0], s1  }
0x370: {  	s0 =	simm.s32 @!p0 $0x3  }
0x371: {  	_ =	swait.ge @!p0 [sflag:s0], s1  }
0x372: {  	s1 =	ssub.s32 @!p0 $0x0, s1;
	[sflag:s0] =	ssyncset.done @!p0 $0x0  }
0x373: {  	[sflag:s0] =	ssyncadd.s32 @!p0 s1  }
0x374: {  	[bflag:$0x3] =	sbarrier.arrive $0xFFFF  }
0x375: {  	_ =	shalt  }

</sc_bundles>
